<compile_context>
chip_gen: v7x
topology: tpu7x:2x2x1
jax: 0.10.2.dev20260603
libtpu: 0.0.44.dev20260713+nightly
codegen_flags: <defaults>
</compile_context>

<pallas_src>
import jax
import jax.numpy as jnp
from jax import lax
from jax.experimental import pallas as pl
from jax.experimental.pallas import tpu as pltpu
from jax.experimental.pallas import tpu_sc as plsc

_R = 4
_NSETS = 4
_AHEAD = 3


def kernel(x, pos_emb):
    batch, seq_len, d = x.shape
    info = plsc.get_sparse_core_info()
    lanes = info.num_lanes
    nw = info.num_cores * info.num_subcores
    rows_per_worker = seq_len // nw
    nblk = rows_per_worker // _R
    nsuper = nblk // _NSETS
    vecs_per_row = d // lanes

    mesh = plsc.VectorSubcoreMesh(core_axis_name="c", subcore_axis_name="s")

    @pl.kernel(
        out_type=jax.ShapeDtypeStruct(x.shape, jnp.float32),
        mesh=mesh,
        scratch_types=[
            pltpu.VMEM((_NSETS * _R, d), jnp.float32),
            pltpu.VMEM((_NSETS * batch * _R, d), jnp.float32),
        ]
        + [pltpu.SemaphoreType.DMA] * (2 * _NSETS),
    )
    def sc_kernel(x_hbm, pos_hbm, out_hbm, ebuf, xbuf, *sems):
        in_sems, out_sems = sems[:_NSETS], sems[_NSETS:]
        wid = lax.axis_index("s") * info.num_cores + lax.axis_index("c")
        row0 = wid * rows_per_worker

        def in_descs(j, s):
            row = row0 + j * _R
            descs = [
                pltpu.make_async_copy(
                    pos_hbm.at[pl.ds(row, _R)],
                    ebuf.at[pl.ds(s * _R, _R)],
                    in_sems[s],
                )
            ]
            for b in range(batch):
                descs.append(
                    pltpu.make_async_copy(
                        x_hbm.at[b, pl.ds(row, _R)],
                        xbuf.at[pl.ds((s * batch + b) * _R, _R)],
                        in_sems[s],
                    )
                )
            return descs

        def out_descs(j, s):
            row = row0 + j * _R
            return [
                pltpu.make_async_copy(
                    xbuf.at[pl.ds((s * batch + b) * _R, _R)],
                    out_hbm.at[b, pl.ds(row, _R)],
                    out_sems[s],
                )
                for b in range(batch)
            ]

        def compute(s):
            @plsc.parallel_loop(0, _R * vecs_per_row, step=1, unroll=4)
            def add_body(i):
                r = i // vecs_per_row
                c = (i % vecs_per_row) * lanes
                ev = ebuf[s * _R + r, pl.ds(c, lanes)]
                for b in range(batch):
                    rr = (s * batch + b) * _R + r
                    plsc.addupdate(xbuf.at[rr, pl.ds(c, lanes)], ev)

        for jj in range(_AHEAD):
            for dsc in in_descs(jj, jj % _NSETS):
                dsc.start()

        def super_body(t, carry):
            j0 = t * _NSETS
            for u in range(_NSETS):
                j = j0 + u
                for dsc in in_descs(j, u):
                    dsc.wait()
                compute(u)
                for dsc in out_descs(j, u):
                    dsc.start()
                nxt = j + _AHEAD
                s_nxt = (u + _AHEAD) % _NSETS

                @pl.when(nxt < nblk)
                def _():
                    @pl.when(nxt >= _NSETS)
                    def _():
                        for dsc in out_descs(nxt - _NSETS, s_nxt):
                            dsc.wait()

                    for dsc in in_descs(nxt, s_nxt):
                        dsc.start()

            return carry

        lax.fori_loop(0, nsuper, super_body, 0)

        for j in range(nblk - _NSETS, nblk):
            for dsc in out_descs(j, j % _NSETS):
                dsc.wait()

    return sc_kernel(x, pos_emb)

# --- scband reference (transcript-rebuilt; emitter-appended) ---
"""Pipeline reference for scband-postional-encoding-39264591020325 (READ-ONLY COPY).

The authoritative reference and input builder live on the scoring server;
editing this copy changes nothing except your own understanding.
"""

import jax, jax.numpy as jnp
import numpy as np

D_MODEL = 1024
MAX_LEN = 8192

def setup_inputs(seed: int = 0) -> dict:
    key = jax.random.key(seed)
    k1, k2 = jax.random.split(key)
    x = jax.random.normal(k1, (4, 4096, D_MODEL), dtype=jnp.float32)
    pos_emb = jax.random.normal(k2, (MAX_LEN, D_MODEL), dtype=jnp.float32) * 0.02
    return {"x": x, "pos_emb": pos_emb}

def reference(x, pos_emb):
    batch_size, seq_len = x.shape[0], x.shape[1]
    pos = jnp.arange(0, seq_len, dtype=jnp.int32)
    emb = jnp.take(pos_emb, pos, axis=0)  # (seq_len, d)
    emb = jnp.repeat(emb[None, :, :], batch_size, axis=0)  # (batch, seq_len, d)
    o = x + emb
    return o

if __name__ == "__main__":
    import jax
    _d = setup_inputs()
    print(jax.jit(kernel)(*tuple(_d.values())))

</pallas_src>

<mosaic_0001>
#map = affine_map<(d0, d1) -> (0, 0, 0)>
#map1 = affine_map<(d0, d1) -> (0, 0)>
module attributes {stable_mosaic.version = 14 : i64} {
  func.func @sc_kernel(%arg0: i32, %arg1: i32, %arg2: memref<4x4096x1024xf32, #tpu.memory_space<hbm>>, %arg3: memref<8192x1024xf32, #tpu.memory_space<hbm>>, %arg4: memref<4x4096x1024xf32, #tpu.memory_space<hbm>>, %arg5: memref<16x1024xf32, #tpu.memory_space<vmem>>, %arg6: memref<64x1024xf32, #tpu.memory_space<vmem>>, %arg7: memref<!tpu.dma_semaphore, #tpu.memory_space<semaphore_mem>>, %arg8: memref<!tpu.dma_semaphore, #tpu.memory_space<semaphore_mem>>, %arg9: memref<!tpu.dma_semaphore, #tpu.memory_space<semaphore_mem>>, %arg10: memref<!tpu.dma_semaphore, #tpu.memory_space<semaphore_mem>>, %arg11: memref<!tpu.dma_semaphore, #tpu.memory_space<semaphore_mem>>, %arg12: memref<!tpu.dma_semaphore, #tpu.memory_space<semaphore_mem>>, %arg13: memref<!tpu.dma_semaphore, #tpu.memory_space<semaphore_mem>>, %arg14: memref<!tpu.dma_semaphore, #tpu.memory_space<semaphore_mem>>) attributes {dimension_semantics = [#tpu.dimension_semantics<core_parallel>, #tpu.dimension_semantics<subcore_parallel>], iteration_bounds = array<i64: 2, 16>, scalar_prefetch = 0 : i64, scratch_operands = 10 : i64, tpu.core_type = #tpu.core_type<sc_vector_subcore>, window_params = [{transform_indices = #map}, {transform_indices = #map1}, {transform_indices = #map}]} {
    %mul3A = arith.constant 2 : i32
    %mul3A_0 = arith.muli %arg1, %mul3A : i32
    %add3A = arith.addi %mul3A_0, %arg0 : i32
    %mul3A_1 = arith.constant 128 : i32
    %mul3A_2 = arith.muli %add3A, %mul3A_1 : i32
    %add3A_3 = arith.constant 0 : i32
    %add3A_4 = arith.addi %mul3A_2, %add3A_3 : i32
    %dma_start3A = arith.constant 0 : i32
    %dma_start3A_5 = arith.constant 0 : i32
    %dma_start3A_6 = tpu.memref_slice %arg5[%dma_start3A, %dma_start3A_5] : memref<16x1024xf32, #tpu.memory_space<vmem>> -> memref<4x1024xf32, #tpu.memory_space<vmem>>
    %dma_start3A_7 = arith.constant 0 : i32
    %dma_start3A_8 = tpu.memref_slice %arg3[%add3A_4, %dma_start3A_7] : memref<8192x1024xf32, #tpu.memory_space<hbm>> -> memref<4x1024xf32, #tpu.memory_space<hbm>>
    %dma_start3A_9 = arith.constant 0 : i32
    %dma_start3A_10 = arith.constant 0 : i32
    %dma_start3A_11 = tpu.memref_slice %arg5[%dma_start3A_9, %dma_start3A_10] : memref<16x1024xf32, #tpu.memory_space<vmem>> -> memref<4x1024xf32, #tpu.memory_space<vmem>>
    %dma_start3A_12 = arith.constant 0 : i32
    %dma_start3A_13 = tpu.memref_slice %arg3[%add3A_4, %dma_start3A_12] : memref<8192x1024xf32, #tpu.memory_space<hbm>> -> memref<4x1024xf32, #tpu.memory_space<hbm>>
    tpu.enqueue_dma source(%dma_start3A_13 : memref<4x1024xf32, #tpu.memory_space<hbm>>) target(%dma_start3A_11 : memref<4x1024xf32, #tpu.memory_space<vmem>>) target_semaphore(%arg7 : memref<!tpu.dma_semaphore, #tpu.memory_space<semaphore_mem>>)
    %dma_start3A_14 = arith.constant 0 : i32
    %dma_start3A_15 = arith.constant 0 : i32
    %dma_start3A_16 = arith.constant 0 : i32
    %dma_start3A_17 = tpu.memref_slice %arg6[%dma_start3A_15, %dma_start3A_16] : memref<64x1024xf32, #tpu.memory_space<vmem>> -> memref<4x1024xf32, #tpu.memory_space<vmem>>
    %dma_start3A_18 = arith.constant 0 : i32
    %dma_start3A_19 = tpu.memref_slice %arg2[%dma_start3A_14, %add3A_4, %dma_start3A_18] : memref<4x4096x1024xf32, #tpu.memory_space<hbm>> -> memref<1x4x1024xf32, #tpu.memory_space<hbm>>
    %dma_start3A_20 = tpu.memref_squeeze %dma_start3A_19 : memref<1x4x1024xf32, #tpu.memory_space<hbm>> -> memref<4x1024xf32, #tpu.memory_space<hbm>>
    %dma_start3A_21 = arith.constant 0 : i32
    %dma_start3A_22 = arith.constant 0 : i32
    %dma_start3A_23 = tpu.memref_slice %arg6[%dma_start3A_21, %dma_start3A_22] : memref<64x1024xf32, #tpu.memory_space<vmem>> -> memref<4x1024xf32, #tpu.memory_space<vmem>>
    %dma_start3A_24 = arith.constant 0 : i32
    %dma_start3A_25 = tpu.memref_slice %arg2[%dma_start3A_14, %add3A_4, %dma_start3A_24] : memref<4x4096x1024xf32, #tpu.memory_space<hbm>> -> memref<1x4x1024xf32, #tpu.memory_space<hbm>>
    %dma_start3A_26 = tpu.memref_squeeze %dma_start3A_25 : memref<1x4x1024xf32, #tpu.memory_space<hbm>> -> memref<4x1024xf32, #tpu.memory_space<hbm>>
    tpu.enqueue_dma source(%dma_start3A_26 : memref<4x1024xf32, #tpu.memory_space<hbm>>) target(%dma_start3A_23 : memref<4x1024xf32, #tpu.memory_space<vmem>>) target_semaphore(%arg7 : memref<!tpu.dma_semaphore, #tpu.memory_space<semaphore_mem>>)
    %dma_start3A_27 = arith.constant 1 : i32
    %dma_start3A_28 = arith.constant 4 : i32
    %dma_start3A_29 = arith.constant 0 : i32
    %dma_start3A_30 = tpu.memref_slice %arg6[%dma_start3A_28, %dma_start3A_29] : memref<64x1024xf32, #tpu.memory_space<vmem>> -> memref<4x1024xf32, #tpu.memory_space<vmem>>
    %dma_start3A_31 = arith.constant 0 : i32
    %dma_start3A_32 = tpu.memref_slice %arg2[%dma_start3A_27, %add3A_4, %dma_start3A_31] : memref<4x4096x1024xf32, #tpu.memory_space<hbm>> -> memref<1x4x1024xf32, #tpu.memory_space<hbm>>
    %dma_start3A_33 = tpu.memref_squeeze %dma_start3A_32 : memref<1x4x1024xf32, #tpu.memory_space<hbm>> -> memref<4x1024xf32, #tpu.memory_space<hbm>>
    %dma_start3A_34 = arith.constant 4 : i32
    %dma_start3A_35 = arith.constant 0 : i32
    %dma_start3A_36 = tpu.memref_slice %arg6[%dma_start3A_34, %dma_start3A_35] : memref<64x1024xf32, #tpu.memory_space<vmem>> -> memref<4x1024xf32, #tpu.memory_space<vmem>>
    %dma_start3A_37 = arith.constant 0 : i32
    %dma_start3A_38 = tpu.memref_slice %arg2[%dma_start3A_27, %add3A_4, %dma_start3A_37] : memref<4x4096x1024xf32, #tpu.memory_space<hbm>> -> memref<1x4x1024xf32, #tpu.memory_space<hbm>>
    %dma_start3A_39 = tpu.memref_squeeze %dma_start3A_38 : memref<1x4x1024xf32, #tpu.memory_space<hbm>> -> memref<4x1024xf32, #tpu.memory_space<hbm>>
    tpu.enqueue_dma source(%dma_start3A_39 : memref<4x1024xf32, #tpu.memory_space<hbm>>) target(%dma_start3A_36 : memref<4x1024xf32, #tpu.memory_space<vmem>>) target_semaphore(%arg7 : memref<!tpu.dma_semaphore, #tpu.memory_space<semaphore_mem>>)
    %dma_start3A_40 = arith.constant 2 : i32
    %dma_start3A_41 = arith.constant 8 : i32
    %dma_start3A_42 = arith.constant 0 : i32
    %dma_start3A_43 = tpu.memref_slice %arg6[%dma_start3A_41, %dma_start3A_42] : memref<64x1024xf32, #tpu.memory_space<vmem>> -> memref<4x1024xf32, #tpu.memory_space<vmem>>
    %dma_start3A_44 = arith.constant 0 : i32
    %dma_start3A_45 = tpu.memref_slice %arg2[%dma_start3A_40, %add3A_4, %dma_start3A_44] : memref<4x4096x1024xf32, #tpu.memory_space<hbm>> -> memref<1x4x1024xf32, #tpu.memory_space<hbm>>
    %dma_start3A_46 = tpu.memref_squeeze %dma_start3A_45 : memref<1x4x1024xf32, #tpu.memory_space<hbm>> -> memref<4x1024xf32, #tpu.memory_space<hbm>>
    %dma_start3A_47 = arith.constant 8 : i32
    %dma_start3A_48 = arith.constant 0 : i32
    %dma_start3A_49 = tpu.memref_slice %arg6[%dma_start3A_47, %dma_start3A_48] : memref<64x1024xf32, #tpu.memory_space<vmem>> -> memref<4x1024xf32, #tpu.memory_space<vmem>>
    %dma_start3A_50 = arith.constant 0 : i32
    %dma_start3A_51 = tpu.memref_slice %arg2[%dma_start3A_40, %add3A_4, %dma_start3A_50] : memref<4x4096x1024xf32, #tpu.memory_space<hbm>> -> memref<1x4x1024xf32, #tpu.memory_space<hbm>>
    %dma_start3A_52 = tpu.memref_squeeze %dma_start3A_51 : memref<1x4x1024xf32, #tpu.memory_space<hbm>> -> memref<4x1024xf32, #tpu.memory_space<hbm>>
    tpu.enqueue_dma source(%dma_start3A_52 : memref<4x1024xf32, #tpu.memory_space<hbm>>) target(%dma_start3A_49 : memref<4x1024xf32, #tpu.memory_space<vmem>>) target_semaphore(%arg7 : memref<!tpu.dma_semaphore, #tpu.memory_space<semaphore_mem>>)
    %dma_start3A_53 = arith.constant 3 : i32
    %dma_start3A_54 = arith.constant 12 : i32
    %dma_start3A_55 = arith.constant 0 : i32
    %dma_start3A_56 = tpu.memref_slice %arg6[%dma_start3A_54, %dma_start3A_55] : memref<64x1024xf32, #tpu.memory_space<vmem>> -> memref<4x1024xf32, #tpu.memory_space<vmem>>
    %dma_start3A_57 = arith.constant 0 : i32
    %dma_start3A_58 = tpu.memref_slice %arg2[%dma_start3A_53, %add3A_4, %dma_start3A_57] : memref<4x4096x1024xf32, #tpu.memory_space<hbm>> -> memref<1x4x1024xf32, #tpu.memory_space<hbm>>
    %dma_start3A_59 = tpu.memref_squeeze %dma_start3A_58 : memref<1x4x1024xf32, #tpu.memory_space<hbm>> -> memref<4x1024xf32, #tpu.memory_space<hbm>>
    %dma_start3A_60 = arith.constant 12 : i32
    %dma_start3A_61 = arith.constant 0 : i32
    %dma_start3A_62 = tpu.memref_slice %arg6[%dma_start3A_60, %dma_start3A_61] : memref<64x1024xf32, #tpu.memory_space<vmem>> -> memref<4x1024xf32, #tpu.memory_space<vmem>>
    %dma_start3A_63 = arith.constant 0 : i32
    %dma_start3A_64 = tpu.memref_slice %arg2[%dma_start3A_53, %add3A_4, %dma_start3A_63] : memref<4x4096x1024xf32, #tpu.memory_space<hbm>> -> memref<1x4x1024xf32, #tpu.memory_space<hbm>>
    %dma_start3A_65 = tpu.memref_squeeze %dma_start3A_64 : memref<1x4x1024xf32, #tpu.memory_space<hbm>> -> memref<4x1024xf32, #tpu.memory_space<hbm>>
    tpu.enqueue_dma source(%dma_start3A_65 : memref<4x1024xf32, #tpu.memory_space<hbm>>) target(%dma_start3A_62 : memref<4x1024xf32, #tpu.memory_space<vmem>>) target_semaphore(%arg7 : memref<!tpu.dma_semaphore, #tpu.memory_space<semaphore_mem>>)
    %add3A_66 = arith.constant 4 : i32
    %add3A_67 = arith.addi %mul3A_2, %add3A_66 : i32
    %dma_start3A_68 = arith.constant 4 : i32
    %dma_start3A_69 = arith.constant 0 : i32
    %dma_start3A_70 = tpu.memref_slice %arg5[%dma_start3A_68, %dma_start3A_69] : memref<16x1024xf32, #tpu.memory_space<vmem>> -> memref<4x1024xf32, #tpu.memory_space<vmem>>
    %dma_start3A_71 = arith.constant 0 : i32
    %dma_start3A_72 = tpu.memref_slice %arg3[%add3A_67, %dma_start3A_71] : memref<8192x1024xf32, #tpu.memory_space<hbm>> -> memref<4x1024xf32, #tpu.memory_space<hbm>>
    %dma_start3A_73 = arith.constant 4 : i32
    %dma_start3A_74 = arith.constant 0 : i32
    %dma_start3A_75 = tpu.memref_slice %arg5[%dma_start3A_73, %dma_start3A_74] : memref<16x1024xf32, #tpu.memory_space<vmem>> -> memref<4x1024xf32, #tpu.memory_space<vmem>>
    %dma_start3A_76 = arith.constant 0 : i32
    %dma_start3A_77 = tpu.memref_slice %arg3[%add3A_67, %dma_start3A_76] : memref<8192x1024xf32, #tpu.memory_space<hbm>> -> memref<4x1024xf32, #tpu.memory_space<hbm>>
    tpu.enqueue_dma source(%dma_start3A_77 : memref<4x1024xf32, #tpu.memory_space<hbm>>) target(%dma_start3A_75 : memref<4x1024xf32, #tpu.memory_space<vmem>>) target_semaphore(%arg8 : memref<!tpu.dma_semaphore, #tpu.memory_space<semaphore_mem>>)
    %dma_start3A_78 = arith.constant 0 : i32
    %dma_start3A_79 = arith.constant 16 : i32
    %dma_start3A_80 = arith.constant 0 : i32
    %dma_start3A_81 = tpu.memref_slice %arg6[%dma_start3A_79, %dma_start3A_80] : memref<64x1024xf32, #tpu.memory_space<vmem>> -> memref<4x1024xf32, #tpu.memory_space<vmem>>
    %dma_start3A_82 = arith.constant 0 : i32
    %dma_start3A_83 = tpu.memref_slice %arg2[%dma_start3A_78, %add3A_67, %dma_start3A_82] : memref<4x4096x1024xf32, #tpu.memory_space<hbm>> -> memref<1x4x1024xf32, #tpu.memory_space<hbm>>
    %dma_start3A_84 = tpu.memref_squeeze %dma_start3A_83 : memref<1x4x1024xf32, #tpu.memory_space<hbm>> -> memref<4x1024xf32, #tpu.memory_space<hbm>>
    %dma_start3A_85 = arith.constant 16 : i32
    %dma_start3A_86 = arith.constant 0 : i32
    %dma_start3A_87 = tpu.memref_slice %arg6[%dma_start3A_85, %dma_start3A_86] : memref<64x1024xf32, #tpu.memory_space<vmem>> -> memref<4x1024xf32, #tpu.memory_space<vmem>>
    %dma_start3A_88 = arith.constant 0 : i32
    %dma_start3A_89 = tpu.memref_slice %arg2[%dma_start3A_78, %add3A_67, %dma_start3A_88] : memref<4x4096x1024xf32, #tpu.memory_space<hbm>> -> memref<1x4x1024xf32, #tpu.memory_space<hbm>>
    %dma_start3A_90 = tpu.memref_squeeze %dma_start3A_89 : memref<1x4x1024xf32, #tpu.memory_space<hbm>> -> memref<4x1024xf32, #tpu.memory_space<hbm>>
    tpu.enqueue_dma source(%dma_start3A_90 : memref<4x1024xf32, #tpu.memory_space<hbm>>) target(%dma_start3A_87 : memref<4x1024xf32, #tpu.memory_space<vmem>>) target_semaphore(%arg8 : memref<!tpu.dma_semaphore, #tpu.memory_space<semaphore_mem>>)
    %dma_start3A_91 = arith.constant 1 : i32
    %dma_start3A_92 = arith.constant 20 : i32
    %dma_start3A_93 = arith.constant 0 : i32
    %dma_start3A_94 = tpu.memref_slice %arg6[%dma_start3A_92, %dma_start3A_93] : memref<64x1024xf32, #tpu.memory_space<vmem>> -> memref<4x1024xf32, #tpu.memory_space<vmem>>
    %dma_start3A_95 = arith.constant 0 : i32
    %dma_start3A_96 = tpu.memref_slice %arg2[%dma_start3A_91, %add3A_67, %dma_start3A_95] : memref<4x4096x1024xf32, #tpu.memory_space<hbm>> -> memref<1x4x1024xf32, #tpu.memory_space<hbm>>
    %dma_start3A_97 = tpu.memref_squeeze %dma_start3A_96 : memref<1x4x1024xf32, #tpu.memory_space<hbm>> -> memref<4x1024xf32, #tpu.memory_space<hbm>>
    %dma_start3A_98 = arith.constant 20 : i32
    %dma_start3A_99 = arith.constant 0 : i32
    %dma_start3A_100 = tpu.memref_slice %arg6[%dma_start3A_98, %dma_start3A_99] : memref<64x1024xf32, #tpu.memory_space<vmem>> -> memref<4x1024xf32, #tpu.memory_space<vmem>>
    %dma_start3A_101 = arith.constant 0 : i32
    %dma_start3A_102 = tpu.memref_slice %arg2[%dma_start3A_91, %add3A_67, %dma_start3A_101] : memref<4x4096x1024xf32, #tpu.memory_space<hbm>> -> memref<1x4x1024xf32, #tpu.memory_space<hbm>>
    %dma_start3A_103 = tpu.memref_squeeze %dma_start3A_102 : memref<1x4x1024xf32, #tpu.memory_space<hbm>> -> memref<4x1024xf32, #tpu.memory_space<hbm>>
    tpu.enqueue_dma source(%dma_start3A_103 : memref<4x1024xf32, #tpu.memory_space<hbm>>) target(%dma_start3A_100 : memref<4x1024xf32, #tpu.memory_space<vmem>>) target_semaphore(%arg8 : memref<!tpu.dma_semaphore, #tpu.memory_space<semaphore_mem>>)
    %dma_start3A_104 = arith.constant 2 : i32
    %dma_start3A_105 = arith.constant 24 : i32
    %dma_start3A_106 = arith.constant 0 : i32
    %dma_start3A_107 = tpu.memref_slice %arg6[%dma_start3A_105, %dma_start3A_106] : memref<64x1024xf32, #tpu.memory_space<vmem>> -> memref<4x1024xf32, #tpu.memory_space<vmem>>
    %dma_start3A_108 = arith.constant 0 : i32
    %dma_start3A_109 = tpu.memref_slice %arg2[%dma_start3A_104, %add3A_67, %dma_start3A_108] : memref<4x4096x1024xf32, #tpu.memory_space<hbm>> -> memref<1x4x1024xf32, #tpu.memory_space<hbm>>
    %dma_start3A_110 = tpu.memref_squeeze %dma_start3A_109 : memref<1x4x1024xf32, #tpu.memory_space<hbm>> -> memref<4x1024xf32, #tpu.memory_space<hbm>>
    %dma_start3A_111 = arith.constant 24 : i32
    %dma_start3A_112 = arith.constant 0 : i32
    %dma_start3A_113 = tpu.memref_slice %arg6[%dma_start3A_111, %dma_start3A_112] : memref<64x1024xf32, #tpu.memory_space<vmem>> -> memref<4x1024xf32, #tpu.memory_space<vmem>>
    %dma_start3A_114 = arith.constant 0 : i32
    %dma_start3A_115 = tpu.memref_slice %arg2[%dma_start3A_104, %add3A_67, %dma_start3A_114] : memref<4x4096x1024xf32, #tpu.memory_space<hbm>> -> memref<1x4x1024xf32, #tpu.memory_space<hbm>>
    %dma_start3A_116 = tpu.memref_squeeze %dma_start3A_115 : memref<1x4x1024xf32, #tpu.memory_space<hbm>> -> memref<4x1024xf32, #tpu.memory_space<hbm>>
    tpu.enqueue_dma source(%dma_start3A_116 : memref<4x1024xf32, #tpu.memory_space<hbm>>) target(%dma_start3A_113 : memref<4x1024xf32, #tpu.memory_space<vmem>>) target_semaphore(%arg8 : memref<!tpu.dma_semaphore, #tpu.memory_space<semaphore_mem>>)
    %dma_start3A_117 = arith.constant 3 : i32
    %dma_start3A_118 = arith.constant 28 : i32
    %dma_start3A_119 = arith.constant 0 : i32
    %dma_start3A_120 = tpu.memref_slice %arg6[%dma_start3A_118, %dma_start3A_119] : memref<64x1024xf32, #tpu.memory_space<vmem>> -> memref<4x1024xf32, #tpu.memory_space<vmem>>
    %dma_start3A_121 = arith.constant 0 : i32
    %dma_start3A_122 = tpu.memref_slice %arg2[%dma_start3A_117, %add3A_67, %dma_start3A_121] : memref<4x4096x1024xf32, #tpu.memory_space<hbm>> -> memref<1x4x1024xf32, #tpu.memory_space<hbm>>
    %dma_start3A_123 = tpu.memref_squeeze %dma_start3A_122 : memref<1x4x1024xf32, #tpu.memory_space<hbm>> -> memref<4x1024xf32, #tpu.memory_space<hbm>>
    %dma_start3A_124 = arith.constant 28 : i32
    %dma_start3A_125 = arith.constant 0 : i32
    %dma_start3A_126 = tpu.memref_slice %arg6[%dma_start3A_124, %dma_start3A_125] : memref<64x1024xf32, #tpu.memory_space<vmem>> -> memref<4x1024xf32, #tpu.memory_space<vmem>>
    %dma_start3A_127 = arith.constant 0 : i32
    %dma_start3A_128 = tpu.memref_slice %arg2[%dma_start3A_117, %add3A_67, %dma_start3A_127] : memref<4x4096x1024xf32, #tpu.memory_space<hbm>> -> memref<1x4x1024xf32, #tpu.memory_space<hbm>>
    %dma_start3A_129 = tpu.memref_squeeze %dma_start3A_128 : memref<1x4x1024xf32, #tpu.memory_space<hbm>> -> memref<4x1024xf32, #tpu.memory_space<hbm>>
    tpu.enqueue_dma source(%dma_start3A_129 : memref<4x1024xf32, #tpu.memory_space<hbm>>) target(%dma_start3A_126 : memref<4x1024xf32, #tpu.memory_space<vmem>>) target_semaphore(%arg8 : memref<!tpu.dma_semaphore, #tpu.memory_space<semaphore_mem>>)
    %add3A_130 = arith.constant 8 : i32
    %add3A_131 = arith.addi %mul3A_2, %add3A_130 : i32
    %dma_start3A_132 = arith.constant 8 : i32
    %dma_start3A_133 = arith.constant 0 : i32
    %dma_start3A_134 = tpu.memref_slice %arg5[%dma_start3A_132, %dma_start3A_133] : memref<16x1024xf32, #tpu.memory_space<vmem>> -> memref<4x1024xf32, #tpu.memory_space<vmem>>
    %dma_start3A_135 = arith.constant 0 : i32
    %dma_start3A_136 = tpu.memref_slice %arg3[%add3A_131, %dma_start3A_135] : memref<8192x1024xf32, #tpu.memory_space<hbm>> -> memref<4x1024xf32, #tpu.memory_space<hbm>>
    %dma_start3A_137 = arith.constant 8 : i32
    %dma_start3A_138 = arith.constant 0 : i32
    %dma_start3A_139 = tpu.memref_slice %arg5[%dma_start3A_137, %dma_start3A_138] : memref<16x1024xf32, #tpu.memory_space<vmem>> -> memref<4x1024xf32, #tpu.memory_space<vmem>>
    %dma_start3A_140 = arith.constant 0 : i32
    %dma_start3A_141 = tpu.memref_slice %arg3[%add3A_131, %dma_start3A_140] : memref<8192x1024xf32, #tpu.memory_space<hbm>> -> memref<4x1024xf32, #tpu.memory_space<hbm>>
    tpu.enqueue_dma source(%dma_start3A_141 : memref<4x1024xf32, #tpu.memory_space<hbm>>) target(%dma_start3A_139 : memref<4x1024xf32, #tpu.memory_space<vmem>>) target_semaphore(%arg9 : memref<!tpu.dma_semaphore, #tpu.memory_space<semaphore_mem>>)
    %dma_start3A_142 = arith.constant 0 : i32
    %dma_start3A_143 = arith.constant 32 : i32
    %dma_start3A_144 = arith.constant 0 : i32
    %dma_start3A_145 = tpu.memref_slice %arg6[%dma_start3A_143, %dma_start3A_144] : memref<64x1024xf32, #tpu.memory_space<vmem>> -> memref<4x1024xf32, #tpu.memory_space<vmem>>
    %dma_start3A_146 = arith.constant 0 : i32
    %dma_start3A_147 = tpu.memref_slice %arg2[%dma_start3A_142, %add3A_131, %dma_start3A_146] : memref<4x4096x1024xf32, #tpu.memory_space<hbm>> -> memref<1x4x1024xf32, #tpu.memory_space<hbm>>
    %dma_start3A_148 = tpu.memref_squeeze %dma_start3A_147 : memref<1x4x1024xf32, #tpu.memory_space<hbm>> -> memref<4x1024xf32, #tpu.memory_space<hbm>>
    %dma_start3A_149 = arith.constant 32 : i32
    %dma_start3A_150 = arith.constant 0 : i32
    %dma_start3A_151 = tpu.memref_slice %arg6[%dma_start3A_149, %dma_start3A_150] : memref<64x1024xf32, #tpu.memory_space<vmem>> -> memref<4x1024xf32, #tpu.memory_space<vmem>>
    %dma_start3A_152 = arith.constant 0 : i32
    %dma_start3A_153 = tpu.memref_slice %arg2[%dma_start3A_142, %add3A_131, %dma_start3A_152] : memref<4x4096x1024xf32, #tpu.memory_space<hbm>> -> memref<1x4x1024xf32, #tpu.memory_space<hbm>>
    %dma_start3A_154 = tpu.memref_squeeze %dma_start3A_153 : memref<1x4x1024xf32, #tpu.memory_space<hbm>> -> memref<4x1024xf32, #tpu.memory_space<hbm>>
    tpu.enqueue_dma source(%dma_start3A_154 : memref<4x1024xf32, #tpu.memory_space<hbm>>) target(%dma_start3A_151 : memref<4x1024xf32, #tpu.memory_space<vmem>>) target_semaphore(%arg9 : memref<!tpu.dma_semaphore, #tpu.memory_space<semaphore_mem>>)
    %dma_start3A_155 = arith.constant 1 : i32
    %dma_start3A_156 = arith.constant 36 : i32
    %dma_start3A_157 = arith.constant 0 : i32
    %dma_start3A_158 = tpu.memref_slice %arg6[%dma_start3A_156, %dma_start3A_157] : memref<64x1024xf32, #tpu.memory_space<vmem>> -> memref<4x1024xf32, #tpu.memory_space<vmem>>
    %dma_start3A_159 = arith.constant 0 : i32
    %dma_start3A_160 = tpu.memref_slice %arg2[%dma_start3A_155, %add3A_131, %dma_start3A_159] : memref<4x4096x1024xf32, #tpu.memory_space<hbm>> -> memref<1x4x1024xf32, #tpu.memory_space<hbm>>
    %dma_start3A_161 = tpu.memref_squeeze %dma_start3A_160 : memref<1x4x1024xf32, #tpu.memory_space<hbm>> -> memref<4x1024xf32, #tpu.memory_space<hbm>>
    %dma_start3A_162 = arith.constant 36 : i32
    %dma_start3A_163 = arith.constant 0 : i32
    %dma_start3A_164 = tpu.memref_slice %arg6[%dma_start3A_162, %dma_start3A_163] : memref<64x1024xf32, #tpu.memory_space<vmem>> -> memref<4x1024xf32, #tpu.memory_space<vmem>>
    %dma_start3A_165 = arith.constant 0 : i32
    %dma_start3A_166 = tpu.memref_slice %arg2[%dma_start3A_155, %add3A_131, %dma_start3A_165] : memref<4x4096x1024xf32, #tpu.memory_space<hbm>> -> memref<1x4x1024xf32, #tpu.memory_space<hbm>>
    %dma_start3A_167 = tpu.memref_squeeze %dma_start3A_166 : memref<1x4x1024xf32, #tpu.memory_space<hbm>> -> memref<4x1024xf32, #tpu.memory_space<hbm>>
    tpu.enqueue_dma source(%dma_start3A_167 : memref<4x1024xf32, #tpu.memory_space<hbm>>) target(%dma_start3A_164 : memref<4x1024xf32, #tpu.memory_space<vmem>>) target_semaphore(%arg9 : memref<!tpu.dma_semaphore, #tpu.memory_space<semaphore_mem>>)
    %dma_start3A_168 = arith.constant 2 : i32
    %dma_start3A_169 = arith.constant 40 : i32
    %dma_start3A_170 = arith.constant 0 : i32
    %dma_start3A_171 = tpu.memref_slice %arg6[%dma_start3A_169, %dma_start3A_170] : memref<64x1024xf32, #tpu.memory_space<vmem>> -> memref<4x1024xf32, #tpu.memory_space<vmem>>
    %dma_start3A_172 = arith.constant 0 : i32
    %dma_start3A_173 = tpu.memref_slice %arg2[%dma_start3A_168, %add3A_131, %dma_start3A_172] : memref<4x4096x1024xf32, #tpu.memory_space<hbm>> -> memref<1x4x1024xf32, #tpu.memory_space<hbm>>
    %dma_start3A_174 = tpu.memref_squeeze %dma_start3A_173 : memref<1x4x1024xf32, #tpu.memory_space<hbm>> -> memref<4x1024xf32, #tpu.memory_space<hbm>>
    %dma_start3A_175 = arith.constant 40 : i32
    %dma_start3A_176 = arith.constant 0 : i32
    %dma_start3A_177 = tpu.memref_slice %arg6[%dma_start3A_175, %dma_start3A_176] : memref<64x1024xf32, #tpu.memory_space<vmem>> -> memref<4x1024xf32, #tpu.memory_space<vmem>>
    %dma_start3A_178 = arith.constant 0 : i32
    %dma_start3A_179 = tpu.memref_slice %arg2[%dma_start3A_168, %add3A_131, %dma_start3A_178] : memref<4x4096x1024xf32, #tpu.memory_space<hbm>> -> memref<1x4x1024xf32, #tpu.memory_space<hbm>>
    %dma_start3A_180 = tpu.memref_squeeze %dma_start3A_179 : memref<1x4x1024xf32, #tpu.memory_space<hbm>> -> memref<4x1024xf32, #tpu.memory_space<hbm>>
    tpu.enqueue_dma source(%dma_start3A_180 : memref<4x1024xf32, #tpu.memory_space<hbm>>) target(%dma_start3A_177 : memref<4x1024xf32, #tpu.memory_space<vmem>>) target_semaphore(%arg9 : memref<!tpu.dma_semaphore, #tpu.memory_space<semaphore_mem>>)
    %dma_start3A_181 = arith.constant 3 : i32
    %dma_start3A_182 = arith.constant 44 : i32
    %dma_start3A_183 = arith.constant 0 : i32
    %dma_start3A_184 = tpu.memref_slice %arg6[%dma_start3A_182, %dma_start3A_183] : memref<64x1024xf32, #tpu.memory_space<vmem>> -> memref<4x1024xf32, #tpu.memory_space<vmem>>
    %dma_start3A_185 = arith.constant 0 : i32
    %dma_start3A_186 = tpu.memref_slice %arg2[%dma_start3A_181, %add3A_131, %dma_start3A_185] : memref<4x4096x1024xf32, #tpu.memory_space<hbm>> -> memref<1x4x1024xf32, #tpu.memory_space<hbm>>
    %dma_start3A_187 = tpu.memref_squeeze %dma_start3A_186 : memref<1x4x1024xf32, #tpu.memory_space<hbm>> -> memref<4x1024xf32, #tpu.memory_space<hbm>>
    %dma_start3A_188 = arith.constant 44 : i32
    %dma_start3A_189 = arith.constant 0 : i32
    %dma_start3A_190 = tpu.memref_slice %arg6[%dma_start3A_188, %dma_start3A_189] : memref<64x1024xf32, #tpu.memory_space<vmem>> -> memref<4x1024xf32, #tpu.memory_space<vmem>>
    %dma_start3A_191 = arith.constant 0 : i32
    %dma_start3A_192 = tpu.memref_slice %arg2[%dma_start3A_181, %add3A_131, %dma_start3A_191] : memref<4x4096x1024xf32, #tpu.memory_space<hbm>> -> memref<1x4x1024xf32, #tpu.memory_space<hbm>>
    %dma_start3A_193 = tpu.memref_squeeze %dma_start3A_192 : memref<1x4x1024xf32, #tpu.memory_space<hbm>> -> memref<4x1024xf32, #tpu.memory_space<hbm>>
    tpu.enqueue_dma source(%dma_start3A_193 : memref<4x1024xf32, #tpu.memory_space<hbm>>) target(%dma_start3A_190 : memref<4x1024xf32, #tpu.memory_space<vmem>>) target_semaphore(%arg9 : memref<!tpu.dma_semaphore, #tpu.memory_space<semaphore_mem>>)
    %scan3A = arith.constant 0 : i32
    %scan3A_194 = arith.constant 0 : i32
    %scan3A_195 = arith.constant 8 : i32
    %scan3A_196 = arith.addi %scan3A_194, %scan3A_195 : i32
    %scan3A_197 = arith.constant 1 : i32
    scf.for %scan3A_414 = %scan3A_194 to %scan3A_196 step %scan3A_197  : i32 {
      %mul3A_415 = arith.constant 4 : i32
      %mul3A_416 = arith.muli %scan3A_414, %mul3A_415 : i32
      %add3A_417 = arith.constant 0 : i32
      %add3A_418 = arith.addi %mul3A_416, %add3A_417 : i32
      %mul3A_419 = arith.constant 4 : i32
      %mul3A_420 = arith.muli %add3A_418, %mul3A_419 : i32
      %add3A_421 = arith.addi %mul3A_2, %mul3A_420 : i32
      %dma_wait3A_422 = arith.constant 0 : i32
      %dma_wait3A_423 = arith.constant 0 : i32
      %dma_wait3A_424 = tpu.memref_slice %arg5[%dma_wait3A_422, %dma_wait3A_423] : memref<16x1024xf32, #tpu.memory_space<vmem>> -> memref<4x1024xf32, #tpu.memory_space<vmem>>
      %dma_wait3A_425 = arith.constant 0 : i32
      %dma_wait3A_426 = tpu.memref_slice %arg3[%add3A_421, %dma_wait3A_425] : memref<8192x1024xf32, #tpu.memory_space<hbm>> -> memref<4x1024xf32, #tpu.memory_space<hbm>>
      %dma_wait3A_427 = arith.constant 0 : i32
      %dma_wait3A_428 = arith.constant 0 : i32
      %dma_wait3A_429 = tpu.memref_slice %arg5[%dma_wait3A_427, %dma_wait3A_428] : memref<16x1024xf32, #tpu.memory_space<vmem>> -> memref<4x1024xf32, #tpu.memory_space<vmem>>
      %dma_wait3A_430 = arith.constant 0 : i32
      %dma_wait3A_431 = tpu.memref_slice %arg3[%add3A_421, %dma_wait3A_430] : memref<8192x1024xf32, #tpu.memory_space<hbm>> -> memref<4x1024xf32, #tpu.memory_space<hbm>>
      tpu.wait_dma2 semaphore(%arg7 : memref<!tpu.dma_semaphore, #tpu.memory_space<semaphore_mem>>) src(%dma_wait3A_431 : memref<4x1024xf32, #tpu.memory_space<hbm>>) dst(%dma_wait3A_429 : memref<4x1024xf32, #tpu.memory_space<vmem>>)
      %dma_wait3A_432 = arith.constant 0 : i32
      %dma_wait3A_433 = arith.constant 0 : i32
      %dma_wait3A_434 = arith.constant 0 : i32
      %dma_wait3A_435 = tpu.memref_slice %arg6[%dma_wait3A_433, %dma_wait3A_434] : memref<64x1024xf32, #tpu.memory_space<vmem>> -> memref<4x1024xf32, #tpu.memory_space<vmem>>
      %dma_wait3A_436 = arith.constant 0 : i32
      %dma_wait3A_437 = tpu.memref_slice %arg2[%dma_wait3A_432, %add3A_421, %dma_wait3A_436] : memref<4x4096x1024xf32, #tpu.memory_space<hbm>> -> memref<1x4x1024xf32, #tpu.memory_space<hbm>>
      %dma_wait3A_438 = tpu.memref_squeeze %dma_wait3A_437 : memref<1x4x1024xf32, #tpu.memory_space<hbm>> -> memref<4x1024xf32, #tpu.memory_space<hbm>>
      %dma_wait3A_439 = arith.constant 0 : i32
      %dma_wait3A_440 = arith.constant 0 : i32
      %dma_wait3A_441 = tpu.memref_slice %arg6[%dma_wait3A_439, %dma_wait3A_440] : memref<64x1024xf32, #tpu.memory_space<vmem>> -> memref<4x1024xf32, #tpu.memory_space<vmem>>
      %dma_wait3A_442 = arith.constant 0 : i32
      %dma_wait3A_443 = tpu.memref_slice %arg2[%dma_wait3A_432, %add3A_421, %dma_wait3A_442] : memref<4x4096x1024xf32, #tpu.memory_space<hbm>> -> memref<1x4x1024xf32, #tpu.memory_space<hbm>>
      %dma_wait3A_444 = tpu.memref_squeeze %dma_wait3A_443 : memref<1x4x1024xf32, #tpu.memory_space<hbm>> -> memref<4x1024xf32, #tpu.memory_space<hbm>>
      tpu.wait_dma2 semaphore(%arg7 : memref<!tpu.dma_semaphore, #tpu.memory_space<semaphore_mem>>) src(%dma_wait3A_444 : memref<4x1024xf32, #tpu.memory_space<hbm>>) dst(%dma_wait3A_441 : memref<4x1024xf32, #tpu.memory_space<vmem>>)
      %dma_wait3A_445 = arith.constant 1 : i32
      %dma_wait3A_446 = arith.constant 4 : i32
      %dma_wait3A_447 = arith.constant 0 : i32
      %dma_wait3A_448 = tpu.memref_slice %arg6[%dma_wait3A_446, %dma_wait3A_447] : memref<64x1024xf32, #tpu.memory_space<vmem>> -> memref<4x1024xf32, #tpu.memory_space<vmem>>
      %dma_wait3A_449 = arith.constant 0 : i32
      %dma_wait3A_450 = tpu.memref_slice %arg2[%dma_wait3A_445, %add3A_421, %dma_wait3A_449] : memref<4x4096x1024xf32, #tpu.memory_space<hbm>> -> memref<1x4x1024xf32, #tpu.memory_space<hbm>>
      %dma_wait3A_451 = tpu.memref_squeeze %dma_wait3A_450 : memref<1x4x1024xf32, #tpu.memory_space<hbm>> -> memref<4x1024xf32, #tpu.memory_space<hbm>>
      %dma_wait3A_452 = arith.constant 4 : i32
      %dma_wait3A_453 = arith.constant 0 : i32
      %dma_wait3A_454 = tpu.memref_slice %arg6[%dma_wait3A_452, %dma_wait3A_453] : memref<64x1024xf32, #tpu.memory_space<vmem>> -> memref<4x1024xf32, #tpu.memory_space<vmem>>
      %dma_wait3A_455 = arith.constant 0 : i32
      %dma_wait3A_456 = tpu.memref_slice %arg2[%dma_wait3A_445, %add3A_421, %dma_wait3A_455] : memref<4x4096x1024xf32, #tpu.memory_space<hbm>> -> memref<1x4x1024xf32, #tpu.memory_space<hbm>>
      %dma_wait3A_457 = tpu.memref_squeeze %dma_wait3A_456 : memref<1x4x1024xf32, #tpu.memory_space<hbm>> -> memref<4x1024xf32, #tpu.memory_space<hbm>>
      tpu.wait_dma2 semaphore(%arg7 : memref<!tpu.dma_semaphore, #tpu.memory_space<semaphore_mem>>) src(%dma_wait3A_457 : memref<4x1024xf32, #tpu.memory_space<hbm>>) dst(%dma_wait3A_454 : memref<4x1024xf32, #tpu.memory_space<vmem>>)
      %dma_wait3A_458 = arith.constant 2 : i32
      %dma_wait3A_459 = arith.constant 8 : i32
      %dma_wait3A_460 = arith.constant 0 : i32
      %dma_wait3A_461 = tpu.memref_slice %arg6[%dma_wait3A_459, %dma_wait3A_460] : memref<64x1024xf32, #tpu.memory_space<vmem>> -> memref<4x1024xf32, #tpu.memory_space<vmem>>
      %dma_wait3A_462 = arith.constant 0 : i32
      %dma_wait3A_463 = tpu.memref_slice %arg2[%dma_wait3A_458, %add3A_421, %dma_wait3A_462] : memref<4x4096x1024xf32, #tpu.memory_space<hbm>> -> memref<1x4x1024xf32, #tpu.memory_space<hbm>>
      %dma_wait3A_464 = tpu.memref_squeeze %dma_wait3A_463 : memref<1x4x1024xf32, #tpu.memory_space<hbm>> -> memref<4x1024xf32, #tpu.memory_space<hbm>>
      %dma_wait3A_465 = arith.constant 8 : i32
      %dma_wait3A_466 = arith.constant 0 : i32
      %dma_wait3A_467 = tpu.memref_slice %arg6[%dma_wait3A_465, %dma_wait3A_466] : memref<64x1024xf32, #tpu.memory_space<vmem>> -> memref<4x1024xf32, #tpu.memory_space<vmem>>
      %dma_wait3A_468 = arith.constant 0 : i32
      %dma_wait3A_469 = tpu.memref_slice %arg2[%dma_wait3A_458, %add3A_421, %dma_wait3A_468] : memref<4x4096x1024xf32, #tpu.memory_space<hbm>> -> memref<1x4x1024xf32, #tpu.memory_space<hbm>>
      %dma_wait3A_470 = tpu.memref_squeeze %dma_wait3A_469 : memref<1x4x1024xf32, #tpu.memory_space<hbm>> -> memref<4x1024xf32, #tpu.memory_space<hbm>>
      tpu.wait_dma2 semaphore(%arg7 : memref<!tpu.dma_semaphore, #tpu.memory_space<semaphore_mem>>) src(%dma_wait3A_470 : memref<4x1024xf32, #tpu.memory_space<hbm>>) dst(%dma_wait3A_467 : memref<4x1024xf32, #tpu.memory_space<vmem>>)
      %dma_wait3A_471 = arith.constant 3 : i32
      %dma_wait3A_472 = arith.constant 12 : i32
      %dma_wait3A_473 = arith.constant 0 : i32
      %dma_wait3A_474 = tpu.memref_slice %arg6[%dma_wait3A_472, %dma_wait3A_473] : memref<64x1024xf32, #tpu.memory_space<vmem>> -> memref<4x1024xf32, #tpu.memory_space<vmem>>
      %dma_wait3A_475 = arith.constant 0 : i32
      %dma_wait3A_476 = tpu.memref_slice %arg2[%dma_wait3A_471, %add3A_421, %dma_wait3A_475] : memref<4x4096x1024xf32, #tpu.memory_space<hbm>> -> memref<1x4x1024xf32, #tpu.memory_space<hbm>>
      %dma_wait3A_477 = tpu.memref_squeeze %dma_wait3A_476 : memref<1x4x1024xf32, #tpu.memory_space<hbm>> -> memref<4x1024xf32, #tpu.memory_space<hbm>>
      %dma_wait3A_478 = arith.constant 12 : i32
      %dma_wait3A_479 = arith.constant 0 : i32
      %dma_wait3A_480 = tpu.memref_slice %arg6[%dma_wait3A_478, %dma_wait3A_479] : memref<64x1024xf32, #tpu.memory_space<vmem>> -> memref<4x1024xf32, #tpu.memory_space<vmem>>
      %dma_wait3A_481 = arith.constant 0 : i32
      %dma_wait3A_482 = tpu.memref_slice %arg2[%dma_wait3A_471, %add3A_421, %dma_wait3A_481] : memref<4x4096x1024xf32, #tpu.memory_space<hbm>> -> memref<1x4x1024xf32, #tpu.memory_space<hbm>>
      %dma_wait3A_483 = tpu.memref_squeeze %dma_wait3A_482 : memref<1x4x1024xf32, #tpu.memory_space<hbm>> -> memref<4x1024xf32, #tpu.memory_space<hbm>>
      tpu.wait_dma2 semaphore(%arg7 : memref<!tpu.dma_semaphore, #tpu.memory_space<semaphore_mem>>) src(%dma_wait3A_483 : memref<4x1024xf32, #tpu.memory_space<hbm>>) dst(%dma_wait3A_480 : memref<4x1024xf32, #tpu.memory_space<vmem>>)
      %parallel_loop3A = arith.constant 0 : i32
      %parallel_loop3A_484 = arith.constant 256 : i32
      %parallel_loop3A_485 = arith.constant 1 : i32
      scf.for %parallel_loop3A_941 = %parallel_loop3A to %parallel_loop3A_484 step %parallel_loop3A_485  : i32 {
        %parallel_loop3A_942 = arith.constant 64 : i32
        %parallel_loop3A_943 = arith.divsi %parallel_loop3A_941, %parallel_loop3A_942 : i32
        %parallel_loop3A_944 = arith.constant 0 : i32
        %parallel_loop3A_945 = arith.cmpi sgt, %parallel_loop3A_941, %parallel_loop3A_944 : i32
        %parallel_loop3A_946 = arith.extui %parallel_loop3A_945 : i1 to i32
        %parallel_loop3A_947 = arith.constant 0 : i32
        %parallel_loop3A_948 = arith.cmpi slt, %parallel_loop3A_941, %parallel_loop3A_947 : i32
        %parallel_loop3A_949 = arith.extui %parallel_loop3A_948 : i1 to i32
        %parallel_loop3A_950 = arith.subi %parallel_loop3A_946, %parallel_loop3A_949 : i32
        %parallel_loop3A_951 = arith.constant 0 : i32
        %parallel_loop3A_952 = arith.cmpi sgt, %parallel_loop3A_942, %parallel_loop3A_951 : i32
        %parallel_loop3A_953 = arith.extui %parallel_loop3A_952 : i1 to i32
        %parallel_loop3A_954 = arith.constant 0 : i32
        %parallel_loop3A_955 = arith.cmpi slt, %parallel_loop3A_942, %parallel_loop3A_954 : i32
        %parallel_loop3A_956 = arith.extui %parallel_loop3A_955 : i1 to i32
        %parallel_loop3A_957 = arith.subi %parallel_loop3A_953, %parallel_loop3A_956 : i32
        %parallel_loop3A_958 = arith.cmpi ne, %parallel_loop3A_950, %parallel_loop3A_957 : i32
        %parallel_loop3A_959 = arith.remsi %parallel_loop3A_941, %parallel_loop3A_942 : i32
        %parallel_loop3A_960 = arith.constant 0 : i32
        %parallel_loop3A_961 = arith.cmpi ne, %parallel_loop3A_959, %parallel_loop3A_960 : i32
        %parallel_loop3A_962 = arith.andi %parallel_loop3A_958, %parallel_loop3A_961 : i1
        %parallel_loop3A_963 = arith.constant 1 : i32
        %parallel_loop3A_964 = arith.subi %parallel_loop3A_943, %parallel_loop3A_963 : i32
        %parallel_loop3A_965 = arith.select %parallel_loop3A_962, %parallel_loop3A_964, %parallel_loop3A_943 : i32
        %parallel_loop3A_966 = arith.constant 64 : i32
        %parallel_loop3A_967 = arith.constant 0 : i32
        %parallel_loop3A_968 = arith.cmpi eq, %parallel_loop3A_966, %parallel_loop3A_967 : i32
        %parallel_loop3A_969 = arith.constant 1 : i32
        %parallel_loop3A_970 = arith.select %parallel_loop3A_968, %parallel_loop3A_969, %parallel_loop3A_966 : i32
        %parallel_loop3A_971 = arith.remsi %parallel_loop3A_941, %parallel_loop3A_970 : i32
        %parallel_loop3A_972 = arith.constant 0 : i32
        %parallel_loop3A_973 = arith.cmpi ne, %parallel_loop3A_971, %parallel_loop3A_972 : i32
        %parallel_loop3A_974 = arith.constant 0 : i32
        %parallel_loop3A_975 = arith.cmpi slt, %parallel_loop3A_971, %parallel_loop3A_974 : i32
        %parallel_loop3A_976 = arith.constant 0 : i32
        %parallel_loop3A_977 = arith.cmpi slt, %parallel_loop3A_970, %parallel_loop3A_976 : i32
        %parallel_loop3A_978 = arith.xori %parallel_loop3A_975, %parallel_loop3A_977 : i1
        %parallel_loop3A_979 = arith.andi %parallel_loop3A_978, %parallel_loop3A_973 : i1
        %parallel_loop3A_980 = arith.addi %parallel_loop3A_971, %parallel_loop3A_970 : i32
        %parallel_loop3A_981 = arith.select %parallel_loop3A_979, %parallel_loop3A_980, %parallel_loop3A_971 : i32
        %parallel_loop3A_982 = arith.constant 16 : i32
        %parallel_loop3A_983 = arith.muli %parallel_loop3A_981, %parallel_loop3A_982 : i32
        %parallel_loop3A_984 = arith.constant 0 : i32
        %parallel_loop3A_985 = arith.addi %parallel_loop3A_984, %parallel_loop3A_965 : i32
        %parallel_loop3A_986 = arith.index_cast %parallel_loop3A_985 : i32 to index
        %parallel_loop3A_987 = arith.index_cast %parallel_loop3A_983 : i32 to index
        %parallel_loop3A_988 = tpu.vector_load %arg5[%parallel_loop3A_986, %parallel_loop3A_987] {strides = array<i32>} : memref<16x1024xf32, #tpu.memory_space<vmem>>, vector<1x16xf32>,
        %parallel_loop3A_989 = vector.shape_cast %parallel_loop3A_988 : vector<1x16xf32> to vector<16xf32>
        %parallel_loop3A_990 = arith.constant 0 : i32
        %parallel_loop3A_991 = arith.addi %parallel_loop3A_990, %parallel_loop3A_965 : i32
        %parallel_loop3A_992 = arith.index_cast %parallel_loop3A_991 : i32 to index
        %parallel_loop3A_993 = arith.index_cast %parallel_loop3A_983 : i32 to index
        %parallel_loop3A_994 = tpu.vector_load %arg6[%parallel_loop3A_992, %parallel_loop3A_993] {strides = array<i32>} : memref<64x1024xf32, #tpu.memory_space<vmem>>, vector<1x16xf32>,
        %parallel_loop3A_995 = vector.shape_cast %parallel_loop3A_994 : vector<1x16xf32> to vector<16xf32>
        %parallel_loop3A_996 = vector.shape_cast %parallel_loop3A_989 : vector<16xf32> to vector<1x16xf32>
        tpu.vector_store %arg6[%parallel_loop3A_992, %parallel_loop3A_993], %parallel_loop3A_996 {add = true, strides = array<i32>} : memref<64x1024xf32, #tpu.memory_space<vmem>>, vector<1x16xf32>,
        %parallel_loop3A_997 = arith.constant 4 : i32
        %parallel_loop3A_998 = arith.addi %parallel_loop3A_997, %parallel_loop3A_965 : i32
        %parallel_loop3A_999 = arith.index_cast %parallel_loop3A_998 : i32 to index
        %parallel_loop3A_1000 = arith.index_cast %parallel_loop3A_983 : i32 to index
        %parallel_loop3A_1001 = tpu.vector_load %arg6[%parallel_loop3A_999, %parallel_loop3A_1000] {strides = array<i32>} : memref<64x1024xf32, #tpu.memory_space<vmem>>, vector<1x16xf32>,
        %parallel_loop3A_1002 = vector.shape_cast %parallel_loop3A_1001 : vector<1x16xf32> to vector<16xf32>
        %parallel_loop3A_1003 = vector.shape_cast %parallel_loop3A_989 : vector<16xf32> to vector<1x16xf32>
        tpu.vector_store %arg6[%parallel_loop3A_999, %parallel_loop3A_1000], %parallel_loop3A_1003 {add = true, strides = array<i32>} : memref<64x1024xf32, #tpu.memory_space<vmem>>, vector<1x16xf32>,
        %parallel_loop3A_1004 = arith.constant 8 : i32
        %parallel_loop3A_1005 = arith.addi %parallel_loop3A_1004, %parallel_loop3A_965 : i32
        %parallel_loop3A_1006 = arith.index_cast %parallel_loop3A_1005 : i32 to index
        %parallel_loop3A_1007 = arith.index_cast %parallel_loop3A_983 : i32 to index
        %parallel_loop3A_1008 = tpu.vector_load %arg6[%parallel_loop3A_1006, %parallel_loop3A_1007] {strides = array<i32>} : memref<64x1024xf32, #tpu.memory_space<vmem>>, vector<1x16xf32>,
        %parallel_loop3A_1009 = vector.shape_cast %parallel_loop3A_1008 : vector<1x16xf32> to vector<16xf32>
        %parallel_loop3A_1010 = vector.shape_cast %parallel_loop3A_989 : vector<16xf32> to vector<1x16xf32>
        tpu.vector_store %arg6[%parallel_loop3A_1006, %parallel_loop3A_1007], %parallel_loop3A_1010 {add = true, strides = array<i32>} : memref<64x1024xf32, #tpu.memory_space<vmem>>, vector<1x16xf32>,
        %parallel_loop3A_1011 = arith.constant 12 : i32
        %parallel_loop3A_1012 = arith.addi %parallel_loop3A_1011, %parallel_loop3A_965 : i32
        %parallel_loop3A_1013 = arith.index_cast %parallel_loop3A_1012 : i32 to index
        %parallel_loop3A_1014 = arith.index_cast %parallel_loop3A_983 : i32 to index
        %parallel_loop3A_1015 = tpu.vector_load %arg6[%parallel_loop3A_1013, %parallel_loop3A_1014] {strides = array<i32>} : memref<64x1024xf32, #tpu.memory_space<vmem>>, vector<1x16xf32>,
        %parallel_loop3A_1016 = vector.shape_cast %parallel_loop3A_1015 : vector<1x16xf32> to vector<16xf32>
        %parallel_loop3A_1017 = vector.shape_cast %parallel_loop3A_989 : vector<16xf32> to vector<1x16xf32>
        tpu.vector_store %arg6[%parallel_loop3A_1013, %parallel_loop3A_1014], %parallel_loop3A_1017 {add = true, strides = array<i32>} : memref<64x1024xf32, #tpu.memory_space<vmem>>, vector<1x16xf32>,
      } {sc.loop_unroll_factor = 4 : i64, sc.parallel_access}
      %mul3A_486 = arith.constant 4 : i32
      %mul3A_487 = arith.muli %add3A_418, %mul3A_486 : i32
      %add3A_488 = arith.addi %mul3A_2, %mul3A_487 : i32
      %dma_start3A_489 = arith.constant 0 : i32
      %dma_start3A_490 = arith.constant 0 : i32
      %dma_start3A_491 = arith.constant 0 : i32
      %dma_start3A_492 = tpu.memref_slice %arg6[%dma_start3A_490, %dma_start3A_491] : memref<64x1024xf32, #tpu.memory_space<vmem>> -> memref<4x1024xf32, #tpu.memory_space<vmem>>
      %dma_start3A_493 = arith.constant 0 : i32
      %dma_start3A_494 = tpu.memref_slice %arg4[%dma_start3A_489, %add3A_488, %dma_start3A_493] : memref<4x4096x1024xf32, #tpu.memory_space<hbm>> -> memref<1x4x1024xf32, #tpu.memory_space<hbm>>
      %dma_start3A_495 = tpu.memref_squeeze %dma_start3A_494 : memref<1x4x1024xf32, #tpu.memory_space<hbm>> -> memref<4x1024xf32, #tpu.memory_space<hbm>>
      %dma_start3A_496 = arith.constant 0 : i32
      %dma_start3A_497 = tpu.memref_slice %arg4[%dma_start3A_489, %add3A_488, %dma_start3A_496] : memref<4x4096x1024xf32, #tpu.memory_space<hbm>> -> memref<1x4x1024xf32, #tpu.memory_space<hbm>>
      %dma_start3A_498 = tpu.memref_squeeze %dma_start3A_497 : memref<1x4x1024xf32, #tpu.memory_space<hbm>> -> memref<4x1024xf32, #tpu.memory_space<hbm>>
      %dma_start3A_499 = arith.constant 0 : i32
      %dma_start3A_500 = arith.constant 0 : i32
      %dma_start3A_501 = tpu.memref_slice %arg6[%dma_start3A_499, %dma_start3A_500] : memref<64x1024xf32, #tpu.memory_space<vmem>> -> memref<4x1024xf32, #tpu.memory_space<vmem>>
      tpu.enqueue_dma source(%dma_start3A_501 : memref<4x1024xf32, #tpu.memory_space<vmem>>) target(%dma_start3A_498 : memref<4x1024xf32, #tpu.memory_space<hbm>>) target_semaphore(%arg11 : memref<!tpu.dma_semaphore, #tpu.memory_space<semaphore_mem>>)
      %dma_start3A_502 = arith.constant 1 : i32
      %dma_start3A_503 = arith.constant 4 : i32
      %dma_start3A_504 = arith.constant 0 : i32
      %dma_start3A_505 = tpu.memref_slice %arg6[%dma_start3A_503, %dma_start3A_504] : memref<64x1024xf32, #tpu.memory_space<vmem>> -> memref<4x1024xf32, #tpu.memory_space<vmem>>
      %dma_start3A_506 = arith.constant 0 : i32
      %dma_start3A_507 = tpu.memref_slice %arg4[%dma_start3A_502, %add3A_488, %dma_start3A_506] : memref<4x4096x1024xf32, #tpu.memory_space<hbm>> -> memref<1x4x1024xf32, #tpu.memory_space<hbm>>
      %dma_start3A_508 = tpu.memref_squeeze %dma_start3A_507 : memref<1x4x1024xf32, #tpu.memory_space<hbm>> -> memref<4x1024xf32, #tpu.memory_space<hbm>>
      %dma_start3A_509 = arith.constant 0 : i32
      %dma_start3A_510 = tpu.memref_slice %arg4[%dma_start3A_502, %add3A_488, %dma_start3A_509] : memref<4x4096x1024xf32, #tpu.memory_space<hbm>> -> memref<1x4x1024xf32, #tpu.memory_space<hbm>>
      %dma_start3A_511 = tpu.memref_squeeze %dma_start3A_510 : memref<1x4x1024xf32, #tpu.memory_space<hbm>> -> memref<4x1024xf32, #tpu.memory_space<hbm>>
      %dma_start3A_512 = arith.constant 4 : i32
      %dma_start3A_513 = arith.constant 0 : i32
      %dma_start3A_514 = tpu.memref_slice %arg6[%dma_start3A_512, %dma_start3A_513] : memref<64x1024xf32, #tpu.memory_space<vmem>> -> memref<4x1024xf32, #tpu.memory_space<vmem>>
      tpu.enqueue_dma source(%dma_start3A_514 : memref<4x1024xf32, #tpu.memory_space<vmem>>) target(%dma_start3A_511 : memref<4x1024xf32, #tpu.memory_space<hbm>>) target_semaphore(%arg11 : memref<!tpu.dma_semaphore, #tpu.memory_space<semaphore_mem>>)
      %dma_start3A_515 = arith.constant 2 : i32
      %dma_start3A_516 = arith.constant 8 : i32
      %dma_start3A_517 = arith.constant 0 : i32
      %dma_start3A_518 = tpu.memref_slice %arg6[%dma_start3A_516, %dma_start3A_517] : memref<64x1024xf32, #tpu.memory_space<vmem>> -> memref<4x1024xf32, #tpu.memory_space<vmem>>
      %dma_start3A_519 = arith.constant 0 : i32
      %dma_start3A_520 = tpu.memref_slice %arg4[%dma_start3A_515, %add3A_488, %dma_start3A_519] : memref<4x4096x1024xf32, #tpu.memory_space<hbm>> -> memref<1x4x1024xf32, #tpu.memory_space<hbm>>
      %dma_start3A_521 = tpu.memref_squeeze %dma_start3A_520 : memref<1x4x1024xf32, #tpu.memory_space<hbm>> -> memref<4x1024xf32, #tpu.memory_space<hbm>>
      %dma_start3A_522 = arith.constant 0 : i32
      %dma_start3A_523 = tpu.memref_slice %arg4[%dma_start3A_515, %add3A_488, %dma_start3A_522] : memref<4x4096x1024xf32, #tpu.memory_space<hbm>> -> memref<1x4x1024xf32, #tpu.memory_space<hbm>>
      %dma_start3A_524 = tpu.memref_squeeze %dma_start3A_523 : memref<1x4x1024xf32, #tpu.memory_space<hbm>> -> memref<4x1024xf32, #tpu.memory_space<hbm>>
      %dma_start3A_525 = arith.constant 8 : i32
      %dma_start3A_526 = arith.constant 0 : i32
      %dma_start3A_527 = tpu.memref_slice %arg6[%dma_start3A_525, %dma_start3A_526] : memref<64x1024xf32, #tpu.memory_space<vmem>> -> memref<4x1024xf32, #tpu.memory_space<vmem>>
      tpu.enqueue_dma source(%dma_start3A_527 : memref<4x1024xf32, #tpu.memory_space<vmem>>) target(%dma_start3A_524 : memref<4x1024xf32, #tpu.memory_space<hbm>>) target_semaphore(%arg11 : memref<!tpu.dma_semaphore, #tpu.memory_space<semaphore_mem>>)
      %dma_start3A_528 = arith.constant 3 : i32
      %dma_start3A_529 = arith.constant 12 : i32
      %dma_start3A_530 = arith.constant 0 : i32
      %dma_start3A_531 = tpu.memref_slice %arg6[%dma_start3A_529, %dma_start3A_530] : memref<64x1024xf32, #tpu.memory_space<vmem>> -> memref<4x1024xf32, #tpu.memory_space<vmem>>
      %dma_start3A_532 = arith.constant 0 : i32
      %dma_start3A_533 = tpu.memref_slice %arg4[%dma_start3A_528, %add3A_488, %dma_start3A_532] : memref<4x4096x1024xf32, #tpu.memory_space<hbm>> -> memref<1x4x1024xf32, #tpu.memory_space<hbm>>
      %dma_start3A_534 = tpu.memref_squeeze %dma_start3A_533 : memref<1x4x1024xf32, #tpu.memory_space<hbm>> -> memref<4x1024xf32, #tpu.memory_space<hbm>>
      %dma_start3A_535 = arith.constant 0 : i32
      %dma_start3A_536 = tpu.memref_slice %arg4[%dma_start3A_528, %add3A_488, %dma_start3A_535] : memref<4x4096x1024xf32, #tpu.memory_space<hbm>> -> memref<1x4x1024xf32, #tpu.memory_space<hbm>>
      %dma_start3A_537 = tpu.memref_squeeze %dma_start3A_536 : memref<1x4x1024xf32, #tpu.memory_space<hbm>> -> memref<4x1024xf32, #tpu.memory_space<hbm>>
      %dma_start3A_538 = arith.constant 12 : i32
      %dma_start3A_539 = arith.constant 0 : i32
      %dma_start3A_540 = tpu.memref_slice %arg6[%dma_start3A_538, %dma_start3A_539] : memref<64x1024xf32, #tpu.memory_space<vmem>> -> memref<4x1024xf32, #tpu.memory_space<vmem>>
      tpu.enqueue_dma source(%dma_start3A_540 : memref<4x1024xf32, #tpu.memory_space<vmem>>) target(%dma_start3A_537 : memref<4x1024xf32, #tpu.memory_space<hbm>>) target_semaphore(%arg11 : memref<!tpu.dma_semaphore, #tpu.memory_space<semaphore_mem>>)
      %add3A_541 = arith.constant 3 : i32
      %add3A_542 = arith.addi %add3A_418, %add3A_541 : i32
      %lt3A = arith.constant 32 : i32
      %lt3A_543 = arith.cmpi slt, %add3A_542, %lt3A : i32
      %convert_element_type3A = arith.extui %lt3A_543 : i1 to i32
      %cond3A = arith.constant 0 : i32
      %cond3A_544 = arith.cmpi ne, %convert_element_type3A, %cond3A : i32
      scf.if %cond3A_544 {
        %ge3A = arith.constant 4 : i32
        %ge3A_941 = arith.cmpi sge, %add3A_542, %ge3A : i32
        %convert_element_type3A_942 = arith.extui %ge3A_941 : i1 to i32
        %cond3A_943 = arith.constant 0 : i32
        %cond3A_944 = arith.cmpi ne, %convert_element_type3A_942, %cond3A_943 : i32
        scf.if %cond3A_944 {
          %sub3A = arith.constant 4 : i32
          %sub3A_1010 = arith.subi %add3A_542, %sub3A : i32
          %mul3A_1011 = arith.constant 4 : i32
          %mul3A_1012 = arith.muli %sub3A_1010, %mul3A_1011 : i32
          %add3A_1013 = arith.addi %mul3A_2, %mul3A_1012 : i32
          %dma_wait3A_1014 = arith.constant 0 : i32
          %dma_wait3A_1015 = arith.constant 48 : i32
          %dma_wait3A_1016 = arith.constant 0 : i32
          %dma_wait3A_1017 = tpu.memref_slice %arg6[%dma_wait3A_1015, %dma_wait3A_1016] : memref<64x1024xf32, #tpu.memory_space<vmem>> -> memref<4x1024xf32, #tpu.memory_space<vmem>>
          %dma_wait3A_1018 = arith.constant 0 : i32
          %dma_wait3A_1019 = tpu.memref_slice %arg4[%dma_wait3A_1014, %add3A_1013, %dma_wait3A_1018] : memref<4x4096x1024xf32, #tpu.memory_space<hbm>> -> memref<1x4x1024xf32, #tpu.memory_space<hbm>>
          %dma_wait3A_1020 = tpu.memref_squeeze %dma_wait3A_1019 : memref<1x4x1024xf32, #tpu.memory_space<hbm>> -> memref<4x1024xf32, #tpu.memory_space<hbm>>
          %dma_wait3A_1021 = arith.constant 0 : i32
          %dma_wait3A_1022 = tpu.memref_slice %arg4[%dma_wait3A_1014, %add3A_1013, %dma_wait3A_1021] : memref<4x4096x1024xf32, #tpu.memory_space<hbm>> -> memref<1x4x1024xf32, #tpu.memory_space<hbm>>
          %dma_wait3A_1023 = tpu.memref_squeeze %dma_wait3A_1022 : memref<1x4x1024xf32, #tpu.memory_space<hbm>> -> memref<4x1024xf32, #tpu.memory_space<hbm>>
          %dma_wait3A_1024 = arith.constant 48 : i32
          %dma_wait3A_1025 = arith.constant 0 : i32
          %dma_wait3A_1026 = tpu.memref_slice %arg6[%dma_wait3A_1024, %dma_wait3A_1025] : memref<64x1024xf32, #tpu.memory_space<vmem>> -> memref<4x1024xf32, #tpu.memory_space<vmem>>
          tpu.wait_dma2 semaphore(%arg14 : memref<!tpu.dma_semaphore, #tpu.memory_space<semaphore_mem>>) src(%dma_wait3A_1026 : memref<4x1024xf32, #tpu.memory_space<vmem>>) dst(%dma_wait3A_1023 : memref<4x1024xf32, #tpu.memory_space<hbm>>)
          %dma_wait3A_1027 = arith.constant 1 : i32
          %dma_wait3A_1028 = arith.constant 52 : i32
          %dma_wait3A_1029 = arith.constant 0 : i32
          %dma_wait3A_1030 = tpu.memref_slice %arg6[%dma_wait3A_1028, %dma_wait3A_1029] : memref<64x1024xf32, #tpu.memory_space<vmem>> -> memref<4x1024xf32, #tpu.memory_space<vmem>>
          %dma_wait3A_1031 = arith.constant 0 : i32
          %dma_wait3A_1032 = tpu.memref_slice %arg4[%dma_wait3A_1027, %add3A_1013, %dma_wait3A_1031] : memref<4x4096x1024xf32, #tpu.memory_space<hbm>> -> memref<1x4x1024xf32, #tpu.memory_space<hbm>>
          %dma_wait3A_1033 = tpu.memref_squeeze %dma_wait3A_1032 : memref<1x4x1024xf32, #tpu.memory_space<hbm>> -> memref<4x1024xf32, #tpu.memory_space<hbm>>
          %dma_wait3A_1034 = arith.constant 0 : i32
          %dma_wait3A_1035 = tpu.memref_slice %arg4[%dma_wait3A_1027, %add3A_1013, %dma_wait3A_1034] : memref<4x4096x1024xf32, #tpu.memory_space<hbm>> -> memref<1x4x1024xf32, #tpu.memory_space<hbm>>
          %dma_wait3A_1036 = tpu.memref_squeeze %dma_wait3A_1035 : memref<1x4x1024xf32, #tpu.memory_space<hbm>> -> memref<4x1024xf32, #tpu.memory_space<hbm>>
          %dma_wait3A_1037 = arith.constant 52 : i32
          %dma_wait3A_1038 = arith.constant 0 : i32
          %dma_wait3A_1039 = tpu.memref_slice %arg6[%dma_wait3A_1037, %dma_wait3A_1038] : memref<64x1024xf32, #tpu.memory_space<vmem>> -> memref<4x1024xf32, #tpu.memory_space<vmem>>
          tpu.wait_dma2 semaphore(%arg14 : memref<!tpu.dma_semaphore, #tpu.memory_space<semaphore_mem>>) src(%dma_wait3A_1039 : memref<4x1024xf32, #tpu.memory_space<vmem>>) dst(%dma_wait3A_1036 : memref<4x1024xf32, #tpu.memory_space<hbm>>)
          %dma_wait3A_1040 = arith.constant 2 : i32
          %dma_wait3A_1041 = arith.constant 56 : i32
          %dma_wait3A_1042 = arith.constant 0 : i32
          %dma_wait3A_1043 = tpu.memref_slice %arg6[%dma_wait3A_1041, %dma_wait3A_1042] : memref<64x1024xf32, #tpu.memory_space<vmem>> -> memref<4x1024xf32, #tpu.memory_space<vmem>>
          %dma_wait3A_1044 = arith.constant 0 : i32
          %dma_wait3A_1045 = tpu.memref_slice %arg4[%dma_wait3A_1040, %add3A_1013, %dma_wait3A_1044] : memref<4x4096x1024xf32, #tpu.memory_space<hbm>> -> memref<1x4x1024xf32, #tpu.memory_space<hbm>>
          %dma_wait3A_1046 = tpu.memref_squeeze %dma_wait3A_1045 : memref<1x4x1024xf32, #tpu.memory_space<hbm>> -> memref<4x1024xf32, #tpu.memory_space<hbm>>
          %dma_wait3A_1047 = arith.constant 0 : i32
          %dma_wait3A_1048 = tpu.memref_slice %arg4[%dma_wait3A_1040, %add3A_1013, %dma_wait3A_1047] : memref<4x4096x1024xf32, #tpu.memory_space<hbm>> -> memref<1x4x1024xf32, #tpu.memory_space<hbm>>
          %dma_wait3A_1049 = tpu.memref_squeeze %dma_wait3A_1048 : memref<1x4x1024xf32, #tpu.memory_space<hbm>> -> memref<4x1024xf32, #tpu.memory_space<hbm>>
          %dma_wait3A_1050 = arith.constant 56 : i32
          %dma_wait3A_1051 = arith.constant 0 : i32
          %dma_wait3A_1052 = tpu.memref_slice %arg6[%dma_wait3A_1050, %dma_wait3A_1051] : memref<64x1024xf32, #tpu.memory_space<vmem>> -> memref<4x1024xf32, #tpu.memory_space<vmem>>
          tpu.wait_dma2 semaphore(%arg14 : memref<!tpu.dma_semaphore, #tpu.memory_space<semaphore_mem>>) src(%dma_wait3A_1052 : memref<4x1024xf32, #tpu.memory_space<vmem>>) dst(%dma_wait3A_1049 : memref<4x1024xf32, #tpu.memory_space<hbm>>)
          %dma_wait3A_1053 = arith.constant 3 : i32
          %dma_wait3A_1054 = arith.constant 60 : i32
          %dma_wait3A_1055 = arith.constant 0 : i32
          %dma_wait3A_1056 = tpu.memref_slice %arg6[%dma_wait3A_1054, %dma_wait3A_1055] : memref<64x1024xf32, #tpu.memory_space<vmem>> -> memref<4x1024xf32, #tpu.memory_space<vmem>>
          %dma_wait3A_1057 = arith.constant 0 : i32
          %dma_wait3A_1058 = tpu.memref_slice %arg4[%dma_wait3A_1053, %add3A_1013, %dma_wait3A_1057] : memref<4x4096x1024xf32, #tpu.memory_space<hbm>> -> memref<1x4x1024xf32, #tpu.memory_space<hbm>>
          %dma_wait3A_1059 = tpu.memref_squeeze %dma_wait3A_1058 : memref<1x4x1024xf32, #tpu.memory_space<hbm>> -> memref<4x1024xf32, #tpu.memory_space<hbm>>
          %dma_wait3A_1060 = arith.constant 0 : i32
          %dma_wait3A_1061 = tpu.memref_slice %arg4[%dma_wait3A_1053, %add3A_1013, %dma_wait3A_1060] : memref<4x4096x1024xf32, #tpu.memory_space<hbm>> -> memref<1x4x1024xf32, #tpu.memory_space<hbm>>
          %dma_wait3A_1062 = tpu.memref_squeeze %dma_wait3A_1061 : memref<1x4x1024xf32, #tpu.memory_space<hbm>> -> memref<4x1024xf32, #tpu.memory_space<hbm>>
          %dma_wait3A_1063 = arith.constant 60 : i32
          %dma_wait3A_1064 = arith.constant 0 : i32
          %dma_wait3A_1065 = tpu.memref_slice %arg6[%dma_wait3A_1063, %dma_wait3A_1064] : memref<64x1024xf32, #tpu.memory_space<vmem>> -> memref<4x1024xf32, #tpu.memory_space<vmem>>
          tpu.wait_dma2 semaphore(%arg14 : memref<!tpu.dma_semaphore, #tpu.memory_space<semaphore_mem>>) src(%dma_wait3A_1065 : memref<4x1024xf32, #tpu.memory_space<vmem>>) dst(%dma_wait3A_1062 : memref<4x1024xf32, #tpu.memory_space<hbm>>)
        } else {
        }
        %mul3A_945 = arith.constant 4 : i32
        %mul3A_946 = arith.muli %add3A_542, %mul3A_945 : i32
        %add3A_947 = arith.addi %mul3A_2, %mul3A_946 : i32
        %dma_start3A_948 = arith.constant 12 : i32
        %dma_start3A_949 = arith.constant 0 : i32
        %dma_start3A_950 = tpu.memref_slice %arg5[%dma_start3A_948, %dma_start3A_949] : memref<16x1024xf32, #tpu.memory_space<vmem>> -> memref<4x1024xf32, #tpu.memory_space<vmem>>
        %dma_start3A_951 = arith.constant 0 : i32
        %dma_start3A_952 = tpu.memref_slice %arg3[%add3A_947, %dma_start3A_951] : memref<8192x1024xf32, #tpu.memory_space<hbm>> -> memref<4x1024xf32, #tpu.memory_space<hbm>>
        %dma_start3A_953 = arith.constant 12 : i32
        %dma_start3A_954 = arith.constant 0 : i32
        %dma_start3A_955 = tpu.memref_slice %arg5[%dma_start3A_953, %dma_start3A_954] : memref<16x1024xf32, #tpu.memory_space<vmem>> -> memref<4x1024xf32, #tpu.memory_space<vmem>>
        %dma_start3A_956 = arith.constant 0 : i32
        %dma_start3A_957 = tpu.memref_slice %arg3[%add3A_947, %dma_start3A_956] : memref<8192x1024xf32, #tpu.memory_space<hbm>> -> memref<4x1024xf32, #tpu.memory_space<hbm>>
        tpu.enqueue_dma source(%dma_start3A_957 : memref<4x1024xf32, #tpu.memory_space<hbm>>) target(%dma_start3A_955 : memref<4x1024xf32, #tpu.memory_space<vmem>>) target_semaphore(%arg10 : memref<!tpu.dma_semaphore, #tpu.memory_space<semaphore_mem>>)
        %dma_start3A_958 = arith.constant 0 : i32
        %dma_start3A_959 = arith.constant 48 : i32
        %dma_start3A_960 = arith.constant 0 : i32
        %dma_start3A_961 = tpu.memref_slice %arg6[%dma_start3A_959, %dma_start3A_960] : memref<64x1024xf32, #tpu.memory_space<vmem>> -> memref<4x1024xf32, #tpu.memory_space<vmem>>
        %dma_start3A_962 = arith.constant 0 : i32
        %dma_start3A_963 = tpu.memref_slice %arg2[%dma_start3A_958, %add3A_947, %dma_start3A_962] : memref<4x4096x1024xf32, #tpu.memory_space<hbm>> -> memref<1x4x1024xf32, #tpu.memory_space<hbm>>
        %dma_start3A_964 = tpu.memref_squeeze %dma_start3A_963 : memref<1x4x1024xf32, #tpu.memory_space<hbm>> -> memref<4x1024xf32, #tpu.memory_space<hbm>>
        %dma_start3A_965 = arith.constant 48 : i32
        %dma_start3A_966 = arith.constant 0 : i32
        %dma_start3A_967 = tpu.memref_slice %arg6[%dma_start3A_965, %dma_start3A_966] : memref<64x1024xf32, #tpu.memory_space<vmem>> -> memref<4x1024xf32, #tpu.memory_space<vmem>>
        %dma_start3A_968 = arith.constant 0 : i32
        %dma_start3A_969 = tpu.memref_slice %arg2[%dma_start3A_958, %add3A_947, %dma_start3A_968] : memref<4x4096x1024xf32, #tpu.memory_space<hbm>> -> memref<1x4x1024xf32, #tpu.memory_space<hbm>>
        %dma_start3A_970 = tpu.memref_squeeze %dma_start3A_969 : memref<1x4x1024xf32, #tpu.memory_space<hbm>> -> memref<4x1024xf32, #tpu.memory_space<hbm>>
        tpu.enqueue_dma source(%dma_start3A_970 : memref<4x1024xf32, #tpu.memory_space<hbm>>) target(%dma_start3A_967 : memref<4x1024xf32, #tpu.memory_space<vmem>>) target_semaphore(%arg10 : memref<!tpu.dma_semaphore, #tpu.memory_space<semaphore_mem>>)
        %dma_start3A_971 = arith.constant 1 : i32
        %dma_start3A_972 = arith.constant 52 : i32
        %dma_start3A_973 = arith.constant 0 : i32
        %dma_start3A_974 = tpu.memref_slice %arg6[%dma_start3A_972, %dma_start3A_973] : memref<64x1024xf32, #tpu.memory_space<vmem>> -> memref<4x1024xf32, #tpu.memory_space<vmem>>
        %dma_start3A_975 = arith.constant 0 : i32
        %dma_start3A_976 = tpu.memref_slice %arg2[%dma_start3A_971, %add3A_947, %dma_start3A_975] : memref<4x4096x1024xf32, #tpu.memory_space<hbm>> -> memref<1x4x1024xf32, #tpu.memory_space<hbm>>
        %dma_start3A_977 = tpu.memref_squeeze %dma_start3A_976 : memref<1x4x1024xf32, #tpu.memory_space<hbm>> -> memref<4x1024xf32, #tpu.memory_space<hbm>>
        %dma_start3A_978 = arith.constant 52 : i32
        %dma_start3A_979 = arith.constant 0 : i32
        %dma_start3A_980 = tpu.memref_slice %arg6[%dma_start3A_978, %dma_start3A_979] : memref<64x1024xf32, #tpu.memory_space<vmem>> -> memref<4x1024xf32, #tpu.memory_space<vmem>>
        %dma_start3A_981 = arith.constant 0 : i32
        %dma_start3A_982 = tpu.memref_slice %arg2[%dma_start3A_971, %add3A_947, %dma_start3A_981] : memref<4x4096x1024xf32, #tpu.memory_space<hbm>> -> memref<1x4x1024xf32, #tpu.memory_space<hbm>>
        %dma_start3A_983 = tpu.memref_squeeze %dma_start3A_982 : memref<1x4x1024xf32, #tpu.memory_space<hbm>> -> memref<4x1024xf32, #tpu.memory_space<hbm>>
        tpu.enqueue_dma source(%dma_start3A_983 : memref<4x1024xf32, #tpu.memory_space<hbm>>) target(%dma_start3A_980 : memref<4x1024xf32, #tpu.memory_space<vmem>>) target_semaphore(%arg10 : memref<!tpu.dma_semaphore, #tpu.memory_space<semaphore_mem>>)
        %dma_start3A_984 = arith.constant 2 : i32
        %dma_start3A_985 = arith.constant 56 : i32
        %dma_start3A_986 = arith.constant 0 : i32
        %dma_start3A_987 = tpu.memref_slice %arg6[%dma_start3A_985, %dma_start3A_986] : memref<64x1024xf32, #tpu.memory_space<vmem>> -> memref<4x1024xf32, #tpu.memory_space<vmem>>
        %dma_start3A_988 = arith.constant 0 : i32
        %dma_start3A_989 = tpu.memref_slice %arg2[%dma_start3A_984, %add3A_947, %dma_start3A_988] : memref<4x4096x1024xf32, #tpu.memory_space<hbm>> -> memref<1x4x1024xf32, #tpu.memory_space<hbm>>
        %dma_start3A_990 = tpu.memref_squeeze %dma_start3A_989 : memref<1x4x1024xf32, #tpu.memory_space<hbm>> -> memref<4x1024xf32, #tpu.memory_space<hbm>>
        %dma_start3A_991 = arith.constant 56 : i32
        %dma_start3A_992 = arith.constant 0 : i32
        %dma_start3A_993 = tpu.memref_slice %arg6[%dma_start3A_991, %dma_start3A_992] : memref<64x1024xf32, #tpu.memory_space<vmem>> -> memref<4x1024xf32, #tpu.memory_space<vmem>>
        %dma_start3A_994 = arith.constant 0 : i32
        %dma_start3A_995 = tpu.memref_slice %arg2[%dma_start3A_984, %add3A_947, %dma_start3A_994] : memref<4x4096x1024xf32, #tpu.memory_space<hbm>> -> memref<1x4x1024xf32, #tpu.memory_space<hbm>>
        %dma_start3A_996 = tpu.memref_squeeze %dma_start3A_995 : memref<1x4x1024xf32, #tpu.memory_space<hbm>> -> memref<4x1024xf32, #tpu.memory_space<hbm>>
        tpu.enqueue_dma source(%dma_start3A_996 : memref<4x1024xf32, #tpu.memory_space<hbm>>) target(%dma_start3A_993 : memref<4x1024xf32, #tpu.memory_space<vmem>>) target_semaphore(%arg10 : memref<!tpu.dma_semaphore, #tpu.memory_space<semaphore_mem>>)
        %dma_start3A_997 = arith.constant 3 : i32
        %dma_start3A_998 = arith.constant 60 : i32
        %dma_start3A_999 = arith.constant 0 : i32
        %dma_start3A_1000 = tpu.memref_slice %arg6[%dma_start3A_998, %dma_start3A_999] : memref<64x1024xf32, #tpu.memory_space<vmem>> -> memref<4x1024xf32, #tpu.memory_space<vmem>>
        %dma_start3A_1001 = arith.constant 0 : i32
        %dma_start3A_1002 = tpu.memref_slice %arg2[%dma_start3A_997, %add3A_947, %dma_start3A_1001] : memref<4x4096x1024xf32, #tpu.memory_space<hbm>> -> memref<1x4x1024xf32, #tpu.memory_space<hbm>>
        %dma_start3A_1003 = tpu.memref_squeeze %dma_start3A_1002 : memref<1x4x1024xf32, #tpu.memory_space<hbm>> -> memref<4x1024xf32, #tpu.memory_space<hbm>>
        %dma_start3A_1004 = arith.constant 60 : i32
        %dma_start3A_1005 = arith.constant 0 : i32
        %dma_start3A_1006 = tpu.memref_slice %arg6[%dma_start3A_1004, %dma_start3A_1005] : memref<64x1024xf32, #tpu.memory_space<vmem>> -> memref<4x1024xf32, #tpu.memory_space<vmem>>
        %dma_start3A_1007 = arith.constant 0 : i32
        %dma_start3A_1008 = tpu.memref_slice %arg2[%dma_start3A_997, %add3A_947, %dma_start3A_1007] : memref<4x4096x1024xf32, #tpu.memory_space<hbm>> -> memref<1x4x1024xf32, #tpu.memory_space<hbm>>
        %dma_start3A_1009 = tpu.memref_squeeze %dma_start3A_1008 : memref<1x4x1024xf32, #tpu.memory_space<hbm>> -> memref<4x1024xf32, #tpu.memory_space<hbm>>
        tpu.enqueue_dma source(%dma_start3A_1009 : memref<4x1024xf32, #tpu.memory_space<hbm>>) target(%dma_start3A_1006 : memref<4x1024xf32, #tpu.memory_space<vmem>>) target_semaphore(%arg10 : memref<!tpu.dma_semaphore, #tpu.memory_space<semaphore_mem>>)
      } else {
      }
      %add3A_545 = arith.constant 1 : i32
      %add3A_546 = arith.addi %mul3A_416, %add3A_545 : i32
      %mul3A_547 = arith.constant 4 : i32
      %mul3A_548 = arith.muli %add3A_546, %mul3A_547 : i32
      %add3A_549 = arith.addi %mul3A_2, %mul3A_548 : i32
      %dma_wait3A_550 = arith.constant 4 : i32
      %dma_wait3A_551 = arith.constant 0 : i32
      %dma_wait3A_552 = tpu.memref_slice %arg5[%dma_wait3A_550, %dma_wait3A_551] : memref<16x1024xf32, #tpu.memory_space<vmem>> -> memref<4x1024xf32, #tpu.memory_space<vmem>>
      %dma_wait3A_553 = arith.constant 0 : i32
      %dma_wait3A_554 = tpu.memref_slice %arg3[%add3A_549, %dma_wait3A_553] : memref<8192x1024xf32, #tpu.memory_space<hbm>> -> memref<4x1024xf32, #tpu.memory_space<hbm>>
      %dma_wait3A_555 = arith.constant 4 : i32
      %dma_wait3A_556 = arith.constant 0 : i32
      %dma_wait3A_557 = tpu.memref_slice %arg5[%dma_wait3A_555, %dma_wait3A_556] : memref<16x1024xf32, #tpu.memory_space<vmem>> -> memref<4x1024xf32, #tpu.memory_space<vmem>>
      %dma_wait3A_558 = arith.constant 0 : i32
      %dma_wait3A_559 = tpu.memref_slice %arg3[%add3A_549, %dma_wait3A_558] : memref<8192x1024xf32, #tpu.memory_space<hbm>> -> memref<4x1024xf32, #tpu.memory_space<hbm>>
      tpu.wait_dma2 semaphore(%arg8 : memref<!tpu.dma_semaphore, #tpu.memory_space<semaphore_mem>>) src(%dma_wait3A_559 : memref<4x1024xf32, #tpu.memory_space<hbm>>) dst(%dma_wait3A_557 : memref<4x1024xf32, #tpu.memory_space<vmem>>)
      %dma_wait3A_560 = arith.constant 0 : i32
      %dma_wait3A_561 = arith.constant 16 : i32
      %dma_wait3A_562 = arith.constant 0 : i32
      %dma_wait3A_563 = tpu.memref_slice %arg6[%dma_wait3A_561, %dma_wait3A_562] : memref<64x1024xf32, #tpu.memory_space<vmem>> -> memref<4x1024xf32, #tpu.memory_space<vmem>>
      %dma_wait3A_564 = arith.constant 0 : i32
      %dma_wait3A_565 = tpu.memref_slice %arg2[%dma_wait3A_560, %add3A_549, %dma_wait3A_564] : memref<4x4096x1024xf32, #tpu.memory_space<hbm>> -> memref<1x4x1024xf32, #tpu.memory_space<hbm>>
      %dma_wait3A_566 = tpu.memref_squeeze %dma_wait3A_565 : memref<1x4x1024xf32, #tpu.memory_space<hbm>> -> memref<4x1024xf32, #tpu.memory_space<hbm>>
      %dma_wait3A_567 = arith.constant 16 : i32
      %dma_wait3A_568 = arith.constant 0 : i32
      %dma_wait3A_569 = tpu.memref_slice %arg6[%dma_wait3A_567, %dma_wait3A_568] : memref<64x1024xf32, #tpu.memory_space<vmem>> -> memref<4x1024xf32, #tpu.memory_space<vmem>>
      %dma_wait3A_570 = arith.constant 0 : i32
      %dma_wait3A_571 = tpu.memref_slice %arg2[%dma_wait3A_560, %add3A_549, %dma_wait3A_570] : memref<4x4096x1024xf32, #tpu.memory_space<hbm>> -> memref<1x4x1024xf32, #tpu.memory_space<hbm>>
      %dma_wait3A_572 = tpu.memref_squeeze %dma_wait3A_571 : memref<1x4x1024xf32, #tpu.memory_space<hbm>> -> memref<4x1024xf32, #tpu.memory_space<hbm>>
      tpu.wait_dma2 semaphore(%arg8 : memref<!tpu.dma_semaphore, #tpu.memory_space<semaphore_mem>>) src(%dma_wait3A_572 : memref<4x1024xf32, #tpu.memory_space<hbm>>) dst(%dma_wait3A_569 : memref<4x1024xf32, #tpu.memory_space<vmem>>)
      %dma_wait3A_573 = arith.constant 1 : i32
      %dma_wait3A_574 = arith.constant 20 : i32
      %dma_wait3A_575 = arith.constant 0 : i32
      %dma_wait3A_576 = tpu.memref_slice %arg6[%dma_wait3A_574, %dma_wait3A_575] : memref<64x1024xf32, #tpu.memory_space<vmem>> -> memref<4x1024xf32, #tpu.memory_space<vmem>>
      %dma_wait3A_577 = arith.constant 0 : i32
      %dma_wait3A_578 = tpu.memref_slice %arg2[%dma_wait3A_573, %add3A_549, %dma_wait3A_577] : memref<4x4096x1024xf32, #tpu.memory_space<hbm>> -> memref<1x4x1024xf32, #tpu.memory_space<hbm>>
      %dma_wait3A_579 = tpu.memref_squeeze %dma_wait3A_578 : memref<1x4x1024xf32, #tpu.memory_space<hbm>> -> memref<4x1024xf32, #tpu.memory_space<hbm>>
      %dma_wait3A_580 = arith.constant 20 : i32
      %dma_wait3A_581 = arith.constant 0 : i32
      %dma_wait3A_582 = tpu.memref_slice %arg6[%dma_wait3A_580, %dma_wait3A_581] : memref<64x1024xf32, #tpu.memory_space<vmem>> -> memref<4x1024xf32, #tpu.memory_space<vmem>>
      %dma_wait3A_583 = arith.constant 0 : i32
      %dma_wait3A_584 = tpu.memref_slice %arg2[%dma_wait3A_573, %add3A_549, %dma_wait3A_583] : memref<4x4096x1024xf32, #tpu.memory_space<hbm>> -> memref<1x4x1024xf32, #tpu.memory_space<hbm>>
      %dma_wait3A_585 = tpu.memref_squeeze %dma_wait3A_584 : memref<1x4x1024xf32, #tpu.memory_space<hbm>> -> memref<4x1024xf32, #tpu.memory_space<hbm>>
      tpu.wait_dma2 semaphore(%arg8 : memref<!tpu.dma_semaphore, #tpu.memory_space<semaphore_mem>>) src(%dma_wait3A_585 : memref<4x1024xf32, #tpu.memory_space<hbm>>) dst(%dma_wait3A_582 : memref<4x1024xf32, #tpu.memory_space<vmem>>)
      %dma_wait3A_586 = arith.constant 2 : i32
      %dma_wait3A_587 = arith.constant 24 : i32
      %dma_wait3A_588 = arith.constant 0 : i32
      %dma_wait3A_589 = tpu.memref_slice %arg6[%dma_wait3A_587, %dma_wait3A_588] : memref<64x1024xf32, #tpu.memory_space<vmem>> -> memref<4x1024xf32, #tpu.memory_space<vmem>>
      %dma_wait3A_590 = arith.constant 0 : i32
      %dma_wait3A_591 = tpu.memref_slice %arg2[%dma_wait3A_586, %add3A_549, %dma_wait3A_590] : memref<4x4096x1024xf32, #tpu.memory_space<hbm>> -> memref<1x4x1024xf32, #tpu.memory_space<hbm>>
      %dma_wait3A_592 = tpu.memref_squeeze %dma_wait3A_591 : memref<1x4x1024xf32, #tpu.memory_space<hbm>> -> memref<4x1024xf32, #tpu.memory_space<hbm>>
      %dma_wait3A_593 = arith.constant 24 : i32
      %dma_wait3A_594 = arith.constant 0 : i32
      %dma_wait3A_595 = tpu.memref_slice %arg6[%dma_wait3A_593, %dma_wait3A_594] : memref<64x1024xf32, #tpu.memory_space<vmem>> -> memref<4x1024xf32, #tpu.memory_space<vmem>>
      %dma_wait3A_596 = arith.constant 0 : i32
      %dma_wait3A_597 = tpu.memref_slice %arg2[%dma_wait3A_586, %add3A_549, %dma_wait3A_596] : memref<4x4096x1024xf32, #tpu.memory_space<hbm>> -> memref<1x4x1024xf32, #tpu.memory_space<hbm>>
      %dma_wait3A_598 = tpu.memref_squeeze %dma_wait3A_597 : memref<1x4x1024xf32, #tpu.memory_space<hbm>> -> memref<4x1024xf32, #tpu.memory_space<hbm>>
      tpu.wait_dma2 semaphore(%arg8 : memref<!tpu.dma_semaphore, #tpu.memory_space<semaphore_mem>>) src(%dma_wait3A_598 : memref<4x1024xf32, #tpu.memory_space<hbm>>) dst(%dma_wait3A_595 : memref<4x1024xf32, #tpu.memory_space<vmem>>)
      %dma_wait3A_599 = arith.constant 3 : i32
      %dma_wait3A_600 = arith.constant 28 : i32
      %dma_wait3A_601 = arith.constant 0 : i32
      %dma_wait3A_602 = tpu.memref_slice %arg6[%dma_wait3A_600, %dma_wait3A_601] : memref<64x1024xf32, #tpu.memory_space<vmem>> -> memref<4x1024xf32, #tpu.memory_space<vmem>>
      %dma_wait3A_603 = arith.constant 0 : i32
      %dma_wait3A_604 = tpu.memref_slice %arg2[%dma_wait3A_599, %add3A_549, %dma_wait3A_603] : memref<4x4096x1024xf32, #tpu.memory_space<hbm>> -> memref<1x4x1024xf32, #tpu.memory_space<hbm>>
      %dma_wait3A_605 = tpu.memref_squeeze %dma_wait3A_604 : memref<1x4x1024xf32, #tpu.memory_space<hbm>> -> memref<4x1024xf32, #tpu.memory_space<hbm>>
      %dma_wait3A_606 = arith.constant 28 : i32
      %dma_wait3A_607 = arith.constant 0 : i32
      %dma_wait3A_608 = tpu.memref_slice %arg6[%dma_wait3A_606, %dma_wait3A_607] : memref<64x1024xf32, #tpu.memory_space<vmem>> -> memref<4x1024xf32, #tpu.memory_space<vmem>>
      %dma_wait3A_609 = arith.constant 0 : i32
      %dma_wait3A_610 = tpu.memref_slice %arg2[%dma_wait3A_599, %add3A_549, %dma_wait3A_609] : memref<4x4096x1024xf32, #tpu.memory_space<hbm>> -> memref<1x4x1024xf32, #tpu.memory_space<hbm>>
      %dma_wait3A_611 = tpu.memref_squeeze %dma_wait3A_610 : memref<1x4x1024xf32, #tpu.memory_space<hbm>> -> memref<4x1024xf32, #tpu.memory_space<hbm>>
      tpu.wait_dma2 semaphore(%arg8 : memref<!tpu.dma_semaphore, #tpu.memory_space<semaphore_mem>>) src(%dma_wait3A_611 : memref<4x1024xf32, #tpu.memory_space<hbm>>) dst(%dma_wait3A_608 : memref<4x1024xf32, #tpu.memory_space<vmem>>)
      %parallel_loop3A_612 = arith.constant 0 : i32
      %parallel_loop3A_613 = arith.constant 256 : i32
      %parallel_loop3A_614 = arith.constant 1 : i32
      scf.for %parallel_loop3A_941 = %parallel_loop3A_612 to %parallel_loop3A_613 step %parallel_loop3A_614  : i32 {
        %parallel_loop3A_942 = arith.constant 64 : i32
        %parallel_loop3A_943 = arith.divsi %parallel_loop3A_941, %parallel_loop3A_942 : i32
        %parallel_loop3A_944 = arith.constant 0 : i32
        %parallel_loop3A_945 = arith.cmpi sgt, %parallel_loop3A_941, %parallel_loop3A_944 : i32
        %parallel_loop3A_946 = arith.extui %parallel_loop3A_945 : i1 to i32
        %parallel_loop3A_947 = arith.constant 0 : i32
        %parallel_loop3A_948 = arith.cmpi slt, %parallel_loop3A_941, %parallel_loop3A_947 : i32
        %parallel_loop3A_949 = arith.extui %parallel_loop3A_948 : i1 to i32
        %parallel_loop3A_950 = arith.subi %parallel_loop3A_946, %parallel_loop3A_949 : i32
        %parallel_loop3A_951 = arith.constant 0 : i32
        %parallel_loop3A_952 = arith.cmpi sgt, %parallel_loop3A_942, %parallel_loop3A_951 : i32
        %parallel_loop3A_953 = arith.extui %parallel_loop3A_952 : i1 to i32
        %parallel_loop3A_954 = arith.constant 0 : i32
        %parallel_loop3A_955 = arith.cmpi slt, %parallel_loop3A_942, %parallel_loop3A_954 : i32
        %parallel_loop3A_956 = arith.extui %parallel_loop3A_955 : i1 to i32
        %parallel_loop3A_957 = arith.subi %parallel_loop3A_953, %parallel_loop3A_956 : i32
        %parallel_loop3A_958 = arith.cmpi ne, %parallel_loop3A_950, %parallel_loop3A_957 : i32
        %parallel_loop3A_959 = arith.remsi %parallel_loop3A_941, %parallel_loop3A_942 : i32
        %parallel_loop3A_960 = arith.constant 0 : i32
        %parallel_loop3A_961 = arith.cmpi ne, %parallel_loop3A_959, %parallel_loop3A_960 : i32
        %parallel_loop3A_962 = arith.andi %parallel_loop3A_958, %parallel_loop3A_961 : i1
        %parallel_loop3A_963 = arith.constant 1 : i32
        %parallel_loop3A_964 = arith.subi %parallel_loop3A_943, %parallel_loop3A_963 : i32
        %parallel_loop3A_965 = arith.select %parallel_loop3A_962, %parallel_loop3A_964, %parallel_loop3A_943 : i32
        %parallel_loop3A_966 = arith.constant 64 : i32
        %parallel_loop3A_967 = arith.constant 0 : i32
        %parallel_loop3A_968 = arith.cmpi eq, %parallel_loop3A_966, %parallel_loop3A_967 : i32
        %parallel_loop3A_969 = arith.constant 1 : i32
        %parallel_loop3A_970 = arith.select %parallel_loop3A_968, %parallel_loop3A_969, %parallel_loop3A_966 : i32
        %parallel_loop3A_971 = arith.remsi %parallel_loop3A_941, %parallel_loop3A_970 : i32
        %parallel_loop3A_972 = arith.constant 0 : i32
        %parallel_loop3A_973 = arith.cmpi ne, %parallel_loop3A_971, %parallel_loop3A_972 : i32
        %parallel_loop3A_974 = arith.constant 0 : i32
        %parallel_loop3A_975 = arith.cmpi slt, %parallel_loop3A_971, %parallel_loop3A_974 : i32
        %parallel_loop3A_976 = arith.constant 0 : i32
        %parallel_loop3A_977 = arith.cmpi slt, %parallel_loop3A_970, %parallel_loop3A_976 : i32
        %parallel_loop3A_978 = arith.xori %parallel_loop3A_975, %parallel_loop3A_977 : i1
        %parallel_loop3A_979 = arith.andi %parallel_loop3A_978, %parallel_loop3A_973 : i1
        %parallel_loop3A_980 = arith.addi %parallel_loop3A_971, %parallel_loop3A_970 : i32
        %parallel_loop3A_981 = arith.select %parallel_loop3A_979, %parallel_loop3A_980, %parallel_loop3A_971 : i32
        %parallel_loop3A_982 = arith.constant 16 : i32
        %parallel_loop3A_983 = arith.muli %parallel_loop3A_981, %parallel_loop3A_982 : i32
        %parallel_loop3A_984 = arith.constant 4 : i32
        %parallel_loop3A_985 = arith.addi %parallel_loop3A_984, %parallel_loop3A_965 : i32
        %parallel_loop3A_986 = arith.index_cast %parallel_loop3A_985 : i32 to index
        %parallel_loop3A_987 = arith.index_cast %parallel_loop3A_983 : i32 to index
        %parallel_loop3A_988 = tpu.vector_load %arg5[%parallel_loop3A_986, %parallel_loop3A_987] {strides = array<i32>} : memref<16x1024xf32, #tpu.memory_space<vmem>>, vector<1x16xf32>,
        %parallel_loop3A_989 = vector.shape_cast %parallel_loop3A_988 : vector<1x16xf32> to vector<16xf32>
        %parallel_loop3A_990 = arith.constant 16 : i32
        %parallel_loop3A_991 = arith.addi %parallel_loop3A_990, %parallel_loop3A_965 : i32
        %parallel_loop3A_992 = arith.index_cast %parallel_loop3A_991 : i32 to index
        %parallel_loop3A_993 = arith.index_cast %parallel_loop3A_983 : i32 to index
        %parallel_loop3A_994 = tpu.vector_load %arg6[%parallel_loop3A_992, %parallel_loop3A_993] {strides = array<i32>} : memref<64x1024xf32, #tpu.memory_space<vmem>>, vector<1x16xf32>,
        %parallel_loop3A_995 = vector.shape_cast %parallel_loop3A_994 : vector<1x16xf32> to vector<16xf32>
        %parallel_loop3A_996 = vector.shape_cast %parallel_loop3A_989 : vector<16xf32> to vector<1x16xf32>
        tpu.vector_store %arg6[%parallel_loop3A_992, %parallel_loop3A_993], %parallel_loop3A_996 {add = true, strides = array<i32>} : memref<64x1024xf32, #tpu.memory_space<vmem>>, vector<1x16xf32>,
        %parallel_loop3A_997 = arith.constant 20 : i32
        %parallel_loop3A_998 = arith.addi %parallel_loop3A_997, %parallel_loop3A_965 : i32
        %parallel_loop3A_999 = arith.index_cast %parallel_loop3A_998 : i32 to index
        %parallel_loop3A_1000 = arith.index_cast %parallel_loop3A_983 : i32 to index
        %parallel_loop3A_1001 = tpu.vector_load %arg6[%parallel_loop3A_999, %parallel_loop3A_1000] {strides = array<i32>} : memref<64x1024xf32, #tpu.memory_space<vmem>>, vector<1x16xf32>,
        %parallel_loop3A_1002 = vector.shape_cast %parallel_loop3A_1001 : vector<1x16xf32> to vector<16xf32>
        %parallel_loop3A_1003 = vector.shape_cast %parallel_loop3A_989 : vector<16xf32> to vector<1x16xf32>
        tpu.vector_store %arg6[%parallel_loop3A_999, %parallel_loop3A_1000], %parallel_loop3A_1003 {add = true, strides = array<i32>} : memref<64x1024xf32, #tpu.memory_space<vmem>>, vector<1x16xf32>,
        %parallel_loop3A_1004 = arith.constant 24 : i32
        %parallel_loop3A_1005 = arith.addi %parallel_loop3A_1004, %parallel_loop3A_965 : i32
        %parallel_loop3A_1006 = arith.index_cast %parallel_loop3A_1005 : i32 to index
        %parallel_loop3A_1007 = arith.index_cast %parallel_loop3A_983 : i32 to index
        %parallel_loop3A_1008 = tpu.vector_load %arg6[%parallel_loop3A_1006, %parallel_loop3A_1007] {strides = array<i32>} : memref<64x1024xf32, #tpu.memory_space<vmem>>, vector<1x16xf32>,
        %parallel_loop3A_1009 = vector.shape_cast %parallel_loop3A_1008 : vector<1x16xf32> to vector<16xf32>
        %parallel_loop3A_1010 = vector.shape_cast %parallel_loop3A_989 : vector<16xf32> to vector<1x16xf32>
        tpu.vector_store %arg6[%parallel_loop3A_1006, %parallel_loop3A_1007], %parallel_loop3A_1010 {add = true, strides = array<i32>} : memref<64x1024xf32, #tpu.memory_space<vmem>>, vector<1x16xf32>,
        %parallel_loop3A_1011 = arith.constant 28 : i32
        %parallel_loop3A_1012 = arith.addi %parallel_loop3A_1011, %parallel_loop3A_965 : i32
        %parallel_loop3A_1013 = arith.index_cast %parallel_loop3A_1012 : i32 to index
        %parallel_loop3A_1014 = arith.index_cast %parallel_loop3A_983 : i32 to index
        %parallel_loop3A_1015 = tpu.vector_load %arg6[%parallel_loop3A_1013, %parallel_loop3A_1014] {strides = array<i32>} : memref<64x1024xf32, #tpu.memory_space<vmem>>, vector<1x16xf32>,
        %parallel_loop3A_1016 = vector.shape_cast %parallel_loop3A_1015 : vector<1x16xf32> to vector<16xf32>
        %parallel_loop3A_1017 = vector.shape_cast %parallel_loop3A_989 : vector<16xf32> to vector<1x16xf32>
        tpu.vector_store %arg6[%parallel_loop3A_1013, %parallel_loop3A_1014], %parallel_loop3A_1017 {add = true, strides = array<i32>} : memref<64x1024xf32, #tpu.memory_space<vmem>>, vector<1x16xf32>,
      } {sc.loop_unroll_factor = 4 : i64, sc.parallel_access}
      %mul3A_615 = arith.constant 4 : i32
      %mul3A_616 = arith.muli %add3A_546, %mul3A_615 : i32
      %add3A_617 = arith.addi %mul3A_2, %mul3A_616 : i32
      %dma_start3A_618 = arith.constant 0 : i32
      %dma_start3A_619 = arith.constant 16 : i32
      %dma_start3A_620 = arith.constant 0 : i32
      %dma_start3A_621 = tpu.memref_slice %arg6[%dma_start3A_619, %dma_start3A_620] : memref<64x1024xf32, #tpu.memory_space<vmem>> -> memref<4x1024xf32, #tpu.memory_space<vmem>>
      %dma_start3A_622 = arith.constant 0 : i32
      %dma_start3A_623 = tpu.memref_slice %arg4[%dma_start3A_618, %add3A_617, %dma_start3A_622] : memref<4x4096x1024xf32, #tpu.memory_space<hbm>> -> memref<1x4x1024xf32, #tpu.memory_space<hbm>>
      %dma_start3A_624 = tpu.memref_squeeze %dma_start3A_623 : memref<1x4x1024xf32, #tpu.memory_space<hbm>> -> memref<4x1024xf32, #tpu.memory_space<hbm>>
      %dma_start3A_625 = arith.constant 0 : i32
      %dma_start3A_626 = tpu.memref_slice %arg4[%dma_start3A_618, %add3A_617, %dma_start3A_625] : memref<4x4096x1024xf32, #tpu.memory_space<hbm>> -> memref<1x4x1024xf32, #tpu.memory_space<hbm>>
      %dma_start3A_627 = tpu.memref_squeeze %dma_start3A_626 : memref<1x4x1024xf32, #tpu.memory_space<hbm>> -> memref<4x1024xf32, #tpu.memory_space<hbm>>
      %dma_start3A_628 = arith.constant 16 : i32
      %dma_start3A_629 = arith.constant 0 : i32
      %dma_start3A_630 = tpu.memref_slice %arg6[%dma_start3A_628, %dma_start3A_629] : memref<64x1024xf32, #tpu.memory_space<vmem>> -> memref<4x1024xf32, #tpu.memory_space<vmem>>
      tpu.enqueue_dma source(%dma_start3A_630 : memref<4x1024xf32, #tpu.memory_space<vmem>>) target(%dma_start3A_627 : memref<4x1024xf32, #tpu.memory_space<hbm>>) target_semaphore(%arg12 : memref<!tpu.dma_semaphore, #tpu.memory_space<semaphore_mem>>)
      %dma_start3A_631 = arith.constant 1 : i32
      %dma_start3A_632 = arith.constant 20 : i32
      %dma_start3A_633 = arith.constant 0 : i32
      %dma_start3A_634 = tpu.memref_slice %arg6[%dma_start3A_632, %dma_start3A_633] : memref<64x1024xf32, #tpu.memory_space<vmem>> -> memref<4x1024xf32, #tpu.memory_space<vmem>>
      %dma_start3A_635 = arith.constant 0 : i32
      %dma_start3A_636 = tpu.memref_slice %arg4[%dma_start3A_631, %add3A_617, %dma_start3A_635] : memref<4x4096x1024xf32, #tpu.memory_space<hbm>> -> memref<1x4x1024xf32, #tpu.memory_space<hbm>>
      %dma_start3A_637 = tpu.memref_squeeze %dma_start3A_636 : memref<1x4x1024xf32, #tpu.memory_space<hbm>> -> memref<4x1024xf32, #tpu.memory_space<hbm>>
      %dma_start3A_638 = arith.constant 0 : i32
      %dma_start3A_639 = tpu.memref_slice %arg4[%dma_start3A_631, %add3A_617, %dma_start3A_638] : memref<4x4096x1024xf32, #tpu.memory_space<hbm>> -> memref<1x4x1024xf32, #tpu.memory_space<hbm>>
      %dma_start3A_640 = tpu.memref_squeeze %dma_start3A_639 : memref<1x4x1024xf32, #tpu.memory_space<hbm>> -> memref<4x1024xf32, #tpu.memory_space<hbm>>
      %dma_start3A_641 = arith.constant 20 : i32
      %dma_start3A_642 = arith.constant 0 : i32
      %dma_start3A_643 = tpu.memref_slice %arg6[%dma_start3A_641, %dma_start3A_642] : memref<64x1024xf32, #tpu.memory_space<vmem>> -> memref<4x1024xf32, #tpu.memory_space<vmem>>
      tpu.enqueue_dma source(%dma_start3A_643 : memref<4x1024xf32, #tpu.memory_space<vmem>>) target(%dma_start3A_640 : memref<4x1024xf32, #tpu.memory_space<hbm>>) target_semaphore(%arg12 : memref<!tpu.dma_semaphore, #tpu.memory_space<semaphore_mem>>)
      %dma_start3A_644 = arith.constant 2 : i32
      %dma_start3A_645 = arith.constant 24 : i32
      %dma_start3A_646 = arith.constant 0 : i32
      %dma_start3A_647 = tpu.memref_slice %arg6[%dma_start3A_645, %dma_start3A_646] : memref<64x1024xf32, #tpu.memory_space<vmem>> -> memref<4x1024xf32, #tpu.memory_space<vmem>>
      %dma_start3A_648 = arith.constant 0 : i32
      %dma_start3A_649 = tpu.memref_slice %arg4[%dma_start3A_644, %add3A_617, %dma_start3A_648] : memref<4x4096x1024xf32, #tpu.memory_space<hbm>> -> memref<1x4x1024xf32, #tpu.memory_space<hbm>>
      %dma_start3A_650 = tpu.memref_squeeze %dma_start3A_649 : memref<1x4x1024xf32, #tpu.memory_space<hbm>> -> memref<4x1024xf32, #tpu.memory_space<hbm>>
      %dma_start3A_651 = arith.constant 0 : i32
      %dma_start3A_652 = tpu.memref_slice %arg4[%dma_start3A_644, %add3A_617, %dma_start3A_651] : memref<4x4096x1024xf32, #tpu.memory_space<hbm>> -> memref<1x4x1024xf32, #tpu.memory_space<hbm>>
      %dma_start3A_653 = tpu.memref_squeeze %dma_start3A_652 : memref<1x4x1024xf32, #tpu.memory_space<hbm>> -> memref<4x1024xf32, #tpu.memory_space<hbm>>
      %dma_start3A_654 = arith.constant 24 : i32
      %dma_start3A_655 = arith.constant 0 : i32
      %dma_start3A_656 = tpu.memref_slice %arg6[%dma_start3A_654, %dma_start3A_655] : memref<64x1024xf32, #tpu.memory_space<vmem>> -> memref<4x1024xf32, #tpu.memory_space<vmem>>
      tpu.enqueue_dma source(%dma_start3A_656 : memref<4x1024xf32, #tpu.memory_space<vmem>>) target(%dma_start3A_653 : memref<4x1024xf32, #tpu.memory_space<hbm>>) target_semaphore(%arg12 : memref<!tpu.dma_semaphore, #tpu.memory_space<semaphore_mem>>)
      %dma_start3A_657 = arith.constant 3 : i32
      %dma_start3A_658 = arith.constant 28 : i32
      %dma_start3A_659 = arith.constant 0 : i32
      %dma_start3A_660 = tpu.memref_slice %arg6[%dma_start3A_658, %dma_start3A_659] : memref<64x1024xf32, #tpu.memory_space<vmem>> -> memref<4x1024xf32, #tpu.memory_space<vmem>>
      %dma_start3A_661 = arith.constant 0 : i32
      %dma_start3A_662 = tpu.memref_slice %arg4[%dma_start3A_657, %add3A_617, %dma_start3A_661] : memref<4x4096x1024xf32, #tpu.memory_space<hbm>> -> memref<1x4x1024xf32, #tpu.memory_space<hbm>>
      %dma_start3A_663 = tpu.memref_squeeze %dma_start3A_662 : memref<1x4x1024xf32, #tpu.memory_space<hbm>> -> memref<4x1024xf32, #tpu.memory_space<hbm>>
      %dma_start3A_664 = arith.constant 0 : i32
      %dma_start3A_665 = tpu.memref_slice %arg4[%dma_start3A_657, %add3A_617, %dma_start3A_664] : memref<4x4096x1024xf32, #tpu.memory_space<hbm>> -> memref<1x4x1024xf32, #tpu.memory_space<hbm>>
      %dma_start3A_666 = tpu.memref_squeeze %dma_start3A_665 : memref<1x4x1024xf32, #tpu.memory_space<hbm>> -> memref<4x1024xf32, #tpu.memory_space<hbm>>
      %dma_start3A_667 = arith.constant 28 : i32
      %dma_start3A_668 = arith.constant 0 : i32
      %dma_start3A_669 = tpu.memref_slice %arg6[%dma_start3A_667, %dma_start3A_668] : memref<64x1024xf32, #tpu.memory_space<vmem>> -> memref<4x1024xf32, #tpu.memory_space<vmem>>
      tpu.enqueue_dma source(%dma_start3A_669 : memref<4x1024xf32, #tpu.memory_space<vmem>>) target(%dma_start3A_666 : memref<4x1024xf32, #tpu.memory_space<hbm>>) target_semaphore(%arg12 : memref<!tpu.dma_semaphore, #tpu.memory_space<semaphore_mem>>)
      %add3A_670 = arith.constant 3 : i32
      %add3A_671 = arith.addi %add3A_546, %add3A_670 : i32
      %lt3A_672 = arith.constant 32 : i32
      %lt3A_673 = arith.cmpi slt, %add3A_671, %lt3A_672 : i32
      %convert_element_type3A_674 = arith.extui %lt3A_673 : i1 to i32
      %cond3A_675 = arith.constant 0 : i32
      %cond3A_676 = arith.cmpi ne, %convert_element_type3A_674, %cond3A_675 : i32
      scf.if %cond3A_676 {
        %ge3A = arith.constant 4 : i32
        %ge3A_941 = arith.cmpi sge, %add3A_671, %ge3A : i32
        %convert_element_type3A_942 = arith.extui %ge3A_941 : i1 to i32
        %cond3A_943 = arith.constant 0 : i32
        %cond3A_944 = arith.cmpi ne, %convert_element_type3A_942, %cond3A_943 : i32
        scf.if %cond3A_944 {
          %sub3A = arith.constant 4 : i32
          %sub3A_1010 = arith.subi %add3A_671, %sub3A : i32
          %mul3A_1011 = arith.constant 4 : i32
          %mul3A_1012 = arith.muli %sub3A_1010, %mul3A_1011 : i32
          %add3A_1013 = arith.addi %mul3A_2, %mul3A_1012 : i32
          %dma_wait3A_1014 = arith.constant 0 : i32
          %dma_wait3A_1015 = arith.constant 0 : i32
          %dma_wait3A_1016 = arith.constant 0 : i32
          %dma_wait3A_1017 = tpu.memref_slice %arg6[%dma_wait3A_1015, %dma_wait3A_1016] : memref<64x1024xf32, #tpu.memory_space<vmem>> -> memref<4x1024xf32, #tpu.memory_space<vmem>>
          %dma_wait3A_1018 = arith.constant 0 : i32
          %dma_wait3A_1019 = tpu.memref_slice %arg4[%dma_wait3A_1014, %add3A_1013, %dma_wait3A_1018] : memref<4x4096x1024xf32, #tpu.memory_space<hbm>> -> memref<1x4x1024xf32, #tpu.memory_space<hbm>>
          %dma_wait3A_1020 = tpu.memref_squeeze %dma_wait3A_1019 : memref<1x4x1024xf32, #tpu.memory_space<hbm>> -> memref<4x1024xf32, #tpu.memory_space<hbm>>
          %dma_wait3A_1021 = arith.constant 0 : i32
          %dma_wait3A_1022 = tpu.memref_slice %arg4[%dma_wait3A_1014, %add3A_1013, %dma_wait3A_1021] : memref<4x4096x1024xf32, #tpu.memory_space<hbm>> -> memref<1x4x1024xf32, #tpu.memory_space<hbm>>
          %dma_wait3A_1023 = tpu.memref_squeeze %dma_wait3A_1022 : memref<1x4x1024xf32, #tpu.memory_space<hbm>> -> memref<4x1024xf32, #tpu.memory_space<hbm>>
          %dma_wait3A_1024 = arith.constant 0 : i32
          %dma_wait3A_1025 = arith.constant 0 : i32
          %dma_wait3A_1026 = tpu.memref_slice %arg6[%dma_wait3A_1024, %dma_wait3A_1025] : memref<64x1024xf32, #tpu.memory_space<vmem>> -> memref<4x1024xf32, #tpu.memory_space<vmem>>
          tpu.wait_dma2 semaphore(%arg11 : memref<!tpu.dma_semaphore, #tpu.memory_space<semaphore_mem>>) src(%dma_wait3A_1026 : memref<4x1024xf32, #tpu.memory_space<vmem>>) dst(%dma_wait3A_1023 : memref<4x1024xf32, #tpu.memory_space<hbm>>)
          %dma_wait3A_1027 = arith.constant 1 : i32
          %dma_wait3A_1028 = arith.constant 4 : i32
          %dma_wait3A_1029 = arith.constant 0 : i32
          %dma_wait3A_1030 = tpu.memref_slice %arg6[%dma_wait3A_1028, %dma_wait3A_1029] : memref<64x1024xf32, #tpu.memory_space<vmem>> -> memref<4x1024xf32, #tpu.memory_space<vmem>>
          %dma_wait3A_1031 = arith.constant 0 : i32
          %dma_wait3A_1032 = tpu.memref_slice %arg4[%dma_wait3A_1027, %add3A_1013, %dma_wait3A_1031] : memref<4x4096x1024xf32, #tpu.memory_space<hbm>> -> memref<1x4x1024xf32, #tpu.memory_space<hbm>>
          %dma_wait3A_1033 = tpu.memref_squeeze %dma_wait3A_1032 : memref<1x4x1024xf32, #tpu.memory_space<hbm>> -> memref<4x1024xf32, #tpu.memory_space<hbm>>
          %dma_wait3A_1034 = arith.constant 0 : i32
          %dma_wait3A_1035 = tpu.memref_slice %arg4[%dma_wait3A_1027, %add3A_1013, %dma_wait3A_1034] : memref<4x4096x1024xf32, #tpu.memory_space<hbm>> -> memref<1x4x1024xf32, #tpu.memory_space<hbm>>
          %dma_wait3A_1036 = tpu.memref_squeeze %dma_wait3A_1035 : memref<1x4x1024xf32, #tpu.memory_space<hbm>> -> memref<4x1024xf32, #tpu.memory_space<hbm>>
          %dma_wait3A_1037 = arith.constant 4 : i32
          %dma_wait3A_1038 = arith.constant 0 : i32
          %dma_wait3A_1039 = tpu.memref_slice %arg6[%dma_wait3A_1037, %dma_wait3A_1038] : memref<64x1024xf32, #tpu.memory_space<vmem>> -> memref<4x1024xf32, #tpu.memory_space<vmem>>
          tpu.wait_dma2 semaphore(%arg11 : memref<!tpu.dma_semaphore, #tpu.memory_space<semaphore_mem>>) src(%dma_wait3A_1039 : memref<4x1024xf32, #tpu.memory_space<vmem>>) dst(%dma_wait3A_1036 : memref<4x1024xf32, #tpu.memory_space<hbm>>)
          %dma_wait3A_1040 = arith.constant 2 : i32
          %dma_wait3A_1041 = arith.constant 8 : i32
          %dma_wait3A_1042 = arith.constant 0 : i32
          %dma_wait3A_1043 = tpu.memref_slice %arg6[%dma_wait3A_1041, %dma_wait3A_1042] : memref<64x1024xf32, #tpu.memory_space<vmem>> -> memref<4x1024xf32, #tpu.memory_space<vmem>>
          %dma_wait3A_1044 = arith.constant 0 : i32
          %dma_wait3A_1045 = tpu.memref_slice %arg4[%dma_wait3A_1040, %add3A_1013, %dma_wait3A_1044] : memref<4x4096x1024xf32, #tpu.memory_space<hbm>> -> memref<1x4x1024xf32, #tpu.memory_space<hbm>>
          %dma_wait3A_1046 = tpu.memref_squeeze %dma_wait3A_1045 : memref<1x4x1024xf32, #tpu.memory_space<hbm>> -> memref<4x1024xf32, #tpu.memory_space<hbm>>
          %dma_wait3A_1047 = arith.constant 0 : i32
          %dma_wait3A_1048 = tpu.memref_slice %arg4[%dma_wait3A_1040, %add3A_1013, %dma_wait3A_1047] : memref<4x4096x1024xf32, #tpu.memory_space<hbm>> -> memref<1x4x1024xf32, #tpu.memory_space<hbm>>
          %dma_wait3A_1049 = tpu.memref_squeeze %dma_wait3A_1048 : memref<1x4x1024xf32, #tpu.memory_space<hbm>> -> memref<4x1024xf32, #tpu.memory_space<hbm>>
          %dma_wait3A_1050 = arith.constant 8 : i32
          %dma_wait3A_1051 = arith.constant 0 : i32
          %dma_wait3A_1052 = tpu.memref_slice %arg6[%dma_wait3A_1050, %dma_wait3A_1051] : memref<64x1024xf32, #tpu.memory_space<vmem>> -> memref<4x1024xf32, #tpu.memory_space<vmem>>
          tpu.wait_dma2 semaphore(%arg11 : memref<!tpu.dma_semaphore, #tpu.memory_space<semaphore_mem>>) src(%dma_wait3A_1052 : memref<4x1024xf32, #tpu.memory_space<vmem>>) dst(%dma_wait3A_1049 : memref<4x1024xf32, #tpu.memory_space<hbm>>)
          %dma_wait3A_1053 = arith.constant 3 : i32
          %dma_wait3A_1054 = arith.constant 12 : i32
          %dma_wait3A_1055 = arith.constant 0 : i32
          %dma_wait3A_1056 = tpu.memref_slice %arg6[%dma_wait3A_1054, %dma_wait3A_1055] : memref<64x1024xf32, #tpu.memory_space<vmem>> -> memref<4x1024xf32, #tpu.memory_space<vmem>>
          %dma_wait3A_1057 = arith.constant 0 : i32
          %dma_wait3A_1058 = tpu.memref_slice %arg4[%dma_wait3A_1053, %add3A_1013, %dma_wait3A_1057] : memref<4x4096x1024xf32, #tpu.memory_space<hbm>> -> memref<1x4x1024xf32, #tpu.memory_space<hbm>>
          %dma_wait3A_1059 = tpu.memref_squeeze %dma_wait3A_1058 : memref<1x4x1024xf32, #tpu.memory_space<hbm>> -> memref<4x1024xf32, #tpu.memory_space<hbm>>
          %dma_wait3A_1060 = arith.constant 0 : i32
          %dma_wait3A_1061 = tpu.memref_slice %arg4[%dma_wait3A_1053, %add3A_1013, %dma_wait3A_1060] : memref<4x4096x1024xf32, #tpu.memory_space<hbm>> -> memref<1x4x1024xf32, #tpu.memory_space<hbm>>
          %dma_wait3A_1062 = tpu.memref_squeeze %dma_wait3A_1061 : memref<1x4x1024xf32, #tpu.memory_space<hbm>> -> memref<4x1024xf32, #tpu.memory_space<hbm>>
          %dma_wait3A_1063 = arith.constant 12 : i32
          %dma_wait3A_1064 = arith.constant 0 : i32
          %dma_wait3A_1065 = tpu.memref_slice %arg6[%dma_wait3A_1063, %dma_wait3A_1064] : memref<64x1024xf32, #tpu.memory_space<vmem>> -> memref<4x1024xf32, #tpu.memory_space<vmem>>
          tpu.wait_dma2 semaphore(%arg11 : memref<!tpu.dma_semaphore, #tpu.memory_space<semaphore_mem>>) src(%dma_wait3A_1065 : memref<4x1024xf32, #tpu.memory_space<vmem>>) dst(%dma_wait3A_1062 : memref<4x1024xf32, #tpu.memory_space<hbm>>)
        } else {
        }
        %mul3A_945 = arith.constant 4 : i32
        %mul3A_946 = arith.muli %add3A_671, %mul3A_945 : i32
        %add3A_947 = arith.addi %mul3A_2, %mul3A_946 : i32
        %dma_start3A_948 = arith.constant 0 : i32
        %dma_start3A_949 = arith.constant 0 : i32
        %dma_start3A_950 = tpu.memref_slice %arg5[%dma_start3A_948, %dma_start3A_949] : memref<16x1024xf32, #tpu.memory_space<vmem>> -> memref<4x1024xf32, #tpu.memory_space<vmem>>
        %dma_start3A_951 = arith.constant 0 : i32
        %dma_start3A_952 = tpu.memref_slice %arg3[%add3A_947, %dma_start3A_951] : memref<8192x1024xf32, #tpu.memory_space<hbm>> -> memref<4x1024xf32, #tpu.memory_space<hbm>>
        %dma_start3A_953 = arith.constant 0 : i32
        %dma_start3A_954 = arith.constant 0 : i32
        %dma_start3A_955 = tpu.memref_slice %arg5[%dma_start3A_953, %dma_start3A_954] : memref<16x1024xf32, #tpu.memory_space<vmem>> -> memref<4x1024xf32, #tpu.memory_space<vmem>>
        %dma_start3A_956 = arith.constant 0 : i32
        %dma_start3A_957 = tpu.memref_slice %arg3[%add3A_947, %dma_start3A_956] : memref<8192x1024xf32, #tpu.memory_space<hbm>> -> memref<4x1024xf32, #tpu.memory_space<hbm>>
        tpu.enqueue_dma source(%dma_start3A_957 : memref<4x1024xf32, #tpu.memory_space<hbm>>) target(%dma_start3A_955 : memref<4x1024xf32, #tpu.memory_space<vmem>>) target_semaphore(%arg7 : memref<!tpu.dma_semaphore, #tpu.memory_space<semaphore_mem>>)
        %dma_start3A_958 = arith.constant 0 : i32
        %dma_start3A_959 = arith.constant 0 : i32
        %dma_start3A_960 = arith.constant 0 : i32
        %dma_start3A_961 = tpu.memref_slice %arg6[%dma_start3A_959, %dma_start3A_960] : memref<64x1024xf32, #tpu.memory_space<vmem>> -> memref<4x1024xf32, #tpu.memory_space<vmem>>
        %dma_start3A_962 = arith.constant 0 : i32
        %dma_start3A_963 = tpu.memref_slice %arg2[%dma_start3A_958, %add3A_947, %dma_start3A_962] : memref<4x4096x1024xf32, #tpu.memory_space<hbm>> -> memref<1x4x1024xf32, #tpu.memory_space<hbm>>
        %dma_start3A_964 = tpu.memref_squeeze %dma_start3A_963 : memref<1x4x1024xf32, #tpu.memory_space<hbm>> -> memref<4x1024xf32, #tpu.memory_space<hbm>>
        %dma_start3A_965 = arith.constant 0 : i32
        %dma_start3A_966 = arith.constant 0 : i32
        %dma_start3A_967 = tpu.memref_slice %arg6[%dma_start3A_965, %dma_start3A_966] : memref<64x1024xf32, #tpu.memory_space<vmem>> -> memref<4x1024xf32, #tpu.memory_space<vmem>>
        %dma_start3A_968 = arith.constant 0 : i32
        %dma_start3A_969 = tpu.memref_slice %arg2[%dma_start3A_958, %add3A_947, %dma_start3A_968] : memref<4x4096x1024xf32, #tpu.memory_space<hbm>> -> memref<1x4x1024xf32, #tpu.memory_space<hbm>>
        %dma_start3A_970 = tpu.memref_squeeze %dma_start3A_969 : memref<1x4x1024xf32, #tpu.memory_space<hbm>> -> memref<4x1024xf32, #tpu.memory_space<hbm>>
        tpu.enqueue_dma source(%dma_start3A_970 : memref<4x1024xf32, #tpu.memory_space<hbm>>) target(%dma_start3A_967 : memref<4x1024xf32, #tpu.memory_space<vmem>>) target_semaphore(%arg7 : memref<!tpu.dma_semaphore, #tpu.memory_space<semaphore_mem>>)
        %dma_start3A_971 = arith.constant 1 : i32
        %dma_start3A_972 = arith.constant 4 : i32
        %dma_start3A_973 = arith.constant 0 : i32
        %dma_start3A_974 = tpu.memref_slice %arg6[%dma_start3A_972, %dma_start3A_973] : memref<64x1024xf32, #tpu.memory_space<vmem>> -> memref<4x1024xf32, #tpu.memory_space<vmem>>
        %dma_start3A_975 = arith.constant 0 : i32
        %dma_start3A_976 = tpu.memref_slice %arg2[%dma_start3A_971, %add3A_947, %dma_start3A_975] : memref<4x4096x1024xf32, #tpu.memory_space<hbm>> -> memref<1x4x1024xf32, #tpu.memory_space<hbm>>
        %dma_start3A_977 = tpu.memref_squeeze %dma_start3A_976 : memref<1x4x1024xf32, #tpu.memory_space<hbm>> -> memref<4x1024xf32, #tpu.memory_space<hbm>>
        %dma_start3A_978 = arith.constant 4 : i32
        %dma_start3A_979 = arith.constant 0 : i32
        %dma_start3A_980 = tpu.memref_slice %arg6[%dma_start3A_978, %dma_start3A_979] : memref<64x1024xf32, #tpu.memory_space<vmem>> -> memref<4x1024xf32, #tpu.memory_space<vmem>>
        %dma_start3A_981 = arith.constant 0 : i32
        %dma_start3A_982 = tpu.memref_slice %arg2[%dma_start3A_971, %add3A_947, %dma_start3A_981] : memref<4x4096x1024xf32, #tpu.memory_space<hbm>> -> memref<1x4x1024xf32, #tpu.memory_space<hbm>>
        %dma_start3A_983 = tpu.memref_squeeze %dma_start3A_982 : memref<1x4x1024xf32, #tpu.memory_space<hbm>> -> memref<4x1024xf32, #tpu.memory_space<hbm>>
        tpu.enqueue_dma source(%dma_start3A_983 : memref<4x1024xf32, #tpu.memory_space<hbm>>) target(%dma_start3A_980 : memref<4x1024xf32, #tpu.memory_space<vmem>>) target_semaphore(%arg7 : memref<!tpu.dma_semaphore, #tpu.memory_space<semaphore_mem>>)
        %dma_start3A_984 = arith.constant 2 : i32
        %dma_start3A_985 = arith.constant 8 : i32
        %dma_start3A_986 = arith.constant 0 : i32
        %dma_start3A_987 = tpu.memref_slice %arg6[%dma_start3A_985, %dma_start3A_986] : memref<64x1024xf32, #tpu.memory_space<vmem>> -> memref<4x1024xf32, #tpu.memory_space<vmem>>
        %dma_start3A_988 = arith.constant 0 : i32
        %dma_start3A_989 = tpu.memref_slice %arg2[%dma_start3A_984, %add3A_947, %dma_start3A_988] : memref<4x4096x1024xf32, #tpu.memory_space<hbm>> -> memref<1x4x1024xf32, #tpu.memory_space<hbm>>
        %dma_start3A_990 = tpu.memref_squeeze %dma_start3A_989 : memref<1x4x1024xf32, #tpu.memory_space<hbm>> -> memref<4x1024xf32, #tpu.memory_space<hbm>>
        %dma_start3A_991 = arith.constant 8 : i32
        %dma_start3A_992 = arith.constant 0 : i32
        %dma_start3A_993 = tpu.memref_slice %arg6[%dma_start3A_991, %dma_start3A_992] : memref<64x1024xf32, #tpu.memory_space<vmem>> -> memref<4x1024xf32, #tpu.memory_space<vmem>>
        %dma_start3A_994 = arith.constant 0 : i32
        %dma_start3A_995 = tpu.memref_slice %arg2[%dma_start3A_984, %add3A_947, %dma_start3A_994] : memref<4x4096x1024xf32, #tpu.memory_space<hbm>> -> memref<1x4x1024xf32, #tpu.memory_space<hbm>>
        %dma_start3A_996 = tpu.memref_squeeze %dma_start3A_995 : memref<1x4x1024xf32, #tpu.memory_space<hbm>> -> memref<4x1024xf32, #tpu.memory_space<hbm>>
        tpu.enqueue_dma source(%dma_start3A_996 : memref<4x1024xf32, #tpu.memory_space<hbm>>) target(%dma_start3A_993 : memref<4x1024xf32, #tpu.memory_space<vmem>>) target_semaphore(%arg7 : memref<!tpu.dma_semaphore, #tpu.memory_space<semaphore_mem>>)
        %dma_start3A_997 = arith.constant 3 : i32
        %dma_start3A_998 = arith.constant 12 : i32
        %dma_start3A_999 = arith.constant 0 : i32
        %dma_start3A_1000 = tpu.memref_slice %arg6[%dma_start3A_998, %dma_start3A_999] : memref<64x1024xf32, #tpu.memory_space<vmem>> -> memref<4x1024xf32, #tpu.memory_space<vmem>>
        %dma_start3A_1001 = arith.constant 0 : i32
        %dma_start3A_1002 = tpu.memref_slice %arg2[%dma_start3A_997, %add3A_947, %dma_start3A_1001] : memref<4x4096x1024xf32, #tpu.memory_space<hbm>> -> memref<1x4x1024xf32, #tpu.memory_space<hbm>>
        %dma_start3A_1003 = tpu.memref_squeeze %dma_start3A_1002 : memref<1x4x1024xf32, #tpu.memory_space<hbm>> -> memref<4x1024xf32, #tpu.memory_space<hbm>>
        %dma_start3A_1004 = arith.constant 12 : i32
        %dma_start3A_1005 = arith.constant 0 : i32
        %dma_start3A_1006 = tpu.memref_slice %arg6[%dma_start3A_1004, %dma_start3A_1005] : memref<64x1024xf32, #tpu.memory_space<vmem>> -> memref<4x1024xf32, #tpu.memory_space<vmem>>
        %dma_start3A_1007 = arith.constant 0 : i32
        %dma_start3A_1008 = tpu.memref_slice %arg2[%dma_start3A_997, %add3A_947, %dma_start3A_1007] : memref<4x4096x1024xf32, #tpu.memory_space<hbm>> -> memref<1x4x1024xf32, #tpu.memory_space<hbm>>
        %dma_start3A_1009 = tpu.memref_squeeze %dma_start3A_1008 : memref<1x4x1024xf32, #tpu.memory_space<hbm>> -> memref<4x1024xf32, #tpu.memory_space<hbm>>
        tpu.enqueue_dma source(%dma_start3A_1009 : memref<4x1024xf32, #tpu.memory_space<hbm>>) target(%dma_start3A_1006 : memref<4x1024xf32, #tpu.memory_space<vmem>>) target_semaphore(%arg7 : memref<!tpu.dma_semaphore, #tpu.memory_space<semaphore_mem>>)
      } else {
      }
      %add3A_677 = arith.constant 2 : i32
      %add3A_678 = arith.addi %mul3A_416, %add3A_677 : i32
      %mul3A_679 = arith.constant 4 : i32
      %mul3A_680 = arith.muli %add3A_678, %mul3A_679 : i32
      %add3A_681 = arith.addi %mul3A_2, %mul3A_680 : i32
      %dma_wait3A_682 = arith.constant 8 : i32
      %dma_wait3A_683 = arith.constant 0 : i32
      %dma_wait3A_684 = tpu.memref_slice %arg5[%dma_wait3A_682, %dma_wait3A_683] : memref<16x1024xf32, #tpu.memory_space<vmem>> -> memref<4x1024xf32, #tpu.memory_space<vmem>>
      %dma_wait3A_685 = arith.constant 0 : i32
      %dma_wait3A_686 = tpu.memref_slice %arg3[%add3A_681, %dma_wait3A_685] : memref<8192x1024xf32, #tpu.memory_space<hbm>> -> memref<4x1024xf32, #tpu.memory_space<hbm>>
      %dma_wait3A_687 = arith.constant 8 : i32
      %dma_wait3A_688 = arith.constant 0 : i32
      %dma_wait3A_689 = tpu.memref_slice %arg5[%dma_wait3A_687, %dma_wait3A_688] : memref<16x1024xf32, #tpu.memory_space<vmem>> -> memref<4x1024xf32, #tpu.memory_space<vmem>>
      %dma_wait3A_690 = arith.constant 0 : i32
      %dma_wait3A_691 = tpu.memref_slice %arg3[%add3A_681, %dma_wait3A_690] : memref<8192x1024xf32, #tpu.memory_space<hbm>> -> memref<4x1024xf32, #tpu.memory_space<hbm>>
      tpu.wait_dma2 semaphore(%arg9 : memref<!tpu.dma_semaphore, #tpu.memory_space<semaphore_mem>>) src(%dma_wait3A_691 : memref<4x1024xf32, #tpu.memory_space<hbm>>) dst(%dma_wait3A_689 : memref<4x1024xf32, #tpu.memory_space<vmem>>)
      %dma_wait3A_692 = arith.constant 0 : i32
      %dma_wait3A_693 = arith.constant 32 : i32
      %dma_wait3A_694 = arith.constant 0 : i32
      %dma_wait3A_695 = tpu.memref_slice %arg6[%dma_wait3A_693, %dma_wait3A_694] : memref<64x1024xf32, #tpu.memory_space<vmem>> -> memref<4x1024xf32, #tpu.memory_space<vmem>>
      %dma_wait3A_696 = arith.constant 0 : i32
      %dma_wait3A_697 = tpu.memref_slice %arg2[%dma_wait3A_692, %add3A_681, %dma_wait3A_696] : memref<4x4096x1024xf32, #tpu.memory_space<hbm>> -> memref<1x4x1024xf32, #tpu.memory_space<hbm>>
      %dma_wait3A_698 = tpu.memref_squeeze %dma_wait3A_697 : memref<1x4x1024xf32, #tpu.memory_space<hbm>> -> memref<4x1024xf32, #tpu.memory_space<hbm>>
      %dma_wait3A_699 = arith.constant 32 : i32
      %dma_wait3A_700 = arith.constant 0 : i32
      %dma_wait3A_701 = tpu.memref_slice %arg6[%dma_wait3A_699, %dma_wait3A_700] : memref<64x1024xf32, #tpu.memory_space<vmem>> -> memref<4x1024xf32, #tpu.memory_space<vmem>>
      %dma_wait3A_702 = arith.constant 0 : i32
      %dma_wait3A_703 = tpu.memref_slice %arg2[%dma_wait3A_692, %add3A_681, %dma_wait3A_702] : memref<4x4096x1024xf32, #tpu.memory_space<hbm>> -> memref<1x4x1024xf32, #tpu.memory_space<hbm>>
      %dma_wait3A_704 = tpu.memref_squeeze %dma_wait3A_703 : memref<1x4x1024xf32, #tpu.memory_space<hbm>> -> memref<4x1024xf32, #tpu.memory_space<hbm>>
      tpu.wait_dma2 semaphore(%arg9 : memref<!tpu.dma_semaphore, #tpu.memory_space<semaphore_mem>>) src(%dma_wait3A_704 : memref<4x1024xf32, #tpu.memory_space<hbm>>) dst(%dma_wait3A_701 : memref<4x1024xf32, #tpu.memory_space<vmem>>)
      %dma_wait3A_705 = arith.constant 1 : i32
      %dma_wait3A_706 = arith.constant 36 : i32
      %dma_wait3A_707 = arith.constant 0 : i32
      %dma_wait3A_708 = tpu.memref_slice %arg6[%dma_wait3A_706, %dma_wait3A_707] : memref<64x1024xf32, #tpu.memory_space<vmem>> -> memref<4x1024xf32, #tpu.memory_space<vmem>>
      %dma_wait3A_709 = arith.constant 0 : i32
      %dma_wait3A_710 = tpu.memref_slice %arg2[%dma_wait3A_705, %add3A_681, %dma_wait3A_709] : memref<4x4096x1024xf32, #tpu.memory_space<hbm>> -> memref<1x4x1024xf32, #tpu.memory_space<hbm>>
      %dma_wait3A_711 = tpu.memref_squeeze %dma_wait3A_710 : memref<1x4x1024xf32, #tpu.memory_space<hbm>> -> memref<4x1024xf32, #tpu.memory_space<hbm>>
      %dma_wait3A_712 = arith.constant 36 : i32
      %dma_wait3A_713 = arith.constant 0 : i32
      %dma_wait3A_714 = tpu.memref_slice %arg6[%dma_wait3A_712, %dma_wait3A_713] : memref<64x1024xf32, #tpu.memory_space<vmem>> -> memref<4x1024xf32, #tpu.memory_space<vmem>>
      %dma_wait3A_715 = arith.constant 0 : i32
      %dma_wait3A_716 = tpu.memref_slice %arg2[%dma_wait3A_705, %add3A_681, %dma_wait3A_715] : memref<4x4096x1024xf32, #tpu.memory_space<hbm>> -> memref<1x4x1024xf32, #tpu.memory_space<hbm>>
      %dma_wait3A_717 = tpu.memref_squeeze %dma_wait3A_716 : memref<1x4x1024xf32, #tpu.memory_space<hbm>> -> memref<4x1024xf32, #tpu.memory_space<hbm>>
      tpu.wait_dma2 semaphore(%arg9 : memref<!tpu.dma_semaphore, #tpu.memory_space<semaphore_mem>>) src(%dma_wait3A_717 : memref<4x1024xf32, #tpu.memory_space<hbm>>) dst(%dma_wait3A_714 : memref<4x1024xf32, #tpu.memory_space<vmem>>)
      %dma_wait3A_718 = arith.constant 2 : i32
      %dma_wait3A_719 = arith.constant 40 : i32
      %dma_wait3A_720 = arith.constant 0 : i32
      %dma_wait3A_721 = tpu.memref_slice %arg6[%dma_wait3A_719, %dma_wait3A_720] : memref<64x1024xf32, #tpu.memory_space<vmem>> -> memref<4x1024xf32, #tpu.memory_space<vmem>>
      %dma_wait3A_722 = arith.constant 0 : i32
      %dma_wait3A_723 = tpu.memref_slice %arg2[%dma_wait3A_718, %add3A_681, %dma_wait3A_722] : memref<4x4096x1024xf32, #tpu.memory_space<hbm>> -> memref<1x4x1024xf32, #tpu.memory_space<hbm>>
      %dma_wait3A_724 = tpu.memref_squeeze %dma_wait3A_723 : memref<1x4x1024xf32, #tpu.memory_space<hbm>> -> memref<4x1024xf32, #tpu.memory_space<hbm>>
      %dma_wait3A_725 = arith.constant 40 : i32
      %dma_wait3A_726 = arith.constant 0 : i32
      %dma_wait3A_727 = tpu.memref_slice %arg6[%dma_wait3A_725, %dma_wait3A_726] : memref<64x1024xf32, #tpu.memory_space<vmem>> -> memref<4x1024xf32, #tpu.memory_space<vmem>>
      %dma_wait3A_728 = arith.constant 0 : i32
      %dma_wait3A_729 = tpu.memref_slice %arg2[%dma_wait3A_718, %add3A_681, %dma_wait3A_728] : memref<4x4096x1024xf32, #tpu.memory_space<hbm>> -> memref<1x4x1024xf32, #tpu.memory_space<hbm>>
      %dma_wait3A_730 = tpu.memref_squeeze %dma_wait3A_729 : memref<1x4x1024xf32, #tpu.memory_space<hbm>> -> memref<4x1024xf32, #tpu.memory_space<hbm>>
      tpu.wait_dma2 semaphore(%arg9 : memref<!tpu.dma_semaphore, #tpu.memory_space<semaphore_mem>>) src(%dma_wait3A_730 : memref<4x1024xf32, #tpu.memory_space<hbm>>) dst(%dma_wait3A_727 : memref<4x1024xf32, #tpu.memory_space<vmem>>)
      %dma_wait3A_731 = arith.constant 3 : i32
      %dma_wait3A_732 = arith.constant 44 : i32
      %dma_wait3A_733 = arith.constant 0 : i32
      %dma_wait3A_734 = tpu.memref_slice %arg6[%dma_wait3A_732, %dma_wait3A_733] : memref<64x1024xf32, #tpu.memory_space<vmem>> -> memref<4x1024xf32, #tpu.memory_space<vmem>>
      %dma_wait3A_735 = arith.constant 0 : i32
      %dma_wait3A_736 = tpu.memref_slice %arg2[%dma_wait3A_731, %add3A_681, %dma_wait3A_735] : memref<4x4096x1024xf32, #tpu.memory_space<hbm>> -> memref<1x4x1024xf32, #tpu.memory_space<hbm>>
      %dma_wait3A_737 = tpu.memref_squeeze %dma_wait3A_736 : memref<1x4x1024xf32, #tpu.memory_space<hbm>> -> memref<4x1024xf32, #tpu.memory_space<hbm>>
      %dma_wait3A_738 = arith.constant 44 : i32
      %dma_wait3A_739 = arith.constant 0 : i32
      %dma_wait3A_740 = tpu.memref_slice %arg6[%dma_wait3A_738, %dma_wait3A_739] : memref<64x1024xf32, #tpu.memory_space<vmem>> -> memref<4x1024xf32, #tpu.memory_space<vmem>>
      %dma_wait3A_741 = arith.constant 0 : i32
      %dma_wait3A_742 = tpu.memref_slice %arg2[%dma_wait3A_731, %add3A_681, %dma_wait3A_741] : memref<4x4096x1024xf32, #tpu.memory_space<hbm>> -> memref<1x4x1024xf32, #tpu.memory_space<hbm>>
      %dma_wait3A_743 = tpu.memref_squeeze %dma_wait3A_742 : memref<1x4x1024xf32, #tpu.memory_space<hbm>> -> memref<4x1024xf32, #tpu.memory_space<hbm>>
      tpu.wait_dma2 semaphore(%arg9 : memref<!tpu.dma_semaphore, #tpu.memory_space<semaphore_mem>>) src(%dma_wait3A_743 : memref<4x1024xf32, #tpu.memory_space<hbm>>) dst(%dma_wait3A_740 : memref<4x1024xf32, #tpu.memory_space<vmem>>)
      %parallel_loop3A_744 = arith.constant 0 : i32
      %parallel_loop3A_745 = arith.constant 256 : i32
      %parallel_loop3A_746 = arith.constant 1 : i32
      scf.for %parallel_loop3A_941 = %parallel_loop3A_744 to %parallel_loop3A_745 step %parallel_loop3A_746  : i32 {
        %parallel_loop3A_942 = arith.constant 64 : i32
        %parallel_loop3A_943 = arith.divsi %parallel_loop3A_941, %parallel_loop3A_942 : i32
        %parallel_loop3A_944 = arith.constant 0 : i32
        %parallel_loop3A_945 = arith.cmpi sgt, %parallel_loop3A_941, %parallel_loop3A_944 : i32
        %parallel_loop3A_946 = arith.extui %parallel_loop3A_945 : i1 to i32
        %parallel_loop3A_947 = arith.constant 0 : i32
        %parallel_loop3A_948 = arith.cmpi slt, %parallel_loop3A_941, %parallel_loop3A_947 : i32
        %parallel_loop3A_949 = arith.extui %parallel_loop3A_948 : i1 to i32
        %parallel_loop3A_950 = arith.subi %parallel_loop3A_946, %parallel_loop3A_949 : i32
        %parallel_loop3A_951 = arith.constant 0 : i32
        %parallel_loop3A_952 = arith.cmpi sgt, %parallel_loop3A_942, %parallel_loop3A_951 : i32
        %parallel_loop3A_953 = arith.extui %parallel_loop3A_952 : i1 to i32
        %parallel_loop3A_954 = arith.constant 0 : i32
        %parallel_loop3A_955 = arith.cmpi slt, %parallel_loop3A_942, %parallel_loop3A_954 : i32
        %parallel_loop3A_956 = arith.extui %parallel_loop3A_955 : i1 to i32
        %parallel_loop3A_957 = arith.subi %parallel_loop3A_953, %parallel_loop3A_956 : i32
        %parallel_loop3A_958 = arith.cmpi ne, %parallel_loop3A_950, %parallel_loop3A_957 : i32
        %parallel_loop3A_959 = arith.remsi %parallel_loop3A_941, %parallel_loop3A_942 : i32
        %parallel_loop3A_960 = arith.constant 0 : i32
        %parallel_loop3A_961 = arith.cmpi ne, %parallel_loop3A_959, %parallel_loop3A_960 : i32
        %parallel_loop3A_962 = arith.andi %parallel_loop3A_958, %parallel_loop3A_961 : i1
        %parallel_loop3A_963 = arith.constant 1 : i32
        %parallel_loop3A_964 = arith.subi %parallel_loop3A_943, %parallel_loop3A_963 : i32
        %parallel_loop3A_965 = arith.select %parallel_loop3A_962, %parallel_loop3A_964, %parallel_loop3A_943 : i32
        %parallel_loop3A_966 = arith.constant 64 : i32
        %parallel_loop3A_967 = arith.constant 0 : i32
        %parallel_loop3A_968 = arith.cmpi eq, %parallel_loop3A_966, %parallel_loop3A_967 : i32
        %parallel_loop3A_969 = arith.constant 1 : i32
        %parallel_loop3A_970 = arith.select %parallel_loop3A_968, %parallel_loop3A_969, %parallel_loop3A_966 : i32
        %parallel_loop3A_971 = arith.remsi %parallel_loop3A_941, %parallel_loop3A_970 : i32
        %parallel_loop3A_972 = arith.constant 0 : i32
        %parallel_loop3A_973 = arith.cmpi ne, %parallel_loop3A_971, %parallel_loop3A_972 : i32
        %parallel_loop3A_974 = arith.constant 0 : i32
        %parallel_loop3A_975 = arith.cmpi slt, %parallel_loop3A_971, %parallel_loop3A_974 : i32
        %parallel_loop3A_976 = arith.constant 0 : i32
        %parallel_loop3A_977 = arith.cmpi slt, %parallel_loop3A_970, %parallel_loop3A_976 : i32
        %parallel_loop3A_978 = arith.xori %parallel_loop3A_975, %parallel_loop3A_977 : i1
        %parallel_loop3A_979 = arith.andi %parallel_loop3A_978, %parallel_loop3A_973 : i1
        %parallel_loop3A_980 = arith.addi %parallel_loop3A_971, %parallel_loop3A_970 : i32
        %parallel_loop3A_981 = arith.select %parallel_loop3A_979, %parallel_loop3A_980, %parallel_loop3A_971 : i32
        %parallel_loop3A_982 = arith.constant 16 : i32
        %parallel_loop3A_983 = arith.muli %parallel_loop3A_981, %parallel_loop3A_982 : i32
        %parallel_loop3A_984 = arith.constant 8 : i32
        %parallel_loop3A_985 = arith.addi %parallel_loop3A_984, %parallel_loop3A_965 : i32
        %parallel_loop3A_986 = arith.index_cast %parallel_loop3A_985 : i32 to index
        %parallel_loop3A_987 = arith.index_cast %parallel_loop3A_983 : i32 to index
        %parallel_loop3A_988 = tpu.vector_load %arg5[%parallel_loop3A_986, %parallel_loop3A_987] {strides = array<i32>} : memref<16x1024xf32, #tpu.memory_space<vmem>>, vector<1x16xf32>,
        %parallel_loop3A_989 = vector.shape_cast %parallel_loop3A_988 : vector<1x16xf32> to vector<16xf32>
        %parallel_loop3A_990 = arith.constant 32 : i32
        %parallel_loop3A_991 = arith.addi %parallel_loop3A_990, %parallel_loop3A_965 : i32
        %parallel_loop3A_992 = arith.index_cast %parallel_loop3A_991 : i32 to index
        %parallel_loop3A_993 = arith.index_cast %parallel_loop3A_983 : i32 to index
        %parallel_loop3A_994 = tpu.vector_load %arg6[%parallel_loop3A_992, %parallel_loop3A_993] {strides = array<i32>} : memref<64x1024xf32, #tpu.memory_space<vmem>>, vector<1x16xf32>,
        %parallel_loop3A_995 = vector.shape_cast %parallel_loop3A_994 : vector<1x16xf32> to vector<16xf32>
        %parallel_loop3A_996 = vector.shape_cast %parallel_loop3A_989 : vector<16xf32> to vector<1x16xf32>
        tpu.vector_store %arg6[%parallel_loop3A_992, %parallel_loop3A_993], %parallel_loop3A_996 {add = true, strides = array<i32>} : memref<64x1024xf32, #tpu.memory_space<vmem>>, vector<1x16xf32>,
        %parallel_loop3A_997 = arith.constant 36 : i32
        %parallel_loop3A_998 = arith.addi %parallel_loop3A_997, %parallel_loop3A_965 : i32
        %parallel_loop3A_999 = arith.index_cast %parallel_loop3A_998 : i32 to index
        %parallel_loop3A_1000 = arith.index_cast %parallel_loop3A_983 : i32 to index
        %parallel_loop3A_1001 = tpu.vector_load %arg6[%parallel_loop3A_999, %parallel_loop3A_1000] {strides = array<i32>} : memref<64x1024xf32, #tpu.memory_space<vmem>>, vector<1x16xf32>,
        %parallel_loop3A_1002 = vector.shape_cast %parallel_loop3A_1001 : vector<1x16xf32> to vector<16xf32>
        %parallel_loop3A_1003 = vector.shape_cast %parallel_loop3A_989 : vector<16xf32> to vector<1x16xf32>
        tpu.vector_store %arg6[%parallel_loop3A_999, %parallel_loop3A_1000], %parallel_loop3A_1003 {add = true, strides = array<i32>} : memref<64x1024xf32, #tpu.memory_space<vmem>>, vector<1x16xf32>,
        %parallel_loop3A_1004 = arith.constant 40 : i32
        %parallel_loop3A_1005 = arith.addi %parallel_loop3A_1004, %parallel_loop3A_965 : i32
        %parallel_loop3A_1006 = arith.index_cast %parallel_loop3A_1005 : i32 to index
        %parallel_loop3A_1007 = arith.index_cast %parallel_loop3A_983 : i32 to index
        %parallel_loop3A_1008 = tpu.vector_load %arg6[%parallel_loop3A_1006, %parallel_loop3A_1007] {strides = array<i32>} : memref<64x1024xf32, #tpu.memory_space<vmem>>, vector<1x16xf32>,
        %parallel_loop3A_1009 = vector.shape_cast %parallel_loop3A_1008 : vector<1x16xf32> to vector<16xf32>
        %parallel_loop3A_1010 = vector.shape_cast %parallel_loop3A_989 : vector<16xf32> to vector<1x16xf32>
        tpu.vector_store %arg6[%parallel_loop3A_1006, %parallel_loop3A_1007], %parallel_loop3A_1010 {add = true, strides = array<i32>} : memref<64x1024xf32, #tpu.memory_space<vmem>>, vector<1x16xf32>,
        %parallel_loop3A_1011 = arith.constant 44 : i32
        %parallel_loop3A_1012 = arith.addi %parallel_loop3A_1011, %parallel_loop3A_965 : i32
        %parallel_loop3A_1013 = arith.index_cast %parallel_loop3A_1012 : i32 to index
        %parallel_loop3A_1014 = arith.index_cast %parallel_loop3A_983 : i32 to index
        %parallel_loop3A_1015 = tpu.vector_load %arg6[%parallel_loop3A_1013, %parallel_loop3A_1014] {strides = array<i32>} : memref<64x1024xf32, #tpu.memory_space<vmem>>, vector<1x16xf32>,
        %parallel_loop3A_1016 = vector.shape_cast %parallel_loop3A_1015 : vector<1x16xf32> to vector<16xf32>
        %parallel_loop3A_1017 = vector.shape_cast %parallel_loop3A_989 : vector<16xf32> to vector<1x16xf32>
        tpu.vector_store %arg6[%parallel_loop3A_1013, %parallel_loop3A_1014], %parallel_loop3A_1017 {add = true, strides = array<i32>} : memref<64x1024xf32, #tpu.memory_space<vmem>>, vector<1x16xf32>,
      } {sc.loop_unroll_factor = 4 : i64, sc.parallel_access}
      %mul3A_747 = arith.constant 4 : i32
      %mul3A_748 = arith.muli %add3A_678, %mul3A_747 : i32
      %add3A_749 = arith.addi %mul3A_2, %mul3A_748 : i32
      %dma_start3A_750 = arith.constant 0 : i32
      %dma_start3A_751 = arith.constant 32 : i32
      %dma_start3A_752 = arith.constant 0 : i32
      %dma_start3A_753 = tpu.memref_slice %arg6[%dma_start3A_751, %dma_start3A_752] : memref<64x1024xf32, #tpu.memory_space<vmem>> -> memref<4x1024xf32, #tpu.memory_space<vmem>>
      %dma_start3A_754 = arith.constant 0 : i32
      %dma_start3A_755 = tpu.memref_slice %arg4[%dma_start3A_750, %add3A_749, %dma_start3A_754] : memref<4x4096x1024xf32, #tpu.memory_space<hbm>> -> memref<1x4x1024xf32, #tpu.memory_space<hbm>>
      %dma_start3A_756 = tpu.memref_squeeze %dma_start3A_755 : memref<1x4x1024xf32, #tpu.memory_space<hbm>> -> memref<4x1024xf32, #tpu.memory_space<hbm>>
      %dma_start3A_757 = arith.constant 0 : i32
      %dma_start3A_758 = tpu.memref_slice %arg4[%dma_start3A_750, %add3A_749, %dma_start3A_757] : memref<4x4096x1024xf32, #tpu.memory_space<hbm>> -> memref<1x4x1024xf32, #tpu.memory_space<hbm>>
      %dma_start3A_759 = tpu.memref_squeeze %dma_start3A_758 : memref<1x4x1024xf32, #tpu.memory_space<hbm>> -> memref<4x1024xf32, #tpu.memory_space<hbm>>
      %dma_start3A_760 = arith.constant 32 : i32
      %dma_start3A_761 = arith.constant 0 : i32
      %dma_start3A_762 = tpu.memref_slice %arg6[%dma_start3A_760, %dma_start3A_761] : memref<64x1024xf32, #tpu.memory_space<vmem>> -> memref<4x1024xf32, #tpu.memory_space<vmem>>
      tpu.enqueue_dma source(%dma_start3A_762 : memref<4x1024xf32, #tpu.memory_space<vmem>>) target(%dma_start3A_759 : memref<4x1024xf32, #tpu.memory_space<hbm>>) target_semaphore(%arg13 : memref<!tpu.dma_semaphore, #tpu.memory_space<semaphore_mem>>)
      %dma_start3A_763 = arith.constant 1 : i32
      %dma_start3A_764 = arith.constant 36 : i32
      %dma_start3A_765 = arith.constant 0 : i32
      %dma_start3A_766 = tpu.memref_slice %arg6[%dma_start3A_764, %dma_start3A_765] : memref<64x1024xf32, #tpu.memory_space<vmem>> -> memref<4x1024xf32, #tpu.memory_space<vmem>>
      %dma_start3A_767 = arith.constant 0 : i32
      %dma_start3A_768 = tpu.memref_slice %arg4[%dma_start3A_763, %add3A_749, %dma_start3A_767] : memref<4x4096x1024xf32, #tpu.memory_space<hbm>> -> memref<1x4x1024xf32, #tpu.memory_space<hbm>>
      %dma_start3A_769 = tpu.memref_squeeze %dma_start3A_768 : memref<1x4x1024xf32, #tpu.memory_space<hbm>> -> memref<4x1024xf32, #tpu.memory_space<hbm>>
      %dma_start3A_770 = arith.constant 0 : i32
      %dma_start3A_771 = tpu.memref_slice %arg4[%dma_start3A_763, %add3A_749, %dma_start3A_770] : memref<4x4096x1024xf32, #tpu.memory_space<hbm>> -> memref<1x4x1024xf32, #tpu.memory_space<hbm>>
      %dma_start3A_772 = tpu.memref_squeeze %dma_start3A_771 : memref<1x4x1024xf32, #tpu.memory_space<hbm>> -> memref<4x1024xf32, #tpu.memory_space<hbm>>
      %dma_start3A_773 = arith.constant 36 : i32
      %dma_start3A_774 = arith.constant 0 : i32
      %dma_start3A_775 = tpu.memref_slice %arg6[%dma_start3A_773, %dma_start3A_774] : memref<64x1024xf32, #tpu.memory_space<vmem>> -> memref<4x1024xf32, #tpu.memory_space<vmem>>
      tpu.enqueue_dma source(%dma_start3A_775 : memref<4x1024xf32, #tpu.memory_space<vmem>>) target(%dma_start3A_772 : memref<4x1024xf32, #tpu.memory_space<hbm>>) target_semaphore(%arg13 : memref<!tpu.dma_semaphore, #tpu.memory_space<semaphore_mem>>)
      %dma_start3A_776 = arith.constant 2 : i32
      %dma_start3A_777 = arith.constant 40 : i32
      %dma_start3A_778 = arith.constant 0 : i32
      %dma_start3A_779 = tpu.memref_slice %arg6[%dma_start3A_777, %dma_start3A_778] : memref<64x1024xf32, #tpu.memory_space<vmem>> -> memref<4x1024xf32, #tpu.memory_space<vmem>>
      %dma_start3A_780 = arith.constant 0 : i32
      %dma_start3A_781 = tpu.memref_slice %arg4[%dma_start3A_776, %add3A_749, %dma_start3A_780] : memref<4x4096x1024xf32, #tpu.memory_space<hbm>> -> memref<1x4x1024xf32, #tpu.memory_space<hbm>>
      %dma_start3A_782 = tpu.memref_squeeze %dma_start3A_781 : memref<1x4x1024xf32, #tpu.memory_space<hbm>> -> memref<4x1024xf32, #tpu.memory_space<hbm>>
      %dma_start3A_783 = arith.constant 0 : i32
      %dma_start3A_784 = tpu.memref_slice %arg4[%dma_start3A_776, %add3A_749, %dma_start3A_783] : memref<4x4096x1024xf32, #tpu.memory_space<hbm>> -> memref<1x4x1024xf32, #tpu.memory_space<hbm>>
      %dma_start3A_785 = tpu.memref_squeeze %dma_start3A_784 : memref<1x4x1024xf32, #tpu.memory_space<hbm>> -> memref<4x1024xf32, #tpu.memory_space<hbm>>
      %dma_start3A_786 = arith.constant 40 : i32
      %dma_start3A_787 = arith.constant 0 : i32
      %dma_start3A_788 = tpu.memref_slice %arg6[%dma_start3A_786, %dma_start3A_787] : memref<64x1024xf32, #tpu.memory_space<vmem>> -> memref<4x1024xf32, #tpu.memory_space<vmem>>
      tpu.enqueue_dma source(%dma_start3A_788 : memref<4x1024xf32, #tpu.memory_space<vmem>>) target(%dma_start3A_785 : memref<4x1024xf32, #tpu.memory_space<hbm>>) target_semaphore(%arg13 : memref<!tpu.dma_semaphore, #tpu.memory_space<semaphore_mem>>)
      %dma_start3A_789 = arith.constant 3 : i32
      %dma_start3A_790 = arith.constant 44 : i32
      %dma_start3A_791 = arith.constant 0 : i32
      %dma_start3A_792 = tpu.memref_slice %arg6[%dma_start3A_790, %dma_start3A_791] : memref<64x1024xf32, #tpu.memory_space<vmem>> -> memref<4x1024xf32, #tpu.memory_space<vmem>>
      %dma_start3A_793 = arith.constant 0 : i32
      %dma_start3A_794 = tpu.memref_slice %arg4[%dma_start3A_789, %add3A_749, %dma_start3A_793] : memref<4x4096x1024xf32, #tpu.memory_space<hbm>> -> memref<1x4x1024xf32, #tpu.memory_space<hbm>>
      %dma_start3A_795 = tpu.memref_squeeze %dma_start3A_794 : memref<1x4x1024xf32, #tpu.memory_space<hbm>> -> memref<4x1024xf32, #tpu.memory_space<hbm>>
      %dma_start3A_796 = arith.constant 0 : i32
      %dma_start3A_797 = tpu.memref_slice %arg4[%dma_start3A_789, %add3A_749, %dma_start3A_796] : memref<4x4096x1024xf32, #tpu.memory_space<hbm>> -> memref<1x4x1024xf32, #tpu.memory_space<hbm>>
      %dma_start3A_798 = tpu.memref_squeeze %dma_start3A_797 : memref<1x4x1024xf32, #tpu.memory_space<hbm>> -> memref<4x1024xf32, #tpu.memory_space<hbm>>
      %dma_start3A_799 = arith.constant 44 : i32
      %dma_start3A_800 = arith.constant 0 : i32
      %dma_start3A_801 = tpu.memref_slice %arg6[%dma_start3A_799, %dma_start3A_800] : memref<64x1024xf32, #tpu.memory_space<vmem>> -> memref<4x1024xf32, #tpu.memory_space<vmem>>
      tpu.enqueue_dma source(%dma_start3A_801 : memref<4x1024xf32, #tpu.memory_space<vmem>>) target(%dma_start3A_798 : memref<4x1024xf32, #tpu.memory_space<hbm>>) target_semaphore(%arg13 : memref<!tpu.dma_semaphore, #tpu.memory_space<semaphore_mem>>)
      %add3A_802 = arith.constant 3 : i32
      %add3A_803 = arith.addi %add3A_678, %add3A_802 : i32
      %lt3A_804 = arith.constant 32 : i32
      %lt3A_805 = arith.cmpi slt, %add3A_803, %lt3A_804 : i32
      %convert_element_type3A_806 = arith.extui %lt3A_805 : i1 to i32
      %cond3A_807 = arith.constant 0 : i32
      %cond3A_808 = arith.cmpi ne, %convert_element_type3A_806, %cond3A_807 : i32
      scf.if %cond3A_808 {
        %ge3A = arith.constant 4 : i32
        %ge3A_941 = arith.cmpi sge, %add3A_803, %ge3A : i32
        %convert_element_type3A_942 = arith.extui %ge3A_941 : i1 to i32
        %cond3A_943 = arith.constant 0 : i32
        %cond3A_944 = arith.cmpi ne, %convert_element_type3A_942, %cond3A_943 : i32
        scf.if %cond3A_944 {
          %sub3A = arith.constant 4 : i32
          %sub3A_1010 = arith.subi %add3A_803, %sub3A : i32
          %mul3A_1011 = arith.constant 4 : i32
          %mul3A_1012 = arith.muli %sub3A_1010, %mul3A_1011 : i32
          %add3A_1013 = arith.addi %mul3A_2, %mul3A_1012 : i32
          %dma_wait3A_1014 = arith.constant 0 : i32
          %dma_wait3A_1015 = arith.constant 16 : i32
          %dma_wait3A_1016 = arith.constant 0 : i32
          %dma_wait3A_1017 = tpu.memref_slice %arg6[%dma_wait3A_1015, %dma_wait3A_1016] : memref<64x1024xf32, #tpu.memory_space<vmem>> -> memref<4x1024xf32, #tpu.memory_space<vmem>>
          %dma_wait3A_1018 = arith.constant 0 : i32
          %dma_wait3A_1019 = tpu.memref_slice %arg4[%dma_wait3A_1014, %add3A_1013, %dma_wait3A_1018] : memref<4x4096x1024xf32, #tpu.memory_space<hbm>> -> memref<1x4x1024xf32, #tpu.memory_space<hbm>>
          %dma_wait3A_1020 = tpu.memref_squeeze %dma_wait3A_1019 : memref<1x4x1024xf32, #tpu.memory_space<hbm>> -> memref<4x1024xf32, #tpu.memory_space<hbm>>
          %dma_wait3A_1021 = arith.constant 0 : i32
          %dma_wait3A_1022 = tpu.memref_slice %arg4[%dma_wait3A_1014, %add3A_1013, %dma_wait3A_1021] : memref<4x4096x1024xf32, #tpu.memory_space<hbm>> -> memref<1x4x1024xf32, #tpu.memory_space<hbm>>
          %dma_wait3A_1023 = tpu.memref_squeeze %dma_wait3A_1022 : memref<1x4x1024xf32, #tpu.memory_space<hbm>> -> memref<4x1024xf32, #tpu.memory_space<hbm>>
          %dma_wait3A_1024 = arith.constant 16 : i32
          %dma_wait3A_1025 = arith.constant 0 : i32
          %dma_wait3A_1026 = tpu.memref_slice %arg6[%dma_wait3A_1024, %dma_wait3A_1025] : memref<64x1024xf32, #tpu.memory_space<vmem>> -> memref<4x1024xf32, #tpu.memory_space<vmem>>
          tpu.wait_dma2 semaphore(%arg12 : memref<!tpu.dma_semaphore, #tpu.memory_space<semaphore_mem>>) src(%dma_wait3A_1026 : memref<4x1024xf32, #tpu.memory_space<vmem>>) dst(%dma_wait3A_1023 : memref<4x1024xf32, #tpu.memory_space<hbm>>)
          %dma_wait3A_1027 = arith.constant 1 : i32
          %dma_wait3A_1028 = arith.constant 20 : i32
          %dma_wait3A_1029 = arith.constant 0 : i32
          %dma_wait3A_1030 = tpu.memref_slice %arg6[%dma_wait3A_1028, %dma_wait3A_1029] : memref<64x1024xf32, #tpu.memory_space<vmem>> -> memref<4x1024xf32, #tpu.memory_space<vmem>>
          %dma_wait3A_1031 = arith.constant 0 : i32
          %dma_wait3A_1032 = tpu.memref_slice %arg4[%dma_wait3A_1027, %add3A_1013, %dma_wait3A_1031] : memref<4x4096x1024xf32, #tpu.memory_space<hbm>> -> memref<1x4x1024xf32, #tpu.memory_space<hbm>>
          %dma_wait3A_1033 = tpu.memref_squeeze %dma_wait3A_1032 : memref<1x4x1024xf32, #tpu.memory_space<hbm>> -> memref<4x1024xf32, #tpu.memory_space<hbm>>
          %dma_wait3A_1034 = arith.constant 0 : i32
          %dma_wait3A_1035 = tpu.memref_slice %arg4[%dma_wait3A_1027, %add3A_1013, %dma_wait3A_1034] : memref<4x4096x1024xf32, #tpu.memory_space<hbm>> -> memref<1x4x1024xf32, #tpu.memory_space<hbm>>
          %dma_wait3A_1036 = tpu.memref_squeeze %dma_wait3A_1035 : memref<1x4x1024xf32, #tpu.memory_space<hbm>> -> memref<4x1024xf32, #tpu.memory_space<hbm>>
          %dma_wait3A_1037 = arith.constant 20 : i32
          %dma_wait3A_1038 = arith.constant 0 : i32
          %dma_wait3A_1039 = tpu.memref_slice %arg6[%dma_wait3A_1037, %dma_wait3A_1038] : memref<64x1024xf32, #tpu.memory_space<vmem>> -> memref<4x1024xf32, #tpu.memory_space<vmem>>
          tpu.wait_dma2 semaphore(%arg12 : memref<!tpu.dma_semaphore, #tpu.memory_space<semaphore_mem>>) src(%dma_wait3A_1039 : memref<4x1024xf32, #tpu.memory_space<vmem>>) dst(%dma_wait3A_1036 : memref<4x1024xf32, #tpu.memory_space<hbm>>)
          %dma_wait3A_1040 = arith.constant 2 : i32
          %dma_wait3A_1041 = arith.constant 24 : i32
          %dma_wait3A_1042 = arith.constant 0 : i32
          %dma_wait3A_1043 = tpu.memref_slice %arg6[%dma_wait3A_1041, %dma_wait3A_1042] : memref<64x1024xf32, #tpu.memory_space<vmem>> -> memref<4x1024xf32, #tpu.memory_space<vmem>>
          %dma_wait3A_1044 = arith.constant 0 : i32
          %dma_wait3A_1045 = tpu.memref_slice %arg4[%dma_wait3A_1040, %add3A_1013, %dma_wait3A_1044] : memref<4x4096x1024xf32, #tpu.memory_space<hbm>> -> memref<1x4x1024xf32, #tpu.memory_space<hbm>>
          %dma_wait3A_1046 = tpu.memref_squeeze %dma_wait3A_1045 : memref<1x4x1024xf32, #tpu.memory_space<hbm>> -> memref<4x1024xf32, #tpu.memory_space<hbm>>
          %dma_wait3A_1047 = arith.constant 0 : i32
          %dma_wait3A_1048 = tpu.memref_slice %arg4[%dma_wait3A_1040, %add3A_1013, %dma_wait3A_1047] : memref<4x4096x1024xf32, #tpu.memory_space<hbm>> -> memref<1x4x1024xf32, #tpu.memory_space<hbm>>
          %dma_wait3A_1049 = tpu.memref_squeeze %dma_wait3A_1048 : memref<1x4x1024xf32, #tpu.memory_space<hbm>> -> memref<4x1024xf32, #tpu.memory_space<hbm>>
          %dma_wait3A_1050 = arith.constant 24 : i32
          %dma_wait3A_1051 = arith.constant 0 : i32
          %dma_wait3A_1052 = tpu.memref_slice %arg6[%dma_wait3A_1050, %dma_wait3A_1051] : memref<64x1024xf32, #tpu.memory_space<vmem>> -> memref<4x1024xf32, #tpu.memory_space<vmem>>
          tpu.wait_dma2 semaphore(%arg12 : memref<!tpu.dma_semaphore, #tpu.memory_space<semaphore_mem>>) src(%dma_wait3A_1052 : memref<4x1024xf32, #tpu.memory_space<vmem>>) dst(%dma_wait3A_1049 : memref<4x1024xf32, #tpu.memory_space<hbm>>)
          %dma_wait3A_1053 = arith.constant 3 : i32
          %dma_wait3A_1054 = arith.constant 28 : i32
          %dma_wait3A_1055 = arith.constant 0 : i32
          %dma_wait3A_1056 = tpu.memref_slice %arg6[%dma_wait3A_1054, %dma_wait3A_1055] : memref<64x1024xf32, #tpu.memory_space<vmem>> -> memref<4x1024xf32, #tpu.memory_space<vmem>>
          %dma_wait3A_1057 = arith.constant 0 : i32
          %dma_wait3A_1058 = tpu.memref_slice %arg4[%dma_wait3A_1053, %add3A_1013, %dma_wait3A_1057] : memref<4x4096x1024xf32, #tpu.memory_space<hbm>> -> memref<1x4x1024xf32, #tpu.memory_space<hbm>>
          %dma_wait3A_1059 = tpu.memref_squeeze %dma_wait3A_1058 : memref<1x4x1024xf32, #tpu.memory_space<hbm>> -> memref<4x1024xf32, #tpu.memory_space<hbm>>
          %dma_wait3A_1060 = arith.constant 0 : i32
          %dma_wait3A_1061 = tpu.memref_slice %arg4[%dma_wait3A_1053, %add3A_1013, %dma_wait3A_1060] : memref<4x4096x1024xf32, #tpu.memory_space<hbm>> -> memref<1x4x1024xf32, #tpu.memory_space<hbm>>
          %dma_wait3A_1062 = tpu.memref_squeeze %dma_wait3A_1061 : memref<1x4x1024xf32, #tpu.memory_space<hbm>> -> memref<4x1024xf32, #tpu.memory_space<hbm>>
          %dma_wait3A_1063 = arith.constant 28 : i32
          %dma_wait3A_1064 = arith.constant 0 : i32
          %dma_wait3A_1065 = tpu.memref_slice %arg6[%dma_wait3A_1063, %dma_wait3A_1064] : memref<64x1024xf32, #tpu.memory_space<vmem>> -> memref<4x1024xf32, #tpu.memory_space<vmem>>
          tpu.wait_dma2 semaphore(%arg12 : memref<!tpu.dma_semaphore, #tpu.memory_space<semaphore_mem>>) src(%dma_wait3A_1065 : memref<4x1024xf32, #tpu.memory_space<vmem>>) dst(%dma_wait3A_1062 : memref<4x1024xf32, #tpu.memory_space<hbm>>)
        } else {
        }
        %mul3A_945 = arith.constant 4 : i32
        %mul3A_946 = arith.muli %add3A_803, %mul3A_945 : i32
        %add3A_947 = arith.addi %mul3A_2, %mul3A_946 : i32
        %dma_start3A_948 = arith.constant 4 : i32
        %dma_start3A_949 = arith.constant 0 : i32
        %dma_start3A_950 = tpu.memref_slice %arg5[%dma_start3A_948, %dma_start3A_949] : memref<16x1024xf32, #tpu.memory_space<vmem>> -> memref<4x1024xf32, #tpu.memory_space<vmem>>
        %dma_start3A_951 = arith.constant 0 : i32
        %dma_start3A_952 = tpu.memref_slice %arg3[%add3A_947, %dma_start3A_951] : memref<8192x1024xf32, #tpu.memory_space<hbm>> -> memref<4x1024xf32, #tpu.memory_space<hbm>>
        %dma_start3A_953 = arith.constant 4 : i32
        %dma_start3A_954 = arith.constant 0 : i32
        %dma_start3A_955 = tpu.memref_slice %arg5[%dma_start3A_953, %dma_start3A_954] : memref<16x1024xf32, #tpu.memory_space<vmem>> -> memref<4x1024xf32, #tpu.memory_space<vmem>>
        %dma_start3A_956 = arith.constant 0 : i32
        %dma_start3A_957 = tpu.memref_slice %arg3[%add3A_947, %dma_start3A_956] : memref<8192x1024xf32, #tpu.memory_space<hbm>> -> memref<4x1024xf32, #tpu.memory_space<hbm>>
        tpu.enqueue_dma source(%dma_start3A_957 : memref<4x1024xf32, #tpu.memory_space<hbm>>) target(%dma_start3A_955 : memref<4x1024xf32, #tpu.memory_space<vmem>>) target_semaphore(%arg8 : memref<!tpu.dma_semaphore, #tpu.memory_space<semaphore_mem>>)
        %dma_start3A_958 = arith.constant 0 : i32
        %dma_start3A_959 = arith.constant 16 : i32
        %dma_start3A_960 = arith.constant 0 : i32
        %dma_start3A_961 = tpu.memref_slice %arg6[%dma_start3A_959, %dma_start3A_960] : memref<64x1024xf32, #tpu.memory_space<vmem>> -> memref<4x1024xf32, #tpu.memory_space<vmem>>
        %dma_start3A_962 = arith.constant 0 : i32
        %dma_start3A_963 = tpu.memref_slice %arg2[%dma_start3A_958, %add3A_947, %dma_start3A_962] : memref<4x4096x1024xf32, #tpu.memory_space<hbm>> -> memref<1x4x1024xf32, #tpu.memory_space<hbm>>
        %dma_start3A_964 = tpu.memref_squeeze %dma_start3A_963 : memref<1x4x1024xf32, #tpu.memory_space<hbm>> -> memref<4x1024xf32, #tpu.memory_space<hbm>>
        %dma_start3A_965 = arith.constant 16 : i32
        %dma_start3A_966 = arith.constant 0 : i32
        %dma_start3A_967 = tpu.memref_slice %arg6[%dma_start3A_965, %dma_start3A_966] : memref<64x1024xf32, #tpu.memory_space<vmem>> -> memref<4x1024xf32, #tpu.memory_space<vmem>>
        %dma_start3A_968 = arith.constant 0 : i32
        %dma_start3A_969 = tpu.memref_slice %arg2[%dma_start3A_958, %add3A_947, %dma_start3A_968] : memref<4x4096x1024xf32, #tpu.memory_space<hbm>> -> memref<1x4x1024xf32, #tpu.memory_space<hbm>>
        %dma_start3A_970 = tpu.memref_squeeze %dma_start3A_969 : memref<1x4x1024xf32, #tpu.memory_space<hbm>> -> memref<4x1024xf32, #tpu.memory_space<hbm>>
        tpu.enqueue_dma source(%dma_start3A_970 : memref<4x1024xf32, #tpu.memory_space<hbm>>) target(%dma_start3A_967 : memref<4x1024xf32, #tpu.memory_space<vmem>>) target_semaphore(%arg8 : memref<!tpu.dma_semaphore, #tpu.memory_space<semaphore_mem>>)
        %dma_start3A_971 = arith.constant 1 : i32
        %dma_start3A_972 = arith.constant 20 : i32
        %dma_start3A_973 = arith.constant 0 : i32
        %dma_start3A_974 = tpu.memref_slice %arg6[%dma_start3A_972, %dma_start3A_973] : memref<64x1024xf32, #tpu.memory_space<vmem>> -> memref<4x1024xf32, #tpu.memory_space<vmem>>
        %dma_start3A_975 = arith.constant 0 : i32
        %dma_start3A_976 = tpu.memref_slice %arg2[%dma_start3A_971, %add3A_947, %dma_start3A_975] : memref<4x4096x1024xf32, #tpu.memory_space<hbm>> -> memref<1x4x1024xf32, #tpu.memory_space<hbm>>
        %dma_start3A_977 = tpu.memref_squeeze %dma_start3A_976 : memref<1x4x1024xf32, #tpu.memory_space<hbm>> -> memref<4x1024xf32, #tpu.memory_space<hbm>>
        %dma_start3A_978 = arith.constant 20 : i32
        %dma_start3A_979 = arith.constant 0 : i32
        %dma_start3A_980 = tpu.memref_slice %arg6[%dma_start3A_978, %dma_start3A_979] : memref<64x1024xf32, #tpu.memory_space<vmem>> -> memref<4x1024xf32, #tpu.memory_space<vmem>>
        %dma_start3A_981 = arith.constant 0 : i32
        %dma_start3A_982 = tpu.memref_slice %arg2[%dma_start3A_971, %add3A_947, %dma_start3A_981] : memref<4x4096x1024xf32, #tpu.memory_space<hbm>> -> memref<1x4x1024xf32, #tpu.memory_space<hbm>>
        %dma_start3A_983 = tpu.memref_squeeze %dma_start3A_982 : memref<1x4x1024xf32, #tpu.memory_space<hbm>> -> memref<4x1024xf32, #tpu.memory_space<hbm>>
        tpu.enqueue_dma source(%dma_start3A_983 : memref<4x1024xf32, #tpu.memory_space<hbm>>) target(%dma_start3A_980 : memref<4x1024xf32, #tpu.memory_space<vmem>>) target_semaphore(%arg8 : memref<!tpu.dma_semaphore, #tpu.memory_space<semaphore_mem>>)
        %dma_start3A_984 = arith.constant 2 : i32
        %dma_start3A_985 = arith.constant 24 : i32
        %dma_start3A_986 = arith.constant 0 : i32
        %dma_start3A_987 = tpu.memref_slice %arg6[%dma_start3A_985, %dma_start3A_986] : memref<64x1024xf32, #tpu.memory_space<vmem>> -> memref<4x1024xf32, #tpu.memory_space<vmem>>
        %dma_start3A_988 = arith.constant 0 : i32
        %dma_start3A_989 = tpu.memref_slice %arg2[%dma_start3A_984, %add3A_947, %dma_start3A_988] : memref<4x4096x1024xf32, #tpu.memory_space<hbm>> -> memref<1x4x1024xf32, #tpu.memory_space<hbm>>
        %dma_start3A_990 = tpu.memref_squeeze %dma_start3A_989 : memref<1x4x1024xf32, #tpu.memory_space<hbm>> -> memref<4x1024xf32, #tpu.memory_space<hbm>>
        %dma_start3A_991 = arith.constant 24 : i32
        %dma_start3A_992 = arith.constant 0 : i32
        %dma_start3A_993 = tpu.memref_slice %arg6[%dma_start3A_991, %dma_start3A_992] : memref<64x1024xf32, #tpu.memory_space<vmem>> -> memref<4x1024xf32, #tpu.memory_space<vmem>>
        %dma_start3A_994 = arith.constant 0 : i32
        %dma_start3A_995 = tpu.memref_slice %arg2[%dma_start3A_984, %add3A_947, %dma_start3A_994] : memref<4x4096x1024xf32, #tpu.memory_space<hbm>> -> memref<1x4x1024xf32, #tpu.memory_space<hbm>>
        %dma_start3A_996 = tpu.memref_squeeze %dma_start3A_995 : memref<1x4x1024xf32, #tpu.memory_space<hbm>> -> memref<4x1024xf32, #tpu.memory_space<hbm>>
        tpu.enqueue_dma source(%dma_start3A_996 : memref<4x1024xf32, #tpu.memory_space<hbm>>) target(%dma_start3A_993 : memref<4x1024xf32, #tpu.memory_space<vmem>>) target_semaphore(%arg8 : memref<!tpu.dma_semaphore, #tpu.memory_space<semaphore_mem>>)
        %dma_start3A_997 = arith.constant 3 : i32
        %dma_start3A_998 = arith.constant 28 : i32
        %dma_start3A_999 = arith.constant 0 : i32
        %dma_start3A_1000 = tpu.memref_slice %arg6[%dma_start3A_998, %dma_start3A_999] : memref<64x1024xf32, #tpu.memory_space<vmem>> -> memref<4x1024xf32, #tpu.memory_space<vmem>>
        %dma_start3A_1001 = arith.constant 0 : i32
        %dma_start3A_1002 = tpu.memref_slice %arg2[%dma_start3A_997, %add3A_947, %dma_start3A_1001] : memref<4x4096x1024xf32, #tpu.memory_space<hbm>> -> memref<1x4x1024xf32, #tpu.memory_space<hbm>>
        %dma_start3A_1003 = tpu.memref_squeeze %dma_start3A_1002 : memref<1x4x1024xf32, #tpu.memory_space<hbm>> -> memref<4x1024xf32, #tpu.memory_space<hbm>>
        %dma_start3A_1004 = arith.constant 28 : i32
        %dma_start3A_1005 = arith.constant 0 : i32
        %dma_start3A_1006 = tpu.memref_slice %arg6[%dma_start3A_1004, %dma_start3A_1005] : memref<64x1024xf32, #tpu.memory_space<vmem>> -> memref<4x1024xf32, #tpu.memory_space<vmem>>
        %dma_start3A_1007 = arith.constant 0 : i32
        %dma_start3A_1008 = tpu.memref_slice %arg2[%dma_start3A_997, %add3A_947, %dma_start3A_1007] : memref<4x4096x1024xf32, #tpu.memory_space<hbm>> -> memref<1x4x1024xf32, #tpu.memory_space<hbm>>
        %dma_start3A_1009 = tpu.memref_squeeze %dma_start3A_1008 : memref<1x4x1024xf32, #tpu.memory_space<hbm>> -> memref<4x1024xf32, #tpu.memory_space<hbm>>
        tpu.enqueue_dma source(%dma_start3A_1009 : memref<4x1024xf32, #tpu.memory_space<hbm>>) target(%dma_start3A_1006 : memref<4x1024xf32, #tpu.memory_space<vmem>>) target_semaphore(%arg8 : memref<!tpu.dma_semaphore, #tpu.memory_space<semaphore_mem>>)
      } else {
      }
      %add3A_809 = arith.constant 3 : i32
      %add3A_810 = arith.addi %mul3A_416, %add3A_809 : i32
      %mul3A_811 = arith.constant 4 : i32
      %mul3A_812 = arith.muli %add3A_810, %mul3A_811 : i32
      %add3A_813 = arith.addi %mul3A_2, %mul3A_812 : i32
      %dma_wait3A_814 = arith.constant 12 : i32
      %dma_wait3A_815 = arith.constant 0 : i32
      %dma_wait3A_816 = tpu.memref_slice %arg5[%dma_wait3A_814, %dma_wait3A_815] : memref<16x1024xf32, #tpu.memory_space<vmem>> -> memref<4x1024xf32, #tpu.memory_space<vmem>>
      %dma_wait3A_817 = arith.constant 0 : i32
      %dma_wait3A_818 = tpu.memref_slice %arg3[%add3A_813, %dma_wait3A_817] : memref<8192x1024xf32, #tpu.memory_space<hbm>> -> memref<4x1024xf32, #tpu.memory_space<hbm>>
      %dma_wait3A_819 = arith.constant 12 : i32
      %dma_wait3A_820 = arith.constant 0 : i32
      %dma_wait3A_821 = tpu.memref_slice %arg5[%dma_wait3A_819, %dma_wait3A_820] : memref<16x1024xf32, #tpu.memory_space<vmem>> -> memref<4x1024xf32, #tpu.memory_space<vmem>>
      %dma_wait3A_822 = arith.constant 0 : i32
      %dma_wait3A_823 = tpu.memref_slice %arg3[%add3A_813, %dma_wait3A_822] : memref<8192x1024xf32, #tpu.memory_space<hbm>> -> memref<4x1024xf32, #tpu.memory_space<hbm>>
      tpu.wait_dma2 semaphore(%arg10 : memref<!tpu.dma_semaphore, #tpu.memory_space<semaphore_mem>>) src(%dma_wait3A_823 : memref<4x1024xf32, #tpu.memory_space<hbm>>) dst(%dma_wait3A_821 : memref<4x1024xf32, #tpu.memory_space<vmem>>)
      %dma_wait3A_824 = arith.constant 0 : i32
      %dma_wait3A_825 = arith.constant 48 : i32
      %dma_wait3A_826 = arith.constant 0 : i32
      %dma_wait3A_827 = tpu.memref_slice %arg6[%dma_wait3A_825, %dma_wait3A_826] : memref<64x1024xf32, #tpu.memory_space<vmem>> -> memref<4x1024xf32, #tpu.memory_space<vmem>>
      %dma_wait3A_828 = arith.constant 0 : i32
      %dma_wait3A_829 = tpu.memref_slice %arg2[%dma_wait3A_824, %add3A_813, %dma_wait3A_828] : memref<4x4096x1024xf32, #tpu.memory_space<hbm>> -> memref<1x4x1024xf32, #tpu.memory_space<hbm>>
      %dma_wait3A_830 = tpu.memref_squeeze %dma_wait3A_829 : memref<1x4x1024xf32, #tpu.memory_space<hbm>> -> memref<4x1024xf32, #tpu.memory_space<hbm>>
      %dma_wait3A_831 = arith.constant 48 : i32
      %dma_wait3A_832 = arith.constant 0 : i32
      %dma_wait3A_833 = tpu.memref_slice %arg6[%dma_wait3A_831, %dma_wait3A_832] : memref<64x1024xf32, #tpu.memory_space<vmem>> -> memref<4x1024xf32, #tpu.memory_space<vmem>>
      %dma_wait3A_834 = arith.constant 0 : i32
      %dma_wait3A_835 = tpu.memref_slice %arg2[%dma_wait3A_824, %add3A_813, %dma_wait3A_834] : memref<4x4096x1024xf32, #tpu.memory_space<hbm>> -> memref<1x4x1024xf32, #tpu.memory_space<hbm>>
      %dma_wait3A_836 = tpu.memref_squeeze %dma_wait3A_835 : memref<1x4x1024xf32, #tpu.memory_space<hbm>> -> memref<4x1024xf32, #tpu.memory_space<hbm>>
      tpu.wait_dma2 semaphore(%arg10 : memref<!tpu.dma_semaphore, #tpu.memory_space<semaphore_mem>>) src(%dma_wait3A_836 : memref<4x1024xf32, #tpu.memory_space<hbm>>) dst(%dma_wait3A_833 : memref<4x1024xf32, #tpu.memory_space<vmem>>)
      %dma_wait3A_837 = arith.constant 1 : i32
      %dma_wait3A_838 = arith.constant 52 : i32
      %dma_wait3A_839 = arith.constant 0 : i32
      %dma_wait3A_840 = tpu.memref_slice %arg6[%dma_wait3A_838, %dma_wait3A_839] : memref<64x1024xf32, #tpu.memory_space<vmem>> -> memref<4x1024xf32, #tpu.memory_space<vmem>>
      %dma_wait3A_841 = arith.constant 0 : i32
      %dma_wait3A_842 = tpu.memref_slice %arg2[%dma_wait3A_837, %add3A_813, %dma_wait3A_841] : memref<4x4096x1024xf32, #tpu.memory_space<hbm>> -> memref<1x4x1024xf32, #tpu.memory_space<hbm>>
      %dma_wait3A_843 = tpu.memref_squeeze %dma_wait3A_842 : memref<1x4x1024xf32, #tpu.memory_space<hbm>> -> memref<4x1024xf32, #tpu.memory_space<hbm>>
      %dma_wait3A_844 = arith.constant 52 : i32
      %dma_wait3A_845 = arith.constant 0 : i32
      %dma_wait3A_846 = tpu.memref_slice %arg6[%dma_wait3A_844, %dma_wait3A_845] : memref<64x1024xf32, #tpu.memory_space<vmem>> -> memref<4x1024xf32, #tpu.memory_space<vmem>>
      %dma_wait3A_847 = arith.constant 0 : i32
      %dma_wait3A_848 = tpu.memref_slice %arg2[%dma_wait3A_837, %add3A_813, %dma_wait3A_847] : memref<4x4096x1024xf32, #tpu.memory_space<hbm>> -> memref<1x4x1024xf32, #tpu.memory_space<hbm>>
      %dma_wait3A_849 = tpu.memref_squeeze %dma_wait3A_848 : memref<1x4x1024xf32, #tpu.memory_space<hbm>> -> memref<4x1024xf32, #tpu.memory_space<hbm>>
      tpu.wait_dma2 semaphore(%arg10 : memref<!tpu.dma_semaphore, #tpu.memory_space<semaphore_mem>>) src(%dma_wait3A_849 : memref<4x1024xf32, #tpu.memory_space<hbm>>) dst(%dma_wait3A_846 : memref<4x1024xf32, #tpu.memory_space<vmem>>)
      %dma_wait3A_850 = arith.constant 2 : i32
      %dma_wait3A_851 = arith.constant 56 : i32
      %dma_wait3A_852 = arith.constant 0 : i32
      %dma_wait3A_853 = tpu.memref_slice %arg6[%dma_wait3A_851, %dma_wait3A_852] : memref<64x1024xf32, #tpu.memory_space<vmem>> -> memref<4x1024xf32, #tpu.memory_space<vmem>>
      %dma_wait3A_854 = arith.constant 0 : i32
      %dma_wait3A_855 = tpu.memref_slice %arg2[%dma_wait3A_850, %add3A_813, %dma_wait3A_854] : memref<4x4096x1024xf32, #tpu.memory_space<hbm>> -> memref<1x4x1024xf32, #tpu.memory_space<hbm>>
      %dma_wait3A_856 = tpu.memref_squeeze %dma_wait3A_855 : memref<1x4x1024xf32, #tpu.memory_space<hbm>> -> memref<4x1024xf32, #tpu.memory_space<hbm>>
      %dma_wait3A_857 = arith.constant 56 : i32
      %dma_wait3A_858 = arith.constant 0 : i32
      %dma_wait3A_859 = tpu.memref_slice %arg6[%dma_wait3A_857, %dma_wait3A_858] : memref<64x1024xf32, #tpu.memory_space<vmem>> -> memref<4x1024xf32, #tpu.memory_space<vmem>>
      %dma_wait3A_860 = arith.constant 0 : i32
      %dma_wait3A_861 = tpu.memref_slice %arg2[%dma_wait3A_850, %add3A_813, %dma_wait3A_860] : memref<4x4096x1024xf32, #tpu.memory_space<hbm>> -> memref<1x4x1024xf32, #tpu.memory_space<hbm>>
      %dma_wait3A_862 = tpu.memref_squeeze %dma_wait3A_861 : memref<1x4x1024xf32, #tpu.memory_space<hbm>> -> memref<4x1024xf32, #tpu.memory_space<hbm>>
      tpu.wait_dma2 semaphore(%arg10 : memref<!tpu.dma_semaphore, #tpu.memory_space<semaphore_mem>>) src(%dma_wait3A_862 : memref<4x1024xf32, #tpu.memory_space<hbm>>) dst(%dma_wait3A_859 : memref<4x1024xf32, #tpu.memory_space<vmem>>)
      %dma_wait3A_863 = arith.constant 3 : i32
      %dma_wait3A_864 = arith.constant 60 : i32
      %dma_wait3A_865 = arith.constant 0 : i32
      %dma_wait3A_866 = tpu.memref_slice %arg6[%dma_wait3A_864, %dma_wait3A_865] : memref<64x1024xf32, #tpu.memory_space<vmem>> -> memref<4x1024xf32, #tpu.memory_space<vmem>>
      %dma_wait3A_867 = arith.constant 0 : i32
      %dma_wait3A_868 = tpu.memref_slice %arg2[%dma_wait3A_863, %add3A_813, %dma_wait3A_867] : memref<4x4096x1024xf32, #tpu.memory_space<hbm>> -> memref<1x4x1024xf32, #tpu.memory_space<hbm>>
      %dma_wait3A_869 = tpu.memref_squeeze %dma_wait3A_868 : memref<1x4x1024xf32, #tpu.memory_space<hbm>> -> memref<4x1024xf32, #tpu.memory_space<hbm>>
      %dma_wait3A_870 = arith.constant 60 : i32
      %dma_wait3A_871 = arith.constant 0 : i32
      %dma_wait3A_872 = tpu.memref_slice %arg6[%dma_wait3A_870, %dma_wait3A_871] : memref<64x1024xf32, #tpu.memory_space<vmem>> -> memref<4x1024xf32, #tpu.memory_space<vmem>>
      %dma_wait3A_873 = arith.constant 0 : i32
      %dma_wait3A_874 = tpu.memref_slice %arg2[%dma_wait3A_863, %add3A_813, %dma_wait3A_873] : memref<4x4096x1024xf32, #tpu.memory_space<hbm>> -> memref<1x4x1024xf32, #tpu.memory_space<hbm>>
      %dma_wait3A_875 = tpu.memref_squeeze %dma_wait3A_874 : memref<1x4x1024xf32, #tpu.memory_space<hbm>> -> memref<4x1024xf32, #tpu.memory_space<hbm>>
      tpu.wait_dma2 semaphore(%arg10 : memref<!tpu.dma_semaphore, #tpu.memory_space<semaphore_mem>>) src(%dma_wait3A_875 : memref<4x1024xf32, #tpu.memory_space<hbm>>) dst(%dma_wait3A_872 : memref<4x1024xf32, #tpu.memory_space<vmem>>)
      %parallel_loop3A_876 = arith.constant 0 : i32
      %parallel_loop3A_877 = arith.constant 256 : i32
      %parallel_loop3A_878 = arith.constant 1 : i32
      scf.for %parallel_loop3A_941 = %parallel_loop3A_876 to %parallel_loop3A_877 step %parallel_loop3A_878  : i32 {
        %parallel_loop3A_942 = arith.constant 64 : i32
        %parallel_loop3A_943 = arith.divsi %parallel_loop3A_941, %parallel_loop3A_942 : i32
        %parallel_loop3A_944 = arith.constant 0 : i32
        %parallel_loop3A_945 = arith.cmpi sgt, %parallel_loop3A_941, %parallel_loop3A_944 : i32
        %parallel_loop3A_946 = arith.extui %parallel_loop3A_945 : i1 to i32
        %parallel_loop3A_947 = arith.constant 0 : i32
        %parallel_loop3A_948 = arith.cmpi slt, %parallel_loop3A_941, %parallel_loop3A_947 : i32
        %parallel_loop3A_949 = arith.extui %parallel_loop3A_948 : i1 to i32
        %parallel_loop3A_950 = arith.subi %parallel_loop3A_946, %parallel_loop3A_949 : i32
        %parallel_loop3A_951 = arith.constant 0 : i32
        %parallel_loop3A_952 = arith.cmpi sgt, %parallel_loop3A_942, %parallel_loop3A_951 : i32
        %parallel_loop3A_953 = arith.extui %parallel_loop3A_952 : i1 to i32
        %parallel_loop3A_954 = arith.constant 0 : i32
        %parallel_loop3A_955 = arith.cmpi slt, %parallel_loop3A_942, %parallel_loop3A_954 : i32
        %parallel_loop3A_956 = arith.extui %parallel_loop3A_955 : i1 to i32
        %parallel_loop3A_957 = arith.subi %parallel_loop3A_953, %parallel_loop3A_956 : i32
        %parallel_loop3A_958 = arith.cmpi ne, %parallel_loop3A_950, %parallel_loop3A_957 : i32
        %parallel_loop3A_959 = arith.remsi %parallel_loop3A_941, %parallel_loop3A_942 : i32
        %parallel_loop3A_960 = arith.constant 0 : i32
        %parallel_loop3A_961 = arith.cmpi ne, %parallel_loop3A_959, %parallel_loop3A_960 : i32
        %parallel_loop3A_962 = arith.andi %parallel_loop3A_958, %parallel_loop3A_961 : i1
        %parallel_loop3A_963 = arith.constant 1 : i32
        %parallel_loop3A_964 = arith.subi %parallel_loop3A_943, %parallel_loop3A_963 : i32
        %parallel_loop3A_965 = arith.select %parallel_loop3A_962, %parallel_loop3A_964, %parallel_loop3A_943 : i32
        %parallel_loop3A_966 = arith.constant 64 : i32
        %parallel_loop3A_967 = arith.constant 0 : i32
        %parallel_loop3A_968 = arith.cmpi eq, %parallel_loop3A_966, %parallel_loop3A_967 : i32
        %parallel_loop3A_969 = arith.constant 1 : i32
        %parallel_loop3A_970 = arith.select %parallel_loop3A_968, %parallel_loop3A_969, %parallel_loop3A_966 : i32
        %parallel_loop3A_971 = arith.remsi %parallel_loop3A_941, %parallel_loop3A_970 : i32
        %parallel_loop3A_972 = arith.constant 0 : i32
        %parallel_loop3A_973 = arith.cmpi ne, %parallel_loop3A_971, %parallel_loop3A_972 : i32
        %parallel_loop3A_974 = arith.constant 0 : i32
        %parallel_loop3A_975 = arith.cmpi slt, %parallel_loop3A_971, %parallel_loop3A_974 : i32
        %parallel_loop3A_976 = arith.constant 0 : i32
        %parallel_loop3A_977 = arith.cmpi slt, %parallel_loop3A_970, %parallel_loop3A_976 : i32
        %parallel_loop3A_978 = arith.xori %parallel_loop3A_975, %parallel_loop3A_977 : i1
        %parallel_loop3A_979 = arith.andi %parallel_loop3A_978, %parallel_loop3A_973 : i1
        %parallel_loop3A_980 = arith.addi %parallel_loop3A_971, %parallel_loop3A_970 : i32
        %parallel_loop3A_981 = arith.select %parallel_loop3A_979, %parallel_loop3A_980, %parallel_loop3A_971 : i32
        %parallel_loop3A_982 = arith.constant 16 : i32
        %parallel_loop3A_983 = arith.muli %parallel_loop3A_981, %parallel_loop3A_982 : i32
        %parallel_loop3A_984 = arith.constant 12 : i32
        %parallel_loop3A_985 = arith.addi %parallel_loop3A_984, %parallel_loop3A_965 : i32
        %parallel_loop3A_986 = arith.index_cast %parallel_loop3A_985 : i32 to index
        %parallel_loop3A_987 = arith.index_cast %parallel_loop3A_983 : i32 to index
        %parallel_loop3A_988 = tpu.vector_load %arg5[%parallel_loop3A_986, %parallel_loop3A_987] {strides = array<i32>} : memref<16x1024xf32, #tpu.memory_space<vmem>>, vector<1x16xf32>,
        %parallel_loop3A_989 = vector.shape_cast %parallel_loop3A_988 : vector<1x16xf32> to vector<16xf32>
        %parallel_loop3A_990 = arith.constant 48 : i32
        %parallel_loop3A_991 = arith.addi %parallel_loop3A_990, %parallel_loop3A_965 : i32
        %parallel_loop3A_992 = arith.index_cast %parallel_loop3A_991 : i32 to index
        %parallel_loop3A_993 = arith.index_cast %parallel_loop3A_983 : i32 to index
        %parallel_loop3A_994 = tpu.vector_load %arg6[%parallel_loop3A_992, %parallel_loop3A_993] {strides = array<i32>} : memref<64x1024xf32, #tpu.memory_space<vmem>>, vector<1x16xf32>,
        %parallel_loop3A_995 = vector.shape_cast %parallel_loop3A_994 : vector<1x16xf32> to vector<16xf32>
        %parallel_loop3A_996 = vector.shape_cast %parallel_loop3A_989 : vector<16xf32> to vector<1x16xf32>
        tpu.vector_store %arg6[%parallel_loop3A_992, %parallel_loop3A_993], %parallel_loop3A_996 {add = true, strides = array<i32>} : memref<64x1024xf32, #tpu.memory_space<vmem>>, vector<1x16xf32>,
        %parallel_loop3A_997 = arith.constant 52 : i32
        %parallel_loop3A_998 = arith.addi %parallel_loop3A_997, %parallel_loop3A_965 : i32
        %parallel_loop3A_999 = arith.index_cast %parallel_loop3A_998 : i32 to index
        %parallel_loop3A_1000 = arith.index_cast %parallel_loop3A_983 : i32 to index
        %parallel_loop3A_1001 = tpu.vector_load %arg6[%parallel_loop3A_999, %parallel_loop3A_1000] {strides = array<i32>} : memref<64x1024xf32, #tpu.memory_space<vmem>>, vector<1x16xf32>,
        %parallel_loop3A_1002 = vector.shape_cast %parallel_loop3A_1001 : vector<1x16xf32> to vector<16xf32>
        %parallel_loop3A_1003 = vector.shape_cast %parallel_loop3A_989 : vector<16xf32> to vector<1x16xf32>
        tpu.vector_store %arg6[%parallel_loop3A_999, %parallel_loop3A_1000], %parallel_loop3A_1003 {add = true, strides = array<i32>} : memref<64x1024xf32, #tpu.memory_space<vmem>>, vector<1x16xf32>,
        %parallel_loop3A_1004 = arith.constant 56 : i32
        %parallel_loop3A_1005 = arith.addi %parallel_loop3A_1004, %parallel_loop3A_965 : i32
        %parallel_loop3A_1006 = arith.index_cast %parallel_loop3A_1005 : i32 to index
        %parallel_loop3A_1007 = arith.index_cast %parallel_loop3A_983 : i32 to index
        %parallel_loop3A_1008 = tpu.vector_load %arg6[%parallel_loop3A_1006, %parallel_loop3A_1007] {strides = array<i32>} : memref<64x1024xf32, #tpu.memory_space<vmem>>, vector<1x16xf32>,
        %parallel_loop3A_1009 = vector.shape_cast %parallel_loop3A_1008 : vector<1x16xf32> to vector<16xf32>
        %parallel_loop3A_1010 = vector.shape_cast %parallel_loop3A_989 : vector<16xf32> to vector<1x16xf32>
        tpu.vector_store %arg6[%parallel_loop3A_1006, %parallel_loop3A_1007], %parallel_loop3A_1010 {add = true, strides = array<i32>} : memref<64x1024xf32, #tpu.memory_space<vmem>>, vector<1x16xf32>,
        %parallel_loop3A_1011 = arith.constant 60 : i32
        %parallel_loop3A_1012 = arith.addi %parallel_loop3A_1011, %parallel_loop3A_965 : i32
        %parallel_loop3A_1013 = arith.index_cast %parallel_loop3A_1012 : i32 to index
        %parallel_loop3A_1014 = arith.index_cast %parallel_loop3A_983 : i32 to index
        %parallel_loop3A_1015 = tpu.vector_load %arg6[%parallel_loop3A_1013, %parallel_loop3A_1014] {strides = array<i32>} : memref<64x1024xf32, #tpu.memory_space<vmem>>, vector<1x16xf32>,
        %parallel_loop3A_1016 = vector.shape_cast %parallel_loop3A_1015 : vector<1x16xf32> to vector<16xf32>
        %parallel_loop3A_1017 = vector.shape_cast %parallel_loop3A_989 : vector<16xf32> to vector<1x16xf32>
        tpu.vector_store %arg6[%parallel_loop3A_1013, %parallel_loop3A_1014], %parallel_loop3A_1017 {add = true, strides = array<i32>} : memref<64x1024xf32, #tpu.memory_space<vmem>>, vector<1x16xf32>,
      } {sc.loop_unroll_factor = 4 : i64, sc.parallel_access}
      %mul3A_879 = arith.constant 4 : i32
      %mul3A_880 = arith.muli %add3A_810, %mul3A_879 : i32
      %add3A_881 = arith.addi %mul3A_2, %mul3A_880 : i32
      %dma_start3A_882 = arith.constant 0 : i32
      %dma_start3A_883 = arith.constant 48 : i32
      %dma_start3A_884 = arith.constant 0 : i32
      %dma_start3A_885 = tpu.memref_slice %arg6[%dma_start3A_883, %dma_start3A_884] : memref<64x1024xf32, #tpu.memory_space<vmem>> -> memref<4x1024xf32, #tpu.memory_space<vmem>>
      %dma_start3A_886 = arith.constant 0 : i32
      %dma_start3A_887 = tpu.memref_slice %arg4[%dma_start3A_882, %add3A_881, %dma_start3A_886] : memref<4x4096x1024xf32, #tpu.memory_space<hbm>> -> memref<1x4x1024xf32, #tpu.memory_space<hbm>>
      %dma_start3A_888 = tpu.memref_squeeze %dma_start3A_887 : memref<1x4x1024xf32, #tpu.memory_space<hbm>> -> memref<4x1024xf32, #tpu.memory_space<hbm>>
      %dma_start3A_889 = arith.constant 0 : i32
      %dma_start3A_890 = tpu.memref_slice %arg4[%dma_start3A_882, %add3A_881, %dma_start3A_889] : memref<4x4096x1024xf32, #tpu.memory_space<hbm>> -> memref<1x4x1024xf32, #tpu.memory_space<hbm>>
      %dma_start3A_891 = tpu.memref_squeeze %dma_start3A_890 : memref<1x4x1024xf32, #tpu.memory_space<hbm>> -> memref<4x1024xf32, #tpu.memory_space<hbm>>
      %dma_start3A_892 = arith.constant 48 : i32
      %dma_start3A_893 = arith.constant 0 : i32
      %dma_start3A_894 = tpu.memref_slice %arg6[%dma_start3A_892, %dma_start3A_893] : memref<64x1024xf32, #tpu.memory_space<vmem>> -> memref<4x1024xf32, #tpu.memory_space<vmem>>
      tpu.enqueue_dma source(%dma_start3A_894 : memref<4x1024xf32, #tpu.memory_space<vmem>>) target(%dma_start3A_891 : memref<4x1024xf32, #tpu.memory_space<hbm>>) target_semaphore(%arg14 : memref<!tpu.dma_semaphore, #tpu.memory_space<semaphore_mem>>)
      %dma_start3A_895 = arith.constant 1 : i32
      %dma_start3A_896 = arith.constant 52 : i32
      %dma_start3A_897 = arith.constant 0 : i32
      %dma_start3A_898 = tpu.memref_slice %arg6[%dma_start3A_896, %dma_start3A_897] : memref<64x1024xf32, #tpu.memory_space<vmem>> -> memref<4x1024xf32, #tpu.memory_space<vmem>>
      %dma_start3A_899 = arith.constant 0 : i32
      %dma_start3A_900 = tpu.memref_slice %arg4[%dma_start3A_895, %add3A_881, %dma_start3A_899] : memref<4x4096x1024xf32, #tpu.memory_space<hbm>> -> memref<1x4x1024xf32, #tpu.memory_space<hbm>>
      %dma_start3A_901 = tpu.memref_squeeze %dma_start3A_900 : memref<1x4x1024xf32, #tpu.memory_space<hbm>> -> memref<4x1024xf32, #tpu.memory_space<hbm>>
      %dma_start3A_902 = arith.constant 0 : i32
      %dma_start3A_903 = tpu.memref_slice %arg4[%dma_start3A_895, %add3A_881, %dma_start3A_902] : memref<4x4096x1024xf32, #tpu.memory_space<hbm>> -> memref<1x4x1024xf32, #tpu.memory_space<hbm>>
      %dma_start3A_904 = tpu.memref_squeeze %dma_start3A_903 : memref<1x4x1024xf32, #tpu.memory_space<hbm>> -> memref<4x1024xf32, #tpu.memory_space<hbm>>
      %dma_start3A_905 = arith.constant 52 : i32
      %dma_start3A_906 = arith.constant 0 : i32
      %dma_start3A_907 = tpu.memref_slice %arg6[%dma_start3A_905, %dma_start3A_906] : memref<64x1024xf32, #tpu.memory_space<vmem>> -> memref<4x1024xf32, #tpu.memory_space<vmem>>
      tpu.enqueue_dma source(%dma_start3A_907 : memref<4x1024xf32, #tpu.memory_space<vmem>>) target(%dma_start3A_904 : memref<4x1024xf32, #tpu.memory_space<hbm>>) target_semaphore(%arg14 : memref<!tpu.dma_semaphore, #tpu.memory_space<semaphore_mem>>)
      %dma_start3A_908 = arith.constant 2 : i32
      %dma_start3A_909 = arith.constant 56 : i32
      %dma_start3A_910 = arith.constant 0 : i32
      %dma_start3A_911 = tpu.memref_slice %arg6[%dma_start3A_909, %dma_start3A_910] : memref<64x1024xf32, #tpu.memory_space<vmem>> -> memref<4x1024xf32, #tpu.memory_space<vmem>>
      %dma_start3A_912 = arith.constant 0 : i32
      %dma_start3A_913 = tpu.memref_slice %arg4[%dma_start3A_908, %add3A_881, %dma_start3A_912] : memref<4x4096x1024xf32, #tpu.memory_space<hbm>> -> memref<1x4x1024xf32, #tpu.memory_space<hbm>>
      %dma_start3A_914 = tpu.memref_squeeze %dma_start3A_913 : memref<1x4x1024xf32, #tpu.memory_space<hbm>> -> memref<4x1024xf32, #tpu.memory_space<hbm>>
      %dma_start3A_915 = arith.constant 0 : i32
      %dma_start3A_916 = tpu.memref_slice %arg4[%dma_start3A_908, %add3A_881, %dma_start3A_915] : memref<4x4096x1024xf32, #tpu.memory_space<hbm>> -> memref<1x4x1024xf32, #tpu.memory_space<hbm>>
      %dma_start3A_917 = tpu.memref_squeeze %dma_start3A_916 : memref<1x4x1024xf32, #tpu.memory_space<hbm>> -> memref<4x1024xf32, #tpu.memory_space<hbm>>
      %dma_start3A_918 = arith.constant 56 : i32
      %dma_start3A_919 = arith.constant 0 : i32
      %dma_start3A_920 = tpu.memref_slice %arg6[%dma_start3A_918, %dma_start3A_919] : memref<64x1024xf32, #tpu.memory_space<vmem>> -> memref<4x1024xf32, #tpu.memory_space<vmem>>
      tpu.enqueue_dma source(%dma_start3A_920 : memref<4x1024xf32, #tpu.memory_space<vmem>>) target(%dma_start3A_917 : memref<4x1024xf32, #tpu.memory_space<hbm>>) target_semaphore(%arg14 : memref<!tpu.dma_semaphore, #tpu.memory_space<semaphore_mem>>)
      %dma_start3A_921 = arith.constant 3 : i32
      %dma_start3A_922 = arith.constant 60 : i32
      %dma_start3A_923 = arith.constant 0 : i32
      %dma_start3A_924 = tpu.memref_slice %arg6[%dma_start3A_922, %dma_start3A_923] : memref<64x1024xf32, #tpu.memory_space<vmem>> -> memref<4x1024xf32, #tpu.memory_space<vmem>>
      %dma_start3A_925 = arith.constant 0 : i32
      %dma_start3A_926 = tpu.memref_slice %arg4[%dma_start3A_921, %add3A_881, %dma_start3A_925] : memref<4x4096x1024xf32, #tpu.memory_space<hbm>> -> memref<1x4x1024xf32, #tpu.memory_space<hbm>>
      %dma_start3A_927 = tpu.memref_squeeze %dma_start3A_926 : memref<1x4x1024xf32, #tpu.memory_space<hbm>> -> memref<4x1024xf32, #tpu.memory_space<hbm>>
      %dma_start3A_928 = arith.constant 0 : i32
      %dma_start3A_929 = tpu.memref_slice %arg4[%dma_start3A_921, %add3A_881, %dma_start3A_928] : memref<4x4096x1024xf32, #tpu.memory_space<hbm>> -> memref<1x4x1024xf32, #tpu.memory_space<hbm>>
      %dma_start3A_930 = tpu.memref_squeeze %dma_start3A_929 : memref<1x4x1024xf32, #tpu.memory_space<hbm>> -> memref<4x1024xf32, #tpu.memory_space<hbm>>
      %dma_start3A_931 = arith.constant 60 : i32
      %dma_start3A_932 = arith.constant 0 : i32
      %dma_start3A_933 = tpu.memref_slice %arg6[%dma_start3A_931, %dma_start3A_932] : memref<64x1024xf32, #tpu.memory_space<vmem>> -> memref<4x1024xf32, #tpu.memory_space<vmem>>
      tpu.enqueue_dma source(%dma_start3A_933 : memref<4x1024xf32, #tpu.memory_space<vmem>>) target(%dma_start3A_930 : memref<4x1024xf32, #tpu.memory_space<hbm>>) target_semaphore(%arg14 : memref<!tpu.dma_semaphore, #tpu.memory_space<semaphore_mem>>)
      %add3A_934 = arith.constant 3 : i32
      %add3A_935 = arith.addi %add3A_810, %add3A_934 : i32
      %lt3A_936 = arith.constant 32 : i32
      %lt3A_937 = arith.cmpi slt, %add3A_935, %lt3A_936 : i32
      %convert_element_type3A_938 = arith.extui %lt3A_937 : i1 to i32
      %cond3A_939 = arith.constant 0 : i32
      %cond3A_940 = arith.cmpi ne, %convert_element_type3A_938, %cond3A_939 : i32
      scf.if %cond3A_940 {
        %ge3A = arith.constant 4 : i32
        %ge3A_941 = arith.cmpi sge, %add3A_935, %ge3A : i32
        %convert_element_type3A_942 = arith.extui %ge3A_941 : i1 to i32
        %cond3A_943 = arith.constant 0 : i32
        %cond3A_944 = arith.cmpi ne, %convert_element_type3A_942, %cond3A_943 : i32
        scf.if %cond3A_944 {
          %sub3A = arith.constant 4 : i32
          %sub3A_1010 = arith.subi %add3A_935, %sub3A : i32
          %mul3A_1011 = arith.constant 4 : i32
          %mul3A_1012 = arith.muli %sub3A_1010, %mul3A_1011 : i32
          %add3A_1013 = arith.addi %mul3A_2, %mul3A_1012 : i32
          %dma_wait3A_1014 = arith.constant 0 : i32
          %dma_wait3A_1015 = arith.constant 32 : i32
          %dma_wait3A_1016 = arith.constant 0 : i32
          %dma_wait3A_1017 = tpu.memref_slice %arg6[%dma_wait3A_1015, %dma_wait3A_1016] : memref<64x1024xf32, #tpu.memory_space<vmem>> -> memref<4x1024xf32, #tpu.memory_space<vmem>>
          %dma_wait3A_1018 = arith.constant 0 : i32
          %dma_wait3A_1019 = tpu.memref_slice %arg4[%dma_wait3A_1014, %add3A_1013, %dma_wait3A_1018] : memref<4x4096x1024xf32, #tpu.memory_space<hbm>> -> memref<1x4x1024xf32, #tpu.memory_space<hbm>>
          %dma_wait3A_1020 = tpu.memref_squeeze %dma_wait3A_1019 : memref<1x4x1024xf32, #tpu.memory_space<hbm>> -> memref<4x1024xf32, #tpu.memory_space<hbm>>
          %dma_wait3A_1021 = arith.constant 0 : i32
          %dma_wait3A_1022 = tpu.memref_slice %arg4[%dma_wait3A_1014, %add3A_1013, %dma_wait3A_1021] : memref<4x4096x1024xf32, #tpu.memory_space<hbm>> -> memref<1x4x1024xf32, #tpu.memory_space<hbm>>
          %dma_wait3A_1023 = tpu.memref_squeeze %dma_wait3A_1022 : memref<1x4x1024xf32, #tpu.memory_space<hbm>> -> memref<4x1024xf32, #tpu.memory_space<hbm>>
          %dma_wait3A_1024 = arith.constant 32 : i32
          %dma_wait3A_1025 = arith.constant 0 : i32
          %dma_wait3A_1026 = tpu.memref_slice %arg6[%dma_wait3A_1024, %dma_wait3A_1025] : memref<64x1024xf32, #tpu.memory_space<vmem>> -> memref<4x1024xf32, #tpu.memory_space<vmem>>
          tpu.wait_dma2 semaphore(%arg13 : memref<!tpu.dma_semaphore, #tpu.memory_space<semaphore_mem>>) src(%dma_wait3A_1026 : memref<4x1024xf32, #tpu.memory_space<vmem>>) dst(%dma_wait3A_1023 : memref<4x1024xf32, #tpu.memory_space<hbm>>)
          %dma_wait3A_1027 = arith.constant 1 : i32
          %dma_wait3A_1028 = arith.constant 36 : i32
          %dma_wait3A_1029 = arith.constant 0 : i32
          %dma_wait3A_1030 = tpu.memref_slice %arg6[%dma_wait3A_1028, %dma_wait3A_1029] : memref<64x1024xf32, #tpu.memory_space<vmem>> -> memref<4x1024xf32, #tpu.memory_space<vmem>>
          %dma_wait3A_1031 = arith.constant 0 : i32
          %dma_wait3A_1032 = tpu.memref_slice %arg4[%dma_wait3A_1027, %add3A_1013, %dma_wait3A_1031] : memref<4x4096x1024xf32, #tpu.memory_space<hbm>> -> memref<1x4x1024xf32, #tpu.memory_space<hbm>>
          %dma_wait3A_1033 = tpu.memref_squeeze %dma_wait3A_1032 : memref<1x4x1024xf32, #tpu.memory_space<hbm>> -> memref<4x1024xf32, #tpu.memory_space<hbm>>
          %dma_wait3A_1034 = arith.constant 0 : i32
          %dma_wait3A_1035 = tpu.memref_slice %arg4[%dma_wait3A_1027, %add3A_1013, %dma_wait3A_1034] : memref<4x4096x1024xf32, #tpu.memory_space<hbm>> -> memref<1x4x1024xf32, #tpu.memory_space<hbm>>
          %dma_wait3A_1036 = tpu.memref_squeeze %dma_wait3A_1035 : memref<1x4x1024xf32, #tpu.memory_space<hbm>> -> memref<4x1024xf32, #tpu.memory_space<hbm>>
          %dma_wait3A_1037 = arith.constant 36 : i32
          %dma_wait3A_1038 = arith.constant 0 : i32
          %dma_wait3A_1039 = tpu.memref_slice %arg6[%dma_wait3A_1037, %dma_wait3A_1038] : memref<64x1024xf32, #tpu.memory_space<vmem>> -> memref<4x1024xf32, #tpu.memory_space<vmem>>
          tpu.wait_dma2 semaphore(%arg13 : memref<!tpu.dma_semaphore, #tpu.memory_space<semaphore_mem>>) src(%dma_wait3A_1039 : memref<4x1024xf32, #tpu.memory_space<vmem>>) dst(%dma_wait3A_1036 : memref<4x1024xf32, #tpu.memory_space<hbm>>)
          %dma_wait3A_1040 = arith.constant 2 : i32
          %dma_wait3A_1041 = arith.constant 40 : i32
          %dma_wait3A_1042 = arith.constant 0 : i32
          %dma_wait3A_1043 = tpu.memref_slice %arg6[%dma_wait3A_1041, %dma_wait3A_1042] : memref<64x1024xf32, #tpu.memory_space<vmem>> -> memref<4x1024xf32, #tpu.memory_space<vmem>>
          %dma_wait3A_1044 = arith.constant 0 : i32
          %dma_wait3A_1045 = tpu.memref_slice %arg4[%dma_wait3A_1040, %add3A_1013, %dma_wait3A_1044] : memref<4x4096x1024xf32, #tpu.memory_space<hbm>> -> memref<1x4x1024xf32, #tpu.memory_space<hbm>>
          %dma_wait3A_1046 = tpu.memref_squeeze %dma_wait3A_1045 : memref<1x4x1024xf32, #tpu.memory_space<hbm>> -> memref<4x1024xf32, #tpu.memory_space<hbm>>
          %dma_wait3A_1047 = arith.constant 0 : i32
          %dma_wait3A_1048 = tpu.memref_slice %arg4[%dma_wait3A_1040, %add3A_1013, %dma_wait3A_1047] : memref<4x4096x1024xf32, #tpu.memory_space<hbm>> -> memref<1x4x1024xf32, #tpu.memory_space<hbm>>
          %dma_wait3A_1049 = tpu.memref_squeeze %dma_wait3A_1048 : memref<1x4x1024xf32, #tpu.memory_space<hbm>> -> memref<4x1024xf32, #tpu.memory_space<hbm>>
          %dma_wait3A_1050 = arith.constant 40 : i32
          %dma_wait3A_1051 = arith.constant 0 : i32
          %dma_wait3A_1052 = tpu.memref_slice %arg6[%dma_wait3A_1050, %dma_wait3A_1051] : memref<64x1024xf32, #tpu.memory_space<vmem>> -> memref<4x1024xf32, #tpu.memory_space<vmem>>
          tpu.wait_dma2 semaphore(%arg13 : memref<!tpu.dma_semaphore, #tpu.memory_space<semaphore_mem>>) src(%dma_wait3A_1052 : memref<4x1024xf32, #tpu.memory_space<vmem>>) dst(%dma_wait3A_1049 : memref<4x1024xf32, #tpu.memory_space<hbm>>)
          %dma_wait3A_1053 = arith.constant 3 : i32
          %dma_wait3A_1054 = arith.constant 44 : i32
          %dma_wait3A_1055 = arith.constant 0 : i32
          %dma_wait3A_1056 = tpu.memref_slice %arg6[%dma_wait3A_1054, %dma_wait3A_1055] : memref<64x1024xf32, #tpu.memory_space<vmem>> -> memref<4x1024xf32, #tpu.memory_space<vmem>>
          %dma_wait3A_1057 = arith.constant 0 : i32
          %dma_wait3A_1058 = tpu.memref_slice %arg4[%dma_wait3A_1053, %add3A_1013, %dma_wait3A_1057] : memref<4x4096x1024xf32, #tpu.memory_space<hbm>> -> memref<1x4x1024xf32, #tpu.memory_space<hbm>>
          %dma_wait3A_1059 = tpu.memref_squeeze %dma_wait3A_1058 : memref<1x4x1024xf32, #tpu.memory_space<hbm>> -> memref<4x1024xf32, #tpu.memory_space<hbm>>
          %dma_wait3A_1060 = arith.constant 0 : i32
          %dma_wait3A_1061 = tpu.memref_slice %arg4[%dma_wait3A_1053, %add3A_1013, %dma_wait3A_1060] : memref<4x4096x1024xf32, #tpu.memory_space<hbm>> -> memref<1x4x1024xf32, #tpu.memory_space<hbm>>
          %dma_wait3A_1062 = tpu.memref_squeeze %dma_wait3A_1061 : memref<1x4x1024xf32, #tpu.memory_space<hbm>> -> memref<4x1024xf32, #tpu.memory_space<hbm>>
          %dma_wait3A_1063 = arith.constant 44 : i32
          %dma_wait3A_1064 = arith.constant 0 : i32
          %dma_wait3A_1065 = tpu.memref_slice %arg6[%dma_wait3A_1063, %dma_wait3A_1064] : memref<64x1024xf32, #tpu.memory_space<vmem>> -> memref<4x1024xf32, #tpu.memory_space<vmem>>
          tpu.wait_dma2 semaphore(%arg13 : memref<!tpu.dma_semaphore, #tpu.memory_space<semaphore_mem>>) src(%dma_wait3A_1065 : memref<4x1024xf32, #tpu.memory_space<vmem>>) dst(%dma_wait3A_1062 : memref<4x1024xf32, #tpu.memory_space<hbm>>)
        } else {
        }
        %mul3A_945 = arith.constant 4 : i32
        %mul3A_946 = arith.muli %add3A_935, %mul3A_945 : i32
        %add3A_947 = arith.addi %mul3A_2, %mul3A_946 : i32
        %dma_start3A_948 = arith.constant 8 : i32
        %dma_start3A_949 = arith.constant 0 : i32
        %dma_start3A_950 = tpu.memref_slice %arg5[%dma_start3A_948, %dma_start3A_949] : memref<16x1024xf32, #tpu.memory_space<vmem>> -> memref<4x1024xf32, #tpu.memory_space<vmem>>
        %dma_start3A_951 = arith.constant 0 : i32
        %dma_start3A_952 = tpu.memref_slice %arg3[%add3A_947, %dma_start3A_951] : memref<8192x1024xf32, #tpu.memory_space<hbm>> -> memref<4x1024xf32, #tpu.memory_space<hbm>>
        %dma_start3A_953 = arith.constant 8 : i32
        %dma_start3A_954 = arith.constant 0 : i32
        %dma_start3A_955 = tpu.memref_slice %arg5[%dma_start3A_953, %dma_start3A_954] : memref<16x1024xf32, #tpu.memory_space<vmem>> -> memref<4x1024xf32, #tpu.memory_space<vmem>>
        %dma_start3A_956 = arith.constant 0 : i32
        %dma_start3A_957 = tpu.memref_slice %arg3[%add3A_947, %dma_start3A_956] : memref<8192x1024xf32, #tpu.memory_space<hbm>> -> memref<4x1024xf32, #tpu.memory_space<hbm>>
        tpu.enqueue_dma source(%dma_start3A_957 : memref<4x1024xf32, #tpu.memory_space<hbm>>) target(%dma_start3A_955 : memref<4x1024xf32, #tpu.memory_space<vmem>>) target_semaphore(%arg9 : memref<!tpu.dma_semaphore, #tpu.memory_space<semaphore_mem>>)
        %dma_start3A_958 = arith.constant 0 : i32
        %dma_start3A_959 = arith.constant 32 : i32
        %dma_start3A_960 = arith.constant 0 : i32
        %dma_start3A_961 = tpu.memref_slice %arg6[%dma_start3A_959, %dma_start3A_960] : memref<64x1024xf32, #tpu.memory_space<vmem>> -> memref<4x1024xf32, #tpu.memory_space<vmem>>
        %dma_start3A_962 = arith.constant 0 : i32
        %dma_start3A_963 = tpu.memref_slice %arg2[%dma_start3A_958, %add3A_947, %dma_start3A_962] : memref<4x4096x1024xf32, #tpu.memory_space<hbm>> -> memref<1x4x1024xf32, #tpu.memory_space<hbm>>
        %dma_start3A_964 = tpu.memref_squeeze %dma_start3A_963 : memref<1x4x1024xf32, #tpu.memory_space<hbm>> -> memref<4x1024xf32, #tpu.memory_space<hbm>>
        %dma_start3A_965 = arith.constant 32 : i32
        %dma_start3A_966 = arith.constant 0 : i32
        %dma_start3A_967 = tpu.memref_slice %arg6[%dma_start3A_965, %dma_start3A_966] : memref<64x1024xf32, #tpu.memory_space<vmem>> -> memref<4x1024xf32, #tpu.memory_space<vmem>>
        %dma_start3A_968 = arith.constant 0 : i32
        %dma_start3A_969 = tpu.memref_slice %arg2[%dma_start3A_958, %add3A_947, %dma_start3A_968] : memref<4x4096x1024xf32, #tpu.memory_space<hbm>> -> memref<1x4x1024xf32, #tpu.memory_space<hbm>>
        %dma_start3A_970 = tpu.memref_squeeze %dma_start3A_969 : memref<1x4x1024xf32, #tpu.memory_space<hbm>> -> memref<4x1024xf32, #tpu.memory_space<hbm>>
        tpu.enqueue_dma source(%dma_start3A_970 : memref<4x1024xf32, #tpu.memory_space<hbm>>) target(%dma_start3A_967 : memref<4x1024xf32, #tpu.memory_space<vmem>>) target_semaphore(%arg9 : memref<!tpu.dma_semaphore, #tpu.memory_space<semaphore_mem>>)
        %dma_start3A_971 = arith.constant 1 : i32
        %dma_start3A_972 = arith.constant 36 : i32
        %dma_start3A_973 = arith.constant 0 : i32
        %dma_start3A_974 = tpu.memref_slice %arg6[%dma_start3A_972, %dma_start3A_973] : memref<64x1024xf32, #tpu.memory_space<vmem>> -> memref<4x1024xf32, #tpu.memory_space<vmem>>
        %dma_start3A_975 = arith.constant 0 : i32
        %dma_start3A_976 = tpu.memref_slice %arg2[%dma_start3A_971, %add3A_947, %dma_start3A_975] : memref<4x4096x1024xf32, #tpu.memory_space<hbm>> -> memref<1x4x1024xf32, #tpu.memory_space<hbm>>
        %dma_start3A_977 = tpu.memref_squeeze %dma_start3A_976 : memref<1x4x1024xf32, #tpu.memory_space<hbm>> -> memref<4x1024xf32, #tpu.memory_space<hbm>>
        %dma_start3A_978 = arith.constant 36 : i32
        %dma_start3A_979 = arith.constant 0 : i32
        %dma_start3A_980 = tpu.memref_slice %arg6[%dma_start3A_978, %dma_start3A_979] : memref<64x1024xf32, #tpu.memory_space<vmem>> -> memref<4x1024xf32, #tpu.memory_space<vmem>>
        %dma_start3A_981 = arith.constant 0 : i32
        %dma_start3A_982 = tpu.memref_slice %arg2[%dma_start3A_971, %add3A_947, %dma_start3A_981] : memref<4x4096x1024xf32, #tpu.memory_space<hbm>> -> memref<1x4x1024xf32, #tpu.memory_space<hbm>>
        %dma_start3A_983 = tpu.memref_squeeze %dma_start3A_982 : memref<1x4x1024xf32, #tpu.memory_space<hbm>> -> memref<4x1024xf32, #tpu.memory_space<hbm>>
        tpu.enqueue_dma source(%dma_start3A_983 : memref<4x1024xf32, #tpu.memory_space<hbm>>) target(%dma_start3A_980 : memref<4x1024xf32, #tpu.memory_space<vmem>>) target_semaphore(%arg9 : memref<!tpu.dma_semaphore, #tpu.memory_space<semaphore_mem>>)
        %dma_start3A_984 = arith.constant 2 : i32
        %dma_start3A_985 = arith.constant 40 : i32
        %dma_start3A_986 = arith.constant 0 : i32
        %dma_start3A_987 = tpu.memref_slice %arg6[%dma_start3A_985, %dma_start3A_986] : memref<64x1024xf32, #tpu.memory_space<vmem>> -> memref<4x1024xf32, #tpu.memory_space<vmem>>
        %dma_start3A_988 = arith.constant 0 : i32
        %dma_start3A_989 = tpu.memref_slice %arg2[%dma_start3A_984, %add3A_947, %dma_start3A_988] : memref<4x4096x1024xf32, #tpu.memory_space<hbm>> -> memref<1x4x1024xf32, #tpu.memory_space<hbm>>
        %dma_start3A_990 = tpu.memref_squeeze %dma_start3A_989 : memref<1x4x1024xf32, #tpu.memory_space<hbm>> -> memref<4x1024xf32, #tpu.memory_space<hbm>>
        %dma_start3A_991 = arith.constant 40 : i32
        %dma_start3A_992 = arith.constant 0 : i32
        %dma_start3A_993 = tpu.memref_slice %arg6[%dma_start3A_991, %dma_start3A_992] : memref<64x1024xf32, #tpu.memory_space<vmem>> -> memref<4x1024xf32, #tpu.memory_space<vmem>>
        %dma_start3A_994 = arith.constant 0 : i32
        %dma_start3A_995 = tpu.memref_slice %arg2[%dma_start3A_984, %add3A_947, %dma_start3A_994] : memref<4x4096x1024xf32, #tpu.memory_space<hbm>> -> memref<1x4x1024xf32, #tpu.memory_space<hbm>>
        %dma_start3A_996 = tpu.memref_squeeze %dma_start3A_995 : memref<1x4x1024xf32, #tpu.memory_space<hbm>> -> memref<4x1024xf32, #tpu.memory_space<hbm>>
        tpu.enqueue_dma source(%dma_start3A_996 : memref<4x1024xf32, #tpu.memory_space<hbm>>) target(%dma_start3A_993 : memref<4x1024xf32, #tpu.memory_space<vmem>>) target_semaphore(%arg9 : memref<!tpu.dma_semaphore, #tpu.memory_space<semaphore_mem>>)
        %dma_start3A_997 = arith.constant 3 : i32
        %dma_start3A_998 = arith.constant 44 : i32
        %dma_start3A_999 = arith.constant 0 : i32
        %dma_start3A_1000 = tpu.memref_slice %arg6[%dma_start3A_998, %dma_start3A_999] : memref<64x1024xf32, #tpu.memory_space<vmem>> -> memref<4x1024xf32, #tpu.memory_space<vmem>>
        %dma_start3A_1001 = arith.constant 0 : i32
        %dma_start3A_1002 = tpu.memref_slice %arg2[%dma_start3A_997, %add3A_947, %dma_start3A_1001] : memref<4x4096x1024xf32, #tpu.memory_space<hbm>> -> memref<1x4x1024xf32, #tpu.memory_space<hbm>>
        %dma_start3A_1003 = tpu.memref_squeeze %dma_start3A_1002 : memref<1x4x1024xf32, #tpu.memory_space<hbm>> -> memref<4x1024xf32, #tpu.memory_space<hbm>>
        %dma_start3A_1004 = arith.constant 44 : i32
        %dma_start3A_1005 = arith.constant 0 : i32
        %dma_start3A_1006 = tpu.memref_slice %arg6[%dma_start3A_1004, %dma_start3A_1005] : memref<64x1024xf32, #tpu.memory_space<vmem>> -> memref<4x1024xf32, #tpu.memory_space<vmem>>
        %dma_start3A_1007 = arith.constant 0 : i32
        %dma_start3A_1008 = tpu.memref_slice %arg2[%dma_start3A_997, %add3A_947, %dma_start3A_1007] : memref<4x4096x1024xf32, #tpu.memory_space<hbm>> -> memref<1x4x1024xf32, #tpu.memory_space<hbm>>
        %dma_start3A_1009 = tpu.memref_squeeze %dma_start3A_1008 : memref<1x4x1024xf32, #tpu.memory_space<hbm>> -> memref<4x1024xf32, #tpu.memory_space<hbm>>
        tpu.enqueue_dma source(%dma_start3A_1009 : memref<4x1024xf32, #tpu.memory_space<hbm>>) target(%dma_start3A_1006 : memref<4x1024xf32, #tpu.memory_space<vmem>>) target_semaphore(%arg9 : memref<!tpu.dma_semaphore, #tpu.memory_space<semaphore_mem>>)
      } else {
      }
    }
    %scan3A_198 = arith.constant 8 : i32
    %add3A_199 = arith.constant 112 : i32
    %add3A_200 = arith.addi %mul3A_2, %add3A_199 : i32
    %dma_wait3A = arith.constant 0 : i32
    %dma_wait3A_201 = arith.constant 0 : i32
    %dma_wait3A_202 = arith.constant 0 : i32
    %dma_wait3A_203 = tpu.memref_slice %arg6[%dma_wait3A_201, %dma_wait3A_202] : memref<64x1024xf32, #tpu.memory_space<vmem>> -> memref<4x1024xf32, #tpu.memory_space<vmem>>
    %dma_wait3A_204 = arith.constant 0 : i32
    %dma_wait3A_205 = tpu.memref_slice %arg4[%dma_wait3A, %add3A_200, %dma_wait3A_204] : memref<4x4096x1024xf32, #tpu.memory_space<hbm>> -> memref<1x4x1024xf32, #tpu.memory_space<hbm>>
    %dma_wait3A_206 = tpu.memref_squeeze %dma_wait3A_205 : memref<1x4x1024xf32, #tpu.memory_space<hbm>> -> memref<4x1024xf32, #tpu.memory_space<hbm>>
    %dma_wait3A_207 = arith.constant 0 : i32
    %dma_wait3A_208 = tpu.memref_slice %arg4[%dma_wait3A, %add3A_200, %dma_wait3A_207] : memref<4x4096x1024xf32, #tpu.memory_space<hbm>> -> memref<1x4x1024xf32, #tpu.memory_space<hbm>>
    %dma_wait3A_209 = tpu.memref_squeeze %dma_wait3A_208 : memref<1x4x1024xf32, #tpu.memory_space<hbm>> -> memref<4x1024xf32, #tpu.memory_space<hbm>>
    %dma_wait3A_210 = arith.constant 0 : i32
    %dma_wait3A_211 = arith.constant 0 : i32
    %dma_wait3A_212 = tpu.memref_slice %arg6[%dma_wait3A_210, %dma_wait3A_211] : memref<64x1024xf32, #tpu.memory_space<vmem>> -> memref<4x1024xf32, #tpu.memory_space<vmem>>
    tpu.wait_dma2 semaphore(%arg11 : memref<!tpu.dma_semaphore, #tpu.memory_space<semaphore_mem>>) src(%dma_wait3A_212 : memref<4x1024xf32, #tpu.memory_space<vmem>>) dst(%dma_wait3A_209 : memref<4x1024xf32, #tpu.memory_space<hbm>>)
    %dma_wait3A_213 = arith.constant 1 : i32
    %dma_wait3A_214 = arith.constant 4 : i32
    %dma_wait3A_215 = arith.constant 0 : i32
    %dma_wait3A_216 = tpu.memref_slice %arg6[%dma_wait3A_214, %dma_wait3A_215] : memref<64x1024xf32, #tpu.memory_space<vmem>> -> memref<4x1024xf32, #tpu.memory_space<vmem>>
    %dma_wait3A_217 = arith.constant 0 : i32
    %dma_wait3A_218 = tpu.memref_slice %arg4[%dma_wait3A_213, %add3A_200, %dma_wait3A_217] : memref<4x4096x1024xf32, #tpu.memory_space<hbm>> -> memref<1x4x1024xf32, #tpu.memory_space<hbm>>
    %dma_wait3A_219 = tpu.memref_squeeze %dma_wait3A_218 : memref<1x4x1024xf32, #tpu.memory_space<hbm>> -> memref<4x1024xf32, #tpu.memory_space<hbm>>
    %dma_wait3A_220 = arith.constant 0 : i32
    %dma_wait3A_221 = tpu.memref_slice %arg4[%dma_wait3A_213, %add3A_200, %dma_wait3A_220] : memref<4x4096x1024xf32, #tpu.memory_space<hbm>> -> memref<1x4x1024xf32, #tpu.memory_space<hbm>>
    %dma_wait3A_222 = tpu.memref_squeeze %dma_wait3A_221 : memref<1x4x1024xf32, #tpu.memory_space<hbm>> -> memref<4x1024xf32, #tpu.memory_space<hbm>>
    %dma_wait3A_223 = arith.constant 4 : i32
    %dma_wait3A_224 = arith.constant 0 : i32
    %dma_wait3A_225 = tpu.memref_slice %arg6[%dma_wait3A_223, %dma_wait3A_224] : memref<64x1024xf32, #tpu.memory_space<vmem>> -> memref<4x1024xf32, #tpu.memory_space<vmem>>
    tpu.wait_dma2 semaphore(%arg11 : memref<!tpu.dma_semaphore, #tpu.memory_space<semaphore_mem>>) src(%dma_wait3A_225 : memref<4x1024xf32, #tpu.memory_space<vmem>>) dst(%dma_wait3A_222 : memref<4x1024xf32, #tpu.memory_space<hbm>>)
    %dma_wait3A_226 = arith.constant 2 : i32
    %dma_wait3A_227 = arith.constant 8 : i32
    %dma_wait3A_228 = arith.constant 0 : i32
    %dma_wait3A_229 = tpu.memref_slice %arg6[%dma_wait3A_227, %dma_wait3A_228] : memref<64x1024xf32, #tpu.memory_space<vmem>> -> memref<4x1024xf32, #tpu.memory_space<vmem>>
    %dma_wait3A_230 = arith.constant 0 : i32
    %dma_wait3A_231 = tpu.memref_slice %arg4[%dma_wait3A_226, %add3A_200, %dma_wait3A_230] : memref<4x4096x1024xf32, #tpu.memory_space<hbm>> -> memref<1x4x1024xf32, #tpu.memory_space<hbm>>
    %dma_wait3A_232 = tpu.memref_squeeze %dma_wait3A_231 : memref<1x4x1024xf32, #tpu.memory_space<hbm>> -> memref<4x1024xf32, #tpu.memory_space<hbm>>
    %dma_wait3A_233 = arith.constant 0 : i32
    %dma_wait3A_234 = tpu.memref_slice %arg4[%dma_wait3A_226, %add3A_200, %dma_wait3A_233] : memref<4x4096x1024xf32, #tpu.memory_space<hbm>> -> memref<1x4x1024xf32, #tpu.memory_space<hbm>>
    %dma_wait3A_235 = tpu.memref_squeeze %dma_wait3A_234 : memref<1x4x1024xf32, #tpu.memory_space<hbm>> -> memref<4x1024xf32, #tpu.memory_space<hbm>>
    %dma_wait3A_236 = arith.constant 8 : i32
    %dma_wait3A_237 = arith.constant 0 : i32
    %dma_wait3A_238 = tpu.memref_slice %arg6[%dma_wait3A_236, %dma_wait3A_237] : memref<64x1024xf32, #tpu.memory_space<vmem>> -> memref<4x1024xf32, #tpu.memory_space<vmem>>
    tpu.wait_dma2 semaphore(%arg11 : memref<!tpu.dma_semaphore, #tpu.memory_space<semaphore_mem>>) src(%dma_wait3A_238 : memref<4x1024xf32, #tpu.memory_space<vmem>>) dst(%dma_wait3A_235 : memref<4x1024xf32, #tpu.memory_space<hbm>>)
    %dma_wait3A_239 = arith.constant 3 : i32
    %dma_wait3A_240 = arith.constant 12 : i32
    %dma_wait3A_241 = arith.constant 0 : i32
    %dma_wait3A_242 = tpu.memref_slice %arg6[%dma_wait3A_240, %dma_wait3A_241] : memref<64x1024xf32, #tpu.memory_space<vmem>> -> memref<4x1024xf32, #tpu.memory_space<vmem>>
    %dma_wait3A_243 = arith.constant 0 : i32
    %dma_wait3A_244 = tpu.memref_slice %arg4[%dma_wait3A_239, %add3A_200, %dma_wait3A_243] : memref<4x4096x1024xf32, #tpu.memory_space<hbm>> -> memref<1x4x1024xf32, #tpu.memory_space<hbm>>
    %dma_wait3A_245 = tpu.memref_squeeze %dma_wait3A_244 : memref<1x4x1024xf32, #tpu.memory_space<hbm>> -> memref<4x1024xf32, #tpu.memory_space<hbm>>
    %dma_wait3A_246 = arith.constant 0 : i32
    %dma_wait3A_247 = tpu.memref_slice %arg4[%dma_wait3A_239, %add3A_200, %dma_wait3A_246] : memref<4x4096x1024xf32, #tpu.memory_space<hbm>> -> memref<1x4x1024xf32, #tpu.memory_space<hbm>>
    %dma_wait3A_248 = tpu.memref_squeeze %dma_wait3A_247 : memref<1x4x1024xf32, #tpu.memory_space<hbm>> -> memref<4x1024xf32, #tpu.memory_space<hbm>>
    %dma_wait3A_249 = arith.constant 12 : i32
    %dma_wait3A_250 = arith.constant 0 : i32
    %dma_wait3A_251 = tpu.memref_slice %arg6[%dma_wait3A_249, %dma_wait3A_250] : memref<64x1024xf32, #tpu.memory_space<vmem>> -> memref<4x1024xf32, #tpu.memory_space<vmem>>
    tpu.wait_dma2 semaphore(%arg11 : memref<!tpu.dma_semaphore, #tpu.memory_space<semaphore_mem>>) src(%dma_wait3A_251 : memref<4x1024xf32, #tpu.memory_space<vmem>>) dst(%dma_wait3A_248 : memref<4x1024xf32, #tpu.memory_space<hbm>>)
    %add3A_252 = arith.constant 116 : i32
    %add3A_253 = arith.addi %mul3A_2, %add3A_252 : i32
    %dma_wait3A_254 = arith.constant 0 : i32
    %dma_wait3A_255 = arith.constant 16 : i32
    %dma_wait3A_256 = arith.constant 0 : i32
    %dma_wait3A_257 = tpu.memref_slice %arg6[%dma_wait3A_255, %dma_wait3A_256] : memref<64x1024xf32, #tpu.memory_space<vmem>> -> memref<4x1024xf32, #tpu.memory_space<vmem>>
    %dma_wait3A_258 = arith.constant 0 : i32
    %dma_wait3A_259 = tpu.memref_slice %arg4[%dma_wait3A_254, %add3A_253, %dma_wait3A_258] : memref<4x4096x1024xf32, #tpu.memory_space<hbm>> -> memref<1x4x1024xf32, #tpu.memory_space<hbm>>
    %dma_wait3A_260 = tpu.memref_squeeze %dma_wait3A_259 : memref<1x4x1024xf32, #tpu.memory_space<hbm>> -> memref<4x1024xf32, #tpu.memory_space<hbm>>
    %dma_wait3A_261 = arith.constant 0 : i32
    %dma_wait3A_262 = tpu.memref_slice %arg4[%dma_wait3A_254, %add3A_253, %dma_wait3A_261] : memref<4x4096x1024xf32, #tpu.memory_space<hbm>> -> memref<1x4x1024xf32, #tpu.memory_space<hbm>>
    %dma_wait3A_263 = tpu.memref_squeeze %dma_wait3A_262 : memref<1x4x1024xf32, #tpu.memory_space<hbm>> -> memref<4x1024xf32, #tpu.memory_space<hbm>>
    %dma_wait3A_264 = arith.constant 16 : i32
    %dma_wait3A_265 = arith.constant 0 : i32
    %dma_wait3A_266 = tpu.memref_slice %arg6[%dma_wait3A_264, %dma_wait3A_265] : memref<64x1024xf32, #tpu.memory_space<vmem>> -> memref<4x1024xf32, #tpu.memory_space<vmem>>
    tpu.wait_dma2 semaphore(%arg12 : memref<!tpu.dma_semaphore, #tpu.memory_space<semaphore_mem>>) src(%dma_wait3A_266 : memref<4x1024xf32, #tpu.memory_space<vmem>>) dst(%dma_wait3A_263 : memref<4x1024xf32, #tpu.memory_space<hbm>>)
    %dma_wait3A_267 = arith.constant 1 : i32
    %dma_wait3A_268 = arith.constant 20 : i32
    %dma_wait3A_269 = arith.constant 0 : i32
    %dma_wait3A_270 = tpu.memref_slice %arg6[%dma_wait3A_268, %dma_wait3A_269] : memref<64x1024xf32, #tpu.memory_space<vmem>> -> memref<4x1024xf32, #tpu.memory_space<vmem>>
    %dma_wait3A_271 = arith.constant 0 : i32
    %dma_wait3A_272 = tpu.memref_slice %arg4[%dma_wait3A_267, %add3A_253, %dma_wait3A_271] : memref<4x4096x1024xf32, #tpu.memory_space<hbm>> -> memref<1x4x1024xf32, #tpu.memory_space<hbm>>
    %dma_wait3A_273 = tpu.memref_squeeze %dma_wait3A_272 : memref<1x4x1024xf32, #tpu.memory_space<hbm>> -> memref<4x1024xf32, #tpu.memory_space<hbm>>
    %dma_wait3A_274 = arith.constant 0 : i32
    %dma_wait3A_275 = tpu.memref_slice %arg4[%dma_wait3A_267, %add3A_253, %dma_wait3A_274] : memref<4x4096x1024xf32, #tpu.memory_space<hbm>> -> memref<1x4x1024xf32, #tpu.memory_space<hbm>>
    %dma_wait3A_276 = tpu.memref_squeeze %dma_wait3A_275 : memref<1x4x1024xf32, #tpu.memory_space<hbm>> -> memref<4x1024xf32, #tpu.memory_space<hbm>>
    %dma_wait3A_277 = arith.constant 20 : i32
    %dma_wait3A_278 = arith.constant 0 : i32
    %dma_wait3A_279 = tpu.memref_slice %arg6[%dma_wait3A_277, %dma_wait3A_278] : memref<64x1024xf32, #tpu.memory_space<vmem>> -> memref<4x1024xf32, #tpu.memory_space<vmem>>
    tpu.wait_dma2 semaphore(%arg12 : memref<!tpu.dma_semaphore, #tpu.memory_space<semaphore_mem>>) src(%dma_wait3A_279 : memref<4x1024xf32, #tpu.memory_space<vmem>>) dst(%dma_wait3A_276 : memref<4x1024xf32, #tpu.memory_space<hbm>>)
    %dma_wait3A_280 = arith.constant 2 : i32
    %dma_wait3A_281 = arith.constant 24 : i32
    %dma_wait3A_282 = arith.constant 0 : i32
    %dma_wait3A_283 = tpu.memref_slice %arg6[%dma_wait3A_281, %dma_wait3A_282] : memref<64x1024xf32, #tpu.memory_space<vmem>> -> memref<4x1024xf32, #tpu.memory_space<vmem>>
    %dma_wait3A_284 = arith.constant 0 : i32
    %dma_wait3A_285 = tpu.memref_slice %arg4[%dma_wait3A_280, %add3A_253, %dma_wait3A_284] : memref<4x4096x1024xf32, #tpu.memory_space<hbm>> -> memref<1x4x1024xf32, #tpu.memory_space<hbm>>
    %dma_wait3A_286 = tpu.memref_squeeze %dma_wait3A_285 : memref<1x4x1024xf32, #tpu.memory_space<hbm>> -> memref<4x1024xf32, #tpu.memory_space<hbm>>
    %dma_wait3A_287 = arith.constant 0 : i32
    %dma_wait3A_288 = tpu.memref_slice %arg4[%dma_wait3A_280, %add3A_253, %dma_wait3A_287] : memref<4x4096x1024xf32, #tpu.memory_space<hbm>> -> memref<1x4x1024xf32, #tpu.memory_space<hbm>>
    %dma_wait3A_289 = tpu.memref_squeeze %dma_wait3A_288 : memref<1x4x1024xf32, #tpu.memory_space<hbm>> -> memref<4x1024xf32, #tpu.memory_space<hbm>>
    %dma_wait3A_290 = arith.constant 24 : i32
    %dma_wait3A_291 = arith.constant 0 : i32
    %dma_wait3A_292 = tpu.memref_slice %arg6[%dma_wait3A_290, %dma_wait3A_291] : memref<64x1024xf32, #tpu.memory_space<vmem>> -> memref<4x1024xf32, #tpu.memory_space<vmem>>
    tpu.wait_dma2 semaphore(%arg12 : memref<!tpu.dma_semaphore, #tpu.memory_space<semaphore_mem>>) src(%dma_wait3A_292 : memref<4x1024xf32, #tpu.memory_space<vmem>>) dst(%dma_wait3A_289 : memref<4x1024xf32, #tpu.memory_space<hbm>>)
    %dma_wait3A_293 = arith.constant 3 : i32
    %dma_wait3A_294 = arith.constant 28 : i32
    %dma_wait3A_295 = arith.constant 0 : i32
    %dma_wait3A_296 = tpu.memref_slice %arg6[%dma_wait3A_294, %dma_wait3A_295] : memref<64x1024xf32, #tpu.memory_space<vmem>> -> memref<4x1024xf32, #tpu.memory_space<vmem>>
    %dma_wait3A_297 = arith.constant 0 : i32
    %dma_wait3A_298 = tpu.memref_slice %arg4[%dma_wait3A_293, %add3A_253, %dma_wait3A_297] : memref<4x4096x1024xf32, #tpu.memory_space<hbm>> -> memref<1x4x1024xf32, #tpu.memory_space<hbm>>
    %dma_wait3A_299 = tpu.memref_squeeze %dma_wait3A_298 : memref<1x4x1024xf32, #tpu.memory_space<hbm>> -> memref<4x1024xf32, #tpu.memory_space<hbm>>
    %dma_wait3A_300 = arith.constant 0 : i32
    %dma_wait3A_301 = tpu.memref_slice %arg4[%dma_wait3A_293, %add3A_253, %dma_wait3A_300] : memref<4x4096x1024xf32, #tpu.memory_space<hbm>> -> memref<1x4x1024xf32, #tpu.memory_space<hbm>>
    %dma_wait3A_302 = tpu.memref_squeeze %dma_wait3A_301 : memref<1x4x1024xf32, #tpu.memory_space<hbm>> -> memref<4x1024xf32, #tpu.memory_space<hbm>>
    %dma_wait3A_303 = arith.constant 28 : i32
    %dma_wait3A_304 = arith.constant 0 : i32
    %dma_wait3A_305 = tpu.memref_slice %arg6[%dma_wait3A_303, %dma_wait3A_304] : memref<64x1024xf32, #tpu.memory_space<vmem>> -> memref<4x1024xf32, #tpu.memory_space<vmem>>
    tpu.wait_dma2 semaphore(%arg12 : memref<!tpu.dma_semaphore, #tpu.memory_space<semaphore_mem>>) src(%dma_wait3A_305 : memref<4x1024xf32, #tpu.memory_space<vmem>>) dst(%dma_wait3A_302 : memref<4x1024xf32, #tpu.memory_space<hbm>>)
    %add3A_306 = arith.constant 120 : i32
    %add3A_307 = arith.addi %mul3A_2, %add3A_306 : i32
    %dma_wait3A_308 = arith.constant 0 : i32
    %dma_wait3A_309 = arith.constant 32 : i32
    %dma_wait3A_310 = arith.constant 0 : i32
    %dma_wait3A_311 = tpu.memref_slice %arg6[%dma_wait3A_309, %dma_wait3A_310] : memref<64x1024xf32, #tpu.memory_space<vmem>> -> memref<4x1024xf32, #tpu.memory_space<vmem>>
    %dma_wait3A_312 = arith.constant 0 : i32
    %dma_wait3A_313 = tpu.memref_slice %arg4[%dma_wait3A_308, %add3A_307, %dma_wait3A_312] : memref<4x4096x1024xf32, #tpu.memory_space<hbm>> -> memref<1x4x1024xf32, #tpu.memory_space<hbm>>
    %dma_wait3A_314 = tpu.memref_squeeze %dma_wait3A_313 : memref<1x4x1024xf32, #tpu.memory_space<hbm>> -> memref<4x1024xf32, #tpu.memory_space<hbm>>
    %dma_wait3A_315 = arith.constant 0 : i32
    %dma_wait3A_316 = tpu.memref_slice %arg4[%dma_wait3A_308, %add3A_307, %dma_wait3A_315] : memref<4x4096x1024xf32, #tpu.memory_space<hbm>> -> memref<1x4x1024xf32, #tpu.memory_space<hbm>>
    %dma_wait3A_317 = tpu.memref_squeeze %dma_wait3A_316 : memref<1x4x1024xf32, #tpu.memory_space<hbm>> -> memref<4x1024xf32, #tpu.memory_space<hbm>>
    %dma_wait3A_318 = arith.constant 32 : i32
    %dma_wait3A_319 = arith.constant 0 : i32
    %dma_wait3A_320 = tpu.memref_slice %arg6[%dma_wait3A_318, %dma_wait3A_319] : memref<64x1024xf32, #tpu.memory_space<vmem>> -> memref<4x1024xf32, #tpu.memory_space<vmem>>
    tpu.wait_dma2 semaphore(%arg13 : memref<!tpu.dma_semaphore, #tpu.memory_space<semaphore_mem>>) src(%dma_wait3A_320 : memref<4x1024xf32, #tpu.memory_space<vmem>>) dst(%dma_wait3A_317 : memref<4x1024xf32, #tpu.memory_space<hbm>>)
    %dma_wait3A_321 = arith.constant 1 : i32
    %dma_wait3A_322 = arith.constant 36 : i32
    %dma_wait3A_323 = arith.constant 0 : i32
    %dma_wait3A_324 = tpu.memref_slice %arg6[%dma_wait3A_322, %dma_wait3A_323] : memref<64x1024xf32, #tpu.memory_space<vmem>> -> memref<4x1024xf32, #tpu.memory_space<vmem>>
    %dma_wait3A_325 = arith.constant 0 : i32
    %dma_wait3A_326 = tpu.memref_slice %arg4[%dma_wait3A_321, %add3A_307, %dma_wait3A_325] : memref<4x4096x1024xf32, #tpu.memory_space<hbm>> -> memref<1x4x1024xf32, #tpu.memory_space<hbm>>
    %dma_wait3A_327 = tpu.memref_squeeze %dma_wait3A_326 : memref<1x4x1024xf32, #tpu.memory_space<hbm>> -> memref<4x1024xf32, #tpu.memory_space<hbm>>
    %dma_wait3A_328 = arith.constant 0 : i32
    %dma_wait3A_329 = tpu.memref_slice %arg4[%dma_wait3A_321, %add3A_307, %dma_wait3A_328] : memref<4x4096x1024xf32, #tpu.memory_space<hbm>> -> memref<1x4x1024xf32, #tpu.memory_space<hbm>>
    %dma_wait3A_330 = tpu.memref_squeeze %dma_wait3A_329 : memref<1x4x1024xf32, #tpu.memory_space<hbm>> -> memref<4x1024xf32, #tpu.memory_space<hbm>>
    %dma_wait3A_331 = arith.constant 36 : i32
    %dma_wait3A_332 = arith.constant 0 : i32
    %dma_wait3A_333 = tpu.memref_slice %arg6[%dma_wait3A_331, %dma_wait3A_332] : memref<64x1024xf32, #tpu.memory_space<vmem>> -> memref<4x1024xf32, #tpu.memory_space<vmem>>
    tpu.wait_dma2 semaphore(%arg13 : memref<!tpu.dma_semaphore, #tpu.memory_space<semaphore_mem>>) src(%dma_wait3A_333 : memref<4x1024xf32, #tpu.memory_space<vmem>>) dst(%dma_wait3A_330 : memref<4x1024xf32, #tpu.memory_space<hbm>>)
    %dma_wait3A_334 = arith.constant 2 : i32
    %dma_wait3A_335 = arith.constant 40 : i32
    %dma_wait3A_336 = arith.constant 0 : i32
    %dma_wait3A_337 = tpu.memref_slice %arg6[%dma_wait3A_335, %dma_wait3A_336] : memref<64x1024xf32, #tpu.memory_space<vmem>> -> memref<4x1024xf32, #tpu.memory_space<vmem>>
    %dma_wait3A_338 = arith.constant 0 : i32
    %dma_wait3A_339 = tpu.memref_slice %arg4[%dma_wait3A_334, %add3A_307, %dma_wait3A_338] : memref<4x4096x1024xf32, #tpu.memory_space<hbm>> -> memref<1x4x1024xf32, #tpu.memory_space<hbm>>
    %dma_wait3A_340 = tpu.memref_squeeze %dma_wait3A_339 : memref<1x4x1024xf32, #tpu.memory_space<hbm>> -> memref<4x1024xf32, #tpu.memory_space<hbm>>
    %dma_wait3A_341 = arith.constant 0 : i32
    %dma_wait3A_342 = tpu.memref_slice %arg4[%dma_wait3A_334, %add3A_307, %dma_wait3A_341] : memref<4x4096x1024xf32, #tpu.memory_space<hbm>> -> memref<1x4x1024xf32, #tpu.memory_space<hbm>>
    %dma_wait3A_343 = tpu.memref_squeeze %dma_wait3A_342 : memref<1x4x1024xf32, #tpu.memory_space<hbm>> -> memref<4x1024xf32, #tpu.memory_space<hbm>>
    %dma_wait3A_344 = arith.constant 40 : i32
    %dma_wait3A_345 = arith.constant 0 : i32
    %dma_wait3A_346 = tpu.memref_slice %arg6[%dma_wait3A_344, %dma_wait3A_345] : memref<64x1024xf32, #tpu.memory_space<vmem>> -> memref<4x1024xf32, #tpu.memory_space<vmem>>
    tpu.wait_dma2 semaphore(%arg13 : memref<!tpu.dma_semaphore, #tpu.memory_space<semaphore_mem>>) src(%dma_wait3A_346 : memref<4x1024xf32, #tpu.memory_space<vmem>>) dst(%dma_wait3A_343 : memref<4x1024xf32, #tpu.memory_space<hbm>>)
    %dma_wait3A_347 = arith.constant 3 : i32
    %dma_wait3A_348 = arith.constant 44 : i32
    %dma_wait3A_349 = arith.constant 0 : i32
    %dma_wait3A_350 = tpu.memref_slice %arg6[%dma_wait3A_348, %dma_wait3A_349] : memref<64x1024xf32, #tpu.memory_space<vmem>> -> memref<4x1024xf32, #tpu.memory_space<vmem>>
    %dma_wait3A_351 = arith.constant 0 : i32
    %dma_wait3A_352 = tpu.memref_slice %arg4[%dma_wait3A_347, %add3A_307, %dma_wait3A_351] : memref<4x4096x1024xf32, #tpu.memory_space<hbm>> -> memref<1x4x1024xf32, #tpu.memory_space<hbm>>
    %dma_wait3A_353 = tpu.memref_squeeze %dma_wait3A_352 : memref<1x4x1024xf32, #tpu.memory_space<hbm>> -> memref<4x1024xf32, #tpu.memory_space<hbm>>
    %dma_wait3A_354 = arith.constant 0 : i32
    %dma_wait3A_355 = tpu.memref_slice %arg4[%dma_wait3A_347, %add3A_307, %dma_wait3A_354] : memref<4x4096x1024xf32, #tpu.memory_space<hbm>> -> memref<1x4x1024xf32, #tpu.memory_space<hbm>>
    %dma_wait3A_356 = tpu.memref_squeeze %dma_wait3A_355 : memref<1x4x1024xf32, #tpu.memory_space<hbm>> -> memref<4x1024xf32, #tpu.memory_space<hbm>>
    %dma_wait3A_357 = arith.constant 44 : i32
    %dma_wait3A_358 = arith.constant 0 : i32
    %dma_wait3A_359 = tpu.memref_slice %arg6[%dma_wait3A_357, %dma_wait3A_358] : memref<64x1024xf32, #tpu.memory_space<vmem>> -> memref<4x1024xf32, #tpu.memory_space<vmem>>
    tpu.wait_dma2 semaphore(%arg13 : memref<!tpu.dma_semaphore, #tpu.memory_space<semaphore_mem>>) src(%dma_wait3A_359 : memref<4x1024xf32, #tpu.memory_space<vmem>>) dst(%dma_wait3A_356 : memref<4x1024xf32, #tpu.memory_space<hbm>>)
    %add3A_360 = arith.constant 124 : i32
    %add3A_361 = arith.addi %mul3A_2, %add3A_360 : i32
    %dma_wait3A_362 = arith.constant 0 : i32
    %dma_wait3A_363 = arith.constant 48 : i32
    %dma_wait3A_364 = arith.constant 0 : i32
    %dma_wait3A_365 = tpu.memref_slice %arg6[%dma_wait3A_363, %dma_wait3A_364] : memref<64x1024xf32, #tpu.memory_space<vmem>> -> memref<4x1024xf32, #tpu.memory_space<vmem>>
    %dma_wait3A_366 = arith.constant 0 : i32
    %dma_wait3A_367 = tpu.memref_slice %arg4[%dma_wait3A_362, %add3A_361, %dma_wait3A_366] : memref<4x4096x1024xf32, #tpu.memory_space<hbm>> -> memref<1x4x1024xf32, #tpu.memory_space<hbm>>
    %dma_wait3A_368 = tpu.memref_squeeze %dma_wait3A_367 : memref<1x4x1024xf32, #tpu.memory_space<hbm>> -> memref<4x1024xf32, #tpu.memory_space<hbm>>
    %dma_wait3A_369 = arith.constant 0 : i32
    %dma_wait3A_370 = tpu.memref_slice %arg4[%dma_wait3A_362, %add3A_361, %dma_wait3A_369] : memref<4x4096x1024xf32, #tpu.memory_space<hbm>> -> memref<1x4x1024xf32, #tpu.memory_space<hbm>>
    %dma_wait3A_371 = tpu.memref_squeeze %dma_wait3A_370 : memref<1x4x1024xf32, #tpu.memory_space<hbm>> -> memref<4x1024xf32, #tpu.memory_space<hbm>>
    %dma_wait3A_372 = arith.constant 48 : i32
    %dma_wait3A_373 = arith.constant 0 : i32
    %dma_wait3A_374 = tpu.memref_slice %arg6[%dma_wait3A_372, %dma_wait3A_373] : memref<64x1024xf32, #tpu.memory_space<vmem>> -> memref<4x1024xf32, #tpu.memory_space<vmem>>
    tpu.wait_dma2 semaphore(%arg14 : memref<!tpu.dma_semaphore, #tpu.memory_space<semaphore_mem>>) src(%dma_wait3A_374 : memref<4x1024xf32, #tpu.memory_space<vmem>>) dst(%dma_wait3A_371 : memref<4x1024xf32, #tpu.memory_space<hbm>>)
    %dma_wait3A_375 = arith.constant 1 : i32
    %dma_wait3A_376 = arith.constant 52 : i32
    %dma_wait3A_377 = arith.constant 0 : i32
    %dma_wait3A_378 = tpu.memref_slice %arg6[%dma_wait3A_376, %dma_wait3A_377] : memref<64x1024xf32, #tpu.memory_space<vmem>> -> memref<4x1024xf32, #tpu.memory_space<vmem>>
    %dma_wait3A_379 = arith.constant 0 : i32
    %dma_wait3A_380 = tpu.memref_slice %arg4[%dma_wait3A_375, %add3A_361, %dma_wait3A_379] : memref<4x4096x1024xf32, #tpu.memory_space<hbm>> -> memref<1x4x1024xf32, #tpu.memory_space<hbm>>
    %dma_wait3A_381 = tpu.memref_squeeze %dma_wait3A_380 : memref<1x4x1024xf32, #tpu.memory_space<hbm>> -> memref<4x1024xf32, #tpu.memory_space<hbm>>
    %dma_wait3A_382 = arith.constant 0 : i32
    %dma_wait3A_383 = tpu.memref_slice %arg4[%dma_wait3A_375, %add3A_361, %dma_wait3A_382] : memref<4x4096x1024xf32, #tpu.memory_space<hbm>> -> memref<1x4x1024xf32, #tpu.memory_space<hbm>>
    %dma_wait3A_384 = tpu.memref_squeeze %dma_wait3A_383 : memref<1x4x1024xf32, #tpu.memory_space<hbm>> -> memref<4x1024xf32, #tpu.memory_space<hbm>>
    %dma_wait3A_385 = arith.constant 52 : i32
    %dma_wait3A_386 = arith.constant 0 : i32
    %dma_wait3A_387 = tpu.memref_slice %arg6[%dma_wait3A_385, %dma_wait3A_386] : memref<64x1024xf32, #tpu.memory_space<vmem>> -> memref<4x1024xf32, #tpu.memory_space<vmem>>
    tpu.wait_dma2 semaphore(%arg14 : memref<!tpu.dma_semaphore, #tpu.memory_space<semaphore_mem>>) src(%dma_wait3A_387 : memref<4x1024xf32, #tpu.memory_space<vmem>>) dst(%dma_wait3A_384 : memref<4x1024xf32, #tpu.memory_space<hbm>>)
    %dma_wait3A_388 = arith.constant 2 : i32
    %dma_wait3A_389 = arith.constant 56 : i32
    %dma_wait3A_390 = arith.constant 0 : i32
    %dma_wait3A_391 = tpu.memref_slice %arg6[%dma_wait3A_389, %dma_wait3A_390] : memref<64x1024xf32, #tpu.memory_space<vmem>> -> memref<4x1024xf32, #tpu.memory_space<vmem>>
    %dma_wait3A_392 = arith.constant 0 : i32
    %dma_wait3A_393 = tpu.memref_slice %arg4[%dma_wait3A_388, %add3A_361, %dma_wait3A_392] : memref<4x4096x1024xf32, #tpu.memory_space<hbm>> -> memref<1x4x1024xf32, #tpu.memory_space<hbm>>
    %dma_wait3A_394 = tpu.memref_squeeze %dma_wait3A_393 : memref<1x4x1024xf32, #tpu.memory_space<hbm>> -> memref<4x1024xf32, #tpu.memory_space<hbm>>
    %dma_wait3A_395 = arith.constant 0 : i32
    %dma_wait3A_396 = tpu.memref_slice %arg4[%dma_wait3A_388, %add3A_361, %dma_wait3A_395] : memref<4x4096x1024xf32, #tpu.memory_space<hbm>> -> memref<1x4x1024xf32, #tpu.memory_space<hbm>>
    %dma_wait3A_397 = tpu.memref_squeeze %dma_wait3A_396 : memref<1x4x1024xf32, #tpu.memory_space<hbm>> -> memref<4x1024xf32, #tpu.memory_space<hbm>>
    %dma_wait3A_398 = arith.constant 56 : i32
    %dma_wait3A_399 = arith.constant 0 : i32
    %dma_wait3A_400 = tpu.memref_slice %arg6[%dma_wait3A_398, %dma_wait3A_399] : memref<64x1024xf32, #tpu.memory_space<vmem>> -> memref<4x1024xf32, #tpu.memory_space<vmem>>
    tpu.wait_dma2 semaphore(%arg14 : memref<!tpu.dma_semaphore, #tpu.memory_space<semaphore_mem>>) src(%dma_wait3A_400 : memref<4x1024xf32, #tpu.memory_space<vmem>>) dst(%dma_wait3A_397 : memref<4x1024xf32, #tpu.memory_space<hbm>>)
    %dma_wait3A_401 = arith.constant 3 : i32
    %dma_wait3A_402 = arith.constant 60 : i32
    %dma_wait3A_403 = arith.constant 0 : i32
    %dma_wait3A_404 = tpu.memref_slice %arg6[%dma_wait3A_402, %dma_wait3A_403] : memref<64x1024xf32, #tpu.memory_space<vmem>> -> memref<4x1024xf32, #tpu.memory_space<vmem>>
    %dma_wait3A_405 = arith.constant 0 : i32
    %dma_wait3A_406 = tpu.memref_slice %arg4[%dma_wait3A_401, %add3A_361, %dma_wait3A_405] : memref<4x4096x1024xf32, #tpu.memory_space<hbm>> -> memref<1x4x1024xf32, #tpu.memory_space<hbm>>
    %dma_wait3A_407 = tpu.memref_squeeze %dma_wait3A_406 : memref<1x4x1024xf32, #tpu.memory_space<hbm>> -> memref<4x1024xf32, #tpu.memory_space<hbm>>
    %dma_wait3A_408 = arith.constant 0 : i32
    %dma_wait3A_409 = tpu.memref_slice %arg4[%dma_wait3A_401, %add3A_361, %dma_wait3A_408] : memref<4x4096x1024xf32, #tpu.memory_space<hbm>> -> memref<1x4x1024xf32, #tpu.memory_space<hbm>>
    %dma_wait3A_410 = tpu.memref_squeeze %dma_wait3A_409 : memref<1x4x1024xf32, #tpu.memory_space<hbm>> -> memref<4x1024xf32, #tpu.memory_space<hbm>>
    %dma_wait3A_411 = arith.constant 60 : i32
    %dma_wait3A_412 = arith.constant 0 : i32
    %dma_wait3A_413 = tpu.memref_slice %arg6[%dma_wait3A_411, %dma_wait3A_412] : memref<64x1024xf32, #tpu.memory_space<vmem>> -> memref<4x1024xf32, #tpu.memory_space<vmem>>
    tpu.wait_dma2 semaphore(%arg14 : memref<!tpu.dma_semaphore, #tpu.memory_space<semaphore_mem>>) src(%dma_wait3A_413 : memref<4x1024xf32, #tpu.memory_space<vmem>>) dst(%dma_wait3A_410 : memref<4x1024xf32, #tpu.memory_space<hbm>>)
    return
  }
}

</mosaic_0001>

<sc_bundles>
// kernel: kernel.3.cloned.1.call-start
scs
__scs_entry_jumppad:
0x0: {  	(pc) =	sbr.rel $0x88, $3  }
0x1: {  	(tag) =	ssettag $0x0;
	lr =	simm.s32 $0x1  }
0x2: {  	[smem:$0x3F9F] =	sst lr;
	_ =	strace $0xD0000000  }
0x3: {  	_ = 	snop  }
0x4: {  	_ = 	snop  }
0x5: {  	_ = 	snop  }
0x6: {  	_ = 	snop  }
0x7: {  	_ = 	snop  }
__scs_overlays_trampoline_lowered:
0x8: {  	[smem:$0x3FAE] =	sst s0  }
0x9: {  	[smem:$0x3FAF] =	sst s1  }
0xa: {  	[smem:$0x3FB0] =	sst s2  }
0xb: {  	[smem:$0x3FB1] =	sst s3  }
0xc: {  	[smem:$0x3FB2] =	sst s4  }
0xd: {  	[smem:$0x3FB3] =	sst s5  }
0xe: {  	[smem:$0x3FB4] =	sst s6  }
0xf: {  	[smem:$0x3FB5] =	sst s7  }
0x10: {  	[smem:$0x3FB6] =	sst s8  }
0x11: {  	[smem:$0x3FB7] =	sst s9;
	s0 =	simm.s32 @!p0 $0x0  }
0x12: {  	s1 =	sld [smem:$0x3F9D];
	s0 =	simm.s32 @p0 $0x1  }
0x13: {  	[smem:$0x3FB8] =	sst s0;
	s0 =	simm.s32 @!p1 $0x0  }
0x14: {  	s2 =	sld [smem:$0x3F9C];
	s0 =	simm.s32 @p1 $0x1  }
0x15: {  	[smem:$0x3FB9] =	sst s0;
	s0 =	simm.s32 @!p2 $0x0  }
0x16: {  	s3 =	sld [smem:$0x3FDB];
	s0 =	simm.s32 @p2 $0x1  }
0x17: {  	s4 =	simm.s32 $0x1BF5;
	[smem:$0x3FBB] =	sst s0  }
0x18: {  	s0 =	sld [smem:$0x3F9E];
	_ =	swait.ge [sflag:s4], $0x0  }
0x19: {  	s7 =	sld [smem:$0x3F9F]  }
0x1a: {  	s8 =	sadd.s32 $0xFFFFE003, lr  }
0x1b: {  	s9 =	sadd.s32 $0xFFFFFEF7, lr;
	s5 =	simm.s32 $0xFFFFFFFF;
	p2 =	slt.u32 s8, $0xFFFFF086  }
0x1c: {  	p1 =	slt.u32 s9, $0xF7A;
	s5 =	simm.s32 @!p2 $0x0  }
0x1d: {  	s5 =	simm.s32 @p1 $0x1;
	p0 =	seq.s32 s7, s2  }
0x1e: {  	s7 =	smul.u32 @!p0 $0xF7A, s2;
	p2 =	seq.s32 @!p0 s5, $0x0  }
0x1f: {  	s9 =	smul.u32 $0xF7A, s1;
	s8 =	simm.s32 @!p0 $0x1BF5;
	p2 =	por !p2, p0  }
0x20: {  	[sflag:s8] =	ssyncset.s32 @!p0 $0xFFFFF086;
	s6 =	sadd.s32 @!p0 s3, s7;
	s7 =	simm.s32 @!p0 $0x108  }
0x21: {  	s3 =	sadd.s32 s3, s9;
	s6 =	sadd.s32 @!p0 $0x88, s6;
	s7 =	simm.s32 @p2 $0x1082  }
0x22: {  	[simem:s7], [sflag:s8] =	dma.local @!p0 [hbm:s6], $0xF7A  }
0x23: {  	s9 =	sor.u32 $0xD0000000, s2;
	s6 =	simm.s32 $0x108;
	_ =	swait.ge @!p0 [sflag:s8], $0x0  }
0x24: {  	s3 =	sadd.s32 $0x88, s3;
	s6 =	simm.s32 @!p1 $0x1082;
	[sflag:s4] =	ssyncset.s32 $0xFFFFF086  }
0x25: {  	[simem:s6], [sflag:s4] =	dma.local [hbm:s3], $0xF7A  }
0x26: {  	[smem:$0x3F9F] =	sst s1;
	(tag) =	ssettag s2;
	_ =	strace s9  }
0x27: {  	s1 =	sld [smem:$0x3FAF]  }
0x28: {  	s2 =	sld [smem:$0x3FB0]  }
0x29: {  	s4 =	sld [smem:$0x3FB2]  }
0x2a: {  	p0 =	seq.s32 s5, $0x0;
	s5 =	sld [smem:$0x3FB3]  }
0x2b: {  	s6 =	sld [smem:$0x3FB4]  }
0x2c: {  	s7 =	sld [smem:$0x3FB5]  }
0x2d: {  	s3 =	simm.s32 $0x108;
	s8 =	sld [smem:$0x3FB6]  }
0x2e: {  	s3 =	simm.s32 @!p0 $0x1082;
	s9 =	sld [smem:$0x3FB7]  }
0x2f: {  	lr =	sadd.s32 s0, s3;
	s0 =	sld [smem:$0x3FAE]  }
0x30: {  	s3 =	sld [smem:$0x3FB1]  }
0x31: {  	[smem:$0x3FBA] =	sst s10  }
0x32: {  	s10 =	sld [smem:$0x3FB8];
	_ =	sdelay $0x3  }
0x33: {  	p0 =	seq.s32 s10, $0x1;
	s10 =	sld [smem:$0x3FBA];
	_ =	sdelay $0x3  }
0x34: {  	[smem:$0x3FBA] =	sst s10  }
0x35: {  	s10 =	sld [smem:$0x3FB9];
	_ =	sdelay $0x3  }
0x36: {  	p1 =	seq.s32 s10, $0x1;
	s10 =	sld [smem:$0x3FBA];
	_ =	sdelay $0x3  }
0x37: {  	[smem:$0x3FBA] =	sst s10  }
0x38: {  	s10 =	sld [smem:$0x3FBB]  }
0x39: {  	_ = 	snop;
	(pc) =	sbr.ind lr, $3  }
0x3a: {  	_ = 	snop  }
0x3b: {  	_ = 	snop  }
0x3c: {  	p2 =	seq.s32 s10, $0x1;
	s10 =	sld [smem:$0x3FBA]  }
0x3d: {  	_ =	shalt  }
0x3e: {  	_ =	shalt  }
0x3f: {  	_ =	shalt  }
0x40: {  	_ =	shalt  }
0x41: {  	_ =	shalt  }
0x42: {  	_ =	shalt  }
0x43: {  	_ =	shalt  }
0x44: {  	_ =	shalt  }
0x45: {  	_ =	shalt  }
0x46: {  	_ =	shalt  }
0x47: {  	_ =	shalt  }
0x48: {  	_ =	shalt  }
0x49: {  	_ =	shalt  }
0x4a: {  	_ =	shalt  }
0x4b: {  	_ =	shalt  }
0x4c: {  	_ =	shalt  }
0x4d: {  	_ =	shalt  }
0x4e: {  	_ =	shalt  }
0x4f: {  	_ =	shalt  }
0x50: {  	_ =	shalt  }
0x51: {  	_ =	shalt  }
0x52: {  	_ =	shalt  }
0x53: {  	_ =	shalt  }
0x54: {  	_ =	shalt  }
0x55: {  	_ =	shalt  }
0x56: {  	_ =	shalt  }
0x57: {  	_ =	shalt  }
0x58: {  	_ =	shalt  }
0x59: {  	_ =	shalt  }
0x5a: {  	_ =	shalt  }
0x5b: {  	_ =	shalt  }
0x5c: {  	_ =	shalt  }
0x5d: {  	_ =	shalt  }
0x5e: {  	_ =	shalt  }
0x5f: {  	_ =	shalt  }
0x60: {  	_ =	shalt  }
0x61: {  	_ =	shalt  }
0x62: {  	_ =	shalt  }
0x63: {  	_ =	shalt  }
0x64: {  	_ =	shalt  }
0x65: {  	_ =	shalt  }
0x66: {  	_ =	shalt  }
0x67: {  	_ =	shalt  }
0x68: {  	_ =	shalt  }
0x69: {  	_ =	shalt  }
0x6a: {  	_ =	shalt  }
0x6b: {  	_ =	shalt  }
0x6c: {  	_ =	shalt  }
0x6d: {  	_ =	shalt  }
0x6e: {  	_ =	shalt  }
0x6f: {  	_ =	shalt  }
0x70: {  	_ =	shalt  }
0x71: {  	_ =	shalt  }
0x72: {  	_ =	shalt  }
0x73: {  	_ =	shalt  }
0x74: {  	_ =	shalt  }
0x75: {  	_ =	shalt  }
0x76: {  	_ =	shalt  }
0x77: {  	_ =	shalt  }
0x78: {  	_ =	shalt  }
0x79: {  	_ =	shalt  }
0x7a: {  	_ =	shalt  }
0x7b: {  	_ =	shalt  }
0x7c: {  	_ =	shalt  }
0x7d: {  	_ =	shalt  }
0x7e: {  	_ =	shalt  }
0x7f: {  	_ =	shalt  }
0x80: {  	_ =	shalt  }
0x81: {  	_ =	shalt  }
0x82: {  	_ =	shalt  }
0x83: {  	_ =	shalt  }
0x84: {  	_ =	shalt  }
0x85: {  	_ =	shalt  }
0x86: {  	_ =	shalt  }
0x87: {  	_ =	shalt  }
.Lfunc_end0:
.L_simem_size_0:
called_computation_lowered:
.L_overlay_start_0:
0x88: {  	s2 =	sld [smem:$0x3FD9]  }
0x89: {  	s3 =	sld [smem:$0x3FFE];
	_ =	sdelay $0x1  }
0x8a: {  	s1 =	srdreg.scid  }
0x8b: {  	s0 =	sand.u32 $0x1, s1  }
0x8c: {  	s18 =	sshll.u32 s0, $0xA;
	s2 =	sadd.s32 s3, s2  }
0x8d: {  	s2 =	sadd.s32 s2, s18  }
0x8e: {  	[smem:$0x3FC6] =	sst s2  }
0x8f: {  	_ = 	snop  }
0x90: {  	s2 =	sld [smem:$0x3FC9]  }
0x91: {  	s19 =	sld [smem:$0x3FC8]  }
0x92: {  	s4 =	sld [smem:$0x3FD0];
	(tm) =	ssettm $0x1  }
0x93: {  	s5 =	sld [smem:$0x3FFB];
	_ =	sdelay $0x3  }
0x94: {  	_ =	strace s5  }
0x95: {  	s5 =	sld [smem:$0x3FFC];
	_ =	sdelay $0x3  }
0x96: {  	_ =	strace s5  }
0x97: {  	s5 =	sld [smem:$0x3FFD];
	_ =	sdelay $0x3  }
0x98: {  	_ =	strace s5  }
0x99: {  	_ =	strace $0x8FFFFFFF  }
0x9a: {  	s20 =	sld [smem:$0x3FDB];
	_ =	sdelay $0x1  }
0x9b: {  	s6 =	simm.s32 $_scs_section_size  }
0x9c: {  	s7 =	simm.s32 $_size__tile_overlayer_lowered;
	s8 =	simm.s32 $_tile_overlayer_lowered  }
0x9d: {  	s23 =	simm.s32 $0x1BFF;
	s22 =	sshll.u32 s8, $0x1;
	s5 =	sadd.s32 s6, s20  }
0x9e: {  	s9 =	simm.s32 $0x0;
	s21 =	sshll.u32 s7, $0x1;
	s7 =	sadd.s32 s22, s5  }
0x9f: {  	[timem:s9], [sflag:s23] =	dma.local [hbm:s7], s21  }
0xa0: {  	_ =	swait.ge [sflag:s23], s21  }
0xa1: {  	s6 =	ssub.s32 $0x0, s21;
	[sflag:s23] =	ssyncset.done $0x0  }
0xa2: {  	[sflag:s23] =	ssyncadd.s32 s6;
	_ =	sdelay $0x1  }
0xa3: {  	s24 =	simm.s32 $0x1B8B  }
0xa4: {  	_ =	swait.ge [sflag:s24], $0x1  }
0xa5: {  	[sflag:s24] =	ssyncset.done $0x0  }
0xa6: {  	s25 =	simm.s32 $0x1B8E;
	[sflag:s24] =	ssyncadd.s32 $0xFFFFFFFF  }
0xa7: {  	s26 =	simm.s32 $execute0_lowered;
	[smem:$0x3FD2] =	sst s25  }
0xa8: {  	s6 =	sshll.u32 s26, $0x1;
	_ =	strace $0x80000046;
	[dreg:$0x1] =	wrdreg $0xFFFFFFFF  }
0xa9: {  	s28 =	simm.s32 $_size_execute0_lowered;
	s5 =	sadd.s32 s5, s6;
	[dreg:$0x0] =	wrdreg $0x0  }
0xaa: {  	s6 =	sshll.u32 s28, $0x1;
	[dreg:$0x2] =	wrdreg s5  }
0xab: {  	[dreg:$0x3] =	wrdreg s6  }
0xac: {  	[dreg:$0x4] =	wrdreg $0xC0  }
0xad: {  	_ =	task [dreg:s9], $0x5FFFF  }
0xae: {  	[dreg:$0x1] =	wrdreg $0xFFFFFFFF  }
0xaf: {  	[dreg:$0x0] =	wrdreg $0x60  }
0xb0: {  	[dreg:$0x2] =	wrdreg s2  }
0xb1: {  	[dreg:$0x3] =	wrdreg s19  }
0xb2: {  	[dreg:$0x4] =	wrdreg s4  }
0xb3: {  	[dreg:$0x5] =	wrdreg $0x9  }
0xb4: {  	_ =	task.clear_ibuf [dreg:s9], $0x6FFFF;
	_ =	strace $0x90000046  }
0xb5: {  	s29 =	simm.s32 $0x9;
	_ =	strace $0x80000048  }
0xb6: {  	_ =	swait.ge [sflag:s29], $0x1  }
0xb7: {  	[sflag:s29] =	ssyncadd.s32 $0xFFFFFFFF  }
0xb8: {  	_ =	strace $0x90000048  }
0xb9: {  	_ =	sfence  }
0xba: {  	s30 =	sld [smem:$0x0];
	_ =	sdelay $0x2  }
0xbb: {  	s31 =	sshll.u32 s1, $0xD;
	s1 =	sshrl.u32 s1, $0x2  }
0xbc: {  	s3 =	sand.u32 $0x4000, s31;
	s1 =	sadd.s32 s1, s30  }
0xbd: {  	s0 =	sor.u32 s3, s0;
	s1 =	sshll.u32 s1, $0x11  }
0xbe: {  	s0 =	sor.u32 s1, s0  }
0xbf: {  	s0 =	sadd.s32 $0x8F2B, s0  }
0xc0: {  	[sflag:s0] =	ssyncadd.remote.s32 $0x1  }
0xc1: {  	_ =	sfence.sel $0xFFFF  }
0xc2: {  	[dreg:$0x0] =	wrdreg $0xFFFFFFFF;
	(pc) =	sbr.abs _section_cstart, $3  }
0xc3: {  	[dreg:$0x1] =	wrdreg $0xFFFFFFFF  }
0xc4: {  	_ =	task.clear_ibuf [dreg:s9], $0x2FFFF;
	_ =	strace $0x9FFFFFFF  }
0xc5: {  	(tm) =	ssettm $0x7FFFFFFF  }
tec
execute0_lowered:
.L_overlay_start_1:
0x0: {  	(tag) =	ssettag $0x1  }
0x1: {  	s2 =	rddreg [dreg:$0x0]  }
0x2: {  	s3 =	rddreg [dreg:$0x1];
	s0 =	srdreg.scid  }
0x3: {  	s4 =	rddreg [dreg:$0x2];
	s1 =	stileid.u32  }
0x4: {  	s5 =	simm.s32 $0x0;
	s0 =	sand.u32 $0x1, s0;
	s1 =	sshll.u32 s1, $0x8  }
0x5: {  	[smem:$0x7FF] =	sst s5;
	s31 =	sadd.s32 $0x80000, s4;
	s6 =	sshll.u32 s0, $0x7  }
0x6: {  	s0 =	ssub.s32 $0x2, s0;
	_ =	strace $0x80000047;
	s1 =	sor.u32 s6, s1  }
0x7: {  	[dreg:$0x16] =	wrdreg s31;
	s18 =	sshrl.u32 s0, $0x1;
	s8 =	sshll.u32 s1, $0x7  }
0x8: {  	s7 =	sshll.u32 s1, $0xA;
	s6 =	sadd.s32 s2, s8;
	s9 =	sadd.s32 s3, s8  }
0x9: {  	s22 =	sor.u32 $0x40, s8;
	s8 =	sor.u32 $0x400, s8;
	[dreg:$0x5] =	wrdreg s7  }
0xa: {  	s0 =	ssub.s32 s0, s18;
	s30 =	sor.u32 $0x4000, s7;
	[dreg:$0xf] =	wrdreg s8  }
0xb: {  	s0 =	smax.u32 s0, $0x1;
	[dreg:$0x15] =	wrdreg s30  }
0xc: {  	[dreg:$0x17] =	wrdreg s0  }
0xd: {  	[dreg:$0x6] =	wrdreg s9  }
0xe: {  	s19 =	sadd.s32 $0x80000, s6;
	[dreg:$0x4] =	wrdreg s6  }
0xf: {  	s20 =	sadd.s32 $0x100000, s6;
	[dreg:$0x7] =	wrdreg s19  }
0x10: {  	s21 =	sadd.s32 $0x180000, s6;
	[dreg:$0x8] =	wrdreg s20  }
0x11: {  	s11 =	sadd.s32 $0x100040, s6;
	[dreg:$0x9] =	wrdreg s21  }
0x12: {  	s23 =	sadd.s32 $0x80040, s6;
	[dreg:$0xc] =	wrdreg s11  }
0x13: {  	s24 =	sadd.s32 $0x180040, s6;
	[dreg:$0xd] =	wrdreg s23  }
0x14: {  	s10 =	sadd.s32 s3, s22;
	s25 =	sadd.s32 $0x100400, s6;
	[dreg:$0xe] =	wrdreg s24  }
0x15: {  	s1 =	sadd.s32 s2, s22;
	s26 =	sadd.s32 $0x80400, s6;
	[dreg:$0x12] =	wrdreg s25  }
0x16: {  	s3 =	sadd.s32 s3, s8;
	s29 =	sadd.s32 $0x180400, s6;
	[dreg:$0x13] =	wrdreg s26  }
0x17: {  	s2 =	sadd.s32 s2, s8;
	s8 =	sadd.s32 $0x180000, s4;
	[dreg:$0x14] =	wrdreg s29  }
0x18: {  	s12 =	sadd.s32 $0x180, s9;
	[dreg:$0x18] =	wrdreg s8  }
0x19: {  	s13 =	sadd.s32 $0x200, s9;
	[dreg:$0x1a] =	wrdreg s12  }
0x1a: {  	s14 =	sadd.s32 $0x280, s9;
	[dreg:$0x1b] =	wrdreg s13  }
0x1b: {  	s15 =	sadd.s32 $0x300, s9;
	[dreg:$0x1c] =	wrdreg s14  }
0x1c: {  	s16 =	sadd.s32 $0x80080, s6;
	[dreg:$0x1d] =	wrdreg s15  }
0x1d: {  	s17 =	sadd.s32 $0x80100, s6;
	[dreg:$0x1e] =	wrdreg s16  }
0x1e: {  	s18 =	sadd.s32 $0x80180, s6;
	[dreg:$0x1f] =	wrdreg s17  }
0x1f: {  	s22 =	sadd.s32 $0x80380, s6;
	[smem:$0x799] =	sst s18  }
0x20: {  	s30 =	sadd.s32 $0x100200, s6;
	[smem:$0x79D] =	sst s22  }
0x21: {  	s31 =	sadd.s32 $0x300, s6;
	[smem:$0x7A3] =	sst s30  }
0x22: {  	[smem:$0x7A4] =	sst s31  }
0x23: {  	[dreg:$0xa] =	wrdreg s10  }
0x24: {  	[dreg:$0xb] =	wrdreg s1  }
0x25: {  	[dreg:$0x10] =	wrdreg s3  }
0x26: {  	s11 =	sor.u32 $0x6000, s7;
	[dreg:$0x11] =	wrdreg s2  }
0x27: {  	s19 =	sadd.s32 $0x80200, s6;
	[dreg:$0x19] =	wrdreg s11  }
0x28: {  	s20 =	sadd.s32 $0x80280, s6;
	[smem:$0x79A] =	sst s19  }
0x29: {  	s21 =	sadd.s32 $0x80300, s6;
	[smem:$0x79B] =	sst s20  }
0x2a: {  	s23 =	sadd.s32 $0x100000, s4;
	[smem:$0x79C] =	sst s21  }
0x2b: {  	s24 =	sadd.s32 $0x100080, s6;
	[smem:$0x79E] =	sst s23  }
0x2c: {  	s25 =	sadd.s32 $0x100100, s6;
	[smem:$0x79F] =	sst s24  }
0x2d: {  	s26 =	sadd.s32 $0x200, s6;
	[smem:$0x7A0] =	sst s25  }
0x2e: {  	s29 =	sadd.s32 $0x100180, s6;
	[smem:$0x7A1] =	sst s26  }
0x2f: {  	s7 =	sadd.s32 $0x100280, s6;
	[smem:$0x7A2] =	sst s29  }
0x30: {  	s8 =	sadd.s32 $0x100300, s6;
	[smem:$0x7A5] =	sst s7  }
0x31: {  	s12 =	sadd.s32 $0x100380, s6;
	[smem:$0x7A6] =	sst s8  }
0x32: {  	s13 =	sadd.s32 $0x180080, s6;
	[smem:$0x7A8] =	sst s12  }
0x33: {  	s14 =	sadd.s32 $0x180, s6;
	[smem:$0x7A9] =	sst s13  }
0x34: {  	s15 =	sadd.s32 $0x180100, s6;
	[smem:$0x7AA] =	sst s14  }
0x35: {  	s16 =	sadd.s32 $0x180180, s6;
	[smem:$0x7AB] =	sst s15  }
0x36: {  	s17 =	sadd.s32 $0x280, s6;
	[smem:$0x7AC] =	sst s16  }
0x37: {  	s18 =	sadd.s32 $0x180200, s6;
	[smem:$0x7AD] =	sst s17  }
0x38: {  	s22 =	sadd.s32 $0x180380, s6;
	[smem:$0x7AE] =	sst s18  }
0x39: {  	s30 =	sadd.s32 $0x180, s1;
	[smem:$0x7B2] =	sst s22  }
0x3a: {  	s31 =	sadd.s32 $0x200, s1;
	[smem:$0x7B8] =	sst s30  }
0x3b: {  	s11 =	sadd.s32 $0x380, s9;
	[smem:$0x7B9] =	sst s31  }
0x3c: {  	s19 =	sadd.s32 $0x180280, s6;
	[smem:$0x7A7] =	sst s11  }
0x3d: {  	s20 =	sadd.s32 $0x380, s6;
	[smem:$0x7AF] =	sst s19  }
0x3e: {  	s21 =	sadd.s32 $0x180300, s6;
	[smem:$0x7B0] =	sst s20  }
0x3f: {  	s23 =	sadd.s32 $0x180, s10;
	[smem:$0x7B1] =	sst s21  }
0x40: {  	s24 =	sadd.s32 $0x200, s10;
	[smem:$0x7B3] =	sst s23  }
0x41: {  	s25 =	sadd.s32 $0x280, s10;
	[smem:$0x7B4] =	sst s24  }
0x42: {  	s26 =	sadd.s32 $0x300, s10;
	[smem:$0x7B5] =	sst s25  }
0x43: {  	s29 =	sadd.s32 $0x380, s10;
	[smem:$0x7B6] =	sst s26  }
0x44: {  	s7 =	sadd.s32 $0x280, s1;
	[smem:$0x7B7] =	sst s29  }
0x45: {  	s8 =	sadd.s32 $0x300, s1;
	[smem:$0x7BA] =	sst s7  }
0x46: {  	s12 =	sadd.s32 $0x800C0, s6;
	[smem:$0x7BB] =	sst s8  }
0x47: {  	s13 =	sadd.s32 $0x80140, s6;
	[smem:$0x7BD] =	sst s12  }
0x48: {  	s14 =	sadd.s32 $0x801C0, s6;
	[smem:$0x7BE] =	sst s13  }
0x49: {  	s15 =	sadd.s32 $0x80240, s6;
	[smem:$0x7BF] =	sst s14  }
0x4a: {  	s16 =	sadd.s32 $0x802C0, s6;
	[smem:$0x7C0] =	sst s15  }
0x4b: {  	s17 =	sadd.s32 $0x80340, s6;
	[smem:$0x7C1] =	sst s16  }
0x4c: {  	s18 =	sadd.s32 $0x803C0, s6;
	[smem:$0x7C2] =	sst s17  }
0x4d: {  	s22 =	sadd.s32 $0x1001C0, s6;
	[smem:$0x7C3] =	sst s18  }
0x4e: {  	s30 =	sadd.s32 $0x1003C0, s6;
	[smem:$0x7C7] =	sst s22  }
0x4f: {  	s31 =	sadd.s32 $0x80, s6;
	[smem:$0x7CD] =	sst s30  }
0x50: {  	s11 =	sadd.s32 $0x380, s1;
	[smem:$0x7CE] =	sst s31  }
0x51: {  	s19 =	sadd.s32 $0x1000C0, s6;
	[smem:$0x7BC] =	sst s11  }
0x52: {  	s20 =	sadd.s32 $0x40, s4;
	[smem:$0x7C4] =	sst s19  }
0x53: {  	s21 =	sadd.s32 $0x100140, s6;
	[smem:$0x7C5] =	sst s20  }
0x54: {  	s23 =	sadd.s32 $0x80, s9;
	[smem:$0x7C6] =	sst s21  }
0x55: {  	s24 =	sadd.s32 $0x100240, s6;
	[smem:$0x7C8] =	sst s23  }
0x56: {  	s25 =	sadd.s32 $0x1002C0, s6;
	[smem:$0x7C9] =	sst s24  }
0x57: {  	s26 =	sadd.s32 $0x100, s9;
	[smem:$0x7CA] =	sst s25  }
0x58: {  	s29 =	sadd.s32 $0x100340, s6;
	[smem:$0x7CB] =	sst s26  }
0x59: {  	s4 =	sadd.s32 $0x1800C0, s6;
	[smem:$0x7CC] =	sst s29  }
0x5a: {  	s7 =	sadd.s32 $0x180140, s6;
	[smem:$0x7CF] =	sst s4  }
0x5b: {  	s8 =	sadd.s32 $0x100, s6;
	[smem:$0x7D0] =	sst s7  }
0x5c: {  	s9 =	sadd.s32 $0x1801C0, s6;
	[smem:$0x7D1] =	sst s8  }
0x5d: {  	s12 =	sadd.s32 $0x80, s10;
	[smem:$0x7D2] =	sst s9  }
0x5e: {  	s13 =	sadd.s32 $0x1802C0, s6;
	[smem:$0x7D4] =	sst s12  }
0x5f: {  	s14 =	sadd.s32 $0x180340, s6;
	[smem:$0x7D5] =	sst s13  }
0x60: {  	s15 =	sadd.s32 $0x1803C0, s6;
	[smem:$0x7D6] =	sst s14  }
0x61: {  	s16 =	sadd.s32 $0x180, s3;
	[smem:$0x7D7] =	sst s15  }
0x62: {  	s17 =	sadd.s32 $0x200, s3;
	[smem:$0x7D8] =	sst s16  }
0x63: {  	s18 =	sadd.s32 $0x280, s3;
	[smem:$0x7D9] =	sst s17  }
0x64: {  	s22 =	sadd.s32 $0x200, s2;
	[smem:$0x7DA] =	sst s18  }
0x65: {  	s30 =	sadd.s32 $0x80580, s6;
	[smem:$0x7DE] =	sst s22  }
0x66: {  	s31 =	sadd.s32 $0x80600, s6;
	[smem:$0x7E4] =	sst s30  }
0x67: {  	s11 =	sadd.s32 $0x180240, s6;
	[smem:$0x7E5] =	sst s31  }
0x68: {  	s19 =	sadd.s32 $0x300, s3;
	[smem:$0x7D3] =	sst s11  }
0x69: {  	s20 =	sadd.s32 $0x380, s3;
	[smem:$0x7DB] =	sst s19  }
0x6a: {  	s21 =	sadd.s32 $0x180, s2;
	[smem:$0x7DC] =	sst s20  }
0x6b: {  	s23 =	sadd.s32 $0x280, s2;
	[smem:$0x7DD] =	sst s21  }
0x6c: {  	s24 =	sadd.s32 $0x300, s2;
	[smem:$0x7DF] =	sst s23  }
0x6d: {  	s25 =	sadd.s32 $0x380, s2;
	[smem:$0x7E0] =	sst s24  }
0x6e: {  	s26 =	sadd.s32 $0x80480, s6;
	[smem:$0x7E1] =	sst s25  }
0x6f: {  	s29 =	sadd.s32 $0x80500, s6;
	[smem:$0x7E2] =	sst s26  }
0x70: {  	s4 =	sadd.s32 $0x80680, s6;
	[smem:$0x7E3] =	sst s29  }
0x71: {  	s7 =	sadd.s32 $0x80700, s6;
	[smem:$0x7E6] =	sst s4  }
0x72: {  	s8 =	sadd.s32 $0x80780, s6;
	[smem:$0x7E7] =	sst s7  }
0x73: {  	s9 =	sadd.s32 $0x100, s10;
	[smem:$0x7E8] =	sst s8  }
0x74: {  	s10 =	sadd.s32 $0x100480, s6;
	[smem:$0x7E9] =	sst s9  }
0x75: {  	s12 =	sadd.s32 $0x80, s1;
	[smem:$0x7EA] =	sst s10  }
0x76: {  	s13 =	sadd.s32 $0x100580, s6;
	[smem:$0x7EC] =	sst s12  }
0x77: {  	s14 =	sadd.s32 $0x100600, s6;
	[smem:$0x7ED] =	sst s13  }
0x78: {  	s15 =	sadd.s32 $0x100, s1;
	[smem:$0x7EE] =	sst s14  }
0x79: {  	s16 =	sadd.s32 $0x100680, s6;
	[smem:$0x7EF] =	sst s15  }
0x7a: {  	s17 =	sadd.s32 $0x100700, s6;
	[smem:$0x7F0] =	sst s16  }
0x7b: {  	s18 =	sadd.s32 $0x80, s3;
	s22 =	sadd.s32 $0x180500, s6;
	[smem:$0x7F1] =	sst s17  }
0x7c: {  	s30 =	sadd.s32 $0x180700, s6;
	[smem:$0x7F2] =	sst s18  }
0x7d: {  	s31 =	sadd.s32 $0x180780, s6;
	[smem:$0x7F6] =	sst s22  }
0x7e: {  	s11 =	sadd.s32 $0x100500, s6;
	[smem:$0x7FC] =	sst s30  }
0x7f: {  	s19 =	sadd.s32 $0x100780, s6;
	[smem:$0x7FD] =	sst s31  }
0x80: {  	s20 =	sadd.s32 $0x180480, s6;
	[smem:$0x7EB] =	sst s11  }
0x81: {  	s28 =	simm.s32 $0x7;
	s23 =	sadd.s32 $0x180580, s6;
	[smem:$0x7F3] =	sst s19  }
0x82: {  	s21 =	sadd.s32 $0x100, s3;
	s25 =	sadd.s32 $0x180600, s6;
	[smem:$0x7F4] =	sst s20  }
0x83: {  	s24 =	sadd.s32 $0x80, s2;
	s26 =	sadd.s32 $0x180680, s6;
	[smem:$0x7F5] =	sst s21  }
.Ltmp0:
0x84: {  	s29 =	sadd.s32 $0x100, s2;
	[smem:$0x7F7] =	sst s23;
	(pc) =	sbr.rel .LBB2_1-.Ltmp0, $4  }
0x85: {  	s7 =	simm.s32 $0x10000;
	s8 =	simm.s32 $0x10400;
	[smem:$0x7F8] =	sst s24  }
0x86: {  	s14 =	simm.s32 $0x2;
	s15 =	simm.s32 $0x3;
	[smem:$0x7F9] =	sst s25  }
0x87: {  	s16 =	simm.s32 $0x4;
	s2 =	simm.s32 $0x0;
	[smem:$0x7FA] =	sst s26  }
0x88: {  	[smem:$0x7FB] =	sst s29;
	s25 =	simm.s32 $0x1;
	s21 =	simm.s32 $0x10800  }
.LBB2_16:
0x89: {  	s0 =	simm.s32 $0x5  }
0x8a: {  	_ =	swait.ge [sflag:s0], $0x1000  }
0x8b: {  	[sflag:s0] =	ssyncset.done $0x0  }
0x8c: {  	[sflag:s0] =	ssyncadd.s32 $0xFFFFF000  }
0x8d: {  	_ =	swait.ge [sflag:s0], $0x1000  }
0x8e: {  	[sflag:s0] =	ssyncset.done $0x0  }
0x8f: {  	[sflag:s0] =	ssyncadd.s32 $0xFFFFF000  }
0x90: {  	_ =	swait.ge [sflag:s0], $0x1000  }
0x91: {  	[sflag:s0] =	ssyncset.done $0x0  }
0x92: {  	[sflag:s0] =	ssyncadd.s32 $0xFFFFF000  }
0x93: {  	_ =	swait.ge [sflag:s0], $0x1000  }
0x94: {  	[sflag:s0] =	ssyncset.done $0x0  }
0x95: {  	s30 =	simm.s32 $0x6;
	[sflag:s0] =	ssyncadd.s32 $0xFFFFF000  }
0x96: {  	_ =	swait.ge [sflag:s30], $0x1000  }
0x97: {  	[sflag:s30] =	ssyncset.done $0x0  }
0x98: {  	[sflag:s30] =	ssyncadd.s32 $0xFFFFF000  }
0x99: {  	_ =	swait.ge [sflag:s30], $0x1000  }
0x9a: {  	[sflag:s30] =	ssyncset.done $0x0  }
0x9b: {  	[sflag:s30] =	ssyncadd.s32 $0xFFFFF000  }
0x9c: {  	_ =	swait.ge [sflag:s30], $0x1000  }
0x9d: {  	[sflag:s30] =	ssyncset.done $0x0  }
0x9e: {  	[sflag:s30] =	ssyncadd.s32 $0xFFFFF000  }
0x9f: {  	_ =	swait.ge [sflag:s30], $0x1000  }
0xa0: {  	[sflag:s30] =	ssyncset.done $0x0  }
0xa1: {  	[sflag:s30] =	ssyncadd.s32 $0xFFFFF000  }
0xa2: {  	_ =	swait.ge [sflag:s28], $0x1000  }
0xa3: {  	[sflag:s28] =	ssyncset.done $0x0  }
0xa4: {  	[sflag:s28] =	ssyncadd.s32 $0xFFFFF000  }
0xa5: {  	_ =	swait.ge [sflag:s28], $0x1000  }
0xa6: {  	[sflag:s28] =	ssyncset.done $0x0  }
0xa7: {  	[sflag:s28] =	ssyncadd.s32 $0xFFFFF000  }
0xa8: {  	_ =	swait.ge [sflag:s28], $0x1000  }
0xa9: {  	[sflag:s28] =	ssyncset.done $0x0  }
0xaa: {  	[sflag:s28] =	ssyncadd.s32 $0xFFFFF000  }
0xab: {  	_ =	swait.ge [sflag:s28], $0x1000  }
0xac: {  	[sflag:s28] =	ssyncset.done $0x0  }
0xad: {  	s1 =	simm.s32 $0x8;
	[sflag:s28] =	ssyncadd.s32 $0xFFFFF000  }
0xae: {  	_ =	swait.ge [sflag:s1], $0x1000  }
0xaf: {  	[sflag:s1] =	ssyncset.done $0x0  }
0xb0: {  	[sflag:s1] =	ssyncadd.s32 $0xFFFFF000  }
0xb1: {  	_ =	swait.ge [sflag:s1], $0x1000  }
0xb2: {  	[sflag:s1] =	ssyncset.done $0x0  }
0xb3: {  	[sflag:s1] =	ssyncadd.s32 $0xFFFFF000  }
0xb4: {  	_ =	swait.ge [sflag:s1], $0x1000  }
0xb5: {  	[sflag:s1] =	ssyncset.done $0x0  }
0xb6: {  	[sflag:s1] =	ssyncadd.s32 $0xFFFFF000  }
0xb7: {  	_ =	swait.ge [sflag:s1], $0x1000  }
0xb8: {  	s2 =	sld [smem:$0x798];
	_ =	sdelay $0x2  }
0xb9: {  	s31 =	rddreg [dreg:$0x17];
	s2 =	sadd.s32 $0x1, s2  }
0xba: {  	p0 =	sne.s32 s2, s31  }
.Ltmp1:
0xbb: {  	_ = 	snop;
	(pc) =	sbr.rel @!p0 .LBB2_17-.Ltmp1, $3  }
0xbc: {  	_ =	sdelay $0x1  }
0xbd: {  	[sflag:s1] =	ssyncset.done $0x0  }
0xbe: {  	[sflag:s1] =	ssyncadd.s32 $0xFFFFF000  }
.LBB2_1:
0xbf: {  	[smem:$0x798] =	sst s2  }
0xc0: {  	s0 =	rddreg [dreg:$0x6]  }
0xc1: {  	s6 =	sld [smem:$0x7C8]  }
0xc2: {  	[tilespmem:s5], [sflag:$0x1] =	stream.linear.gather [hbm4b:s0+s5], $0x200, $0x38;
	[tilespmem:$0x14000] =	vst v63  }
0xc3: {  	s1 =	simm.s32 $0x400;
	s9 =	sld [smem:$0x7CB]  }
0xc4: {  	[tilespmem:s1], [sflag:$0x1] =	stream.linear.gather [hbm4b:s6+s5], $0x200, $0x38;
	[tilespmem:$0x14000] =	vst v63  }
0xc5: {  	s10 =	simm.s32 $0x800;
	s11 =	rddreg [dreg:$0x1a]  }
0xc6: {  	[tilespmem:s10], [sflag:$0x1] =	stream.linear.gather [hbm4b:s9+s5], $0x200, $0x38;
	[tilespmem:$0x14000] =	vst v63  }
0xc7: {  	s12 =	simm.s32 $0xC00;
	s13 =	rddreg [dreg:$0x1b]  }
0xc8: {  	[tilespmem:s12], [sflag:$0x1] =	stream.linear.gather [hbm4b:s11+s5], $0x200, $0x38;
	[tilespmem:$0x14000] =	vst v63  }
0xc9: {  	s17 =	simm.s32 $0x1000;
	s18 =	rddreg [dreg:$0x1c]  }
0xca: {  	[tilespmem:s17], [sflag:$0x1] =	stream.linear.gather [hbm4b:s13+s5], $0x200, $0x38;
	[tilespmem:$0x14000] =	vst v63  }
0xcb: {  	s19 =	simm.s32 $0x1400;
	s20 =	rddreg [dreg:$0x1d]  }
0xcc: {  	[tilespmem:s19], [sflag:$0x1] =	stream.linear.gather [hbm4b:s18+s5], $0x200, $0x38;
	[tilespmem:$0x14000] =	vst v63  }
0xcd: {  	s22 =	simm.s32 $0x1800;
	s23 =	sld [smem:$0x7A7]  }
0xce: {  	[tilespmem:s22], [sflag:$0x1] =	stream.linear.gather [hbm4b:s20+s5], $0x200, $0x38;
	[tilespmem:$0x14000] =	vst v63  }
0xcf: {  	s24 =	simm.s32 $0x1C00;
	s26 =	rddreg [dreg:$0x4]  }
0xd0: {  	[tilespmem:s24], [sflag:$0x1] =	stream.linear.gather [hbm4b:s23+s5], $0x200, $0x38;
	[tilespmem:$0x14000] =	vst v63  }
0xd1: {  	s29 =	simm.s32 $0x4000;
	s30 =	sld [smem:$0x7CE]  }
0xd2: {  	[tilespmem:s29], [sflag:$0x1] =	stream.linear.gather [hbm4b:s26+s5], $0x200, $0x38;
	[tilespmem:$0x14000] =	vst v63  }
0xd3: {  	s31 =	simm.s32 $0x4400;
	s2 =	sld [smem:$0x7D1]  }
0xd4: {  	[tilespmem:s31], [sflag:$0x1] =	stream.linear.gather [hbm4b:s30+s5], $0x200, $0x38;
	[tilespmem:$0x14000] =	vst v63  }
0xd5: {  	s3 =	simm.s32 $0x4800;
	s4 =	sld [smem:$0x7AA]  }
0xd6: {  	[tilespmem:s3], [sflag:$0x1] =	stream.linear.gather [hbm4b:s2+s5], $0x200, $0x38;
	[tilespmem:$0x14000] =	vst v63  }
0xd7: {  	s6 =	simm.s32 $0x4C00;
	s9 =	sld [smem:$0x7A1]  }
0xd8: {  	[tilespmem:s6], [sflag:$0x1] =	stream.linear.gather [hbm4b:s4+s5], $0x200, $0x38;
	[tilespmem:$0x14000] =	vst v63  }
0xd9: {  	s10 =	simm.s32 $0x5000;
	s11 =	sld [smem:$0x7AD]  }
0xda: {  	[tilespmem:s10], [sflag:$0x1] =	stream.linear.gather [hbm4b:s9+s5], $0x200, $0x38;
	[tilespmem:$0x14000] =	vst v63  }
0xdb: {  	s12 =	simm.s32 $0x5400;
	s13 =	sld [smem:$0x7A4]  }
0xdc: {  	[tilespmem:s12], [sflag:$0x1] =	stream.linear.gather [hbm4b:s11+s5], $0x200, $0x38;
	[tilespmem:$0x14000] =	vst v63  }
0xdd: {  	s17 =	simm.s32 $0x5800;
	s18 =	sld [smem:$0x7B0]  }
0xde: {  	[tilespmem:s17], [sflag:$0x1] =	stream.linear.gather [hbm4b:s13+s5], $0x200, $0x38;
	[tilespmem:$0x14000] =	vst v63  }
0xdf: {  	s19 =	simm.s32 $0x5C00;
	s20 =	rddreg [dreg:$0x7]  }
0xe0: {  	[tilespmem:s19], [sflag:$0x1] =	stream.linear.gather [hbm4b:s18+s5], $0x200, $0x38;
	[tilespmem:$0x14000] =	vst v63  }
0xe1: {  	s22 =	simm.s32 $0x4200;
	s23 =	rddreg [dreg:$0x1e]  }
0xe2: {  	[tilespmem:s22], [sflag:$0x1] =	stream.linear.gather [hbm4b:s20+s5], $0x200, $0x38;
	[tilespmem:$0x14000] =	vst v63  }
0xe3: {  	s24 =	simm.s32 $0x4600;
	s26 =	rddreg [dreg:$0x1f]  }
0xe4: {  	[tilespmem:s24], [sflag:$0x1] =	stream.linear.gather [hbm4b:s23+s5], $0x200, $0x38;
	[tilespmem:$0x14000] =	vst v63  }
0xe5: {  	s29 =	simm.s32 $0x4A00;
	s30 =	sld [smem:$0x799]  }
0xe6: {  	[tilespmem:s29], [sflag:$0x1] =	stream.linear.gather [hbm4b:s26+s5], $0x200, $0x38;
	[tilespmem:$0x14000] =	vst v63  }
0xe7: {  	s31 =	simm.s32 $0x4E00;
	s2 =	sld [smem:$0x79A]  }
0xe8: {  	[tilespmem:s31], [sflag:$0x1] =	stream.linear.gather [hbm4b:s30+s5], $0x200, $0x38;
	[tilespmem:$0x14000] =	vst v63  }
0xe9: {  	s3 =	simm.s32 $0x5200;
	s4 =	sld [smem:$0x79B]  }
0xea: {  	[tilespmem:s3], [sflag:$0x1] =	stream.linear.gather [hbm4b:s2+s5], $0x200, $0x38;
	[tilespmem:$0x14000] =	vst v63  }
0xeb: {  	s6 =	simm.s32 $0x5600;
	s9 =	sld [smem:$0x79C]  }
0xec: {  	[tilespmem:s6], [sflag:$0x1] =	stream.linear.gather [hbm4b:s4+s5], $0x200, $0x38;
	[tilespmem:$0x14000] =	vst v63  }
0xed: {  	s10 =	simm.s32 $0x5A00;
	s11 =	sld [smem:$0x79D]  }
0xee: {  	[tilespmem:s10], [sflag:$0x1] =	stream.linear.gather [hbm4b:s9+s5], $0x200, $0x38;
	[tilespmem:$0x14000] =	vst v63  }
0xef: {  	s12 =	simm.s32 $0x5E00;
	s13 =	rddreg [dreg:$0x8]  }
0xf0: {  	[tilespmem:s12], [sflag:$0x1] =	stream.linear.gather [hbm4b:s11+s5], $0x200, $0x38;
	[tilespmem:$0x14000] =	vst v63  }
0xf1: {  	s17 =	simm.s32 $0x6000;
	s18 =	sld [smem:$0x79F]  }
0xf2: {  	[tilespmem:s17], [sflag:$0x1] =	stream.linear.gather [hbm4b:s13+s5], $0x200, $0x38;
	[tilespmem:$0x14000] =	vst v63  }
0xf3: {  	s19 =	simm.s32 $0x6400;
	s20 =	sld [smem:$0x7A0]  }
0xf4: {  	[tilespmem:s19], [sflag:$0x1] =	stream.linear.gather [hbm4b:s18+s5], $0x200, $0x38;
	[tilespmem:$0x14000] =	vst v63  }
0xf5: {  	s22 =	simm.s32 $0x6800;
	s23 =	sld [smem:$0x7A2]  }
0xf6: {  	[tilespmem:s22], [sflag:$0x1] =	stream.linear.gather [hbm4b:s20+s5], $0x200, $0x38;
	[tilespmem:$0x14000] =	vst v63  }
0xf7: {  	s24 =	simm.s32 $0x6C00;
	s26 =	sld [smem:$0x7A3]  }
0xf8: {  	[tilespmem:s24], [sflag:$0x1] =	stream.linear.gather [hbm4b:s23+s5], $0x200, $0x38;
	[tilespmem:$0x14000] =	vst v63  }
0xf9: {  	s29 =	simm.s32 $0x7000;
	s30 =	sld [smem:$0x7A5]  }
0xfa: {  	[tilespmem:s29], [sflag:$0x1] =	stream.linear.gather [hbm4b:s26+s5], $0x200, $0x38;
	[tilespmem:$0x14000] =	vst v63  }
0xfb: {  	s31 =	simm.s32 $0x7400;
	s2 =	sld [smem:$0x7A6]  }
0xfc: {  	[tilespmem:s31], [sflag:$0x1] =	stream.linear.gather [hbm4b:s30+s5], $0x200, $0x38;
	[tilespmem:$0x14000] =	vst v63  }
0xfd: {  	s3 =	simm.s32 $0x7800;
	s4 =	sld [smem:$0x7A8]  }
0xfe: {  	[tilespmem:s3], [sflag:$0x1] =	stream.linear.gather [hbm4b:s2+s5], $0x200, $0x38;
	[tilespmem:$0x14000] =	vst v63  }
0xff: {  	s6 =	simm.s32 $0x7C00;
	s9 =	rddreg [dreg:$0x9]  }
0x100: {  	[tilespmem:s6], [sflag:$0x1] =	stream.linear.gather [hbm4b:s4+s5], $0x200, $0x38;
	[tilespmem:$0x14000] =	vst v63  }
0x101: {  	s10 =	simm.s32 $0x6200;
	s11 =	sld [smem:$0x7A9]  }
0x102: {  	[tilespmem:s10], [sflag:$0x1] =	stream.linear.gather [hbm4b:s9+s5], $0x200, $0x38;
	[tilespmem:$0x14000] =	vst v63  }
0x103: {  	s12 =	simm.s32 $0x6600;
	s13 =	sld [smem:$0x7AB]  }
0x104: {  	[tilespmem:s12], [sflag:$0x1] =	stream.linear.gather [hbm4b:s11+s5], $0x200, $0x38;
	[tilespmem:$0x14000] =	vst v63  }
0x105: {  	s17 =	simm.s32 $0x6A00;
	s18 =	sld [smem:$0x7AC]  }
0x106: {  	[tilespmem:s17], [sflag:$0x1] =	stream.linear.gather [hbm4b:s13+s5], $0x200, $0x38;
	[tilespmem:$0x14000] =	vst v63  }
0x107: {  	s19 =	simm.s32 $0x6E00;
	s20 =	sld [smem:$0x7AE]  }
0x108: {  	[tilespmem:s19], [sflag:$0x1] =	stream.linear.gather [hbm4b:s18+s5], $0x200, $0x38;
	[tilespmem:$0x14000] =	vst v63  }
0x109: {  	s22 =	simm.s32 $0x7200;
	s23 =	sld [smem:$0x7AF]  }
0x10a: {  	[tilespmem:s22], [sflag:$0x1] =	stream.linear.gather [hbm4b:s20+s5], $0x200, $0x38;
	[tilespmem:$0x14000] =	vst v63  }
0x10b: {  	s24 =	simm.s32 $0x7600;
	s26 =	sld [smem:$0x7B1]  }
0x10c: {  	[tilespmem:s24], [sflag:$0x1] =	stream.linear.gather [hbm4b:s23+s5], $0x200, $0x38;
	[tilespmem:$0x14000] =	vst v63  }
0x10d: {  	s29 =	simm.s32 $0x7A00;
	s30 =	sld [smem:$0x7B2]  }
0x10e: {  	[tilespmem:s29], [sflag:$0x1] =	stream.linear.gather [hbm4b:s26+s5], $0x200, $0x38;
	[tilespmem:$0x14000] =	vst v63  }
0x10f: {  	s31 =	simm.s32 $0x7E00;
	s2 =	rddreg [dreg:$0xa]  }
0x110: {  	[tilespmem:s31], [sflag:$0x1] =	stream.linear.gather [hbm4b:s30+s5], $0x200, $0x38;
	[tilespmem:$0x14000] =	vst v63  }
0x111: {  	s3 =	simm.s32 $0x200;
	s4 =	sld [smem:$0x7D4]  }
0x112: {  	[tilespmem:s3], [sflag:$0x2] =	stream.linear.gather [hbm4b:s2+s5], $0x200, $0x38;
	[tilespmem:$0x14000] =	vst v63  }
0x113: {  	s6 =	simm.s32 $0x600;
	s9 =	sld [smem:$0x7E9]  }
0x114: {  	[tilespmem:s6], [sflag:$0x2] =	stream.linear.gather [hbm4b:s4+s5], $0x200, $0x38;
	[tilespmem:$0x14000] =	vst v63  }
0x115: {  	s10 =	simm.s32 $0xA00;
	s11 =	sld [smem:$0x7B3]  }
0x116: {  	[tilespmem:s10], [sflag:$0x2] =	stream.linear.gather [hbm4b:s9+s5], $0x200, $0x38;
	[tilespmem:$0x14000] =	vst v63  }
0x117: {  	s12 =	simm.s32 $0xE00;
	s13 =	sld [smem:$0x7B4]  }
0x118: {  	[tilespmem:s12], [sflag:$0x2] =	stream.linear.gather [hbm4b:s11+s5], $0x200, $0x38;
	[tilespmem:$0x14000] =	vst v63  }
0x119: {  	s17 =	simm.s32 $0x1200;
	s18 =	sld [smem:$0x7B5]  }
0x11a: {  	[tilespmem:s17], [sflag:$0x2] =	stream.linear.gather [hbm4b:s13+s5], $0x200, $0x38;
	[tilespmem:$0x14000] =	vst v63  }
0x11b: {  	s19 =	simm.s32 $0x1600;
	s20 =	sld [smem:$0x7B6]  }
0x11c: {  	[tilespmem:s19], [sflag:$0x2] =	stream.linear.gather [hbm4b:s18+s5], $0x200, $0x38;
	[tilespmem:$0x14000] =	vst v63  }
0x11d: {  	s22 =	simm.s32 $0x1A00;
	s23 =	sld [smem:$0x7B7]  }
0x11e: {  	[tilespmem:s22], [sflag:$0x2] =	stream.linear.gather [hbm4b:s20+s5], $0x200, $0x38;
	[tilespmem:$0x14000] =	vst v63  }
0x11f: {  	s24 =	simm.s32 $0x1E00;
	s26 =	rddreg [dreg:$0xb]  }
0x120: {  	[tilespmem:s24], [sflag:$0x2] =	stream.linear.gather [hbm4b:s23+s5], $0x200, $0x38;
	[tilespmem:$0x14000] =	vst v63  }
0x121: {  	s29 =	simm.s32 $0x8000;
	s30 =	sld [smem:$0x7EC]  }
0x122: {  	[tilespmem:s29], [sflag:$0x2] =	stream.linear.gather [hbm4b:s26+s5], $0x200, $0x38;
	[tilespmem:$0x14000] =	vst v63  }
0x123: {  	s31 =	simm.s32 $0x8400;
	s2 =	sld [smem:$0x7EF]  }
0x124: {  	[tilespmem:s31], [sflag:$0x2] =	stream.linear.gather [hbm4b:s30+s5], $0x200, $0x38;
	[tilespmem:$0x14000] =	vst v63  }
0x125: {  	s3 =	simm.s32 $0x8800;
	s4 =	sld [smem:$0x7B8]  }
0x126: {  	[tilespmem:s3], [sflag:$0x2] =	stream.linear.gather [hbm4b:s2+s5], $0x200, $0x38;
	[tilespmem:$0x14000] =	vst v63  }
0x127: {  	s6 =	simm.s32 $0x8C00;
	s9 =	sld [smem:$0x7B9]  }
0x128: {  	[tilespmem:s6], [sflag:$0x2] =	stream.linear.gather [hbm4b:s4+s5], $0x200, $0x38;
	[tilespmem:$0x14000] =	vst v63  }
0x129: {  	s10 =	simm.s32 $0x9000;
	s11 =	sld [smem:$0x7BA]  }
0x12a: {  	[tilespmem:s10], [sflag:$0x2] =	stream.linear.gather [hbm4b:s9+s5], $0x200, $0x38;
	[tilespmem:$0x14000] =	vst v63  }
0x12b: {  	s12 =	simm.s32 $0x9400;
	s13 =	sld [smem:$0x7BB]  }
0x12c: {  	[tilespmem:s12], [sflag:$0x2] =	stream.linear.gather [hbm4b:s11+s5], $0x200, $0x38;
	[tilespmem:$0x14000] =	vst v63  }
0x12d: {  	s17 =	simm.s32 $0x9800;
	s18 =	sld [smem:$0x7BC]  }
0x12e: {  	[tilespmem:s17], [sflag:$0x2] =	stream.linear.gather [hbm4b:s13+s5], $0x200, $0x38;
	[tilespmem:$0x14000] =	vst v63  }
0x12f: {  	s19 =	simm.s32 $0x9C00;
	s20 =	rddreg [dreg:$0xd]  }
0x130: {  	[tilespmem:s19], [sflag:$0x2] =	stream.linear.gather [hbm4b:s18+s5], $0x200, $0x38;
	[tilespmem:$0x14000] =	vst v63  }
0x131: {  	s22 =	simm.s32 $0x8200;
	s23 =	sld [smem:$0x7BD]  }
0x132: {  	[tilespmem:s22], [sflag:$0x2] =	stream.linear.gather [hbm4b:s20+s5], $0x200, $0x38;
	[tilespmem:$0x14000] =	vst v63  }
0x133: {  	s24 =	simm.s32 $0x8600;
	s26 =	sld [smem:$0x7BE]  }
0x134: {  	[tilespmem:s24], [sflag:$0x2] =	stream.linear.gather [hbm4b:s23+s5], $0x200, $0x38;
	[tilespmem:$0x14000] =	vst v63  }
0x135: {  	s29 =	simm.s32 $0x8A00;
	s30 =	sld [smem:$0x7BF]  }
0x136: {  	[tilespmem:s29], [sflag:$0x2] =	stream.linear.gather [hbm4b:s26+s5], $0x200, $0x38;
	[tilespmem:$0x14000] =	vst v63  }
0x137: {  	s31 =	simm.s32 $0x8E00;
	s2 =	sld [smem:$0x7C0]  }
0x138: {  	[tilespmem:s31], [sflag:$0x2] =	stream.linear.gather [hbm4b:s30+s5], $0x200, $0x38;
	[tilespmem:$0x14000] =	vst v63  }
0x139: {  	s3 =	simm.s32 $0x9200;
	s4 =	sld [smem:$0x7C1]  }
0x13a: {  	[tilespmem:s3], [sflag:$0x2] =	stream.linear.gather [hbm4b:s2+s5], $0x200, $0x38;
	[tilespmem:$0x14000] =	vst v63  }
0x13b: {  	s6 =	simm.s32 $0x9600;
	s9 =	sld [smem:$0x7C2]  }
0x13c: {  	[tilespmem:s6], [sflag:$0x2] =	stream.linear.gather [hbm4b:s4+s5], $0x200, $0x38;
	[tilespmem:$0x14000] =	vst v63  }
0x13d: {  	s10 =	simm.s32 $0x9A00;
	s11 =	sld [smem:$0x7C3]  }
0x13e: {  	[tilespmem:s10], [sflag:$0x2] =	stream.linear.gather [hbm4b:s9+s5], $0x200, $0x38;
	[tilespmem:$0x14000] =	vst v63  }
0x13f: {  	s12 =	simm.s32 $0x9E00;
	s13 =	rddreg [dreg:$0xc]  }
0x140: {  	[tilespmem:s12], [sflag:$0x2] =	stream.linear.gather [hbm4b:s11+s5], $0x200, $0x38;
	[tilespmem:$0x14000] =	vst v63  }
0x141: {  	s17 =	simm.s32 $0xA000;
	s18 =	sld [smem:$0x7C4]  }
0x142: {  	[tilespmem:s17], [sflag:$0x2] =	stream.linear.gather [hbm4b:s13+s5], $0x200, $0x38;
	[tilespmem:$0x14000] =	vst v63  }
0x143: {  	s19 =	simm.s32 $0xA400;
	s20 =	sld [smem:$0x7C6]  }
0x144: {  	[tilespmem:s19], [sflag:$0x2] =	stream.linear.gather [hbm4b:s18+s5], $0x200, $0x38;
	[tilespmem:$0x14000] =	vst v63  }
0x145: {  	s22 =	simm.s32 $0xA800;
	s23 =	sld [smem:$0x7C7]  }
0x146: {  	[tilespmem:s22], [sflag:$0x2] =	stream.linear.gather [hbm4b:s20+s5], $0x200, $0x38;
	[tilespmem:$0x14000] =	vst v63  }
0x147: {  	s24 =	simm.s32 $0xAC00;
	s26 =	sld [smem:$0x7C9]  }
0x148: {  	[tilespmem:s24], [sflag:$0x2] =	stream.linear.gather [hbm4b:s23+s5], $0x200, $0x38;
	[tilespmem:$0x14000] =	vst v63  }
0x149: {  	s29 =	simm.s32 $0xB000;
	s30 =	sld [smem:$0x7CA]  }
0x14a: {  	[tilespmem:s29], [sflag:$0x2] =	stream.linear.gather [hbm4b:s26+s5], $0x200, $0x38;
	[tilespmem:$0x14000] =	vst v63  }
0x14b: {  	s31 =	simm.s32 $0xB400;
	s2 =	sld [smem:$0x7CC]  }
0x14c: {  	[tilespmem:s31], [sflag:$0x2] =	stream.linear.gather [hbm4b:s30+s5], $0x200, $0x38;
	[tilespmem:$0x14000] =	vst v63  }
0x14d: {  	s3 =	simm.s32 $0xB800;
	s4 =	sld [smem:$0x7CD]  }
0x14e: {  	[tilespmem:s3], [sflag:$0x2] =	stream.linear.gather [hbm4b:s2+s5], $0x200, $0x38;
	[tilespmem:$0x14000] =	vst v63  }
0x14f: {  	s6 =	simm.s32 $0xBC00;
	s9 =	rddreg [dreg:$0xe]  }
0x150: {  	[tilespmem:s6], [sflag:$0x2] =	stream.linear.gather [hbm4b:s4+s5], $0x200, $0x38;
	[tilespmem:$0x14000] =	vst v63  }
0x151: {  	s10 =	simm.s32 $0xA200;
	s11 =	sld [smem:$0x7CF]  }
0x152: {  	[tilespmem:s10], [sflag:$0x2] =	stream.linear.gather [hbm4b:s9+s5], $0x200, $0x38;
	[tilespmem:$0x14000] =	vst v63  }
0x153: {  	s12 =	simm.s32 $0xA600;
	s13 =	sld [smem:$0x7D0]  }
0x154: {  	[tilespmem:s12], [sflag:$0x2] =	stream.linear.gather [hbm4b:s11+s5], $0x200, $0x38;
	[tilespmem:$0x14000] =	vst v63  }
0x155: {  	s17 =	simm.s32 $0xAA00;
	s18 =	sld [smem:$0x7D2]  }
0x156: {  	[tilespmem:s17], [sflag:$0x2] =	stream.linear.gather [hbm4b:s13+s5], $0x200, $0x38;
	[tilespmem:$0x14000] =	vst v63  }
0x157: {  	s19 =	simm.s32 $0xAE00;
	s20 =	sld [smem:$0x7D3]  }
0x158: {  	[tilespmem:s19], [sflag:$0x2] =	stream.linear.gather [hbm4b:s18+s5], $0x200, $0x38;
	[tilespmem:$0x14000] =	vst v63  }
0x159: {  	s22 =	simm.s32 $0xB200;
	s23 =	sld [smem:$0x7D5]  }
0x15a: {  	[tilespmem:s22], [sflag:$0x2] =	stream.linear.gather [hbm4b:s20+s5], $0x200, $0x38;
	[tilespmem:$0x14000] =	vst v63  }
0x15b: {  	s24 =	simm.s32 $0xB600;
	s26 =	sld [smem:$0x7D6]  }
0x15c: {  	[tilespmem:s24], [sflag:$0x2] =	stream.linear.gather [hbm4b:s23+s5], $0x200, $0x38;
	[tilespmem:$0x14000] =	vst v63  }
0x15d: {  	s29 =	simm.s32 $0xBA00;
	s30 =	sld [smem:$0x7D7]  }
0x15e: {  	[tilespmem:s29], [sflag:$0x2] =	stream.linear.gather [hbm4b:s26+s5], $0x200, $0x38;
	[tilespmem:$0x14000] =	vst v63  }
0x15f: {  	s31 =	simm.s32 $0xBE00;
	s2 =	rddreg [dreg:$0x10]  }
0x160: {  	[tilespmem:s31], [sflag:$0x2] =	stream.linear.gather [hbm4b:s30+s5], $0x200, $0x38;
	[tilespmem:$0x14000] =	vst v63  }
0x161: {  	s3 =	simm.s32 $0x2000;
	s4 =	sld [smem:$0x7F2]  }
0x162: {  	[tilespmem:s3], [sflag:$0x3] =	stream.linear.gather [hbm4b:s2+s5], $0x200, $0x38;
	[tilespmem:$0x14000] =	vst v63  }
0x163: {  	s6 =	simm.s32 $0x2400;
	s9 =	sld [smem:$0x7F5]  }
0x164: {  	[tilespmem:s6], [sflag:$0x3] =	stream.linear.gather [hbm4b:s4+s5], $0x200, $0x38;
	[tilespmem:$0x14000] =	vst v63  }
0x165: {  	s10 =	simm.s32 $0x2800;
	s11 =	sld [smem:$0x7D8]  }
0x166: {  	[tilespmem:s10], [sflag:$0x3] =	stream.linear.gather [hbm4b:s9+s5], $0x200, $0x38;
	[tilespmem:$0x14000] =	vst v63  }
0x167: {  	s12 =	simm.s32 $0x2C00;
	s13 =	sld [smem:$0x7D9]  }
0x168: {  	[tilespmem:s12], [sflag:$0x3] =	stream.linear.gather [hbm4b:s11+s5], $0x200, $0x38;
	[tilespmem:$0x14000] =	vst v63  }
0x169: {  	s17 =	simm.s32 $0x3000;
	s18 =	sld [smem:$0x7DA]  }
0x16a: {  	[tilespmem:s17], [sflag:$0x3] =	stream.linear.gather [hbm4b:s13+s5], $0x200, $0x38;
	[tilespmem:$0x14000] =	vst v63  }
0x16b: {  	s19 =	simm.s32 $0x3400;
	s20 =	sld [smem:$0x7DB]  }
0x16c: {  	[tilespmem:s19], [sflag:$0x3] =	stream.linear.gather [hbm4b:s18+s5], $0x200, $0x38;
	[tilespmem:$0x14000] =	vst v63  }
0x16d: {  	s22 =	simm.s32 $0x3800;
	s23 =	sld [smem:$0x7DC]  }
0x16e: {  	[tilespmem:s22], [sflag:$0x3] =	stream.linear.gather [hbm4b:s20+s5], $0x200, $0x38;
	[tilespmem:$0x14000] =	vst v63  }
0x16f: {  	s24 =	simm.s32 $0x3C00;
	s26 =	rddreg [dreg:$0x11]  }
0x170: {  	[tilespmem:s24], [sflag:$0x3] =	stream.linear.gather [hbm4b:s23+s5], $0x200, $0x38;
	[tilespmem:$0x14000] =	vst v63  }
0x171: {  	s29 =	simm.s32 $0xC000;
	s30 =	sld [smem:$0x7F8]  }
0x172: {  	[tilespmem:s29], [sflag:$0x3] =	stream.linear.gather [hbm4b:s26+s5], $0x200, $0x38;
	[tilespmem:$0x14000] =	vst v63  }
0x173: {  	s31 =	simm.s32 $0xC400;
	s2 =	sld [smem:$0x7FB]  }
0x174: {  	[tilespmem:s31], [sflag:$0x3] =	stream.linear.gather [hbm4b:s30+s5], $0x200, $0x38;
	[tilespmem:$0x14000] =	vst v63  }
0x175: {  	s3 =	simm.s32 $0xC800;
	s4 =	sld [smem:$0x7DD]  }
0x176: {  	[tilespmem:s3], [sflag:$0x3] =	stream.linear.gather [hbm4b:s2+s5], $0x200, $0x38;
	[tilespmem:$0x14000] =	vst v63  }
0x177: {  	s6 =	simm.s32 $0xCC00;
	s9 =	sld [smem:$0x7DE]  }
0x178: {  	[tilespmem:s6], [sflag:$0x3] =	stream.linear.gather [hbm4b:s4+s5], $0x200, $0x38;
	[tilespmem:$0x14000] =	vst v63  }
0x179: {  	s10 =	simm.s32 $0xD000;
	s11 =	sld [smem:$0x7DF]  }
0x17a: {  	[tilespmem:s10], [sflag:$0x3] =	stream.linear.gather [hbm4b:s9+s5], $0x200, $0x38;
	[tilespmem:$0x14000] =	vst v63  }
0x17b: {  	s12 =	simm.s32 $0xD400;
	s13 =	sld [smem:$0x7E0]  }
0x17c: {  	[tilespmem:s12], [sflag:$0x3] =	stream.linear.gather [hbm4b:s11+s5], $0x200, $0x38;
	[tilespmem:$0x14000] =	vst v63  }
0x17d: {  	s17 =	simm.s32 $0xD800;
	s18 =	sld [smem:$0x7E1]  }
0x17e: {  	[tilespmem:s17], [sflag:$0x3] =	stream.linear.gather [hbm4b:s13+s5], $0x200, $0x38;
	[tilespmem:$0x14000] =	vst v63  }
0x17f: {  	s19 =	simm.s32 $0xDC00;
	s20 =	rddreg [dreg:$0x13]  }
0x180: {  	[tilespmem:s19], [sflag:$0x3] =	stream.linear.gather [hbm4b:s18+s5], $0x200, $0x38;
	[tilespmem:$0x14000] =	vst v63  }
0x181: {  	s22 =	simm.s32 $0xC200;
	s23 =	sld [smem:$0x7E2]  }
0x182: {  	[tilespmem:s22], [sflag:$0x3] =	stream.linear.gather [hbm4b:s20+s5], $0x200, $0x38;
	[tilespmem:$0x14000] =	vst v63  }
0x183: {  	s24 =	simm.s32 $0xC600;
	s26 =	sld [smem:$0x7E3]  }
0x184: {  	[tilespmem:s24], [sflag:$0x3] =	stream.linear.gather [hbm4b:s23+s5], $0x200, $0x38;
	[tilespmem:$0x14000] =	vst v63  }
0x185: {  	s29 =	simm.s32 $0xCA00;
	s30 =	sld [smem:$0x7E4]  }
0x186: {  	[tilespmem:s29], [sflag:$0x3] =	stream.linear.gather [hbm4b:s26+s5], $0x200, $0x38;
	[tilespmem:$0x14000] =	vst v63  }
0x187: {  	s31 =	simm.s32 $0xCE00;
	s2 =	sld [smem:$0x7E5]  }
0x188: {  	[tilespmem:s31], [sflag:$0x3] =	stream.linear.gather [hbm4b:s30+s5], $0x200, $0x38;
	[tilespmem:$0x14000] =	vst v63  }
0x189: {  	s3 =	simm.s32 $0xD200;
	s4 =	sld [smem:$0x7E6]  }
0x18a: {  	[tilespmem:s3], [sflag:$0x3] =	stream.linear.gather [hbm4b:s2+s5], $0x200, $0x38;
	[tilespmem:$0x14000] =	vst v63  }
0x18b: {  	s6 =	simm.s32 $0xD600;
	s9 =	sld [smem:$0x7E7]  }
0x18c: {  	[tilespmem:s6], [sflag:$0x3] =	stream.linear.gather [hbm4b:s4+s5], $0x200, $0x38;
	[tilespmem:$0x14000] =	vst v63  }
0x18d: {  	s10 =	simm.s32 $0xDA00;
	s11 =	sld [smem:$0x7E8]  }
0x18e: {  	[tilespmem:s10], [sflag:$0x3] =	stream.linear.gather [hbm4b:s9+s5], $0x200, $0x38;
	[tilespmem:$0x14000] =	vst v63  }
0x18f: {  	s12 =	simm.s32 $0xDE00;
	s13 =	rddreg [dreg:$0x12]  }
0x190: {  	[tilespmem:s12], [sflag:$0x3] =	stream.linear.gather [hbm4b:s11+s5], $0x200, $0x38;
	[tilespmem:$0x14000] =	vst v63  }
0x191: {  	s17 =	simm.s32 $0xE000;
	s18 =	sld [smem:$0x7EA]  }
0x192: {  	[tilespmem:s17], [sflag:$0x3] =	stream.linear.gather [hbm4b:s13+s5], $0x200, $0x38;
	[tilespmem:$0x14000] =	vst v63  }
0x193: {  	s19 =	simm.s32 $0xE400;
	s20 =	sld [smem:$0x7EB]  }
0x194: {  	[tilespmem:s19], [sflag:$0x3] =	stream.linear.gather [hbm4b:s18+s5], $0x200, $0x38;
	[tilespmem:$0x14000] =	vst v63  }
0x195: {  	s22 =	simm.s32 $0xE800;
	s23 =	sld [smem:$0x7ED]  }
0x196: {  	[tilespmem:s22], [sflag:$0x3] =	stream.linear.gather [hbm4b:s20+s5], $0x200, $0x38;
	[tilespmem:$0x14000] =	vst v63  }
0x197: {  	s24 =	simm.s32 $0xEC00;
	s26 =	sld [smem:$0x7EE]  }
0x198: {  	[tilespmem:s24], [sflag:$0x3] =	stream.linear.gather [hbm4b:s23+s5], $0x200, $0x38;
	[tilespmem:$0x14000] =	vst v63  }
0x199: {  	s29 =	simm.s32 $0xF000;
	s30 =	sld [smem:$0x7F0]  }
0x19a: {  	[tilespmem:s29], [sflag:$0x3] =	stream.linear.gather [hbm4b:s26+s5], $0x200, $0x38;
	[tilespmem:$0x14000] =	vst v63  }
0x19b: {  	s31 =	simm.s32 $0xF400;
	s2 =	sld [smem:$0x7F1]  }
0x19c: {  	[tilespmem:s31], [sflag:$0x3] =	stream.linear.gather [hbm4b:s30+s5], $0x200, $0x38;
	[tilespmem:$0x14000] =	vst v63  }
0x19d: {  	s3 =	simm.s32 $0xF800;
	s4 =	sld [smem:$0x7F3]  }
0x19e: {  	[tilespmem:s3], [sflag:$0x3] =	stream.linear.gather [hbm4b:s2+s5], $0x200, $0x38;
	[tilespmem:$0x14000] =	vst v63  }
0x19f: {  	s6 =	simm.s32 $0xFC00;
	s9 =	rddreg [dreg:$0x14]  }
0x1a0: {  	[tilespmem:s6], [sflag:$0x3] =	stream.linear.gather [hbm4b:s4+s5], $0x200, $0x38;
	[tilespmem:$0x14000] =	vst v63  }
0x1a1: {  	s10 =	simm.s32 $0xE200;
	s11 =	sld [smem:$0x7F4]  }
0x1a2: {  	[tilespmem:s10], [sflag:$0x3] =	stream.linear.gather [hbm4b:s9+s5], $0x200, $0x38;
	[tilespmem:$0x14000] =	vst v63  }
0x1a3: {  	s12 =	simm.s32 $0xE600;
	s13 =	sld [smem:$0x7F6]  }
0x1a4: {  	[tilespmem:s12], [sflag:$0x3] =	stream.linear.gather [hbm4b:s11+s5], $0x200, $0x38;
	[tilespmem:$0x14000] =	vst v63  }
0x1a5: {  	s17 =	simm.s32 $0xEA00;
	s18 =	sld [smem:$0x7F7]  }
0x1a6: {  	[tilespmem:s17], [sflag:$0x3] =	stream.linear.gather [hbm4b:s13+s5], $0x200, $0x38;
	[tilespmem:$0x14000] =	vst v63  }
0x1a7: {  	s19 =	simm.s32 $0xEE00;
	s20 =	sld [smem:$0x7F9]  }
0x1a8: {  	[tilespmem:s19], [sflag:$0x3] =	stream.linear.gather [hbm4b:s18+s5], $0x200, $0x38;
	[tilespmem:$0x14000] =	vst v63  }
0x1a9: {  	s22 =	simm.s32 $0xF200;
	s23 =	sld [smem:$0x7FA]  }
0x1aa: {  	[tilespmem:s22], [sflag:$0x3] =	stream.linear.gather [hbm4b:s20+s5], $0x200, $0x38;
	[tilespmem:$0x14000] =	vst v63  }
0x1ab: {  	s24 =	simm.s32 $0xF600;
	s26 =	sld [smem:$0x7FC]  }
0x1ac: {  	[tilespmem:s24], [sflag:$0x3] =	stream.linear.gather [hbm4b:s23+s5], $0x200, $0x38;
	[tilespmem:$0x14000] =	vst v63  }
0x1ad: {  	s29 =	simm.s32 $0xFA00;
	s30 =	sld [smem:$0x7FD]  }
0x1ae: {  	[tilespmem:s29], [sflag:$0x3] =	stream.linear.gather [hbm4b:s26+s5], $0x200, $0x38;
	[tilespmem:$0x14000] =	vst v63  }
0x1af: {  	s31 =	simm.s32 $0xFE00;
	s17 =	simm.s32 $0x0  }
0x1b0: {  	[tilespmem:s31], [sflag:$0x3] =	stream.linear.gather [hbm4b:s30+s5], $0x200, $0x38;
	[tilespmem:$0x14000] =	vst v63  }
.LBB2_2:
0x1b1: {  	_ =	swait.ge [sflag:s25], $0x1000  }
0x1b2: {  	[sflag:s25] =	ssyncset.done $0x0  }
0x1b3: {  	[sflag:s25] =	ssyncadd.s32 $0xFFFFF000  }
0x1b4: {  	_ =	swait.ge [sflag:s25], $0x1000  }
0x1b5: {  	[sflag:s25] =	ssyncset.done $0x0  }
0x1b6: {  	[sflag:s25] =	ssyncadd.s32 $0xFFFFF000  }
0x1b7: {  	_ =	swait.ge [sflag:s25], $0x1000  }
0x1b8: {  	[sflag:s25] =	ssyncset.done $0x0  }
0x1b9: {  	[sflag:s25] =	ssyncadd.s32 $0xFFFFF000  }
0x1ba: {  	_ =	swait.ge [sflag:s25], $0x1000  }
0x1bb: {  	s11 =	simm.s32 $0x0;
	[sflag:s25] =	ssyncset.done $0x0  }
0x1bc: {  	s0 =	simm.s32 $0x0;
	s1 =	sand.u32 $0x40, s11;
	[sflag:s25] =	ssyncadd.s32 $0xFFFFF000  }
0x1bd: {  	s6 =	sand.u32 $0x1C00, s11;
	s12 =	sand.u32 $0xFFFFFF80, s0;
	_ =	swait.ge [sflag:s25], $0x1000  }
0x1be: {  	s12 =	sadd.s32 s6, s12;
	s13 =	sor.u32 $0x30, s1;
	[sflag:s25] =	ssyncset.done $0x0  }
0x1bf: {  	s18 =	sor.u32 s13, s12;
	[sflag:s25] =	ssyncadd.s32 $0xFFFFF000  }
0x1c0: {  	s19 =	sor.u32 $0x10, s1;
	s20 =	sor.u32 s1, s12;
	v2 =	vld [tilespmem:s18+$0x0]  }
0x1c1: {  	s23 =	sor.u32 s19, s12;
	v3 =	vld [tilespmem:s20+$0x0]  }
0x1c2: {  	s22 =	sor.u32 $0x20, s1;
	v1 =	vld [tilespmem:s23+$0x0]  }
0x1c3: {  	s12 =	sor.u32 s22, s12  }
0x1c4: {  	s0 =	sand.u32 $0x3FFFFF80, s0;
	v0 =	vld [tilespmem:s12+$0x0]  }
0x1c5: {  	s0 =	sadd.s32 s6, s0;
	[tilespmem:s18+$0x4000] =	vst.add.f32.msk $0xffff, v2  }
0x1c6: {  	s6 =	sadd.s32 $0x4200, s0;
	[tilespmem:s20+$0x4000] =	vst.add.f32.msk $0xffff, v3  }
0x1c7: {  	s9 =	sor.u32 s13, s6;
	[tilespmem:s23+$0x4000] =	vst.add.f32.msk $0xffff, v1  }
0x1c8: {  	s24 =	sadd.s32 $0x6000, s0;
	s29 =	sor.u32 s1, s6;
	[tilespmem:s9+$0x0] =	vst.add.f32.msk $0xffff, v2  }
0x1c9: {  	s10 =	sor.u32 s13, s24;
	[tilespmem:s29+$0x0] =	vst.add.f32.msk $0xffff, v3  }
0x1ca: {  	s30 =	sor.u32 s1, s24;
	[tilespmem:s10+$0x0] =	vst.add.f32.msk $0xffff, v2  }
0x1cb: {  	s26 =	sadd.s32 $0x6200, s0;
	s29 =	sor.u32 s19, s6;
	[tilespmem:s30+$0x0] =	vst.add.f32.msk $0xffff, v3  }
0x1cc: {  	s31 =	sor.u32 s1, s26;
	s1 =	sor.u32 s19, s24;
	s18 =	sor.u32 s13, s26;
	[tilespmem:s29+$0x0] =	vst.add.f32.msk $0xffff, v1  }
0x1cd: {  	s0 =	sor.u32 s19, s26;
	s13 =	simm.s32 $0x0;
	s20 =	sor.u32 s22, s24;
	[tilespmem:s18+$0x0] =	vst.add.f32.msk $0xffff, v2  }
0x1ce: {  	s19 =	sor.u32 s22, s6;
	s6 =	simm.s32 $0x0;
	[tilespmem:s31+$0x0] =	vst.add.f32.msk $0xffff, v3;
	s18 =	sor.u32 s22, s26  }
.LBB2_3:
0x1cf: {  	s13 =	sadd.s32 $0x4, s13;
	[tilespmem:s1+$0x0] =	vst.add.f32.msk $0xffff, v1  }
0x1d0: {  	s11 =	sadd.s32 $0x40, s11;
	s6 =	sadd.s32 $0x200, s6;
	s1 =	sshll.u32 s13, $0x1;
	[tilespmem:s0+$0x0] =	vst.add.f32.msk $0xffff, v1  }
0x1d1: {  	s0 =	sand.u32 $0x40, s11;
	s22 =	sand.u32 $0x1C00, s6;
	s23 =	sand.u32 $0xFFFFFF80, s1;
	[tilespmem:s12+$0x4000] =	vst.add.f32.msk $0xffff, v0  }
0x1d2: {  	s24 =	sor.u32 $0x30, s0;
	s12 =	sadd.s32 s22, s23;
	s23 =	sor.u32 $0x10, s0;
	[tilespmem:s19+$0x0] =	vst.add.f32.msk $0xffff, v0  }
0x1d3: {  	s29 =	sor.u32 $0x20, s0;
	s26 =	sor.u32 s0, s12;
	s19 =	sor.u32 s24, s12;
	[tilespmem:s20+$0x0] =	vst.add.f32.msk $0xffff, v0  }
0x1d4: {  	p0 =	slt.u32 s13, $0xFC;
	s30 =	sor.u32 s23, s12;
	s12 =	sor.u32 s29, s12;
	v2 =	vld [tilespmem:s19+$0x0]  }
0x1d5: {  	v3 =	vld [tilespmem:s26+$0x0]  }
0x1d6: {  	s1 =	sand.u32 $0x3FFFFF80, s1;
	v1 =	vld [tilespmem:s30+$0x0]  }
0x1d7: {  	s1 =	sadd.s32 s22, s1;
	v4 =	vld [tilespmem:s12+$0x0]  }
0x1d8: {  	s20 =	sadd.s32 $0x4200, s1;
	[tilespmem:s18+$0x0] =	vst.add.f32.msk $0xffff, v0  }
0x1d9: {  	s22 =	sor.u32 s0, s20;
	s18 =	sadd.s32 $0x6000, s1;
	[tilespmem:s19+$0x4000] =	vst.add.f32.msk $0xffff, v2;
	s19 =	sor.u32 s24, s20  }
0x1da: {  	s9 =	sadd.s32 $0x6200, s1;
	s31 =	sor.u32 s0, s18;
	s1 =	sor.u32 s24, s18;
	[tilespmem:s19+$0x0] =	vst.add.f32.msk $0xffff, v2  }
0x1db: {  	s10 =	sor.u32 s0, s9;
	s3 =	sor.u32 s23, s20;
	s24 =	sor.u32 s24, s9;
	[tilespmem:s1+$0x0] =	vst.add.f32.msk $0xffff, v2  }
0x1dc: {  	s0 =	sor.u32 s23, s9;
	s19 =	sor.u32 s29, s20;
	s1 =	sor.u32 s23, s18;
	[tilespmem:s24+$0x0] =	vst.add.f32.msk $0xffff, v2;
	v0 =	vmov v4  }
0x1dd: {  	s20 =	sor.u32 s29, s18;
	s18 =	sor.u32 s29, s9;
	[tilespmem:s26+$0x4000] =	vst.add.f32.msk $0xffff, v3  }
.Ltmp2:
0x1de: {  	[tilespmem:s22+$0x0] =	vst.add.f32.msk $0xffff, v3;
	(pc) =	sbr.rel @p0 .LBB2_3-.Ltmp2, $4  }
0x1df: {  	[tilespmem:s31+$0x0] =	vst.add.f32.msk $0xffff, v3  }
0x1e0: {  	[tilespmem:s10+$0x0] =	vst.add.f32.msk $0xffff, v3  }
0x1e1: {  	[tilespmem:s30+$0x4000] =	vst.add.f32.msk $0xffff, v1  }
0x1e2: {  	[tilespmem:s3+$0x0] =	vst.add.f32.msk $0xffff, v1  }
0x1e3: {  	[tilespmem:s1+$0x0] =	vst.add.f32.msk $0xffff, v1  }
0x1e4: {  	[tilespmem:s12+$0x4000] =	vst.add.f32.msk $0xffff, v0  }
0x1e5: {  	[tilespmem:s0+$0x0] =	vst.add.f32.msk $0xffff, v1  }
0x1e6: {  	[tilespmem:s19+$0x0] =	vst.add.f32.msk $0xffff, v0  }
0x1e7: {  	s23 =	sshll.u32 s17, $0xE;
	s3 =	rddreg [dreg:$0x5]  }
0x1e8: {  	s13 =	sor.u32 s3, s23  }
0x1e9: {  	s2 =	rddreg [dreg:$0x2];
	[tilespmem:s20+$0x0] =	vst.add.f32.msk $0xffff, v0;
	s12 =	sshrl.u32 s13, $0x3  }
0x1ea: {  	[tilespmem:s18+$0x0] =	vst.add.f32.msk $0xffff, v0;
	s18 =	simm.s32 $0x4000;
	s0 =	sadd.s32 s2, s12  }
0x1eb: {  	[hbm4b:s0+s5] =	stream.linear.scatter [tilespmem:s18], [sflag:$0x5], $0x200, $0x38;
	[tilespmem:$0x14000] =	vst v63  }
0x1ec: {  	s4 =	simm.s32 $0x4400;
	s19 =	sadd.s32 $0x80, s0  }
0x1ed: {  	[hbm4b:s19+s5] =	stream.linear.scatter [tilespmem:s4], [sflag:$0x5], $0x200, $0x38;
	[tilespmem:$0x14000] =	vst v63  }
0x1ee: {  	s22 =	simm.s32 $0x4800;
	s20 =	sadd.s32 $0x100, s0  }
0x1ef: {  	[hbm4b:s20+s5] =	stream.linear.scatter [tilespmem:s22], [sflag:$0x5], $0x200, $0x38;
	[tilespmem:$0x14000] =	vst v63  }
0x1f0: {  	s26 =	simm.s32 $0x4C00;
	s24 =	sadd.s32 $0x180, s0  }
0x1f1: {  	[hbm4b:s24+s5] =	stream.linear.scatter [tilespmem:s26], [sflag:$0x5], $0x200, $0x38;
	[tilespmem:$0x14000] =	vst v63  }
0x1f2: {  	s9 =	simm.s32 $0x5000;
	s6 =	sadd.s32 $0x200, s0  }
0x1f3: {  	[hbm4b:s6+s5] =	stream.linear.scatter [tilespmem:s9], [sflag:$0x5], $0x200, $0x38;
	[tilespmem:$0x14000] =	vst v63  }
0x1f4: {  	s11 =	simm.s32 $0x5400;
	s10 =	sadd.s32 $0x280, s0  }
0x1f5: {  	[hbm4b:s10+s5] =	stream.linear.scatter [tilespmem:s11], [sflag:$0x5], $0x200, $0x38;
	[tilespmem:$0x14000] =	vst v63  }
0x1f6: {  	s13 =	sadd.s32 $0x300, s0;
	s18 =	simm.s32 $0x5800  }
0x1f7: {  	[hbm4b:s13+s5] =	stream.linear.scatter [tilespmem:s18], [sflag:$0x5], $0x200, $0x38;
	[tilespmem:$0x14000] =	vst v63  }
0x1f8: {  	s0 =	sadd.s32 $0x380, s0;
	s19 =	simm.s32 $0x5C00;
	s20 =	sor.u32 $0x80000, s12  }
0x1f9: {  	[hbm4b:s0+s5] =	stream.linear.scatter [tilespmem:s19], [sflag:$0x5], $0x200, $0x38;
	[tilespmem:$0x14000] =	vst v63  }
0x1fa: {  	s22 =	simm.s32 $0x4200;
	s0 =	sadd.s32 s2, s20  }
0x1fb: {  	[hbm4b:s0+s5] =	stream.linear.scatter [tilespmem:s22], [sflag:$0x5], $0x200, $0x38;
	[tilespmem:$0x14000] =	vst v63  }
0x1fc: {  	s26 =	simm.s32 $0x4600;
	s24 =	sadd.s32 $0x80, s0  }
0x1fd: {  	[hbm4b:s24+s5] =	stream.linear.scatter [tilespmem:s26], [sflag:$0x5], $0x200, $0x38;
	[tilespmem:$0x14000] =	vst v63  }
0x1fe: {  	s9 =	simm.s32 $0x4A00;
	s6 =	sadd.s32 $0x100, s0  }
0x1ff: {  	[hbm4b:s6+s5] =	stream.linear.scatter [tilespmem:s9], [sflag:$0x5], $0x200, $0x38;
	[tilespmem:$0x14000] =	vst v63  }
0x200: {  	s11 =	simm.s32 $0x4E00;
	s10 =	sadd.s32 $0x180, s0  }
0x201: {  	[hbm4b:s10+s5] =	stream.linear.scatter [tilespmem:s11], [sflag:$0x5], $0x200, $0x38;
	[tilespmem:$0x14000] =	vst v63  }
0x202: {  	s18 =	simm.s32 $0x5200;
	s13 =	sadd.s32 $0x200, s0  }
0x203: {  	[hbm4b:s13+s5] =	stream.linear.scatter [tilespmem:s18], [sflag:$0x5], $0x200, $0x38;
	[tilespmem:$0x14000] =	vst v63  }
0x204: {  	s20 =	simm.s32 $0x5600;
	s19 =	sadd.s32 $0x280, s0  }
0x205: {  	[hbm4b:s19+s5] =	stream.linear.scatter [tilespmem:s20], [sflag:$0x5], $0x200, $0x38;
	[tilespmem:$0x14000] =	vst v63  }
0x206: {  	s22 =	sadd.s32 $0x300, s0;
	s24 =	simm.s32 $0x5A00  }
0x207: {  	[hbm4b:s22+s5] =	stream.linear.scatter [tilespmem:s24], [sflag:$0x5], $0x200, $0x38;
	[tilespmem:$0x14000] =	vst v63  }
0x208: {  	s4 =	sor.u32 $0x100000, s12;
	s0 =	sadd.s32 $0x380, s0;
	s26 =	simm.s32 $0x5E00  }
0x209: {  	[hbm4b:s0+s5] =	stream.linear.scatter [tilespmem:s26], [sflag:$0x5], $0x200, $0x38;
	[tilespmem:$0x14000] =	vst v63  }
0x20a: {  	s6 =	simm.s32 $0x6000;
	s0 =	sadd.s32 s2, s4  }
0x20b: {  	[hbm4b:s0+s5] =	stream.linear.scatter [tilespmem:s6], [sflag:$0x5], $0x200, $0x38;
	[tilespmem:$0x14000] =	vst v63  }
0x20c: {  	s10 =	simm.s32 $0x6400;
	s9 =	sadd.s32 $0x80, s0  }
0x20d: {  	[hbm4b:s9+s5] =	stream.linear.scatter [tilespmem:s10], [sflag:$0x5], $0x200, $0x38;
	[tilespmem:$0x14000] =	vst v63  }
0x20e: {  	s13 =	simm.s32 $0x6800;
	s11 =	sadd.s32 $0x100, s0  }
0x20f: {  	[hbm4b:s11+s5] =	stream.linear.scatter [tilespmem:s13], [sflag:$0x5], $0x200, $0x38;
	[tilespmem:$0x14000] =	vst v63  }
0x210: {  	s19 =	simm.s32 $0x6C00;
	s18 =	sadd.s32 $0x180, s0  }
0x211: {  	[hbm4b:s18+s5] =	stream.linear.scatter [tilespmem:s19], [sflag:$0x5], $0x200, $0x38;
	[tilespmem:$0x14000] =	vst v63  }
0x212: {  	s22 =	simm.s32 $0x7000;
	s20 =	sadd.s32 $0x200, s0  }
0x213: {  	[hbm4b:s20+s5] =	stream.linear.scatter [tilespmem:s22], [sflag:$0x5], $0x200, $0x38;
	[tilespmem:$0x14000] =	vst v63  }
0x214: {  	s26 =	simm.s32 $0x7400;
	s24 =	sadd.s32 $0x280, s0  }
0x215: {  	[hbm4b:s24+s5] =	stream.linear.scatter [tilespmem:s26], [sflag:$0x5], $0x200, $0x38;
	[tilespmem:$0x14000] =	vst v63  }
0x216: {  	s6 =	sadd.s32 $0x300, s0;
	s9 =	simm.s32 $0x7800  }
0x217: {  	[hbm4b:s6+s5] =	stream.linear.scatter [tilespmem:s9], [sflag:$0x5], $0x200, $0x38;
	[tilespmem:$0x14000] =	vst v63  }
0x218: {  	s0 =	sadd.s32 $0x380, s0;
	s10 =	simm.s32 $0x7C00;
	s11 =	sor.u32 $0x180000, s12  }
0x219: {  	[hbm4b:s0+s5] =	stream.linear.scatter [tilespmem:s10], [sflag:$0x5], $0x200, $0x38;
	[tilespmem:$0x14000] =	vst v63  }
0x21a: {  	s13 =	simm.s32 $0x6200;
	s0 =	sadd.s32 s2, s11  }
0x21b: {  	[hbm4b:s0+s5] =	stream.linear.scatter [tilespmem:s13], [sflag:$0x5], $0x200, $0x38;
	[tilespmem:$0x14000] =	vst v63  }
0x21c: {  	s19 =	simm.s32 $0x6600;
	s18 =	sadd.s32 $0x80, s0  }
0x21d: {  	[hbm4b:s18+s5] =	stream.linear.scatter [tilespmem:s19], [sflag:$0x5], $0x200, $0x38;
	[tilespmem:$0x14000] =	vst v63  }
0x21e: {  	s22 =	simm.s32 $0x6A00;
	s20 =	sadd.s32 $0x100, s0  }
0x21f: {  	[hbm4b:s20+s5] =	stream.linear.scatter [tilespmem:s22], [sflag:$0x5], $0x200, $0x38;
	[tilespmem:$0x14000] =	vst v63  }
0x220: {  	s26 =	simm.s32 $0x6E00;
	s24 =	sadd.s32 $0x180, s0  }
0x221: {  	[hbm4b:s24+s5] =	stream.linear.scatter [tilespmem:s26], [sflag:$0x5], $0x200, $0x38;
	[tilespmem:$0x14000] =	vst v63  }
0x222: {  	s6 =	simm.s32 $0x7200;
	s4 =	sadd.s32 $0x200, s0  }
0x223: {  	[hbm4b:s4+s5] =	stream.linear.scatter [tilespmem:s6], [sflag:$0x5], $0x200, $0x38;
	[tilespmem:$0x14000] =	vst v63  }
0x224: {  	s10 =	simm.s32 $0x7600;
	s9 =	sadd.s32 $0x280, s0  }
0x225: {  	[hbm4b:s9+s5] =	stream.linear.scatter [tilespmem:s10], [sflag:$0x5], $0x200, $0x38;
	[tilespmem:$0x14000] =	vst v63  }
0x226: {  	s11 =	sadd.s32 $0x300, s0;
	s13 =	simm.s32 $0x7A00  }
0x227: {  	[hbm4b:s11+s5] =	stream.linear.scatter [tilespmem:s13], [sflag:$0x5], $0x200, $0x38;
	[tilespmem:$0x14000] =	vst v63  }
0x228: {  	p0 =	seq.s32 s17, $0x0;
	s0 =	sadd.s32 $0x380, s0;
	s18 =	simm.s32 $0x7E00  }
0x229: {  	[hbm4b:s0+s5] =	stream.linear.scatter [tilespmem:s18], [sflag:$0x5], $0x200, $0x38;
	[tilespmem:$0x14000] =	vst v63  }
0x22a: {  	s0 =	simm.s32 @!p0 $0x8  }
0x22b: {  	_ =	swait.ge @!p0 [sflag:s0], $0x1000  }
0x22c: {  	[sflag:s0] =	ssyncset.done @!p0 $0x0  }
0x22d: {  	[sflag:s0] =	ssyncadd.s32 @!p0 $0xFFFFF000  }
0x22e: {  	_ =	swait.ge @!p0 [sflag:s0], $0x1000  }
0x22f: {  	[sflag:s0] =	ssyncset.done @!p0 $0x0  }
0x230: {  	[sflag:s0] =	ssyncadd.s32 @!p0 $0xFFFFF000  }
0x231: {  	_ =	swait.ge @!p0 [sflag:s0], $0x1000  }
0x232: {  	[sflag:s0] =	ssyncset.done @!p0 $0x0  }
0x233: {  	[sflag:s0] =	ssyncadd.s32 @!p0 $0xFFFFF000  }
0x234: {  	_ =	swait.ge @!p0 [sflag:s0], $0x1000  }
0x235: {  	s19 =	sadd.s32 s3, s23;
	[sflag:s0] =	ssyncset.done @!p0 $0x0  }
0x236: {  	s6 =	sshrl.u32 s19, $0x3;
	[sflag:s0] =	ssyncadd.s32 @!p0 $0xFFFFF000  }
0x237: {  	s24 =	sor.u32 $0x440, s6;
	s0 =	rddreg [dreg:$0x1]  }
0x238: {  	s20 =	simm.s32 $0x2200;
	s13 =	simm.s32 $0x0;
	s0 =	sadd.s32 s0, s24  }
0x239: {  	[tilespmem:s20], [sflag:$0x4] =	stream.linear.gather [hbm4b:s0+s13], $0x200, $0x38;
	[tilespmem:$0x14000] =	vst v63  }
0x23a: {  	s26 =	simm.s32 $0x2600;
	s22 =	sadd.s32 $0x80, s0  }
0x23b: {  	[tilespmem:s26], [sflag:$0x4] =	stream.linear.gather [hbm4b:s22+s13], $0x200, $0x38;
	[tilespmem:$0x14000] =	vst v63  }
0x23c: {  	s4 =	simm.s32 $0x2A00;
	s3 =	sadd.s32 $0x100, s0  }
0x23d: {  	[tilespmem:s4], [sflag:$0x4] =	stream.linear.gather [hbm4b:s3+s13], $0x200, $0x38;
	[tilespmem:$0x14000] =	vst v63  }
0x23e: {  	s10 =	simm.s32 $0x2E00;
	s9 =	sadd.s32 $0x180, s0  }
0x23f: {  	[tilespmem:s10], [sflag:$0x4] =	stream.linear.gather [hbm4b:s9+s13], $0x200, $0x38;
	[tilespmem:$0x14000] =	vst v63  }
0x240: {  	s18 =	simm.s32 $0x3200;
	s11 =	sadd.s32 $0x200, s0  }
0x241: {  	[tilespmem:s18], [sflag:$0x4] =	stream.linear.gather [hbm4b:s11+s13], $0x200, $0x38;
	[tilespmem:$0x14000] =	vst v63  }
0x242: {  	s19 =	sadd.s32 $0x280, s0;
	s20 =	simm.s32 $0x3600  }
0x243: {  	[tilespmem:s20], [sflag:$0x4] =	stream.linear.gather [hbm4b:s19+s13], $0x200, $0x38;
	[tilespmem:$0x14000] =	vst v63  }
0x244: {  	s22 =	sadd.s32 $0x300, s0;
	s26 =	simm.s32 $0x3A00  }
0x245: {  	[tilespmem:s26], [sflag:$0x4] =	stream.linear.gather [hbm4b:s22+s13], $0x200, $0x38;
	[tilespmem:$0x14000] =	vst v63  }
0x246: {  	s2 =	rddreg [dreg:$0x0];
	s0 =	sadd.s32 $0x380, s0;
	s3 =	simm.s32 $0x3E00  }
0x247: {  	[tilespmem:s3], [sflag:$0x4] =	stream.linear.gather [hbm4b:s0+s13], $0x200, $0x38;
	[tilespmem:$0x14000] =	vst v63  }
0x248: {  	s4 =	sadd.s32 s2, s24  }
0x249: {  	[tilespmem:s7], [sflag:$0x4] =	stream.linear.gather [hbm4b:s4+s13], $0x200, $0x38;
	[tilespmem:$0x14000] =	vst v63  }
0x24a: {  	s7 =	sadd.s32 $0x80, s4  }
0x24b: {  	[tilespmem:s8], [sflag:$0x4] =	stream.linear.gather [hbm4b:s7+s13], $0x200, $0x38;
	[tilespmem:$0x14000] =	vst v63  }
0x24c: {  	s8 =	sadd.s32 $0x100, s4  }
0x24d: {  	[tilespmem:s21], [sflag:$0x4] =	stream.linear.gather [hbm4b:s8+s13], $0x200, $0x38;
	[tilespmem:$0x14000] =	vst v63  }
0x24e: {  	s9 =	sadd.s32 $0x180, s4;
	s10 =	simm.s32 $0x10C00  }
0x24f: {  	[tilespmem:s10], [sflag:$0x4] =	stream.linear.gather [hbm4b:s9+s13], $0x200, $0x38;
	[tilespmem:$0x14000] =	vst v63  }
0x250: {  	s11 =	sadd.s32 $0x200, s4;
	s18 =	simm.s32 $0x11000  }
0x251: {  	[tilespmem:s18], [sflag:$0x4] =	stream.linear.gather [hbm4b:s11+s13], $0x200, $0x38;
	[tilespmem:$0x14000] =	vst v63  }
0x252: {  	s19 =	sadd.s32 $0x280, s4;
	s20 =	simm.s32 $0x11400  }
0x253: {  	[tilespmem:s20], [sflag:$0x4] =	stream.linear.gather [hbm4b:s19+s13], $0x200, $0x38;
	[tilespmem:$0x14000] =	vst v63  }
0x254: {  	s22 =	simm.s32 $0x11800;
	s21 =	sadd.s32 $0x300, s4  }
0x255: {  	[tilespmem:s22], [sflag:$0x4] =	stream.linear.gather [hbm4b:s21+s13], $0x200, $0x38;
	[tilespmem:$0x14000] =	vst v63  }
0x256: {  	s1 =	sor.u32 $0x80440, s6;
	s26 =	simm.s32 $0x11C00;
	s0 =	sadd.s32 $0x380, s4  }
0x257: {  	[tilespmem:s26], [sflag:$0x4] =	stream.linear.gather [hbm4b:s0+s13], $0x200, $0x38;
	[tilespmem:$0x14000] =	vst v63  }
0x258: {  	s3 =	simm.s32 $0x10200;
	s0 =	sadd.s32 s2, s1  }
0x259: {  	[tilespmem:s3], [sflag:$0x4] =	stream.linear.gather [hbm4b:s0+s13], $0x200, $0x38;
	[tilespmem:$0x14000] =	vst v63  }
0x25a: {  	s7 =	simm.s32 $0x10600;
	s4 =	sadd.s32 $0x80, s0  }
0x25b: {  	[tilespmem:s7], [sflag:$0x4] =	stream.linear.gather [hbm4b:s4+s13], $0x200, $0x38;
	[tilespmem:$0x14000] =	vst v63  }
0x25c: {  	s9 =	simm.s32 $0x10A00;
	s8 =	sadd.s32 $0x100, s0  }
0x25d: {  	[tilespmem:s9], [sflag:$0x4] =	stream.linear.gather [hbm4b:s8+s13], $0x200, $0x38;
	[tilespmem:$0x14000] =	vst v63  }
0x25e: {  	s11 =	simm.s32 $0x10E00;
	s10 =	sadd.s32 $0x180, s0  }
0x25f: {  	[tilespmem:s11], [sflag:$0x4] =	stream.linear.gather [hbm4b:s10+s13], $0x200, $0x38;
	[tilespmem:$0x14000] =	vst v63  }
0x260: {  	s19 =	simm.s32 $0x11200;
	s18 =	sadd.s32 $0x200, s0  }
0x261: {  	[tilespmem:s19], [sflag:$0x4] =	stream.linear.gather [hbm4b:s18+s13], $0x200, $0x38;
	[tilespmem:$0x14000] =	vst v63  }
0x262: {  	s21 =	simm.s32 $0x11600;
	s20 =	sadd.s32 $0x280, s0  }
0x263: {  	[tilespmem:s21], [sflag:$0x4] =	stream.linear.gather [hbm4b:s20+s13], $0x200, $0x38;
	[tilespmem:$0x14000] =	vst v63  }
0x264: {  	s26 =	simm.s32 $0x11A00;
	s22 =	sadd.s32 $0x300, s0  }
0x265: {  	[tilespmem:s26], [sflag:$0x4] =	stream.linear.gather [hbm4b:s22+s13], $0x200, $0x38;
	[tilespmem:$0x14000] =	vst v63  }
0x266: {  	s0 =	sadd.s32 $0x380, s0;
	s3 =	simm.s32 $0x11E00;
	s4 =	sor.u32 $0x100440, s6  }
0x267: {  	[tilespmem:s3], [sflag:$0x4] =	stream.linear.gather [hbm4b:s0+s13], $0x200, $0x38;
	[tilespmem:$0x14000] =	vst v63  }
0x268: {  	s7 =	simm.s32 $0x12000;
	s0 =	sadd.s32 s2, s4  }
0x269: {  	[tilespmem:s7], [sflag:$0x4] =	stream.linear.gather [hbm4b:s0+s13], $0x200, $0x38;
	[tilespmem:$0x14000] =	vst v63  }
0x26a: {  	s9 =	simm.s32 $0x12400;
	s8 =	sadd.s32 $0x80, s0  }
0x26b: {  	[tilespmem:s9], [sflag:$0x4] =	stream.linear.gather [hbm4b:s8+s13], $0x200, $0x38;
	[tilespmem:$0x14000] =	vst v63  }
0x26c: {  	s11 =	simm.s32 $0x12800;
	s10 =	sadd.s32 $0x100, s0  }
0x26d: {  	[tilespmem:s11], [sflag:$0x4] =	stream.linear.gather [hbm4b:s10+s13], $0x200, $0x38;
	[tilespmem:$0x14000] =	vst v63  }
0x26e: {  	s19 =	simm.s32 $0x12C00;
	s18 =	sadd.s32 $0x180, s0  }
0x26f: {  	[tilespmem:s19], [sflag:$0x4] =	stream.linear.gather [hbm4b:s18+s13], $0x200, $0x38;
	[tilespmem:$0x14000] =	vst v63  }
0x270: {  	s21 =	simm.s32 $0x13000;
	s20 =	sadd.s32 $0x200, s0  }
0x271: {  	[tilespmem:s21], [sflag:$0x4] =	stream.linear.gather [hbm4b:s20+s13], $0x200, $0x38;
	[tilespmem:$0x14000] =	vst v63  }
0x272: {  	s26 =	simm.s32 $0x13400;
	s22 =	sadd.s32 $0x280, s0  }
0x273: {  	[tilespmem:s26], [sflag:$0x4] =	stream.linear.gather [hbm4b:s22+s13], $0x200, $0x38;
	[tilespmem:$0x14000] =	vst v63  }
0x274: {  	[smem:$0x796] =	sst s4;
	s4 =	simm.s32 $0x13800;
	s3 =	sadd.s32 $0x300, s0  }
0x275: {  	[tilespmem:s4], [sflag:$0x4] =	stream.linear.gather [hbm4b:s3+s13], $0x200, $0x38;
	[tilespmem:$0x14000] =	vst v63  }
0x276: {  	s0 =	sadd.s32 $0x380, s0;
	s7 =	simm.s32 $0x13C00;
	s8 =	sor.u32 $0x180440, s6  }
0x277: {  	[tilespmem:s7], [sflag:$0x4] =	stream.linear.gather [hbm4b:s0+s13], $0x200, $0x38;
	[tilespmem:$0x14000] =	vst v63  }
0x278: {  	s9 =	simm.s32 $0x12200;
	s0 =	sadd.s32 s2, s8  }
0x279: {  	[tilespmem:s9], [sflag:$0x4] =	stream.linear.gather [hbm4b:s0+s13], $0x200, $0x38;
	[tilespmem:$0x14000] =	vst v63  }
0x27a: {  	s11 =	simm.s32 $0x12600;
	s10 =	sadd.s32 $0x80, s0  }
0x27b: {  	[tilespmem:s11], [sflag:$0x4] =	stream.linear.gather [hbm4b:s10+s13], $0x200, $0x38;
	[tilespmem:$0x14000] =	vst v63  }
0x27c: {  	s19 =	simm.s32 $0x12A00;
	s18 =	sadd.s32 $0x100, s0  }
0x27d: {  	[tilespmem:s19], [sflag:$0x4] =	stream.linear.gather [hbm4b:s18+s13], $0x200, $0x38;
	[tilespmem:$0x14000] =	vst v63  }
0x27e: {  	s21 =	simm.s32 $0x12E00;
	s20 =	sadd.s32 $0x180, s0  }
0x27f: {  	[tilespmem:s21], [sflag:$0x4] =	stream.linear.gather [hbm4b:s20+s13], $0x200, $0x38;
	[tilespmem:$0x14000] =	vst v63  }
0x280: {  	s26 =	simm.s32 $0x13200;
	s22 =	sadd.s32 $0x200, s0  }
0x281: {  	[tilespmem:s26], [sflag:$0x4] =	stream.linear.gather [hbm4b:s22+s13], $0x200, $0x38;
	[tilespmem:$0x14000] =	vst v63  }
0x282: {  	s4 =	simm.s32 $0x13600;
	s3 =	sadd.s32 $0x280, s0  }
0x283: {  	[tilespmem:s4], [sflag:$0x4] =	stream.linear.gather [hbm4b:s3+s13], $0x200, $0x38;
	[tilespmem:$0x14000] =	vst v63  }
0x284: {  	[smem:$0x795] =	sst s1;
	s7 =	simm.s32 $0x13A00;
	s6 =	sadd.s32 $0x300, s0  }
0x285: {  	[tilespmem:s7], [sflag:$0x4] =	stream.linear.gather [hbm4b:s6+s13], $0x200, $0x38;
	[tilespmem:$0x14000] =	vst v63  }
0x286: {  	[smem:$0x797] =	sst s8;
	s8 =	simm.s32 $0x13E00;
	s0 =	sadd.s32 $0x380, s0  }
0x287: {  	[tilespmem:s8], [sflag:$0x4] =	stream.linear.gather [hbm4b:s0+s13], $0x200, $0x38;
	[tilespmem:$0x14000] =	vst v63  }
0x288: {  	_ =	swait.ge [sflag:s14], $0x1000  }
0x289: {  	[sflag:s14] =	ssyncset.done $0x0  }
0x28a: {  	[sflag:s14] =	ssyncadd.s32 $0xFFFFF000  }
0x28b: {  	_ =	swait.ge [sflag:s14], $0x1000  }
0x28c: {  	[sflag:s14] =	ssyncset.done $0x0  }
0x28d: {  	[sflag:s14] =	ssyncadd.s32 $0xFFFFF000  }
0x28e: {  	_ =	swait.ge [sflag:s14], $0x1000  }
0x28f: {  	[sflag:s14] =	ssyncset.done $0x0  }
0x290: {  	[sflag:s14] =	ssyncadd.s32 $0xFFFFF000  }
0x291: {  	_ =	swait.ge [sflag:s14], $0x1000  }
0x292: {  	s9 =	simm.s32 $0x0;
	[sflag:s14] =	ssyncset.done $0x0  }
0x293: {  	s10 =	sand.u32 $0x1C00, s13;
	s0 =	sand.u32 $0x180, s9;
	[sflag:s14] =	ssyncadd.s32 $0xFFFFF000  }
0x294: {  	s3 =	sand.u32 $0x40, s13;
	s0 =	sor.u32 s10, s0;
	_ =	swait.ge [sflag:s14], $0x1000  }
0x295: {  	s11 =	sor.u32 $0x30, s3;
	s1 =	sor.u32 $0x200, s0;
	[sflag:s14] =	ssyncset.done $0x0  }
0x296: {  	s9 =	sor.u32 s11, s1;
	[sflag:s14] =	ssyncadd.s32 $0xFFFFF000  }
0x297: {  	s10 =	sor.u32 s3, s1;
	v2 =	vld [tilespmem:s9+$0x0]  }
0x298: {  	s9 =	sor.u32 $0x10, s3;
	v3 =	vld [tilespmem:s10+$0x0]  }
0x299: {  	s19 =	sor.u32 $0x20, s3;
	s20 =	sor.u32 s9, s1  }
0x29a: {  	s10 =	sor.u32 $0x8000, s0;
	s1 =	sor.u32 s19, s1;
	v1 =	vld [tilespmem:s20+$0x0]  }
0x29b: {  	s21 =	sor.u32 s11, s10;
	v0 =	vld [tilespmem:s1+$0x0]  }
0x29c: {  	s22 =	sor.u32 $0x8200, s0;
	s6 =	sor.u32 s3, s10;
	[tilespmem:s21+$0x0] =	vst.add.f32.msk $0xffff, v2  }
0x29d: {  	s26 =	sor.u32 s11, s22;
	[tilespmem:s6+$0x0] =	vst.add.f32.msk $0xffff, v3  }
0x29e: {  	s29 =	sor.u32 $0xA000, s0;
	s8 =	sor.u32 s3, s22;
	[tilespmem:s26+$0x0] =	vst.add.f32.msk $0xffff, v2  }
0x29f: {  	s7 =	sor.u32 $0xA200, s0;
	s2 =	sor.u32 s11, s29;
	[tilespmem:s8+$0x0] =	vst.add.f32.msk $0xffff, v3  }
0x2a0: {  	s4 =	sor.u32 s11, s7;
	s11 =	sor.u32 s3, s29;
	[tilespmem:s2+$0x0] =	vst.add.f32.msk $0xffff, v2  }
0x2a1: {  	s21 =	sor.u32 s9, s10;
	[tilespmem:s11+$0x0] =	vst.add.f32.msk $0xffff, v3  }
0x2a2: {  	s18 =	simm.s32 $0x0;
	s30 =	sor.u32 s19, s22;
	[tilespmem:s21+$0x0] =	vst.add.f32.msk $0xffff, v1  }
0x2a3: {  	s31 =	sor.u32 s9, s7;
	s0 =	sor.u32 s19, s10;
	s20 =	sor.u32 s3, s7;
	[tilespmem:s4+$0x0] =	vst.add.f32.msk $0xffff, v2  }
0x2a4: {  	s1 =	sor.u32 s9, s29;
	s29 =	sor.u32 s19, s29;
	s26 =	sor.u32 s9, s22;
	[tilespmem:s20+$0x0] =	vst.add.f32.msk $0xffff, v3  }
0x2a5: {  	s6 =	simm.s32 $0x0;
	s22 =	sor.u32 s19, s7;
	s19 =	simm.s32 $0x20;
	[tilespmem:s26+$0x0] =	vst.add.f32.msk $0xffff, v1  }
.LBB2_5:
0x2a6: {  	s3 =	sshrl.u32 s19, $0x2;
	[tilespmem:s1+$0x0] =	vst.add.f32.msk $0xffff, v1;
	s13 =	sadd.s32 $0x200, s13  }
0x2a7: {  	s6 =	sadd.s32 $0x40, s6;
	s1 =	sand.u32 $0x1C00, s13;
	s3 =	sand.u32 $0x180, s3;
	[tilespmem:s31+$0x0] =	vst.add.f32.msk $0xffff, v1  }
0x2a8: {  	s7 =	sand.u32 $0x40, s6;
	s1 =	sor.u32 s1, s3;
	[tilespmem:s0+$0x0] =	vst.add.f32.msk $0xffff, v0  }
0x2a9: {  	s18 =	sadd.s32 $0x4, s18;
	s3 =	sor.u32 $0x30, s7;
	s0 =	sor.u32 $0x200, s1;
	[tilespmem:s30+$0x0] =	vst.add.f32.msk $0xffff, v0  }
0x2aa: {  	p0 =	slt.u32 s18, $0xFC;
	s9 =	sor.u32 $0x10, s7;
	s10 =	sor.u32 s3, s0;
	[tilespmem:s29+$0x0] =	vst.add.f32.msk $0xffff, v0  }
0x2ab: {  	s21 =	sor.u32 $0x20, s7;
	s29 =	sor.u32 s7, s0;
	s30 =	sor.u32 s9, s0;
	v2 =	vld [tilespmem:s10+$0x0]  }
0x2ac: {  	s0 =	sor.u32 s21, s0;
	v3 =	vld [tilespmem:s29+$0x0]  }
0x2ad: {  	v1 =	vld [tilespmem:s30+$0x0]  }
0x2ae: {  	s10 =	sor.u32 $0x8000, s1;
	v4 =	vld [tilespmem:s0+$0x0]  }
0x2af: {  	s29 =	sor.u32 $0x8200, s1;
	s30 =	sor.u32 s3, s10;
	s0 =	sor.u32 s7, s10;
	[tilespmem:s22+$0x0] =	vst.add.f32.msk $0xffff, v0  }
0x2b0: {  	s8 =	sor.u32 $0xA000, s1;
	s22 =	sor.u32 s7, s29;
	[tilespmem:s30+$0x0] =	vst.add.f32.msk $0xffff, v2;
	s30 =	sor.u32 s3, s29  }
0x2b1: {  	s4 =	sor.u32 $0xA200, s1;
	s2 =	sor.u32 s7, s8;
	s1 =	sor.u32 s3, s8;
	[tilespmem:s30+$0x0] =	vst.add.f32.msk $0xffff, v2  }
0x2b2: {  	s26 =	sor.u32 s9, s10;
	s7 =	sor.u32 s7, s4;
	s3 =	sor.u32 s3, s4;
	[tilespmem:s1+$0x0] =	vst.add.f32.msk $0xffff, v2  }
0x2b3: {  	s31 =	sor.u32 s9, s4;
	s20 =	sor.u32 s9, s29;
	s1 =	sor.u32 s9, s8;
	[tilespmem:s3+$0x0] =	vst.add.f32.msk $0xffff, v2;
	v0 =	vmov v4  }
0x2b4: {  	s30 =	sor.u32 s21, s29;
	s29 =	sor.u32 s21, s8;
	[tilespmem:s0+$0x0] =	vst.add.f32.msk $0xffff, v3;
	s0 =	sor.u32 s21, s10  }
.Ltmp3:
0x2b5: {  	[tilespmem:s22+$0x0] =	vst.add.f32.msk $0xffff, v3;
	s22 =	sor.u32 s21, s4;
	(pc) =	sbr.rel @p0 .LBB2_5-.Ltmp3, $4  }
0x2b6: {  	[tilespmem:s2+$0x0] =	vst.add.f32.msk $0xffff, v3  }
0x2b7: {  	[tilespmem:s7+$0x0] =	vst.add.f32.msk $0xffff, v3  }
0x2b8: {  	[tilespmem:s26+$0x0] =	vst.add.f32.msk $0xffff, v1  }
0x2b9: {  	s19 =	sadd.s32 $0x20, s19;
	[tilespmem:s20+$0x0] =	vst.add.f32.msk $0xffff, v1  }
0x2ba: {  	[tilespmem:s1+$0x0] =	vst.add.f32.msk $0xffff, v1  }
0x2bb: {  	[tilespmem:s0+$0x0] =	vst.add.f32.msk $0xffff, v0  }
0x2bc: {  	[tilespmem:s31+$0x0] =	vst.add.f32.msk $0xffff, v1  }
0x2bd: {  	[tilespmem:s30+$0x0] =	vst.add.f32.msk $0xffff, v0  }
0x2be: {  	[tilespmem:s29+$0x0] =	vst.add.f32.msk $0xffff, v0  }
0x2bf: {  	[tilespmem:s22+$0x0] =	vst.add.f32.msk $0xffff, v0  }
0x2c0: {  	s0 =	sld [smem:$0x7C5];
	_ =	sdelay $0x2  }
0x2c1: {  	s26 =	simm.s32 $0x8000;
	s0 =	sadd.s32 s12, s0  }
0x2c2: {  	[hbm4b:s0+s5] =	stream.linear.scatter [tilespmem:s26], [sflag:$0x6], $0x200, $0x38;
	[tilespmem:$0x14000] =	vst v63  }
0x2c3: {  	s2 =	simm.s32 $0x8400;
	s29 =	sadd.s32 $0x80, s0  }
0x2c4: {  	[hbm4b:s29+s5] =	stream.linear.scatter [tilespmem:s2], [sflag:$0x6], $0x200, $0x38;
	[tilespmem:$0x14000] =	vst v63  }
0x2c5: {  	s31 =	simm.s32 $0x8800;
	s30 =	sadd.s32 $0x100, s0  }
0x2c6: {  	[hbm4b:s30+s5] =	stream.linear.scatter [tilespmem:s31], [sflag:$0x6], $0x200, $0x38;
	[tilespmem:$0x14000] =	vst v63  }
0x2c7: {  	s4 =	simm.s32 $0x8C00;
	s3 =	sadd.s32 $0x180, s0  }
0x2c8: {  	[hbm4b:s3+s5] =	stream.linear.scatter [tilespmem:s4], [sflag:$0x6], $0x200, $0x38;
	[tilespmem:$0x14000] =	vst v63  }
0x2c9: {  	s7 =	simm.s32 $0x9000;
	s6 =	sadd.s32 $0x200, s0  }
0x2ca: {  	[hbm4b:s6+s5] =	stream.linear.scatter [tilespmem:s7], [sflag:$0x6], $0x200, $0x38;
	[tilespmem:$0x14000] =	vst v63  }
0x2cb: {  	s9 =	simm.s32 $0x9400;
	s8 =	sadd.s32 $0x280, s0  }
0x2cc: {  	[hbm4b:s8+s5] =	stream.linear.scatter [tilespmem:s9], [sflag:$0x6], $0x200, $0x38;
	[tilespmem:$0x14000] =	vst v63  }
0x2cd: {  	s11 =	simm.s32 $0x9800;
	s13 =	simm.s32 $0x9C00;
	s10 =	sadd.s32 $0x300, s0  }
0x2ce: {  	[hbm4b:s10+s5] =	stream.linear.scatter [tilespmem:s11], [sflag:$0x6], $0x200, $0x38;
	[tilespmem:$0x14000] =	vst v63  }
0x2cf: {  	s18 =	sor.u32 $0x80040, s12;
	s0 =	sadd.s32 $0x380, s0;
	s2 =	rddreg [dreg:$0x2]  }
0x2d0: {  	[hbm4b:s0+s5] =	stream.linear.scatter [tilespmem:s13], [sflag:$0x6], $0x200, $0x38;
	[tilespmem:$0x14000] =	vst v63  }
0x2d1: {  	s19 =	simm.s32 $0x8200;
	s0 =	sadd.s32 s2, s18  }
0x2d2: {  	[hbm4b:s0+s5] =	stream.linear.scatter [tilespmem:s19], [sflag:$0x6], $0x200, $0x38;
	[tilespmem:$0x14000] =	vst v63  }
0x2d3: {  	s3 =	simm.s32 $0x8600;
	s20 =	sadd.s32 $0x80, s0  }
0x2d4: {  	[hbm4b:s20+s5] =	stream.linear.scatter [tilespmem:s3], [sflag:$0x6], $0x200, $0x38;
	[tilespmem:$0x14000] =	vst v63  }
0x2d5: {  	s22 =	simm.s32 $0x8A00;
	s21 =	sadd.s32 $0x100, s0  }
0x2d6: {  	[hbm4b:s21+s5] =	stream.linear.scatter [tilespmem:s22], [sflag:$0x6], $0x200, $0x38;
	[tilespmem:$0x14000] =	vst v63  }
0x2d7: {  	s29 =	simm.s32 $0x8E00;
	s26 =	sadd.s32 $0x180, s0  }
0x2d8: {  	[hbm4b:s26+s5] =	stream.linear.scatter [tilespmem:s29], [sflag:$0x6], $0x200, $0x38;
	[tilespmem:$0x14000] =	vst v63  }
0x2d9: {  	s31 =	simm.s32 $0x9200;
	s30 =	sadd.s32 $0x200, s0  }
0x2da: {  	[hbm4b:s30+s5] =	stream.linear.scatter [tilespmem:s31], [sflag:$0x6], $0x200, $0x38;
	[tilespmem:$0x14000] =	vst v63  }
0x2db: {  	s6 =	simm.s32 $0x9600;
	s4 =	sadd.s32 $0x280, s0  }
0x2dc: {  	[hbm4b:s4+s5] =	stream.linear.scatter [tilespmem:s6], [sflag:$0x6], $0x200, $0x38;
	[tilespmem:$0x14000] =	vst v63  }
0x2dd: {  	s8 =	simm.s32 $0x9A00;
	s7 =	sadd.s32 $0x300, s0  }
0x2de: {  	[hbm4b:s7+s5] =	stream.linear.scatter [tilespmem:s8], [sflag:$0x6], $0x200, $0x38;
	[tilespmem:$0x14000] =	vst v63  }
0x2df: {  	s9 =	simm.s32 $0x9E00;
	s10 =	sor.u32 $0x100040, s12;
	s0 =	sadd.s32 $0x380, s0  }
0x2e0: {  	[hbm4b:s0+s5] =	stream.linear.scatter [tilespmem:s9], [sflag:$0x6], $0x200, $0x38;
	[tilespmem:$0x14000] =	vst v63  }
0x2e1: {  	s11 =	simm.s32 $0xA000;
	s0 =	sadd.s32 s2, s10  }
0x2e2: {  	[hbm4b:s0+s5] =	stream.linear.scatter [tilespmem:s11], [sflag:$0x6], $0x200, $0x38;
	[tilespmem:$0x14000] =	vst v63  }
0x2e3: {  	s18 =	simm.s32 $0xA400;
	s13 =	sadd.s32 $0x80, s0  }
0x2e4: {  	[hbm4b:s13+s5] =	stream.linear.scatter [tilespmem:s18], [sflag:$0x6], $0x200, $0x38;
	[tilespmem:$0x14000] =	vst v63  }
0x2e5: {  	s20 =	simm.s32 $0xA800;
	s19 =	sadd.s32 $0x100, s0  }
0x2e6: {  	[hbm4b:s19+s5] =	stream.linear.scatter [tilespmem:s20], [sflag:$0x6], $0x200, $0x38;
	[tilespmem:$0x14000] =	vst v63  }
0x2e7: {  	s22 =	simm.s32 $0xAC00;
	s21 =	sadd.s32 $0x180, s0  }
0x2e8: {  	[hbm4b:s21+s5] =	stream.linear.scatter [tilespmem:s22], [sflag:$0x6], $0x200, $0x38;
	[tilespmem:$0x14000] =	vst v63  }
0x2e9: {  	s29 =	simm.s32 $0xB000;
	s26 =	sadd.s32 $0x200, s0  }
0x2ea: {  	[hbm4b:s26+s5] =	stream.linear.scatter [tilespmem:s29], [sflag:$0x6], $0x200, $0x38;
	[tilespmem:$0x14000] =	vst v63  }
0x2eb: {  	s31 =	simm.s32 $0xB400;
	s30 =	sadd.s32 $0x280, s0  }
0x2ec: {  	[hbm4b:s30+s5] =	stream.linear.scatter [tilespmem:s31], [sflag:$0x6], $0x200, $0x38;
	[tilespmem:$0x14000] =	vst v63  }
0x2ed: {  	s6 =	simm.s32 $0xB800;
	s4 =	sadd.s32 $0x300, s0  }
0x2ee: {  	[hbm4b:s4+s5] =	stream.linear.scatter [tilespmem:s6], [sflag:$0x6], $0x200, $0x38;
	[tilespmem:$0x14000] =	vst v63  }
0x2ef: {  	s7 =	simm.s32 $0xBC00;
	s8 =	sor.u32 $0x180040, s12;
	s0 =	sadd.s32 $0x380, s0  }
0x2f0: {  	[hbm4b:s0+s5] =	stream.linear.scatter [tilespmem:s7], [sflag:$0x6], $0x200, $0x38;
	[tilespmem:$0x14000] =	vst v63  }
0x2f1: {  	s9 =	simm.s32 $0xA200;
	s0 =	sadd.s32 s2, s8  }
0x2f2: {  	[hbm4b:s0+s5] =	stream.linear.scatter [tilespmem:s9], [sflag:$0x6], $0x200, $0x38;
	[tilespmem:$0x14000] =	vst v63  }
0x2f3: {  	s11 =	simm.s32 $0xA600;
	s10 =	sadd.s32 $0x80, s0  }
0x2f4: {  	[hbm4b:s10+s5] =	stream.linear.scatter [tilespmem:s11], [sflag:$0x6], $0x200, $0x38;
	[tilespmem:$0x14000] =	vst v63  }
0x2f5: {  	s13 =	simm.s32 $0xAA00;
	s12 =	sadd.s32 $0x100, s0  }
0x2f6: {  	[hbm4b:s12+s5] =	stream.linear.scatter [tilespmem:s13], [sflag:$0x6], $0x200, $0x38;
	[tilespmem:$0x14000] =	vst v63  }
0x2f7: {  	s19 =	simm.s32 $0xAE00;
	s18 =	sadd.s32 $0x180, s0  }
0x2f8: {  	[hbm4b:s18+s5] =	stream.linear.scatter [tilespmem:s19], [sflag:$0x6], $0x200, $0x38;
	[tilespmem:$0x14000] =	vst v63  }
0x2f9: {  	s21 =	simm.s32 $0xB200;
	s20 =	sadd.s32 $0x200, s0  }
0x2fa: {  	[hbm4b:s20+s5] =	stream.linear.scatter [tilespmem:s21], [sflag:$0x6], $0x200, $0x38;
	[tilespmem:$0x14000] =	vst v63  }
0x2fb: {  	p0 =	seq.s32 s17, $0x7;
	s26 =	simm.s32 $0xB600;
	s22 =	sadd.s32 $0x280, s0  }
0x2fc: {  	[hbm4b:s22+s5] =	stream.linear.scatter [tilespmem:s26], [sflag:$0x6], $0x200, $0x38;
	[tilespmem:$0x14000] =	vst v63  }
.Ltmp4:
0x2fd: {  	_ = 	snop;
	(pc) =	sbr.rel @p0 .LBB2_8-.Ltmp4, $4  }
0x2fe: {  	s30 =	simm.s32 $0xBA00;
	s29 =	sadd.s32 $0x300, s0  }
0x2ff: {  	[hbm4b:s29+s5] =	stream.linear.scatter [tilespmem:s30], [sflag:$0x6], $0x200, $0x38;
	[tilespmem:$0x14000] =	vst v63  }
0x300: {  	s31 =	simm.s32 $0xBE00;
	s0 =	sadd.s32 $0x380, s0  }
0x301: {  	[hbm4b:s0+s5] =	stream.linear.scatter [tilespmem:s31], [sflag:$0x6], $0x200, $0x38;
	[tilespmem:$0x14000] =	vst v63  }
0x302: {  	s1 =	simm.s32 $0x5  }
0x303: {  	_ =	swait.ge [sflag:s1], $0x1000  }
0x304: {  	[sflag:s1] =	ssyncset.done $0x0  }
0x305: {  	[sflag:s1] =	ssyncadd.s32 $0xFFFFF000  }
0x306: {  	_ =	swait.ge [sflag:s1], $0x1000  }
0x307: {  	[sflag:s1] =	ssyncset.done $0x0  }
0x308: {  	[sflag:s1] =	ssyncadd.s32 $0xFFFFF000  }
0x309: {  	_ =	swait.ge [sflag:s1], $0x1000  }
0x30a: {  	[sflag:s1] =	ssyncset.done $0x0  }
0x30b: {  	[sflag:s1] =	ssyncadd.s32 $0xFFFFF000  }
0x30c: {  	_ =	swait.ge [sflag:s1], $0x1000  }
0x30d: {  	s0 =	rddreg [dreg:$0x15];
	[sflag:s1] =	ssyncset.done $0x0  }
0x30e: {  	s0 =	sadd.s32 s23, s0;
	[sflag:s1] =	ssyncadd.s32 $0xFFFFF000  }
0x30f: {  	s0 =	sshrl.u32 s0, $0x3;
	s1 =	rddreg [dreg:$0x1]  }
0x310: {  	s1 =	sadd.s32 s1, s0  }
0x311: {  	[tilespmem:s5], [sflag:$0x1] =	stream.linear.gather [hbm4b:s1+s5], $0x200, $0x38;
	[tilespmem:$0x14000] =	vst v63  }
0x312: {  	s3 =	simm.s32 $0x400;
	s2 =	sadd.s32 $0x80, s1  }
0x313: {  	[tilespmem:s3], [sflag:$0x1] =	stream.linear.gather [hbm4b:s2+s5], $0x200, $0x38;
	[tilespmem:$0x14000] =	vst v63  }
0x314: {  	s6 =	simm.s32 $0x800;
	s4 =	sadd.s32 $0x100, s1  }
0x315: {  	[tilespmem:s6], [sflag:$0x1] =	stream.linear.gather [hbm4b:s4+s5], $0x200, $0x38;
	[tilespmem:$0x14000] =	vst v63  }
0x316: {  	s8 =	simm.s32 $0xC00;
	s7 =	sadd.s32 $0x180, s1  }
0x317: {  	[tilespmem:s8], [sflag:$0x1] =	stream.linear.gather [hbm4b:s7+s5], $0x200, $0x38;
	[tilespmem:$0x14000] =	vst v63  }
0x318: {  	s10 =	simm.s32 $0x1000;
	s9 =	sadd.s32 $0x200, s1  }
0x319: {  	[tilespmem:s10], [sflag:$0x1] =	stream.linear.gather [hbm4b:s9+s5], $0x200, $0x38;
	[tilespmem:$0x14000] =	vst v63  }
0x31a: {  	s12 =	simm.s32 $0x1400;
	s11 =	sadd.s32 $0x280, s1  }
0x31b: {  	[tilespmem:s12], [sflag:$0x1] =	stream.linear.gather [hbm4b:s11+s5], $0x200, $0x38;
	[tilespmem:$0x14000] =	vst v63  }
0x31c: {  	s18 =	simm.s32 $0x1800;
	s13 =	sadd.s32 $0x300, s1  }
0x31d: {  	[tilespmem:s18], [sflag:$0x1] =	stream.linear.gather [hbm4b:s13+s5], $0x200, $0x38;
	[tilespmem:$0x14000] =	vst v63  }
0x31e: {  	s19 =	simm.s32 $0x1C00;
	s1 =	sadd.s32 $0x380, s1;
	s4 =	rddreg [dreg:$0x0]  }
0x31f: {  	[tilespmem:s19], [sflag:$0x1] =	stream.linear.gather [hbm4b:s1+s5], $0x200, $0x38;
	[tilespmem:$0x14000] =	vst v63  }
0x320: {  	s20 =	simm.s32 $0x4000;
	s1 =	sadd.s32 s4, s0  }
0x321: {  	[tilespmem:s20], [sflag:$0x1] =	stream.linear.gather [hbm4b:s1+s5], $0x200, $0x38;
	[tilespmem:$0x14000] =	vst v63  }
0x322: {  	s22 =	simm.s32 $0x4400;
	s21 =	sadd.s32 $0x80, s1  }
0x323: {  	[tilespmem:s22], [sflag:$0x1] =	stream.linear.gather [hbm4b:s21+s5], $0x200, $0x38;
	[tilespmem:$0x14000] =	vst v63  }
0x324: {  	s29 =	simm.s32 $0x4800;
	s26 =	sadd.s32 $0x100, s1  }
0x325: {  	[tilespmem:s29], [sflag:$0x1] =	stream.linear.gather [hbm4b:s26+s5], $0x200, $0x38;
	[tilespmem:$0x14000] =	vst v63  }
0x326: {  	s31 =	simm.s32 $0x4C00;
	s30 =	sadd.s32 $0x180, s1  }
0x327: {  	[tilespmem:s31], [sflag:$0x1] =	stream.linear.gather [hbm4b:s30+s5], $0x200, $0x38;
	[tilespmem:$0x14000] =	vst v63  }
0x328: {  	s7 =	simm.s32 $0x5000;
	s6 =	sadd.s32 $0x200, s1  }
0x329: {  	[tilespmem:s7], [sflag:$0x1] =	stream.linear.gather [hbm4b:s6+s5], $0x200, $0x38;
	[tilespmem:$0x14000] =	vst v63  }
0x32a: {  	s9 =	simm.s32 $0x5400;
	s8 =	sadd.s32 $0x280, s1  }
0x32b: {  	[tilespmem:s9], [sflag:$0x1] =	stream.linear.gather [hbm4b:s8+s5], $0x200, $0x38;
	[tilespmem:$0x14000] =	vst v63  }
0x32c: {  	s11 =	simm.s32 $0x5800;
	s10 =	sadd.s32 $0x300, s1  }
0x32d: {  	[tilespmem:s11], [sflag:$0x1] =	stream.linear.gather [hbm4b:s10+s5], $0x200, $0x38;
	[tilespmem:$0x14000] =	vst v63  }
0x32e: {  	s13 =	simm.s32 $0x5C00;
	s12 =	sadd.s32 $0x380, s1  }
0x32f: {  	[tilespmem:s13], [sflag:$0x1] =	stream.linear.gather [hbm4b:s12+s5], $0x200, $0x38;
	[tilespmem:$0x14000] =	vst v63  }
0x330: {  	s19 =	simm.s32 $0x4200;
	s18 =	sadd.s32 $0x80000, s1  }
0x331: {  	[tilespmem:s19], [sflag:$0x1] =	stream.linear.gather [hbm4b:s18+s5], $0x200, $0x38;
	[tilespmem:$0x14000] =	vst v63  }
0x332: {  	s20 =	sadd.s32 $0x80, s18;
	s6 =	simm.s32 $0x4600  }
0x333: {  	[tilespmem:s6], [sflag:$0x1] =	stream.linear.gather [hbm4b:s20+s5], $0x200, $0x38;
	[tilespmem:$0x14000] =	vst v63  }
0x334: {  	s21 =	sadd.s32 $0x100, s18;
	s22 =	simm.s32 $0x4A00  }
0x335: {  	[tilespmem:s22], [sflag:$0x1] =	stream.linear.gather [hbm4b:s21+s5], $0x200, $0x38;
	[tilespmem:$0x14000] =	vst v63  }
0x336: {  	s26 =	sadd.s32 $0x180, s18;
	s29 =	simm.s32 $0x4E00  }
0x337: {  	[tilespmem:s29], [sflag:$0x1] =	stream.linear.gather [hbm4b:s26+s5], $0x200, $0x38;
	[tilespmem:$0x14000] =	vst v63  }
0x338: {  	s30 =	sadd.s32 $0x200, s18;
	s31 =	simm.s32 $0x5200  }
0x339: {  	[tilespmem:s31], [sflag:$0x1] =	stream.linear.gather [hbm4b:s30+s5], $0x200, $0x38;
	[tilespmem:$0x14000] =	vst v63  }
0x33a: {  	s7 =	sadd.s32 $0x280, s18;
	s8 =	simm.s32 $0x5600  }
0x33b: {  	[tilespmem:s8], [sflag:$0x1] =	stream.linear.gather [hbm4b:s7+s5], $0x200, $0x38;
	[tilespmem:$0x14000] =	vst v63  }
0x33c: {  	s9 =	sadd.s32 $0x300, s18;
	s10 =	simm.s32 $0x5A00  }
0x33d: {  	[tilespmem:s10], [sflag:$0x1] =	stream.linear.gather [hbm4b:s9+s5], $0x200, $0x38;
	[tilespmem:$0x14000] =	vst v63  }
0x33e: {  	s0 =	sor.u32 $0x100000, s0;
	s2 =	sadd.s32 $0x380, s18;
	s11 =	simm.s32 $0x5E00  }
0x33f: {  	[tilespmem:s11], [sflag:$0x1] =	stream.linear.gather [hbm4b:s2+s5], $0x200, $0x38;
	[tilespmem:$0x14000] =	vst v63  }
0x340: {  	s0 =	sadd.s32 s4, s0;
	s12 =	simm.s32 $0x6000  }
0x341: {  	[tilespmem:s12], [sflag:$0x1] =	stream.linear.gather [hbm4b:s0+s5], $0x200, $0x38;
	[tilespmem:$0x14000] =	vst v63  }
0x342: {  	s13 =	sadd.s32 $0x80, s0;
	s18 =	simm.s32 $0x6400  }
0x343: {  	[tilespmem:s18], [sflag:$0x1] =	stream.linear.gather [hbm4b:s13+s5], $0x200, $0x38;
	[tilespmem:$0x14000] =	vst v63  }
0x344: {  	s19 =	sadd.s32 $0x100, s0;
	s20 =	simm.s32 $0x6800  }
0x345: {  	[tilespmem:s20], [sflag:$0x1] =	stream.linear.gather [hbm4b:s19+s5], $0x200, $0x38;
	[tilespmem:$0x14000] =	vst v63  }
0x346: {  	s21 =	sadd.s32 $0x180, s0;
	s22 =	simm.s32 $0x6C00  }
0x347: {  	[tilespmem:s22], [sflag:$0x1] =	stream.linear.gather [hbm4b:s21+s5], $0x200, $0x38;
	[tilespmem:$0x14000] =	vst v63  }
0x348: {  	s26 =	sadd.s32 $0x200, s0;
	s29 =	simm.s32 $0x7000  }
0x349: {  	[tilespmem:s29], [sflag:$0x1] =	stream.linear.gather [hbm4b:s26+s5], $0x200, $0x38;
	[tilespmem:$0x14000] =	vst v63  }
0x34a: {  	s30 =	sadd.s32 $0x280, s0;
	s31 =	simm.s32 $0x7400  }
0x34b: {  	[tilespmem:s31], [sflag:$0x1] =	stream.linear.gather [hbm4b:s30+s5], $0x200, $0x38;
	[tilespmem:$0x14000] =	vst v63  }
0x34c: {  	s4 =	sadd.s32 $0x300, s0;
	s6 =	simm.s32 $0x7800  }
0x34d: {  	[tilespmem:s6], [sflag:$0x1] =	stream.linear.gather [hbm4b:s4+s5], $0x200, $0x38;
	[tilespmem:$0x14000] =	vst v63  }
0x34e: {  	s7 =	simm.s32 $0x7C00;
	s0 =	sadd.s32 $0x380, s0  }
0x34f: {  	[tilespmem:s7], [sflag:$0x1] =	stream.linear.gather [hbm4b:s0+s5], $0x200, $0x38;
	[tilespmem:$0x14000] =	vst v63  }
0x350: {  	s8 =	sadd.s32 $0x180000, s1;
	s9 =	simm.s32 $0x6200  }
0x351: {  	[tilespmem:s9], [sflag:$0x1] =	stream.linear.gather [hbm4b:s8+s5], $0x200, $0x38;
	[tilespmem:$0x14000] =	vst v63  }
0x352: {  	s10 =	sadd.s32 $0x80, s8;
	s11 =	simm.s32 $0x6600  }
0x353: {  	[tilespmem:s11], [sflag:$0x1] =	stream.linear.gather [hbm4b:s10+s5], $0x200, $0x38;
	[tilespmem:$0x14000] =	vst v63  }
0x354: {  	s12 =	sadd.s32 $0x100, s8;
	s13 =	simm.s32 $0x6A00  }
0x355: {  	[tilespmem:s13], [sflag:$0x1] =	stream.linear.gather [hbm4b:s12+s5], $0x200, $0x38;
	[tilespmem:$0x14000] =	vst v63  }
0x356: {  	s18 =	sadd.s32 $0x180, s8;
	s19 =	simm.s32 $0x6E00  }
0x357: {  	[tilespmem:s19], [sflag:$0x1] =	stream.linear.gather [hbm4b:s18+s5], $0x200, $0x38;
	[tilespmem:$0x14000] =	vst v63  }
0x358: {  	s20 =	sadd.s32 $0x200, s8;
	s21 =	simm.s32 $0x7200  }
0x359: {  	[tilespmem:s21], [sflag:$0x1] =	stream.linear.gather [hbm4b:s20+s5], $0x200, $0x38;
	[tilespmem:$0x14000] =	vst v63  }
0x35a: {  	s22 =	sadd.s32 $0x280, s8;
	s26 =	simm.s32 $0x7600  }
0x35b: {  	[tilespmem:s26], [sflag:$0x1] =	stream.linear.gather [hbm4b:s22+s5], $0x200, $0x38;
	[tilespmem:$0x14000] =	vst v63  }
0x35c: {  	s29 =	sadd.s32 $0x300, s8;
	s30 =	simm.s32 $0x7A00  }
0x35d: {  	[tilespmem:s30], [sflag:$0x1] =	stream.linear.gather [hbm4b:s29+s5], $0x200, $0x38;
	[tilespmem:$0x14000] =	vst v63  }
0x35e: {  	s31 =	simm.s32 $0x7E00;
	s0 =	sadd.s32 $0x380, s8  }
0x35f: {  	[tilespmem:s31], [sflag:$0x1] =	stream.linear.gather [hbm4b:s0+s5], $0x200, $0x38;
	[tilespmem:$0x14000] =	vst v63  }
.LBB2_8:
0x360: {  	_ =	swait.ge [sflag:s15], $0x1000  }
0x361: {  	[sflag:s15] =	ssyncset.done $0x0  }
0x362: {  	[sflag:s15] =	ssyncadd.s32 $0xFFFFF000  }
0x363: {  	_ =	swait.ge [sflag:s15], $0x1000  }
0x364: {  	[sflag:s15] =	ssyncset.done $0x0  }
0x365: {  	[sflag:s15] =	ssyncadd.s32 $0xFFFFF000  }
0x366: {  	_ =	swait.ge [sflag:s15], $0x1000  }
0x367: {  	[sflag:s15] =	ssyncset.done $0x0  }
0x368: {  	[sflag:s15] =	ssyncadd.s32 $0xFFFFF000  }
0x369: {  	_ =	swait.ge [sflag:s15], $0x1000  }
0x36a: {  	s12 =	simm.s32 $0x0;
	s0 =	simm.s32 $0x0;
	[sflag:s15] =	ssyncset.done $0x0  }
0x36b: {  	s1 =	sand.u32 $0x1C00, s12;
	s0 =	sand.u32 $0x180, s0;
	[sflag:s15] =	ssyncadd.s32 $0xFFFFF000  }
0x36c: {  	s2 =	sand.u32 $0x40, s12;
	s0 =	sor.u32 s1, s0;
	_ =	swait.ge [sflag:s15], $0x1000  }
0x36d: {  	s3 =	sor.u32 $0x30, s2;
	s1 =	sor.u32 $0x2000, s0;
	[sflag:s15] =	ssyncset.done $0x0  }
0x36e: {  	s4 =	sor.u32 s3, s1;
	[sflag:s15] =	ssyncadd.s32 $0xFFFFF000  }
0x36f: {  	s6 =	sor.u32 s2, s1;
	v2 =	vld [tilespmem:s4+$0x0]  }
0x370: {  	s4 =	sor.u32 $0x10, s2;
	v3 =	vld [tilespmem:s6+$0x0]  }
0x371: {  	s8 =	sor.u32 $0x20, s2;
	s7 =	sor.u32 s4, s1  }
0x372: {  	s6 =	sor.u32 $0xC000, s0;
	s1 =	sor.u32 s8, s1;
	v1 =	vld [tilespmem:s7+$0x0]  }
0x373: {  	s22 =	sor.u32 s3, s6;
	v0 =	vld [tilespmem:s1+$0x0]  }
0x374: {  	s18 =	sor.u32 s2, s6;
	s1 =	sor.u32 $0xC200, s0;
	[tilespmem:s22+$0x0] =	vst.add.f32.msk $0xffff, v2  }
0x375: {  	s26 =	sor.u32 s3, s1;
	[tilespmem:s18+$0x0] =	vst.add.f32.msk $0xffff, v3  }
0x376: {  	s9 =	sor.u32 $0xE000, s0;
	s19 =	sor.u32 s2, s1;
	[tilespmem:s26+$0x0] =	vst.add.f32.msk $0xffff, v2  }
0x377: {  	s11 =	sor.u32 s3, s9;
	[tilespmem:s19+$0x0] =	vst.add.f32.msk $0xffff, v3  }
0x378: {  	s20 =	sor.u32 s2, s9;
	[tilespmem:s11+$0x0] =	vst.add.f32.msk $0xffff, v2  }
0x379: {  	s10 =	sor.u32 $0xE200, s0;
	s21 =	sor.u32 s4, s6;
	[tilespmem:s20+$0x0] =	vst.add.f32.msk $0xffff, v3  }
0x37a: {  	s13 =	sor.u32 s3, s10;
	s30 =	sor.u32 s4, s10;
	s31 =	sor.u32 s8, s6;
	[tilespmem:s21+$0x0] =	vst.add.f32.msk $0xffff, v1  }
0x37b: {  	s6 =	simm.s32 $0x0;
	s0 =	sor.u32 s4, s9;
	s2 =	sor.u32 s2, s10;
	[tilespmem:s13+$0x0] =	vst.add.f32.msk $0xffff, v2  }
0x37c: {  	s29 =	sor.u32 s8, s1;
	s22 =	sor.u32 s8, s9;
	s26 =	sor.u32 s4, s1;
	[tilespmem:s2+$0x0] =	vst.add.f32.msk $0xffff, v3  }
0x37d: {  	s18 =	simm.s32 $0x20;
	s19 =	sor.u32 s8, s10;
	s13 =	simm.s32 $0x0;
	[tilespmem:s26+$0x0] =	vst.add.f32.msk $0xffff, v1  }
.LBB2_9:
0x37e: {  	s1 =	sshrl.u32 s18, $0x2;
	[tilespmem:s0+$0x0] =	vst.add.f32.msk $0xffff, v1;
	s12 =	sadd.s32 $0x200, s12  }
0x37f: {  	s6 =	sadd.s32 $0x40, s6;
	s0 =	sand.u32 $0x1C00, s12;
	s1 =	sand.u32 $0x180, s1;
	[tilespmem:s30+$0x0] =	vst.add.f32.msk $0xffff, v1  }
0x380: {  	s2 =	sand.u32 $0x40, s6;
	s0 =	sor.u32 s0, s1;
	[tilespmem:s31+$0x0] =	vst.add.f32.msk $0xffff, v0  }
0x381: {  	s13 =	sadd.s32 $0x4, s13;
	s3 =	sor.u32 $0x30, s2;
	s1 =	sor.u32 $0x2000, s0;
	[tilespmem:s29+$0x0] =	vst.add.f32.msk $0xffff, v0  }
0x382: {  	p1 =	slt.u32 s13, $0xFC;
	s4 =	sor.u32 $0x10, s2;
	s7 =	sor.u32 s3, s1;
	[tilespmem:s22+$0x0] =	vst.add.f32.msk $0xffff, v0  }
0x383: {  	s10 =	sor.u32 $0x20, s2;
	s8 =	sor.u32 s2, s1;
	s9 =	sor.u32 s4, s1;
	v2 =	vld [tilespmem:s7+$0x0]  }
0x384: {  	s1 =	sor.u32 s10, s1;
	v3 =	vld [tilespmem:s8+$0x0]  }
0x385: {  	v1 =	vld [tilespmem:s9+$0x0]  }
0x386: {  	s7 =	sor.u32 $0xC000, s0;
	v4 =	vld [tilespmem:s1+$0x0]  }
0x387: {  	s8 =	sor.u32 $0xC200, s0;
	s9 =	sor.u32 s3, s7;
	s1 =	sor.u32 s2, s7;
	[tilespmem:s19+$0x0] =	vst.add.f32.msk $0xffff, v0  }
0x388: {  	s20 =	sor.u32 $0xE000, s0;
	s19 =	sor.u32 s2, s8;
	[tilespmem:s9+$0x0] =	vst.add.f32.msk $0xffff, v2;
	s9 =	sor.u32 s3, s8  }
0x389: {  	s26 =	sor.u32 $0xE200, s0;
	s21 =	sor.u32 s2, s20;
	s0 =	sor.u32 s3, s20;
	[tilespmem:s9+$0x0] =	vst.add.f32.msk $0xffff, v2  }
0x38a: {  	s2 =	sor.u32 s2, s26;
	s3 =	sor.u32 s3, s26;
	s9 =	sor.u32 s4, s7;
	[tilespmem:s0+$0x0] =	vst.add.f32.msk $0xffff, v2  }
0x38b: {  	s30 =	sor.u32 s4, s26;
	s11 =	sor.u32 s4, s8;
	s0 =	sor.u32 s4, s20;
	[tilespmem:s3+$0x0] =	vst.add.f32.msk $0xffff, v2;
	v0 =	vmov v4  }
0x38c: {  	s22 =	sor.u32 s10, s20;
	s31 =	sor.u32 s10, s7;
	s29 =	sor.u32 s10, s8;
	[tilespmem:s1+$0x0] =	vst.add.f32.msk $0xffff, v3  }
.Ltmp5:
0x38d: {  	[tilespmem:s19+$0x0] =	vst.add.f32.msk $0xffff, v3;
	s19 =	sor.u32 s10, s26;
	(pc) =	sbr.rel @p1 .LBB2_9-.Ltmp5, $4  }
0x38e: {  	[tilespmem:s21+$0x0] =	vst.add.f32.msk $0xffff, v3  }
0x38f: {  	[tilespmem:s2+$0x0] =	vst.add.f32.msk $0xffff, v3  }
0x390: {  	[tilespmem:s9+$0x0] =	vst.add.f32.msk $0xffff, v1  }
0x391: {  	s18 =	sadd.s32 $0x20, s18;
	[tilespmem:s11+$0x0] =	vst.add.f32.msk $0xffff, v1  }
0x392: {  	[tilespmem:s0+$0x0] =	vst.add.f32.msk $0xffff, v1  }
0x393: {  	[tilespmem:s31+$0x0] =	vst.add.f32.msk $0xffff, v0  }
0x394: {  	[tilespmem:s30+$0x0] =	vst.add.f32.msk $0xffff, v1  }
0x395: {  	[tilespmem:s29+$0x0] =	vst.add.f32.msk $0xffff, v0  }
0x396: {  	[tilespmem:s22+$0x0] =	vst.add.f32.msk $0xffff, v0  }
0x397: {  	s29 =	sshll.u32 s17, $0xB;
	s1 =	rddreg [dreg:$0xf]  }
0x398: {  	s30 =	rddreg [dreg:$0x2];
	s0 =	sadd.s32 s1, s29  }
0x399: {  	s2 =	simm.s32 $0xC000;
	[tilespmem:s19+$0x0] =	vst.add.f32.msk $0xffff, v0;
	s1 =	sadd.s32 s30, s0  }
0x39a: {  	[hbm4b:s1+s5] =	stream.linear.scatter [tilespmem:s2], [sflag:$0x7], $0x200, $0x38;
	[tilespmem:$0x14000] =	vst v63  }
0x39b: {  	s3 =	simm.s32 $0xC400;
	s31 =	sadd.s32 $0x80, s1  }
0x39c: {  	[hbm4b:s31+s5] =	stream.linear.scatter [tilespmem:s3], [sflag:$0x7], $0x200, $0x38;
	[tilespmem:$0x14000] =	vst v63  }
0x39d: {  	s4 =	simm.s32 $0xC800;
	s3 =	sadd.s32 $0x100, s1  }
0x39e: {  	[hbm4b:s3+s5] =	stream.linear.scatter [tilespmem:s4], [sflag:$0x7], $0x200, $0x38;
	[tilespmem:$0x14000] =	vst v63  }
0x39f: {  	s7 =	simm.s32 $0xCC00;
	s6 =	sadd.s32 $0x180, s1  }
0x3a0: {  	[hbm4b:s6+s5] =	stream.linear.scatter [tilespmem:s7], [sflag:$0x7], $0x200, $0x38;
	[tilespmem:$0x14000] =	vst v63  }
0x3a1: {  	s9 =	simm.s32 $0xD000;
	s8 =	sadd.s32 $0x200, s1  }
0x3a2: {  	[hbm4b:s8+s5] =	stream.linear.scatter [tilespmem:s9], [sflag:$0x7], $0x200, $0x38;
	[tilespmem:$0x14000] =	vst v63  }
0x3a3: {  	s11 =	simm.s32 $0xD400;
	s10 =	sadd.s32 $0x280, s1  }
0x3a4: {  	[hbm4b:s10+s5] =	stream.linear.scatter [tilespmem:s11], [sflag:$0x7], $0x200, $0x38;
	[tilespmem:$0x14000] =	vst v63  }
0x3a5: {  	s13 =	simm.s32 $0xD800;
	s12 =	sadd.s32 $0x300, s1  }
0x3a6: {  	[hbm4b:s12+s5] =	stream.linear.scatter [tilespmem:s13], [sflag:$0x7], $0x200, $0x38;
	[tilespmem:$0x14000] =	vst v63  }
0x3a7: {  	s18 =	simm.s32 $0xDC00;
	s19 =	rddreg [dreg:$0x16];
	s1 =	sadd.s32 $0x380, s1  }
0x3a8: {  	[hbm4b:s1+s5] =	stream.linear.scatter [tilespmem:s18], [sflag:$0x7], $0x200, $0x38;
	[tilespmem:$0x14000] =	vst v63  }
0x3a9: {  	s20 =	simm.s32 $0xC200;
	s1 =	sadd.s32 s0, s19  }
0x3aa: {  	[hbm4b:s1+s5] =	stream.linear.scatter [tilespmem:s20], [sflag:$0x7], $0x200, $0x38;
	[tilespmem:$0x14000] =	vst v63  }
0x3ab: {  	s22 =	simm.s32 $0xC600;
	s21 =	sadd.s32 $0x80, s1  }
0x3ac: {  	[hbm4b:s21+s5] =	stream.linear.scatter [tilespmem:s22], [sflag:$0x7], $0x200, $0x38;
	[tilespmem:$0x14000] =	vst v63  }
0x3ad: {  	s29 =	simm.s32 $0xCA00;
	s26 =	sadd.s32 $0x100, s1  }
0x3ae: {  	[hbm4b:s26+s5] =	stream.linear.scatter [tilespmem:s29], [sflag:$0x7], $0x200, $0x38;
	[tilespmem:$0x14000] =	vst v63  }
0x3af: {  	s31 =	simm.s32 $0xCE00;
	s30 =	sadd.s32 $0x180, s1  }
0x3b0: {  	[hbm4b:s30+s5] =	stream.linear.scatter [tilespmem:s31], [sflag:$0x7], $0x200, $0x38;
	[tilespmem:$0x14000] =	vst v63  }
0x3b1: {  	s4 =	simm.s32 $0xD200;
	s3 =	sadd.s32 $0x200, s1  }
0x3b2: {  	[hbm4b:s3+s5] =	stream.linear.scatter [tilespmem:s4], [sflag:$0x7], $0x200, $0x38;
	[tilespmem:$0x14000] =	vst v63  }
0x3b3: {  	s7 =	simm.s32 $0xD600;
	s6 =	sadd.s32 $0x280, s1  }
0x3b4: {  	[hbm4b:s6+s5] =	stream.linear.scatter [tilespmem:s7], [sflag:$0x7], $0x200, $0x38;
	[tilespmem:$0x14000] =	vst v63  }
0x3b5: {  	s9 =	simm.s32 $0xDA00;
	s11 =	sld [smem:$0x79E];
	s8 =	sadd.s32 $0x300, s1  }
0x3b6: {  	[hbm4b:s8+s5] =	stream.linear.scatter [tilespmem:s9], [sflag:$0x7], $0x200, $0x38;
	[tilespmem:$0x14000] =	vst v63  }
0x3b7: {  	s10 =	simm.s32 $0xDE00;
	s1 =	sadd.s32 $0x380, s1  }
0x3b8: {  	[hbm4b:s1+s5] =	stream.linear.scatter [tilespmem:s10], [sflag:$0x7], $0x200, $0x38;
	[tilespmem:$0x14000] =	vst v63  }
0x3b9: {  	s12 =	simm.s32 $0xE000;
	s1 =	sadd.s32 s0, s11  }
0x3ba: {  	[hbm4b:s1+s5] =	stream.linear.scatter [tilespmem:s12], [sflag:$0x7], $0x200, $0x38;
	[tilespmem:$0x14000] =	vst v63  }
0x3bb: {  	s18 =	simm.s32 $0xE400;
	s13 =	sadd.s32 $0x80, s1  }
0x3bc: {  	[hbm4b:s13+s5] =	stream.linear.scatter [tilespmem:s18], [sflag:$0x7], $0x200, $0x38;
	[tilespmem:$0x14000] =	vst v63  }
0x3bd: {  	s20 =	simm.s32 $0xE800;
	s19 =	sadd.s32 $0x100, s1  }
0x3be: {  	[hbm4b:s19+s5] =	stream.linear.scatter [tilespmem:s20], [sflag:$0x7], $0x200, $0x38;
	[tilespmem:$0x14000] =	vst v63  }
0x3bf: {  	s22 =	simm.s32 $0xEC00;
	s21 =	sadd.s32 $0x180, s1  }
0x3c0: {  	[hbm4b:s21+s5] =	stream.linear.scatter [tilespmem:s22], [sflag:$0x7], $0x200, $0x38;
	[tilespmem:$0x14000] =	vst v63  }
0x3c1: {  	s29 =	simm.s32 $0xF000;
	s26 =	sadd.s32 $0x200, s1  }
0x3c2: {  	[hbm4b:s26+s5] =	stream.linear.scatter [tilespmem:s29], [sflag:$0x7], $0x200, $0x38;
	[tilespmem:$0x14000] =	vst v63  }
0x3c3: {  	s31 =	simm.s32 $0xF400;
	s30 =	sadd.s32 $0x280, s1  }
0x3c4: {  	[hbm4b:s30+s5] =	stream.linear.scatter [tilespmem:s31], [sflag:$0x7], $0x200, $0x38;
	[tilespmem:$0x14000] =	vst v63  }
0x3c5: {  	s6 =	simm.s32 $0xF800;
	s4 =	sadd.s32 $0x300, s1  }
0x3c6: {  	[hbm4b:s4+s5] =	stream.linear.scatter [tilespmem:s6], [sflag:$0x7], $0x200, $0x38;
	[tilespmem:$0x14000] =	vst v63  }
0x3c7: {  	s7 =	simm.s32 $0xFC00;
	s8 =	rddreg [dreg:$0x18];
	s1 =	sadd.s32 $0x380, s1  }
0x3c8: {  	[hbm4b:s1+s5] =	stream.linear.scatter [tilespmem:s7], [sflag:$0x7], $0x200, $0x38;
	[tilespmem:$0x14000] =	vst v63  }
0x3c9: {  	s9 =	simm.s32 $0xE200;
	s0 =	sadd.s32 s0, s8  }
0x3ca: {  	[hbm4b:s0+s5] =	stream.linear.scatter [tilespmem:s9], [sflag:$0x7], $0x200, $0x38;
	[tilespmem:$0x14000] =	vst v63  }
0x3cb: {  	s11 =	simm.s32 $0xE600;
	s10 =	sadd.s32 $0x80, s0  }
0x3cc: {  	[hbm4b:s10+s5] =	stream.linear.scatter [tilespmem:s11], [sflag:$0x7], $0x200, $0x38;
	[tilespmem:$0x14000] =	vst v63  }
0x3cd: {  	s12 =	sadd.s32 $0x100, s0;
	s13 =	simm.s32 $0xEA00  }
0x3ce: {  	[hbm4b:s12+s5] =	stream.linear.scatter [tilespmem:s13], [sflag:$0x7], $0x200, $0x38;
	[tilespmem:$0x14000] =	vst v63  }
0x3cf: {  	s18 =	sadd.s32 $0x180, s0;
	s19 =	simm.s32 $0xEE00  }
0x3d0: {  	[hbm4b:s18+s5] =	stream.linear.scatter [tilespmem:s19], [sflag:$0x7], $0x200, $0x38;
	[tilespmem:$0x14000] =	vst v63  }
0x3d1: {  	s20 =	sadd.s32 $0x200, s0;
	s21 =	simm.s32 $0xF200  }
0x3d2: {  	[hbm4b:s20+s5] =	stream.linear.scatter [tilespmem:s21], [sflag:$0x7], $0x200, $0x38;
	[tilespmem:$0x14000] =	vst v63  }
0x3d3: {  	s22 =	sadd.s32 $0x280, s0;
	s26 =	simm.s32 $0xF600  }
0x3d4: {  	[hbm4b:s22+s5] =	stream.linear.scatter [tilespmem:s26], [sflag:$0x7], $0x200, $0x38;
	[tilespmem:$0x14000] =	vst v63  }
.Ltmp6:
0x3d5: {  	_ = 	snop;
	(pc) =	sbr.rel @p0 .LBB2_12-.Ltmp6, $4  }
0x3d6: {  	s29 =	sadd.s32 $0x300, s0;
	s30 =	simm.s32 $0xFA00  }
0x3d7: {  	[hbm4b:s29+s5] =	stream.linear.scatter [tilespmem:s30], [sflag:$0x7], $0x200, $0x38;
	[tilespmem:$0x14000] =	vst v63  }
0x3d8: {  	s31 =	simm.s32 $0xFE00;
	s0 =	sadd.s32 $0x380, s0  }
0x3d9: {  	[hbm4b:s0+s5] =	stream.linear.scatter [tilespmem:s31], [sflag:$0x7], $0x200, $0x38;
	[tilespmem:$0x14000] =	vst v63  }
0x3da: {  	s2 =	simm.s32 $0x6  }
0x3db: {  	_ =	swait.ge [sflag:s2], $0x1000  }
0x3dc: {  	[sflag:s2] =	ssyncset.done $0x0  }
0x3dd: {  	[sflag:s2] =	ssyncadd.s32 $0xFFFFF000  }
0x3de: {  	_ =	swait.ge [sflag:s2], $0x1000  }
0x3df: {  	[sflag:s2] =	ssyncset.done $0x0  }
0x3e0: {  	[sflag:s2] =	ssyncadd.s32 $0xFFFFF000  }
0x3e1: {  	_ =	swait.ge [sflag:s2], $0x1000  }
0x3e2: {  	[sflag:s2] =	ssyncset.done $0x0  }
0x3e3: {  	[sflag:s2] =	ssyncadd.s32 $0xFFFFF000  }
0x3e4: {  	s0 =	rddreg [dreg:$0x15];
	_ =	swait.ge [sflag:s2], $0x1000  }
0x3e5: {  	s0 =	sadd.s32 s23, s0;
	[sflag:s2] =	ssyncset.done $0x0  }
0x3e6: {  	s0 =	sshrl.u32 s0, $0x3;
	[sflag:s2] =	ssyncadd.s32 $0xFFFFF000  }
0x3e7: {  	s1 =	sor.u32 $0x40, s0;
	s2 =	rddreg [dreg:$0x1]  }
0x3e8: {  	s3 =	simm.s32 $0x200;
	s2 =	sadd.s32 s2, s1  }
0x3e9: {  	[tilespmem:s3], [sflag:$0x2] =	stream.linear.gather [hbm4b:s2+s5], $0x200, $0x38;
	[tilespmem:$0x14000] =	vst v63  }
0x3ea: {  	s4 =	simm.s32 $0x600;
	s6 =	sadd.s32 $0x80, s2  }
0x3eb: {  	[tilespmem:s4], [sflag:$0x2] =	stream.linear.gather [hbm4b:s6+s5], $0x200, $0x38;
	[tilespmem:$0x14000] =	vst v63  }
0x3ec: {  	s8 =	simm.s32 $0xA00;
	s7 =	sadd.s32 $0x100, s2  }
0x3ed: {  	[tilespmem:s8], [sflag:$0x2] =	stream.linear.gather [hbm4b:s7+s5], $0x200, $0x38;
	[tilespmem:$0x14000] =	vst v63  }
0x3ee: {  	s10 =	simm.s32 $0xE00;
	s9 =	sadd.s32 $0x180, s2  }
0x3ef: {  	[tilespmem:s10], [sflag:$0x2] =	stream.linear.gather [hbm4b:s9+s5], $0x200, $0x38;
	[tilespmem:$0x14000] =	vst v63  }
0x3f0: {  	s12 =	simm.s32 $0x1200;
	s11 =	sadd.s32 $0x200, s2  }
0x3f1: {  	[tilespmem:s12], [sflag:$0x2] =	stream.linear.gather [hbm4b:s11+s5], $0x200, $0x38;
	[tilespmem:$0x14000] =	vst v63  }
0x3f2: {  	s18 =	simm.s32 $0x1600;
	s13 =	sadd.s32 $0x280, s2  }
0x3f3: {  	[tilespmem:s18], [sflag:$0x2] =	stream.linear.gather [hbm4b:s13+s5], $0x200, $0x38;
	[tilespmem:$0x14000] =	vst v63  }
0x3f4: {  	s20 =	simm.s32 $0x1A00;
	s19 =	sadd.s32 $0x300, s2  }
0x3f5: {  	[tilespmem:s20], [sflag:$0x2] =	stream.linear.gather [hbm4b:s19+s5], $0x200, $0x38;
	[tilespmem:$0x14000] =	vst v63  }
0x3f6: {  	s21 =	simm.s32 $0x1E00;
	s2 =	sadd.s32 $0x380, s2;
	s4 =	rddreg [dreg:$0x0]  }
0x3f7: {  	[tilespmem:s21], [sflag:$0x2] =	stream.linear.gather [hbm4b:s2+s5], $0x200, $0x38;
	[tilespmem:$0x14000] =	vst v63  }
0x3f8: {  	s22 =	simm.s32 $0x8000;
	s1 =	sadd.s32 s4, s1  }
0x3f9: {  	[tilespmem:s22], [sflag:$0x2] =	stream.linear.gather [hbm4b:s1+s5], $0x200, $0x38;
	[tilespmem:$0x14000] =	vst v63  }
0x3fa: {  	s29 =	simm.s32 $0x8400;
	s26 =	sadd.s32 $0x80, s1  }
0x3fb: {  	[tilespmem:s29], [sflag:$0x2] =	stream.linear.gather [hbm4b:s26+s5], $0x200, $0x38;
	[tilespmem:$0x14000] =	vst v63  }
0x3fc: {  	s31 =	simm.s32 $0x8800;
	s30 =	sadd.s32 $0x100, s1  }
0x3fd: {  	[tilespmem:s31], [sflag:$0x2] =	stream.linear.gather [hbm4b:s30+s5], $0x200, $0x38;
	[tilespmem:$0x14000] =	vst v63  }
0x3fe: {  	s6 =	simm.s32 $0x8C00;
	s3 =	sadd.s32 $0x180, s1  }
0x3ff: {  	[tilespmem:s6], [sflag:$0x2] =	stream.linear.gather [hbm4b:s3+s5], $0x200, $0x38;
	[tilespmem:$0x14000] =	vst v63  }
0x400: {  	s7 =	sadd.s32 $0x200, s1;
	s8 =	simm.s32 $0x9000  }
0x401: {  	[tilespmem:s8], [sflag:$0x2] =	stream.linear.gather [hbm4b:s7+s5], $0x200, $0x38;
	[tilespmem:$0x14000] =	vst v63  }
0x402: {  	s9 =	sadd.s32 $0x280, s1;
	s10 =	simm.s32 $0x9400  }
0x403: {  	[tilespmem:s10], [sflag:$0x2] =	stream.linear.gather [hbm4b:s9+s5], $0x200, $0x38;
	[tilespmem:$0x14000] =	vst v63  }
0x404: {  	s11 =	sadd.s32 $0x300, s1;
	s12 =	simm.s32 $0x9800  }
0x405: {  	[tilespmem:s12], [sflag:$0x2] =	stream.linear.gather [hbm4b:s11+s5], $0x200, $0x38;
	[tilespmem:$0x14000] =	vst v63  }
0x406: {  	s13 =	simm.s32 $0x9C00;
	s1 =	sadd.s32 $0x380, s1  }
0x407: {  	[tilespmem:s13], [sflag:$0x2] =	stream.linear.gather [hbm4b:s1+s5], $0x200, $0x38;
	[tilespmem:$0x14000] =	vst v63  }
0x408: {  	s1 =	sadd.s32 s4, s0  }
0x409: {  	s19 =	simm.s32 $0x8200;
	s18 =	sadd.s32 $0x80040, s1  }
0x40a: {  	[tilespmem:s19], [sflag:$0x2] =	stream.linear.gather [hbm4b:s18+s5], $0x200, $0x38;
	[tilespmem:$0x14000] =	vst v63  }
0x40b: {  	s6 =	simm.s32 $0x8600;
	s20 =	sadd.s32 $0x80, s18  }
0x40c: {  	[tilespmem:s6], [sflag:$0x2] =	stream.linear.gather [hbm4b:s20+s5], $0x200, $0x38;
	[tilespmem:$0x14000] =	vst v63  }
0x40d: {  	s22 =	simm.s32 $0x8A00;
	s21 =	sadd.s32 $0x100, s18  }
0x40e: {  	[tilespmem:s22], [sflag:$0x2] =	stream.linear.gather [hbm4b:s21+s5], $0x200, $0x38;
	[tilespmem:$0x14000] =	vst v63  }
0x40f: {  	s29 =	simm.s32 $0x8E00;
	s26 =	sadd.s32 $0x180, s18  }
0x410: {  	[tilespmem:s29], [sflag:$0x2] =	stream.linear.gather [hbm4b:s26+s5], $0x200, $0x38;
	[tilespmem:$0x14000] =	vst v63  }
0x411: {  	s31 =	simm.s32 $0x9200;
	s30 =	sadd.s32 $0x200, s18  }
0x412: {  	[tilespmem:s31], [sflag:$0x2] =	stream.linear.gather [hbm4b:s30+s5], $0x200, $0x38;
	[tilespmem:$0x14000] =	vst v63  }
0x413: {  	s8 =	simm.s32 $0x9600;
	s7 =	sadd.s32 $0x280, s18  }
0x414: {  	[tilespmem:s8], [sflag:$0x2] =	stream.linear.gather [hbm4b:s7+s5], $0x200, $0x38;
	[tilespmem:$0x14000] =	vst v63  }
0x415: {  	s10 =	simm.s32 $0x9A00;
	s9 =	sadd.s32 $0x300, s18  }
0x416: {  	[tilespmem:s10], [sflag:$0x2] =	stream.linear.gather [hbm4b:s9+s5], $0x200, $0x38;
	[tilespmem:$0x14000] =	vst v63  }
0x417: {  	s11 =	simm.s32 $0x9E00;
	s0 =	sor.u32 $0x100040, s0;
	s2 =	sadd.s32 $0x380, s18  }
0x418: {  	[tilespmem:s11], [sflag:$0x2] =	stream.linear.gather [hbm4b:s2+s5], $0x200, $0x38;
	[tilespmem:$0x14000] =	vst v63  }
0x419: {  	s12 =	simm.s32 $0xA000;
	s0 =	sadd.s32 s4, s0  }
0x41a: {  	[tilespmem:s12], [sflag:$0x2] =	stream.linear.gather [hbm4b:s0+s5], $0x200, $0x38;
	[tilespmem:$0x14000] =	vst v63  }
0x41b: {  	s13 =	sadd.s32 $0x80, s0;
	s18 =	simm.s32 $0xA400  }
0x41c: {  	[tilespmem:s18], [sflag:$0x2] =	stream.linear.gather [hbm4b:s13+s5], $0x200, $0x38;
	[tilespmem:$0x14000] =	vst v63  }
0x41d: {  	s19 =	sadd.s32 $0x100, s0;
	s20 =	simm.s32 $0xA800  }
0x41e: {  	[tilespmem:s20], [sflag:$0x2] =	stream.linear.gather [hbm4b:s19+s5], $0x200, $0x38;
	[tilespmem:$0x14000] =	vst v63  }
0x41f: {  	s21 =	sadd.s32 $0x180, s0;
	s22 =	simm.s32 $0xAC00  }
0x420: {  	[tilespmem:s22], [sflag:$0x2] =	stream.linear.gather [hbm4b:s21+s5], $0x200, $0x38;
	[tilespmem:$0x14000] =	vst v63  }
0x421: {  	s26 =	sadd.s32 $0x200, s0;
	s29 =	simm.s32 $0xB000  }
0x422: {  	[tilespmem:s29], [sflag:$0x2] =	stream.linear.gather [hbm4b:s26+s5], $0x200, $0x38;
	[tilespmem:$0x14000] =	vst v63  }
0x423: {  	s30 =	sadd.s32 $0x280, s0;
	s31 =	simm.s32 $0xB400  }
0x424: {  	[tilespmem:s31], [sflag:$0x2] =	stream.linear.gather [hbm4b:s30+s5], $0x200, $0x38;
	[tilespmem:$0x14000] =	vst v63  }
0x425: {  	s4 =	sadd.s32 $0x300, s0;
	s6 =	simm.s32 $0xB800  }
0x426: {  	[tilespmem:s6], [sflag:$0x2] =	stream.linear.gather [hbm4b:s4+s5], $0x200, $0x38;
	[tilespmem:$0x14000] =	vst v63  }
0x427: {  	s7 =	simm.s32 $0xBC00;
	s0 =	sadd.s32 $0x380, s0  }
0x428: {  	[tilespmem:s7], [sflag:$0x2] =	stream.linear.gather [hbm4b:s0+s5], $0x200, $0x38;
	[tilespmem:$0x14000] =	vst v63  }
0x429: {  	s8 =	sadd.s32 $0x180040, s1;
	s9 =	simm.s32 $0xA200  }
0x42a: {  	[tilespmem:s9], [sflag:$0x2] =	stream.linear.gather [hbm4b:s8+s5], $0x200, $0x38;
	[tilespmem:$0x14000] =	vst v63  }
0x42b: {  	s10 =	sadd.s32 $0x80, s8;
	s11 =	simm.s32 $0xA600  }
0x42c: {  	[tilespmem:s11], [sflag:$0x2] =	stream.linear.gather [hbm4b:s10+s5], $0x200, $0x38;
	[tilespmem:$0x14000] =	vst v63  }
0x42d: {  	s12 =	sadd.s32 $0x100, s8;
	s13 =	simm.s32 $0xAA00  }
0x42e: {  	[tilespmem:s13], [sflag:$0x2] =	stream.linear.gather [hbm4b:s12+s5], $0x200, $0x38;
	[tilespmem:$0x14000] =	vst v63  }
0x42f: {  	s18 =	sadd.s32 $0x180, s8;
	s19 =	simm.s32 $0xAE00  }
0x430: {  	[tilespmem:s19], [sflag:$0x2] =	stream.linear.gather [hbm4b:s18+s5], $0x200, $0x38;
	[tilespmem:$0x14000] =	vst v63  }
0x431: {  	s20 =	sadd.s32 $0x200, s8;
	s21 =	simm.s32 $0xB200  }
0x432: {  	[tilespmem:s21], [sflag:$0x2] =	stream.linear.gather [hbm4b:s20+s5], $0x200, $0x38;
	[tilespmem:$0x14000] =	vst v63  }
0x433: {  	s22 =	sadd.s32 $0x280, s8;
	s26 =	simm.s32 $0xB600  }
0x434: {  	[tilespmem:s26], [sflag:$0x2] =	stream.linear.gather [hbm4b:s22+s5], $0x200, $0x38;
	[tilespmem:$0x14000] =	vst v63  }
0x435: {  	s29 =	sadd.s32 $0x300, s8;
	s30 =	simm.s32 $0xBA00  }
0x436: {  	[tilespmem:s30], [sflag:$0x2] =	stream.linear.gather [hbm4b:s29+s5], $0x200, $0x38;
	[tilespmem:$0x14000] =	vst v63  }
0x437: {  	s31 =	simm.s32 $0xBE00;
	s0 =	sadd.s32 $0x380, s8  }
0x438: {  	[tilespmem:s31], [sflag:$0x2] =	stream.linear.gather [hbm4b:s0+s5], $0x200, $0x38;
	[tilespmem:$0x14000] =	vst v63  }
.LBB2_12:
0x439: {  	_ =	swait.ge [sflag:s16], $0x1000  }
0x43a: {  	[sflag:s16] =	ssyncset.done $0x0  }
0x43b: {  	[sflag:s16] =	ssyncadd.s32 $0xFFFFF000  }
0x43c: {  	_ =	swait.ge [sflag:s16], $0x1000  }
0x43d: {  	[sflag:s16] =	ssyncset.done $0x0  }
0x43e: {  	[sflag:s16] =	ssyncadd.s32 $0xFFFFF000  }
0x43f: {  	_ =	swait.ge [sflag:s16], $0x1000  }
0x440: {  	[sflag:s16] =	ssyncset.done $0x0  }
0x441: {  	[sflag:s16] =	ssyncadd.s32 $0xFFFFF000  }
0x442: {  	_ =	swait.ge [sflag:s16], $0x1000  }
0x443: {  	s12 =	simm.s32 $0x0;
	s0 =	simm.s32 $0x0;
	[sflag:s16] =	ssyncset.done $0x0  }
0x444: {  	s1 =	sand.u32 $0x1C00, s12;
	s0 =	sand.u32 $0x180, s0;
	[sflag:s16] =	ssyncadd.s32 $0xFFFFF000  }
0x445: {  	s2 =	sand.u32 $0x40, s12;
	s0 =	sor.u32 s1, s0;
	_ =	swait.ge [sflag:s16], $0x1000  }
0x446: {  	s3 =	sor.u32 $0x30, s2;
	s1 =	sor.u32 $0x2200, s0;
	[sflag:s16] =	ssyncset.done $0x0  }
0x447: {  	s4 =	sor.u32 s3, s1;
	[sflag:s16] =	ssyncadd.s32 $0xFFFFF000  }
0x448: {  	s6 =	sor.u32 s2, s1;
	v2 =	vld [tilespmem:s4+$0x0]  }
0x449: {  	s4 =	sor.u32 $0x10, s2;
	v3 =	vld [tilespmem:s6+$0x0]  }
0x44a: {  	s8 =	sor.u32 $0x20, s2;
	s7 =	sor.u32 s4, s1  }
0x44b: {  	s6 =	sor.u32 $0x10000, s0;
	s1 =	sor.u32 s8, s1;
	v1 =	vld [tilespmem:s7+$0x0]  }
0x44c: {  	s22 =	sor.u32 s3, s6;
	v0 =	vld [tilespmem:s1+$0x0]  }
0x44d: {  	s18 =	sor.u32 s2, s6;
	s1 =	sor.u32 $0x10200, s0;
	[tilespmem:s22+$0x0] =	vst.add.f32.msk $0xffff, v2  }
0x44e: {  	s26 =	sor.u32 s3, s1;
	[tilespmem:s18+$0x0] =	vst.add.f32.msk $0xffff, v3  }
0x44f: {  	s9 =	sor.u32 $0x12000, s0;
	s19 =	sor.u32 s2, s1;
	[tilespmem:s26+$0x0] =	vst.add.f32.msk $0xffff, v2  }
0x450: {  	s11 =	sor.u32 s3, s9;
	[tilespmem:s19+$0x0] =	vst.add.f32.msk $0xffff, v3  }
0x451: {  	s20 =	sor.u32 s2, s9;
	[tilespmem:s11+$0x0] =	vst.add.f32.msk $0xffff, v2  }
0x452: {  	s10 =	sor.u32 $0x12200, s0;
	s21 =	sor.u32 s4, s6;
	[tilespmem:s20+$0x0] =	vst.add.f32.msk $0xffff, v3  }
0x453: {  	s13 =	sor.u32 s3, s10;
	s30 =	sor.u32 s4, s10;
	s31 =	sor.u32 s8, s6;
	[tilespmem:s21+$0x0] =	vst.add.f32.msk $0xffff, v1  }
0x454: {  	s6 =	simm.s32 $0x0;
	s0 =	sor.u32 s4, s9;
	s2 =	sor.u32 s2, s10;
	[tilespmem:s13+$0x0] =	vst.add.f32.msk $0xffff, v2  }
0x455: {  	s29 =	sor.u32 s8, s1;
	s22 =	sor.u32 s8, s9;
	s26 =	sor.u32 s4, s1;
	[tilespmem:s2+$0x0] =	vst.add.f32.msk $0xffff, v3  }
0x456: {  	s18 =	simm.s32 $0x20;
	s19 =	sor.u32 s8, s10;
	s13 =	simm.s32 $0x0;
	[tilespmem:s26+$0x0] =	vst.add.f32.msk $0xffff, v1  }
.LBB2_13:
0x457: {  	s1 =	sshrl.u32 s18, $0x2;
	[tilespmem:s0+$0x0] =	vst.add.f32.msk $0xffff, v1;
	s12 =	sadd.s32 $0x200, s12  }
0x458: {  	s6 =	sadd.s32 $0x40, s6;
	s0 =	sand.u32 $0x1C00, s12;
	s1 =	sand.u32 $0x180, s1;
	[tilespmem:s30+$0x0] =	vst.add.f32.msk $0xffff, v1  }
0x459: {  	s2 =	sand.u32 $0x40, s6;
	s0 =	sor.u32 s0, s1;
	[tilespmem:s31+$0x0] =	vst.add.f32.msk $0xffff, v0  }
0x45a: {  	s13 =	sadd.s32 $0x4, s13;
	s3 =	sor.u32 $0x30, s2;
	s1 =	sor.u32 $0x2200, s0;
	[tilespmem:s29+$0x0] =	vst.add.f32.msk $0xffff, v0  }
0x45b: {  	p1 =	slt.u32 s13, $0xFC;
	s4 =	sor.u32 $0x10, s2;
	s7 =	sor.u32 s3, s1;
	[tilespmem:s22+$0x0] =	vst.add.f32.msk $0xffff, v0  }
0x45c: {  	s10 =	sor.u32 $0x20, s2;
	s8 =	sor.u32 s2, s1;
	s9 =	sor.u32 s4, s1;
	v2 =	vld [tilespmem:s7+$0x0]  }
0x45d: {  	s1 =	sor.u32 s10, s1;
	v3 =	vld [tilespmem:s8+$0x0]  }
0x45e: {  	v1 =	vld [tilespmem:s9+$0x0]  }
0x45f: {  	s7 =	sor.u32 $0x10000, s0;
	v4 =	vld [tilespmem:s1+$0x0]  }
0x460: {  	s8 =	sor.u32 $0x10200, s0;
	s9 =	sor.u32 s3, s7;
	s1 =	sor.u32 s2, s7;
	[tilespmem:s19+$0x0] =	vst.add.f32.msk $0xffff, v0  }
0x461: {  	s11 =	sor.u32 s2, s8;
	s19 =	sor.u32 $0x12000, s0;
	[tilespmem:s9+$0x0] =	vst.add.f32.msk $0xffff, v2;
	s9 =	sor.u32 s3, s8  }
0x462: {  	s21 =	sor.u32 $0x12200, s0;
	s20 =	sor.u32 s2, s19;
	s0 =	sor.u32 s3, s19;
	[tilespmem:s9+$0x0] =	vst.add.f32.msk $0xffff, v2  }
0x463: {  	s2 =	sor.u32 s2, s21;
	s3 =	sor.u32 s3, s21;
	s9 =	sor.u32 s4, s7;
	[tilespmem:s0+$0x0] =	vst.add.f32.msk $0xffff, v2  }
0x464: {  	s30 =	sor.u32 s4, s21;
	s26 =	sor.u32 s4, s8;
	s0 =	sor.u32 s4, s19;
	[tilespmem:s3+$0x0] =	vst.add.f32.msk $0xffff, v2;
	v0 =	vmov v4  }
0x465: {  	s31 =	sor.u32 s10, s7;
	s29 =	sor.u32 s10, s8;
	s22 =	sor.u32 s10, s19;
	[tilespmem:s1+$0x0] =	vst.add.f32.msk $0xffff, v3  }
.Ltmp7:
0x466: {  	s19 =	sor.u32 s10, s21;
	[tilespmem:s11+$0x0] =	vst.add.f32.msk $0xffff, v3;
	(pc) =	sbr.rel @p1 .LBB2_13-.Ltmp7, $4  }
0x467: {  	[tilespmem:s20+$0x0] =	vst.add.f32.msk $0xffff, v3  }
0x468: {  	[tilespmem:s2+$0x0] =	vst.add.f32.msk $0xffff, v3  }
0x469: {  	[tilespmem:s9+$0x0] =	vst.add.f32.msk $0xffff, v1  }
0x46a: {  	s18 =	sadd.s32 $0x20, s18;
	[tilespmem:s26+$0x0] =	vst.add.f32.msk $0xffff, v1  }
0x46b: {  	[tilespmem:s0+$0x0] =	vst.add.f32.msk $0xffff, v1  }
0x46c: {  	[tilespmem:s31+$0x0] =	vst.add.f32.msk $0xffff, v0  }
0x46d: {  	[tilespmem:s30+$0x0] =	vst.add.f32.msk $0xffff, v1  }
0x46e: {  	[tilespmem:s29+$0x0] =	vst.add.f32.msk $0xffff, v0  }
0x46f: {  	s2 =	rddreg [dreg:$0x2];
	[tilespmem:s22+$0x0] =	vst.add.f32.msk $0xffff, v0  }
0x470: {  	s7 =	simm.s32 $0x10000;
	s24 =	sadd.s32 s2, s24;
	[tilespmem:s19+$0x0] =	vst.add.f32.msk $0xffff, v0  }
0x471: {  	[hbm4b:s24+s5] =	stream.linear.scatter [tilespmem:s7], [sflag:$0x8], $0x200, $0x38;
	[tilespmem:$0x14000] =	vst v63  }
0x472: {  	s8 =	simm.s32 $0x10400;
	s1 =	sadd.s32 $0x80, s24  }
0x473: {  	[hbm4b:s1+s5] =	stream.linear.scatter [tilespmem:s8], [sflag:$0x8], $0x200, $0x38;
	[tilespmem:$0x14000] =	vst v63  }
0x474: {  	s21 =	simm.s32 $0x10800;
	s26 =	sadd.s32 $0x100, s24  }
0x475: {  	[hbm4b:s26+s5] =	stream.linear.scatter [tilespmem:s21], [sflag:$0x8], $0x200, $0x38;
	[tilespmem:$0x14000] =	vst v63  }
0x476: {  	s3 =	simm.s32 $0x10C00;
	s29 =	sadd.s32 $0x180, s24  }
0x477: {  	[hbm4b:s29+s5] =	stream.linear.scatter [tilespmem:s3], [sflag:$0x8], $0x200, $0x38;
	[tilespmem:$0x14000] =	vst v63  }
0x478: {  	s31 =	simm.s32 $0x11000;
	s30 =	sadd.s32 $0x200, s24  }
0x479: {  	[hbm4b:s30+s5] =	stream.linear.scatter [tilespmem:s31], [sflag:$0x8], $0x200, $0x38;
	[tilespmem:$0x14000] =	vst v63  }
0x47a: {  	s4 =	simm.s32 $0x11400;
	s3 =	sadd.s32 $0x280, s24  }
0x47b: {  	[hbm4b:s3+s5] =	stream.linear.scatter [tilespmem:s4], [sflag:$0x8], $0x200, $0x38;
	[tilespmem:$0x14000] =	vst v63  }
0x47c: {  	s9 =	simm.s32 $0x11800;
	s6 =	sadd.s32 $0x300, s24;
	s11 =	sld [smem:$0x795]  }
0x47d: {  	[hbm4b:s6+s5] =	stream.linear.scatter [tilespmem:s9], [sflag:$0x8], $0x200, $0x38;
	[tilespmem:$0x14000] =	vst v63  }
0x47e: {  	s10 =	simm.s32 $0x11C00;
	s0 =	sadd.s32 $0x380, s24  }
0x47f: {  	[hbm4b:s0+s5] =	stream.linear.scatter [tilespmem:s10], [sflag:$0x8], $0x200, $0x38;
	[tilespmem:$0x14000] =	vst v63  }
0x480: {  	s12 =	simm.s32 $0x10200;
	s0 =	sadd.s32 s2, s11  }
0x481: {  	[hbm4b:s0+s5] =	stream.linear.scatter [tilespmem:s12], [sflag:$0x8], $0x200, $0x38;
	[tilespmem:$0x14000] =	vst v63  }
0x482: {  	s18 =	simm.s32 $0x10600;
	s13 =	sadd.s32 $0x80, s0  }
0x483: {  	[hbm4b:s13+s5] =	stream.linear.scatter [tilespmem:s18], [sflag:$0x8], $0x200, $0x38;
	[tilespmem:$0x14000] =	vst v63  }
0x484: {  	s20 =	simm.s32 $0x10A00;
	s19 =	sadd.s32 $0x100, s0  }
0x485: {  	[hbm4b:s19+s5] =	stream.linear.scatter [tilespmem:s20], [sflag:$0x8], $0x200, $0x38;
	[tilespmem:$0x14000] =	vst v63  }
0x486: {  	s24 =	simm.s32 $0x10E00;
	s22 =	sadd.s32 $0x180, s0  }
0x487: {  	[hbm4b:s22+s5] =	stream.linear.scatter [tilespmem:s24], [sflag:$0x8], $0x200, $0x38;
	[tilespmem:$0x14000] =	vst v63  }
0x488: {  	s29 =	simm.s32 $0x11200;
	s26 =	sadd.s32 $0x200, s0  }
0x489: {  	[hbm4b:s26+s5] =	stream.linear.scatter [tilespmem:s29], [sflag:$0x8], $0x200, $0x38;
	[tilespmem:$0x14000] =	vst v63  }
0x48a: {  	s31 =	simm.s32 $0x11600;
	s30 =	sadd.s32 $0x280, s0  }
0x48b: {  	[hbm4b:s30+s5] =	stream.linear.scatter [tilespmem:s31], [sflag:$0x8], $0x200, $0x38;
	[tilespmem:$0x14000] =	vst v63  }
0x48c: {  	s4 =	simm.s32 $0x11A00;
	s9 =	sld [smem:$0x796];
	s3 =	sadd.s32 $0x300, s0  }
0x48d: {  	[hbm4b:s3+s5] =	stream.linear.scatter [tilespmem:s4], [sflag:$0x8], $0x200, $0x38;
	[tilespmem:$0x14000] =	vst v63  }
0x48e: {  	s6 =	simm.s32 $0x11E00;
	s0 =	sadd.s32 $0x380, s0  }
0x48f: {  	[hbm4b:s0+s5] =	stream.linear.scatter [tilespmem:s6], [sflag:$0x8], $0x200, $0x38;
	[tilespmem:$0x14000] =	vst v63  }
0x490: {  	s10 =	simm.s32 $0x12000;
	s0 =	sadd.s32 s2, s9  }
0x491: {  	[hbm4b:s0+s5] =	stream.linear.scatter [tilespmem:s10], [sflag:$0x8], $0x200, $0x38;
	[tilespmem:$0x14000] =	vst v63  }
0x492: {  	s12 =	simm.s32 $0x12400;
	s11 =	sadd.s32 $0x80, s0  }
0x493: {  	[hbm4b:s11+s5] =	stream.linear.scatter [tilespmem:s12], [sflag:$0x8], $0x200, $0x38;
	[tilespmem:$0x14000] =	vst v63  }
0x494: {  	s18 =	simm.s32 $0x12800;
	s13 =	sadd.s32 $0x100, s0  }
0x495: {  	[hbm4b:s13+s5] =	stream.linear.scatter [tilespmem:s18], [sflag:$0x8], $0x200, $0x38;
	[tilespmem:$0x14000] =	vst v63  }
0x496: {  	s20 =	simm.s32 $0x12C00;
	s19 =	sadd.s32 $0x180, s0  }
0x497: {  	[hbm4b:s19+s5] =	stream.linear.scatter [tilespmem:s20], [sflag:$0x8], $0x200, $0x38;
	[tilespmem:$0x14000] =	vst v63  }
0x498: {  	s24 =	simm.s32 $0x13000;
	s22 =	sadd.s32 $0x200, s0  }
0x499: {  	[hbm4b:s22+s5] =	stream.linear.scatter [tilespmem:s24], [sflag:$0x8], $0x200, $0x38;
	[tilespmem:$0x14000] =	vst v63  }
0x49a: {  	s29 =	simm.s32 $0x13400;
	s26 =	sadd.s32 $0x280, s0  }
0x49b: {  	[hbm4b:s26+s5] =	stream.linear.scatter [tilespmem:s29], [sflag:$0x8], $0x200, $0x38;
	[tilespmem:$0x14000] =	vst v63  }
0x49c: {  	s31 =	simm.s32 $0x13800;
	s6 =	sld [smem:$0x797];
	s30 =	sadd.s32 $0x300, s0  }
0x49d: {  	[hbm4b:s30+s5] =	stream.linear.scatter [tilespmem:s31], [sflag:$0x8], $0x200, $0x38;
	[tilespmem:$0x14000] =	vst v63  }
0x49e: {  	s4 =	simm.s32 $0x13C00;
	s0 =	sadd.s32 $0x380, s0  }
0x49f: {  	[hbm4b:s0+s5] =	stream.linear.scatter [tilespmem:s4], [sflag:$0x8], $0x200, $0x38;
	[tilespmem:$0x14000] =	vst v63  }
0x4a0: {  	s9 =	simm.s32 $0x12200;
	s0 =	sadd.s32 s2, s6  }
0x4a1: {  	[hbm4b:s0+s5] =	stream.linear.scatter [tilespmem:s9], [sflag:$0x8], $0x200, $0x38;
	[tilespmem:$0x14000] =	vst v63  }
0x4a2: {  	s11 =	simm.s32 $0x12600;
	s10 =	sadd.s32 $0x80, s0  }
0x4a3: {  	[hbm4b:s10+s5] =	stream.linear.scatter [tilespmem:s11], [sflag:$0x8], $0x200, $0x38;
	[tilespmem:$0x14000] =	vst v63  }
0x4a4: {  	s13 =	simm.s32 $0x12A00;
	s12 =	sadd.s32 $0x100, s0  }
0x4a5: {  	[hbm4b:s12+s5] =	stream.linear.scatter [tilespmem:s13], [sflag:$0x8], $0x200, $0x38;
	[tilespmem:$0x14000] =	vst v63  }
0x4a6: {  	s19 =	simm.s32 $0x12E00;
	s18 =	sadd.s32 $0x180, s0  }
0x4a7: {  	[hbm4b:s18+s5] =	stream.linear.scatter [tilespmem:s19], [sflag:$0x8], $0x200, $0x38;
	[tilespmem:$0x14000] =	vst v63  }
0x4a8: {  	s22 =	simm.s32 $0x13200;
	s20 =	sadd.s32 $0x200, s0  }
0x4a9: {  	[hbm4b:s20+s5] =	stream.linear.scatter [tilespmem:s22], [sflag:$0x8], $0x200, $0x38;
	[tilespmem:$0x14000] =	vst v63  }
0x4aa: {  	s26 =	simm.s32 $0x13600;
	s24 =	sadd.s32 $0x280, s0  }
0x4ab: {  	[hbm4b:s24+s5] =	stream.linear.scatter [tilespmem:s26], [sflag:$0x8], $0x200, $0x38;
	[tilespmem:$0x14000] =	vst v63  }
.Ltmp8:
0x4ac: {  	_ = 	snop;
	(pc) =	sbr.rel @p0 .LBB2_16-.Ltmp8, $4  }
0x4ad: {  	s30 =	simm.s32 $0x13A00;
	s29 =	sadd.s32 $0x300, s0  }
0x4ae: {  	[hbm4b:s29+s5] =	stream.linear.scatter [tilespmem:s30], [sflag:$0x8], $0x200, $0x38;
	[tilespmem:$0x14000] =	vst v63  }
0x4af: {  	s31 =	simm.s32 $0x13E00;
	s0 =	sadd.s32 $0x380, s0  }
0x4b0: {  	[hbm4b:s0+s5] =	stream.linear.scatter [tilespmem:s31], [sflag:$0x8], $0x200, $0x38;
	[tilespmem:$0x14000] =	vst v63  }
0x4b1: {  	_ =	swait.ge [sflag:s28], $0x1000  }
0x4b2: {  	[sflag:s28] =	ssyncset.done $0x0  }
0x4b3: {  	[sflag:s28] =	ssyncadd.s32 $0xFFFFF000  }
0x4b4: {  	_ =	swait.ge [sflag:s28], $0x1000  }
0x4b5: {  	[sflag:s28] =	ssyncset.done $0x0  }
0x4b6: {  	[sflag:s28] =	ssyncadd.s32 $0xFFFFF000  }
0x4b7: {  	_ =	swait.ge [sflag:s28], $0x1000  }
0x4b8: {  	[sflag:s28] =	ssyncset.done $0x0  }
0x4b9: {  	[sflag:s28] =	ssyncadd.s32 $0xFFFFF000  }
0x4ba: {  	_ =	swait.ge [sflag:s28], $0x1000  }
0x4bb: {  	s0 =	rddreg [dreg:$0x19];
	[sflag:s28] =	ssyncset.done $0x0  }
0x4bc: {  	s0 =	sadd.s32 s23, s0;
	[sflag:s28] =	ssyncadd.s32 $0xFFFFF000  }
0x4bd: {  	s0 =	sshrl.u32 s0, $0x3;
	s1 =	rddreg [dreg:$0x1]  }
0x4be: {  	s2 =	simm.s32 $0x2000;
	s1 =	sadd.s32 s1, s0  }
0x4bf: {  	[tilespmem:s2], [sflag:$0x3] =	stream.linear.gather [hbm4b:s1+s5], $0x200, $0x38;
	[tilespmem:$0x14000] =	vst v63  }
0x4c0: {  	s3 =	simm.s32 $0x2400;
	s31 =	sadd.s32 $0x80, s1  }
0x4c1: {  	[tilespmem:s3], [sflag:$0x3] =	stream.linear.gather [hbm4b:s31+s5], $0x200, $0x38;
	[tilespmem:$0x14000] =	vst v63  }
0x4c2: {  	s4 =	simm.s32 $0x2800;
	s3 =	sadd.s32 $0x100, s1  }
0x4c3: {  	[tilespmem:s4], [sflag:$0x3] =	stream.linear.gather [hbm4b:s3+s5], $0x200, $0x38;
	[tilespmem:$0x14000] =	vst v63  }
0x4c4: {  	s9 =	simm.s32 $0x2C00;
	s6 =	sadd.s32 $0x180, s1  }
0x4c5: {  	[tilespmem:s9], [sflag:$0x3] =	stream.linear.gather [hbm4b:s6+s5], $0x200, $0x38;
	[tilespmem:$0x14000] =	vst v63  }
0x4c6: {  	s11 =	simm.s32 $0x3000;
	s10 =	sadd.s32 $0x200, s1  }
0x4c7: {  	[tilespmem:s11], [sflag:$0x3] =	stream.linear.gather [hbm4b:s10+s5], $0x200, $0x38;
	[tilespmem:$0x14000] =	vst v63  }
0x4c8: {  	s13 =	simm.s32 $0x3400;
	s12 =	sadd.s32 $0x280, s1  }
0x4c9: {  	[tilespmem:s13], [sflag:$0x3] =	stream.linear.gather [hbm4b:s12+s5], $0x200, $0x38;
	[tilespmem:$0x14000] =	vst v63  }
0x4ca: {  	s19 =	simm.s32 $0x3800;
	s18 =	sadd.s32 $0x300, s1  }
0x4cb: {  	[tilespmem:s19], [sflag:$0x3] =	stream.linear.gather [hbm4b:s18+s5], $0x200, $0x38;
	[tilespmem:$0x14000] =	vst v63  }
0x4cc: {  	s20 =	simm.s32 $0x3C00;
	s1 =	sadd.s32 $0x380, s1;
	s4 =	rddreg [dreg:$0x0]  }
0x4cd: {  	[tilespmem:s20], [sflag:$0x3] =	stream.linear.gather [hbm4b:s1+s5], $0x200, $0x38;
	[tilespmem:$0x14000] =	vst v63  }
0x4ce: {  	s22 =	simm.s32 $0xC000;
	s1 =	sadd.s32 s4, s0  }
0x4cf: {  	[tilespmem:s22], [sflag:$0x3] =	stream.linear.gather [hbm4b:s1+s5], $0x200, $0x38;
	[tilespmem:$0x14000] =	vst v63  }
0x4d0: {  	s24 =	simm.s32 $0xC400;
	s23 =	sadd.s32 $0x80, s1  }
0x4d1: {  	[tilespmem:s24], [sflag:$0x3] =	stream.linear.gather [hbm4b:s23+s5], $0x200, $0x38;
	[tilespmem:$0x14000] =	vst v63  }
0x4d2: {  	s29 =	simm.s32 $0xC800;
	s26 =	sadd.s32 $0x100, s1  }
0x4d3: {  	[tilespmem:s29], [sflag:$0x3] =	stream.linear.gather [hbm4b:s26+s5], $0x200, $0x38;
	[tilespmem:$0x14000] =	vst v63  }
0x4d4: {  	s31 =	simm.s32 $0xCC00;
	s30 =	sadd.s32 $0x180, s1  }
0x4d5: {  	[tilespmem:s31], [sflag:$0x3] =	stream.linear.gather [hbm4b:s30+s5], $0x200, $0x38;
	[tilespmem:$0x14000] =	vst v63  }
0x4d6: {  	s6 =	simm.s32 $0xD000;
	s3 =	sadd.s32 $0x200, s1  }
0x4d7: {  	[tilespmem:s6], [sflag:$0x3] =	stream.linear.gather [hbm4b:s3+s5], $0x200, $0x38;
	[tilespmem:$0x14000] =	vst v63  }
0x4d8: {  	s10 =	simm.s32 $0xD400;
	s9 =	sadd.s32 $0x280, s1  }
0x4d9: {  	[tilespmem:s10], [sflag:$0x3] =	stream.linear.gather [hbm4b:s9+s5], $0x200, $0x38;
	[tilespmem:$0x14000] =	vst v63  }
0x4da: {  	s12 =	simm.s32 $0xD800;
	s11 =	sadd.s32 $0x300, s1  }
0x4db: {  	[tilespmem:s12], [sflag:$0x3] =	stream.linear.gather [hbm4b:s11+s5], $0x200, $0x38;
	[tilespmem:$0x14000] =	vst v63  }
0x4dc: {  	s18 =	simm.s32 $0xDC00;
	s13 =	sadd.s32 $0x380, s1  }
0x4dd: {  	[tilespmem:s18], [sflag:$0x3] =	stream.linear.gather [hbm4b:s13+s5], $0x200, $0x38;
	[tilespmem:$0x14000] =	vst v63  }
0x4de: {  	s20 =	simm.s32 $0xC200;
	s19 =	sadd.s32 $0x80000, s1  }
0x4df: {  	[tilespmem:s20], [sflag:$0x3] =	stream.linear.gather [hbm4b:s19+s5], $0x200, $0x38;
	[tilespmem:$0x14000] =	vst v63  }
0x4e0: {  	s22 =	sadd.s32 $0x80, s19;
	s6 =	simm.s32 $0xC600  }
0x4e1: {  	[tilespmem:s6], [sflag:$0x3] =	stream.linear.gather [hbm4b:s22+s5], $0x200, $0x38;
	[tilespmem:$0x14000] =	vst v63  }
0x4e2: {  	s23 =	sadd.s32 $0x100, s19;
	s24 =	simm.s32 $0xCA00  }
0x4e3: {  	[tilespmem:s24], [sflag:$0x3] =	stream.linear.gather [hbm4b:s23+s5], $0x200, $0x38;
	[tilespmem:$0x14000] =	vst v63  }
0x4e4: {  	s26 =	sadd.s32 $0x180, s19;
	s29 =	simm.s32 $0xCE00  }
0x4e5: {  	[tilespmem:s29], [sflag:$0x3] =	stream.linear.gather [hbm4b:s26+s5], $0x200, $0x38;
	[tilespmem:$0x14000] =	vst v63  }
0x4e6: {  	s30 =	sadd.s32 $0x200, s19;
	s31 =	simm.s32 $0xD200  }
0x4e7: {  	[tilespmem:s31], [sflag:$0x3] =	stream.linear.gather [hbm4b:s30+s5], $0x200, $0x38;
	[tilespmem:$0x14000] =	vst v63  }
0x4e8: {  	s9 =	simm.s32 $0xD600;
	s6 =	sadd.s32 $0x280, s19  }
0x4e9: {  	[tilespmem:s9], [sflag:$0x3] =	stream.linear.gather [hbm4b:s6+s5], $0x200, $0x38;
	[tilespmem:$0x14000] =	vst v63  }
0x4ea: {  	s10 =	sadd.s32 $0x300, s19;
	s11 =	simm.s32 $0xDA00  }
0x4eb: {  	[tilespmem:s11], [sflag:$0x3] =	stream.linear.gather [hbm4b:s10+s5], $0x200, $0x38;
	[tilespmem:$0x14000] =	vst v63  }
0x4ec: {  	s0 =	sor.u32 $0x100000, s0;
	s2 =	sadd.s32 $0x380, s19;
	s12 =	simm.s32 $0xDE00  }
0x4ed: {  	[tilespmem:s12], [sflag:$0x3] =	stream.linear.gather [hbm4b:s2+s5], $0x200, $0x38;
	[tilespmem:$0x14000] =	vst v63  }
0x4ee: {  	s0 =	sadd.s32 s4, s0;
	s13 =	simm.s32 $0xE000  }
0x4ef: {  	[tilespmem:s13], [sflag:$0x3] =	stream.linear.gather [hbm4b:s0+s5], $0x200, $0x38;
	[tilespmem:$0x14000] =	vst v63  }
0x4f0: {  	s18 =	sadd.s32 $0x80, s0;
	s19 =	simm.s32 $0xE400  }
0x4f1: {  	[tilespmem:s19], [sflag:$0x3] =	stream.linear.gather [hbm4b:s18+s5], $0x200, $0x38;
	[tilespmem:$0x14000] =	vst v63  }
0x4f2: {  	s20 =	sadd.s32 $0x100, s0;
	s22 =	simm.s32 $0xE800  }
0x4f3: {  	[tilespmem:s22], [sflag:$0x3] =	stream.linear.gather [hbm4b:s20+s5], $0x200, $0x38;
	[tilespmem:$0x14000] =	vst v63  }
0x4f4: {  	s23 =	sadd.s32 $0x180, s0;
	s24 =	simm.s32 $0xEC00  }
0x4f5: {  	[tilespmem:s24], [sflag:$0x3] =	stream.linear.gather [hbm4b:s23+s5], $0x200, $0x38;
	[tilespmem:$0x14000] =	vst v63  }
0x4f6: {  	s26 =	sadd.s32 $0x200, s0;
	s29 =	simm.s32 $0xF000  }
0x4f7: {  	[tilespmem:s29], [sflag:$0x3] =	stream.linear.gather [hbm4b:s26+s5], $0x200, $0x38;
	[tilespmem:$0x14000] =	vst v63  }
0x4f8: {  	s30 =	sadd.s32 $0x280, s0;
	s31 =	simm.s32 $0xF400  }
0x4f9: {  	[tilespmem:s31], [sflag:$0x3] =	stream.linear.gather [hbm4b:s30+s5], $0x200, $0x38;
	[tilespmem:$0x14000] =	vst v63  }
0x4fa: {  	s4 =	simm.s32 $0xF800;
	s3 =	sadd.s32 $0x300, s0  }
0x4fb: {  	[tilespmem:s4], [sflag:$0x3] =	stream.linear.gather [hbm4b:s3+s5], $0x200, $0x38;
	[tilespmem:$0x14000] =	vst v63  }
0x4fc: {  	s6 =	simm.s32 $0xFC00;
	s0 =	sadd.s32 $0x380, s0  }
0x4fd: {  	[tilespmem:s6], [sflag:$0x3] =	stream.linear.gather [hbm4b:s0+s5], $0x200, $0x38;
	[tilespmem:$0x14000] =	vst v63  }
0x4fe: {  	s9 =	sadd.s32 $0x180000, s1;
	s10 =	simm.s32 $0xE200  }
0x4ff: {  	[tilespmem:s10], [sflag:$0x3] =	stream.linear.gather [hbm4b:s9+s5], $0x200, $0x38;
	[tilespmem:$0x14000] =	vst v63  }
0x500: {  	s11 =	sadd.s32 $0x80, s9;
	s12 =	simm.s32 $0xE600  }
0x501: {  	[tilespmem:s12], [sflag:$0x3] =	stream.linear.gather [hbm4b:s11+s5], $0x200, $0x38;
	[tilespmem:$0x14000] =	vst v63  }
0x502: {  	s13 =	sadd.s32 $0x100, s9;
	s18 =	simm.s32 $0xEA00  }
0x503: {  	[tilespmem:s18], [sflag:$0x3] =	stream.linear.gather [hbm4b:s13+s5], $0x200, $0x38;
	[tilespmem:$0x14000] =	vst v63  }
0x504: {  	s19 =	sadd.s32 $0x180, s9;
	s20 =	simm.s32 $0xEE00  }
0x505: {  	[tilespmem:s20], [sflag:$0x3] =	stream.linear.gather [hbm4b:s19+s5], $0x200, $0x38;
	[tilespmem:$0x14000] =	vst v63  }
0x506: {  	s22 =	sadd.s32 $0x200, s9;
	s23 =	simm.s32 $0xF200  }
0x507: {  	[tilespmem:s23], [sflag:$0x3] =	stream.linear.gather [hbm4b:s22+s5], $0x200, $0x38;
	[tilespmem:$0x14000] =	vst v63  }
0x508: {  	s24 =	sadd.s32 $0x280, s9;
	s26 =	simm.s32 $0xF600  }
0x509: {  	[tilespmem:s26], [sflag:$0x3] =	stream.linear.gather [hbm4b:s24+s5], $0x200, $0x38;
	[tilespmem:$0x14000] =	vst v63  }
.Ltmp9:
0x50a: {  	_ = 	snop;
	(pc) =	sbr.rel .LBB2_2-.Ltmp9, $4  }
0x50b: {  	s29 =	sadd.s32 $0x300, s9;
	s30 =	simm.s32 $0xFA00  }
0x50c: {  	[tilespmem:s30], [sflag:$0x3] =	stream.linear.gather [hbm4b:s29+s5], $0x200, $0x38;
	[tilespmem:$0x14000] =	vst v63  }
0x50d: {  	s17 =	sadd.s32 $0x1, s17;
	s31 =	simm.s32 $0xFE00;
	s0 =	sadd.s32 $0x380, s9  }
0x50e: {  	[tilespmem:s31], [sflag:$0x3] =	stream.linear.gather [hbm4b:s0+s5], $0x200, $0x38;
	[tilespmem:$0x14000] =	vst v63  }
.LBB2_17:
0x50f: {  	_ =	sfence.sel $0x180000  }
0x510: {  	[bflag:$0x0] =	sbarrier.arrive $0xFFFF  }
0x511: {  	_ =	strace $0x90000047  }
0x512: {  	s0 =	stileid.u32;
	[bflag:$0x2] =	sbarrier.arrive $0xFFFF  }
0x513: {  	p0 =	sne.s32 s0, $0x0;
	s0 =	rddreg [dreg:$0x3]  }
0x514: {  	s0 =	sadd.s32 @!p0 $0x100000, s0  }
0x515: {  	[sflag:s0] =	ssyncadd.tile.s32 @!p0 $0x1;
	_ =	shalt  }
.Lfunc_end2:
_tile_overlayer_lowered:
.L_overlay_start_2:
0x516: {  	(tag) =	ssettag $0x2  }
0x517: {  	s0 =	rddreg [dreg:$0x0];
	s2 =	stileid.u32  }
0x518: {  	s1 =	rddreg [dreg:$0x1];
	p0 =	sne.s32 s2, $0x0  }
0x519: {  	s3 =	rddreg [dreg:$0x2];
	[bflag:$0x3] =	sbarrier.arrive $0xFFFF;
	s2 =	simm.s32 @!p0 $0x1C09  }
0x51a: {  	[timem:s3], [sflag:s2] =	dma.local @!p0 [hbm:s0], s1  }
0x51b: {  	s0 =	simm.s32 @!p0 $0x9  }
0x51c: {  	_ =	swait.ge @!p0 [sflag:s0], s1  }
0x51d: {  	s1 =	ssub.s32 @!p0 $0x0, s1;
	[sflag:s0] =	ssyncset.done @!p0 $0x0  }
0x51e: {  	[sflag:s0] =	ssyncadd.s32 @!p0 s1  }
0x51f: {  	[bflag:$0x3] =	sbarrier.arrive $0xFFFF  }
0x520: {  	_ =	shalt  }

</sc_bundles>
